<compile_context>
chip_gen: v7x
topology: tpu7x:2x2x1
jax: 0.10.2.dev20260603
libtpu: 0.0.44.dev20260713+nightly
codegen_flags: <defaults>
</compile_context>

<pallas_src>
import functools

import jax
import jax.numpy as jnp
from jax import lax
from jax.experimental import pallas as pl
from jax.experimental.pallas import tpu as pltpu
from jax.experimental.pallas import tpu_sc as plsc

N_NODES = 10000
N_EDGES = 320000
IN_DIM = 128
OUT_DIM = 16
NUM_HEADS = 8
HID = NUM_HEADS * OUT_DIM

NC = 2
NS = 16
NW = NC * NS
LANES = 16

E_PER_TILE = N_EDGES // NW
CA = 40
NA = E_PER_TILE // CA
CB = 80
NB = E_PER_TILE // CB
RNG = 512
N_PAD2 = 10240
N_RNG = N_PAD2 // RNG


def _proj_body(h_ref, wq_ref, wk_ref, wv_ref, bq_ref, bk_ref, bv_ref,
               cos_ref, sin_ref, q_out, k_out, v_out):
    x = h_ref[...]
    cosf = cos_ref[...]
    sinf = sin_ref[...]
    lane = lax.broadcasted_iota(jnp.int32, x.shape, 1)
    first_half = (lane % 8) < 4

    def rope(t):
        u = jnp.concatenate([t[:, 4:], t[:, :4]], axis=1)
        w = jnp.concatenate([t[:, -4:], t[:, :-4]], axis=1)
        rh = jnp.where(first_half, -u, w)
        return t * cosf + rh * sinf

    q = jnp.dot(x, wq_ref[...], preferred_element_type=jnp.float32) + bq_ref[...]
    k = jnp.dot(x, wk_ref[...], preferred_element_type=jnp.float32) + bk_ref[...]
    v = jnp.dot(x, wv_ref[...], preferred_element_type=jnp.float32) + bv_ref[...]
    q_out[...] = rope(q) * (1.0 / (OUT_DIM ** 0.5))
    k_out[...] = rope(k)
    v_out[...] = v


def _project(h2, wqt, wkt, wvt, bq, bk, bv, cosf, sinf, interpret=False):
    r = 2000
    bs_rows = pl.BlockSpec((r, IN_DIM), lambda i: (i, 0))
    bs_w = pl.BlockSpec((IN_DIM, HID), lambda i: (0, 0))
    bs_b = pl.BlockSpec((1, HID), lambda i: (0, 0))
    bs_out = pl.BlockSpec((r, HID), lambda i: (i, 0))
    return pl.pallas_call(
        _proj_body,
        grid=(N_NODES // r,),
        in_specs=[bs_rows, bs_w, bs_w, bs_w, bs_b, bs_b, bs_b, bs_out, bs_out],
        out_specs=[bs_out, bs_out, bs_out],
        out_shape=[jax.ShapeDtypeStruct((N_NODES, HID), jnp.float32)] * 3,
        interpret=interpret,
    )(h2, wqt, wkt, wvt, bq, bk, bv, cosf, sinf)


_GDN = lax.GatherDimensionNumbers(
    offset_dims=(), collapsed_slice_dims=(0,), start_index_map=(0,))


def _shuffle16(x, idx):
    return lax.gather(x, idx, _GDN, slice_sizes=(1,),
                      mode=lax.GatherScatterMode.PROMISE_IN_BOUNDS)


def _sum_all_lanes(x, perms):
    for idx in perms:
        x = x + _shuffle16(x, idx)
    return x


def _edge_body(k_hbm, q_hbm, v_hbm, src_hbm, dst_hbm,
               wv_e, z_e, wv_parts, z_parts,
               acc, zacc, src_idx, dst_all,
               krows, qrows, vrows, zrows, wvb, zb, sem):
    cid = lax.axis_index("c")
    sid = lax.axis_index("s")
    wid = cid * NS + sid
    ebase = wid * E_PER_TILE
    lane = lax.iota(jnp.int32, LANES)
    zero16 = jnp.zeros((LANES,), jnp.float32)
    perms = [((lane ^ s).reshape(LANES, 1)) for s in (8, 4, 2, 1)]

    pltpu.sync_copy(dst_hbm.at[pl.ds(ebase, E_PER_TILE)],
                    dst_all.at[pl.ds(0, E_PER_TILE)])

    def chunk_a(t, c):
        base = ebase + t * CA
        pltpu.sync_copy(src_hbm.at[pl.ds(base, CA)], src_idx)
        d1 = pltpu.async_copy(k_hbm.at[src_idx], krows, sem)
        d2 = pltpu.async_copy(
            q_hbm.at[dst_all.at[pl.ds(t * CA, CA)]], qrows, sem)
        d3 = pltpu.async_copy(v_hbm.at[src_idx], vrows, sem)
        d1.wait()
        d2.wait()
        d3.wait()

        def edge_a(i, c2):
            zvec = zero16
            for hh in range(NUM_HEADS):
                sl = pl.ds(hh * OUT_DIM, OUT_DIM)
                kq = krows[i, sl] * qrows[i, sl]
                sv = jnp.exp(jnp.clip(_sum_all_lanes(kq, perms), -5.0, 5.0))
                krows[i, sl] = sv * vrows[i, sl]
                zvec = jnp.where(lane == hh, sv, zvec)
            zrows[pl.ds(i * LANES, LANES)] = zvec
            return c2
        lax.fori_loop(0, CA, edge_a, 0)
        pltpu.sync_copy(krows, wv_e.at[pl.ds(base, CA)])
        pltpu.sync_copy(zrows, z_e.at[pl.ds(base * LANES, CA * LANES)])
        return c
    lax.fori_loop(0, NA, chunk_a, 0)

    def range_pass(r, c):
        lo = r * RNG

        def zero_acc(i, c2):
            for j in range(HID // LANES):
                acc[i, pl.ds(j * LANES, LANES)] = zero16
            zacc[pl.ds(i * LANES, LANES)] = zero16
            return c2
        lax.fori_loop(0, RNG + 1, zero_acc, 0)

        def chunk_b(t, c2):
            base = ebase + t * CB
            pltpu.sync_copy(wv_e.at[pl.ds(base, CB)], wvb)
            pltpu.sync_copy(z_e.at[pl.ds(base * LANES, CB * LANES)], zb)

            def group_b(g, c3):
                dvec = dst_all[pl.ds(t * CB + g * LANES, LANES)] - lo
                for i2 in range(LANES):
                    i = g * LANES + i2
                    dl = dvec[i2]
                    inr = (dl >= 0) & (dl < RNG)
                    dls = jnp.where(inr, jnp.clip(dl, 0, RNG - 1),
                                    jnp.int32(RNG))
                    for hh in range(NUM_HEADS):
                        sl = pl.ds(hh * OUT_DIM, OUT_DIM)
                        acc[dls, sl] = acc[dls, sl] + wvb[i, sl]
                    zsl = pl.ds(dls * LANES, LANES)
                    zacc[zsl] = zacc[zsl] + zb[pl.ds(i * LANES, LANES)]
                return c3
            lax.fori_loop(0, CB // LANES, group_b, 0)
            return c2
        lax.fori_loop(0, NB, chunk_b, 0)

        pltpu.sync_copy(acc.at[pl.ds(0, RNG)],
                        wv_parts.at[wid, pl.ds(lo, RNG)])
        pltpu.sync_copy(zacc.at[pl.ds(0, RNG * LANES)],
                        z_parts.at[wid, pl.ds(lo * LANES, RNG * LANES)])
        return c
    lax.fori_loop(0, N_RNG, range_pass, 0)


@functools.cache
def _make_edge_kernel():
    return functools.partial(
        pl.kernel,
        out_type=(
            jax.ShapeDtypeStruct((N_EDGES, HID), jnp.float32),
            jax.ShapeDtypeStruct((N_EDGES * LANES,), jnp.float32),
            jax.ShapeDtypeStruct((NW, N_PAD2, HID), jnp.float32),
            jax.ShapeDtypeStruct((NW, N_PAD2 * LANES), jnp.float32),
        ),
        mesh=plsc.VectorSubcoreMesh(
            core_axis_name="c", subcore_axis_name="s",
            num_cores=NC, num_subcores=NS,
        ),
        scratch_types=[
            pltpu.VMEM((RNG + 8, HID), jnp.float32),
            pltpu.VMEM(((RNG + 8) * LANES,), jnp.float32),
            pltpu.VMEM((CA,), jnp.int32),
            pltpu.VMEM((E_PER_TILE + LANES,), jnp.int32),
            pltpu.VMEM((CA, HID), jnp.float32),
            pltpu.VMEM((CA, HID), jnp.float32),
            pltpu.VMEM((CA, HID), jnp.float32),
            pltpu.VMEM((CA * LANES,), jnp.float32),
            pltpu.VMEM((CB, HID), jnp.float32),
            pltpu.VMEM((CB * LANES,), jnp.float32),
            pltpu.SemaphoreType.DMA,
        ],
    )(_edge_body)


def _combine_body(wv_ref, z_ref, out_ref):
    wv = jnp.sum(wv_ref[...], axis=0)
    z = jnp.sum(z_ref[...], axis=0)
    head = lax.broadcasted_iota(jnp.int32, (LANES, HID), 1) // OUT_DIM
    row = lax.broadcasted_iota(jnp.int32, (LANES, HID), 0)
    sel = (head == row).astype(jnp.float32)
    den = jnp.dot(z, sel, preferred_element_type=jnp.float32)
    out_ref[...] = wv / den


def _combine(wv_parts, z_parts, interpret=False):
    r = 400
    bs_wv = pl.BlockSpec((NW, r, HID), lambda i: (0, i, 0))
    bs_z = pl.BlockSpec((NW, r, LANES), lambda i: (0, i, 0))
    bs_out = pl.BlockSpec((r, HID), lambda i: (i, 0))
    return pl.pallas_call(
        _combine_body,
        grid=(N_NODES // r,),
        in_specs=[bs_wv, bs_z],
        out_specs=bs_out,
        out_shape=jax.ShapeDtypeStruct((N_NODES, HID), jnp.float32),
        interpret=interpret,
    )(wv_parts, z_parts)


def _rotary_tables(pos):
    dim = OUT_DIM // 2
    inv_freq = 1.0 / (10000.0 ** (jnp.arange(0, dim, 2, dtype=jnp.float32) / dim))
    t = pos[0] * 64.0
    fx = t[:, 0:1] * inv_freq[None, :]
    fy = t[:, 1:2] * inv_freq[None, :]
    fx = jnp.concatenate([fx, fx], axis=1)
    fy = jnp.concatenate([fy, fy], axis=1)
    f = jnp.concatenate([fx, fy], axis=1)
    cosf = jnp.tile(jnp.cos(f), (1, NUM_HEADS))
    sinf = jnp.tile(jnp.sin(f), (1, NUM_HEADS))
    return cosf, sinf


def kernel(h, pos, edge_index, Wq, bq, Wk, bk, Wv, bv):
    h2 = h[0]
    cosf, sinf = _rotary_tables(pos)
    qr, kr, vr = _project(
        h2, Wq.T, Wk.T, Wv.T,
        bq.reshape(1, HID), bk.reshape(1, HID), bv.reshape(1, HID),
        cosf, sinf,
    )
    src = edge_index[0].astype(jnp.int32)
    dst = edge_index[1].astype(jnp.int32)
    _, _, wv_parts, z_parts = _make_edge_kernel()(kr, qr, vr, src, dst)
    z3 = z_parts.reshape(NW, N_PAD2, LANES)
    out = _combine(wv_parts[:, :N_NODES], z3[:, :N_NODES])
    return out[None]

# --- scband reference (transcript-rebuilt; emitter-appended) ---
"""Pipeline reference for scband-multi-head-attention-layer-48558900249388 (READ-ONLY COPY).

The authoritative reference and input builder live on the scoring server;
editing this copy changes nothing except your own understanding.
"""

import jax, jax.numpy as jnp
import numpy as np

N_NODES = 10000
N_EDGES = 320000
IN_DIM = 128
OUT_DIM = 16
NUM_HEADS = 8
MIN_FREQ = 1.0 / 64
SCALE = 1.0


def rotate_half(x):
    # '... (j d) -> ... j d' with j=2, unbind, cat((-x2, x1), -1)
    d2 = x.shape[-1] // 2
    x = x.reshape(x.shape[:-1] + (2, d2))
    x1 = x[..., 0, :]
    x2 = x[..., 1, :]
    return jnp.concatenate((-x2, x1), axis=-1)


def apply_rotary_pos_emb(t, freqs):
    return t * jnp.cos(freqs) + rotate_half(t) * jnp.sin(freqs)


def apply_2d_rotary_pos_emb(t, freqs_x, freqs_y):
    d = t.shape[-1]
    t_x, t_y = t[..., : d // 2], t[..., d // 2 :]
    return jnp.concatenate(
        (apply_rotary_pos_emb(t_x, freqs_x), apply_rotary_pos_emb(t_y, freqs_y)),
        axis=-1,
    )


def rotary_freqs(coords):
    # RotaryEmbedding with dim = out_dim // relative_emb_dim = 16 // 2 = 8
    dim = OUT_DIM // 2
    inv_freq = 1.0 / (10000.0 ** (jnp.arange(0, dim, 2, dtype=jnp.float32) / dim))
    t = coords * (SCALE / MIN_FREQ)
    freqs = jnp.einsum('...i,j->...ij', t, inv_freq)
    return jnp.concatenate((freqs, freqs), axis=-1)  # [b, n, dim]


def setup_inputs(seed: int = 0) -> dict:
    key = jax.random.key(seed)
    ks = jax.random.split(key, 9)
    h = jax.random.normal(ks[0], (1, N_NODES, IN_DIM), dtype=jnp.float32)
    pos = jax.random.uniform(ks[1], (1, N_NODES, 2), dtype=jnp.float32)
    edge_index = jax.random.randint(ks[2], (2, N_EDGES), 0, N_NODES, dtype=jnp.int64 if jax.config.jax_enable_x64 else jnp.int32)
    s = 1.0 / np.sqrt(IN_DIM)
    Wq = jax.random.normal(ks[3], (NUM_HEADS * OUT_DIM, IN_DIM), dtype=jnp.float32) * s
    Wk = jax.random.normal(ks[4], (NUM_HEADS * OUT_DIM, IN_DIM), dtype=jnp.float32) * s
    Wv = jax.random.normal(ks[5], (NUM_HEADS * OUT_DIM, IN_DIM), dtype=jnp.float32) * s
    bq = jnp.zeros((NUM_HEADS * OUT_DIM,), dtype=jnp.float32)
    bk = jnp.zeros((NUM_HEADS * OUT_DIM,), dtype=jnp.float32)
    bv = jnp.zeros((NUM_HEADS * OUT_DIM,), dtype=jnp.float32)
    return {
        'h': h, 'pos': pos, 'edge_index': edge_index,
        'Wq': Wq, 'bq': bq, 'Wk': Wk, 'bk': bk, 'Wv': Wv, 'bv': bv,
    }


def reference(h, pos, edge_index, Wq, bq, Wk, bk, Wv, bv):
    b, n, c = h.shape
    Q_h = h @ Wq.T + bq
    K_h = h @ Wk.T + bk
    V_h = h @ Wv.T + bv
    # 'b n (h d) -> b h n d'
    Q_h = Q_h.reshape(b, n, NUM_HEADS, OUT_DIM).transpose(0, 2, 1, 3)
    K_h = K_h.reshape(b, n, NUM_HEADS, OUT_DIM).transpose(0, 2, 1, 3)
    V_h = V_h.reshape(b, n, NUM_HEADS, OUT_DIM).transpose(0, 2, 1, 3)
    # 2D rotary relative embedding
    freqs_x = rotary_freqs(pos[..., 0])[:, None, :, :]  # 'b n d -> b h n d' (broadcast h)
    freqs_y = rotary_freqs(pos[..., 1])[:, None, :, :]
    Q_h = apply_2d_rotary_pos_emb(Q_h, freqs_x, freqs_y)
    K_h = apply_2d_rotary_pos_emb(K_h, freqs_x, freqs_y)
    # 'b h n d -> n b h d'
    Qn = jnp.transpose(Q_h, (2, 0, 1, 3))
    Kn = jnp.transpose(K_h, (2, 0, 1, 3))
    Vn = jnp.transpose(V_h, (2, 0, 1, 3))
    src = edge_index[0]
    dst = edge_index[1]
    # src_dot_dst('K_h', 'Q_h', 'score')
    score = jnp.sum(Kn[src] * Qn[dst], axis=-1, keepdims=True)  # [E, b, h, 1]
    # scaled_exp with clamp(-5, 5)
    score = jnp.exp(jnp.clip(score / np.sqrt(OUT_DIM), -5.0, 5.0))
    # u_mul_e + sum -> wV ; copy_e + sum -> z (reductions over incoming edges at dst)
    wV = jax.ops.segment_sum(Vn[src] * score, dst, num_segments=n)
    z = jax.ops.segment_sum(score, dst, num_segments=n)
    attn_out = wV / z  # [n, b, h, d]
    # 'n b h d -> b n (h d)'
    attn_out = jnp.transpose(attn_out, (1, 0, 2, 3)).reshape(b, n, NUM_HEADS * OUT_DIM)
    return attn_out

if __name__ == "__main__":
    import jax
    _d = setup_inputs()
    print(jax.jit(kernel)(*tuple(_d.values())))

</pallas_src>

<mosaic_0001>
#map = affine_map<(d0, d1) -> (0, 0)>
#map1 = affine_map<(d0, d1) -> (0)>
#map2 = affine_map<(d0, d1) -> (0, 0, 0)>
module attributes {stable_mosaic.version = 14 : i64} {
  func.func @_edge_body(%arg0: i32, %arg1: i32, %arg2: memref<10000x128xf32, #tpu.memory_space<hbm>>, %arg3: memref<10000x128xf32, #tpu.memory_space<hbm>>, %arg4: memref<10000x128xf32, #tpu.memory_space<hbm>>, %arg5: memref<320000xi32, #tpu.memory_space<hbm>>, %arg6: memref<320000xi32, #tpu.memory_space<hbm>>, %arg7: memref<320000x128xf32, #tpu.memory_space<hbm>>, %arg8: memref<5120000xf32, #tpu.memory_space<hbm>>, %arg9: memref<32x10240x128xf32, #tpu.memory_space<hbm>>, %arg10: memref<32x163840xf32, #tpu.memory_space<hbm>>, %arg11: memref<520x128xf32, #tpu.memory_space<vmem>>, %arg12: memref<8320xf32, #tpu.memory_space<vmem>>, %arg13: memref<40xi32, #tpu.memory_space<vmem>>, %arg14: memref<10016xi32, #tpu.memory_space<vmem>>, %arg15: memref<40x128xf32, #tpu.memory_space<vmem>>, %arg16: memref<40x128xf32, #tpu.memory_space<vmem>>, %arg17: memref<40x128xf32, #tpu.memory_space<vmem>>, %arg18: memref<640xf32, #tpu.memory_space<vmem>>, %arg19: memref<80x128xf32, #tpu.memory_space<vmem>>, %arg20: memref<1280xf32, #tpu.memory_space<vmem>>, %arg21: memref<!tpu.dma_semaphore, #tpu.memory_space<semaphore_mem>>) attributes {dimension_semantics = [#tpu.dimension_semantics<core_parallel>, #tpu.dimension_semantics<subcore_parallel>], iteration_bounds = array<i64: 2, 16>, scalar_prefetch = 0 : i64, scratch_operands = 11 : i64, tpu.core_type = #tpu.core_type<sc_vector_subcore>, window_params = [{transform_indices = #map}, {transform_indices = #map}, {transform_indices = #map}, {transform_indices = #map1}, {transform_indices = #map1}, {transform_indices = #map}, {transform_indices = #map1}, {transform_indices = #map2}, {transform_indices = #map}]} {
    %mul3A = arith.constant 16 : i32
    %mul3A_0 = arith.muli %arg0, %mul3A : i32
    %add3A = arith.addi %mul3A_0, %arg1 : i32
    %mul3A_1 = arith.constant 10000 : i32
    %mul3A_2 = arith.muli %add3A, %mul3A_1 : i32
    %iota3A = tpu.iota {dimensions = array<i32: 0>} : vector<16xi32>
    %broadcast_in_dim3A = arith.constant 0.000000e+00 : f32
    %broadcast_in_dim3A_3 = vector.broadcast %broadcast_in_dim3A : f32 to vector<16xf32>
    %xor3A = arith.constant 8 : i32
    %xor3A_4 = vector.broadcast %xor3A : i32 to vector<16xi32>
    %xor3A_5 = arith.xori %iota3A, %xor3A_4 : vector<16xi32>
    %reshape3A = vector.shape_cast %xor3A_5 : vector<16xi32> to vector<16x1xi32>
    %xor3A_6 = arith.constant 4 : i32
    %xor3A_7 = vector.broadcast %xor3A_6 : i32 to vector<16xi32>
    %xor3A_8 = arith.xori %iota3A, %xor3A_7 : vector<16xi32>
    %reshape3A_9 = vector.shape_cast %xor3A_8 : vector<16xi32> to vector<16x1xi32>
    %xor3A_10 = arith.constant 2 : i32
    %xor3A_11 = vector.broadcast %xor3A_10 : i32 to vector<16xi32>
    %xor3A_12 = arith.xori %iota3A, %xor3A_11 : vector<16xi32>
    %reshape3A_13 = vector.shape_cast %xor3A_12 : vector<16xi32> to vector<16x1xi32>
    %xor3A_14 = arith.constant 1 : i32
    %xor3A_15 = vector.broadcast %xor3A_14 : i32 to vector<16xi32>
    %xor3A_16 = arith.xori %iota3A, %xor3A_15 : vector<16xi32>
    %reshape3A_17 = vector.shape_cast %xor3A_16 : vector<16xi32> to vector<16x1xi32>
    "tpu.region"() ({
      %run_scoped3A = tpu.sem_alloc : memref<!tpu.dma_semaphore, #tpu.memory_space<semaphore_mem>>
      %dma_start3A = arith.constant 0 : i32
      %dma_start3A_29 = tpu.memref_slice %arg14[%dma_start3A] : memref<10016xi32, #tpu.memory_space<vmem>> -> memref<10000xi32, #tpu.memory_space<vmem>>
      %dma_start3A_30 = tpu.memref_slice %arg6[%mul3A_2] : memref<320000xi32, #tpu.memory_space<hbm>> -> memref<10000xi32, #tpu.memory_space<hbm>>
      %dma_start3A_31 = arith.constant 0 : i32
      %dma_start3A_32 = tpu.memref_slice %arg14[%dma_start3A_31] : memref<10016xi32, #tpu.memory_space<vmem>> -> memref<10000xi32, #tpu.memory_space<vmem>>
      %dma_start3A_33 = tpu.memref_slice %arg6[%mul3A_2] : memref<320000xi32, #tpu.memory_space<hbm>> -> memref<10000xi32, #tpu.memory_space<hbm>>
      tpu.enqueue_dma source(%dma_start3A_33 : memref<10000xi32, #tpu.memory_space<hbm>>) target(%dma_start3A_32 : memref<10000xi32, #tpu.memory_space<vmem>>) target_semaphore(%run_scoped3A : memref<!tpu.dma_semaphore, #tpu.memory_space<semaphore_mem>>)
      %dma_wait3A = arith.constant 0 : i32
      %dma_wait3A_34 = tpu.memref_slice %arg14[%dma_wait3A] : memref<10016xi32, #tpu.memory_space<vmem>> -> memref<10000xi32, #tpu.memory_space<vmem>>
      %dma_wait3A_35 = tpu.memref_slice %arg6[%mul3A_2] : memref<320000xi32, #tpu.memory_space<hbm>> -> memref<10000xi32, #tpu.memory_space<hbm>>
      %dma_wait3A_36 = arith.constant 0 : i32
      %dma_wait3A_37 = tpu.memref_slice %arg14[%dma_wait3A_36] : memref<10016xi32, #tpu.memory_space<vmem>> -> memref<10000xi32, #tpu.memory_space<vmem>>
      %dma_wait3A_38 = tpu.memref_slice %arg6[%mul3A_2] : memref<320000xi32, #tpu.memory_space<hbm>> -> memref<10000xi32, #tpu.memory_space<hbm>>
      tpu.wait_dma2 semaphore(%run_scoped3A : memref<!tpu.dma_semaphore, #tpu.memory_space<semaphore_mem>>) src(%dma_wait3A_38 : memref<10000xi32, #tpu.memory_space<hbm>>) dst(%dma_wait3A_37 : memref<10000xi32, #tpu.memory_space<vmem>>)
      tpu.yield
    }) : () -> ()
    %scan3A = arith.constant 0 : i32
    %scan3A_18 = arith.constant 0 : i32
    %scan3A_19 = arith.constant 250 : i32
    %scan3A_20 = arith.addi %scan3A_18, %scan3A_19 : i32
    %scan3A_21 = arith.constant 1 : i32
    scf.for %scan3A_29 = %scan3A_18 to %scan3A_20 step %scan3A_21  : i32 {
      %mul3A_30 = arith.constant 40 : i32
      %mul3A_31 = arith.muli %scan3A_29, %mul3A_30 : i32
      %add3A_32 = arith.addi %mul3A_2, %mul3A_31 : i32
      "tpu.region"() ({
        %run_scoped3A = tpu.sem_alloc : memref<!tpu.dma_semaphore, #tpu.memory_space<semaphore_mem>>
        %dma_start3A_61 = tpu.memref_slice %arg5[%add3A_32] : memref<320000xi32, #tpu.memory_space<hbm>> -> memref<40xi32, #tpu.memory_space<hbm>>
        %dma_start3A_62 = tpu.memref_slice %arg5[%add3A_32] : memref<320000xi32, #tpu.memory_space<hbm>> -> memref<40xi32, #tpu.memory_space<hbm>>
        tpu.enqueue_dma source(%dma_start3A_62 : memref<40xi32, #tpu.memory_space<hbm>>) target(%arg13 : memref<40xi32, #tpu.memory_space<vmem>>) target_semaphore(%run_scoped3A : memref<!tpu.dma_semaphore, #tpu.memory_space<semaphore_mem>>)
        %dma_wait3A_63 = tpu.memref_slice %arg5[%add3A_32] : memref<320000xi32, #tpu.memory_space<hbm>> -> memref<40xi32, #tpu.memory_space<hbm>>
        %dma_wait3A_64 = tpu.memref_slice %arg5[%add3A_32] : memref<320000xi32, #tpu.memory_space<hbm>> -> memref<40xi32, #tpu.memory_space<hbm>>
        tpu.wait_dma2 semaphore(%run_scoped3A : memref<!tpu.dma_semaphore, #tpu.memory_space<semaphore_mem>>) src(%dma_wait3A_64 : memref<40xi32, #tpu.memory_space<hbm>>) dst(%arg13 : memref<40xi32, #tpu.memory_space<vmem>>)
        tpu.yield
      }) : () -> ()
      %dma_start3A = arith.constant 0 : i32
      %dma_start3A_33 = arith.constant 0 : i32
      %dma_start3A_34 = tpu.memref_slice %arg2[%dma_start3A, %dma_start3A_33] : memref<10000x128xf32, #tpu.memory_space<hbm>> -> memref<10000x128xf32, #tpu.memory_space<hbm>>
      tpu.enqueue_indirect_dma source(%dma_start3A_34 : memref<10000x128xf32, #tpu.memory_space<hbm>>) target(%arg15 : memref<40x128xf32, #tpu.memory_space<vmem>>) offsets(%arg13 : memref<40xi32, #tpu.memory_space<vmem>>) semaphore(%arg21 : memref<!tpu.dma_semaphore, #tpu.memory_space<semaphore_mem>>)
      %mul3A_35 = arith.constant 40 : i32
      %mul3A_36 = arith.muli %scan3A_29, %mul3A_35 : i32
      %dma_start3A_37 = tpu.memref_slice %arg14[%mul3A_36] : memref<10016xi32, #tpu.memory_space<vmem>> -> memref<40xi32, #tpu.memory_space<vmem>>
      %dma_start3A_38 = arith.constant 0 : i32
      %dma_start3A_39 = arith.constant 0 : i32
      %dma_start3A_40 = tpu.memref_slice %arg3[%dma_start3A_38, %dma_start3A_39] : memref<10000x128xf32, #tpu.memory_space<hbm>> -> memref<10000x128xf32, #tpu.memory_space<hbm>>
      tpu.enqueue_indirect_dma source(%dma_start3A_40 : memref<10000x128xf32, #tpu.memory_space<hbm>>) target(%arg16 : memref<40x128xf32, #tpu.memory_space<vmem>>) offsets(%dma_start3A_37 : memref<40xi32, #tpu.memory_space<vmem>>) semaphore(%arg21 : memref<!tpu.dma_semaphore, #tpu.memory_space<semaphore_mem>>)
      %dma_start3A_41 = arith.constant 0 : i32
      %dma_start3A_42 = arith.constant 0 : i32
      %dma_start3A_43 = tpu.memref_slice %arg4[%dma_start3A_41, %dma_start3A_42] : memref<10000x128xf32, #tpu.memory_space<hbm>> -> memref<10000x128xf32, #tpu.memory_space<hbm>>
      tpu.enqueue_indirect_dma source(%dma_start3A_43 : memref<10000x128xf32, #tpu.memory_space<hbm>>) target(%arg17 : memref<40x128xf32, #tpu.memory_space<vmem>>) offsets(%arg13 : memref<40xi32, #tpu.memory_space<vmem>>) semaphore(%arg21 : memref<!tpu.dma_semaphore, #tpu.memory_space<semaphore_mem>>)
      %dma_wait3A = arith.constant 0 : i32
      %dma_wait3A_44 = arith.constant 0 : i32
      %dma_wait3A_45 = tpu.memref_slice %arg2[%dma_wait3A, %dma_wait3A_44] : memref<10000x128xf32, #tpu.memory_space<hbm>> -> memref<10000x128xf32, #tpu.memory_space<hbm>>
      tpu.wait_indirect_dma semaphore(%arg21 : memref<!tpu.dma_semaphore, #tpu.memory_space<semaphore_mem>>) src(%dma_wait3A_45 : memref<10000x128xf32, #tpu.memory_space<hbm>>) dst(%arg15 : memref<40x128xf32, #tpu.memory_space<vmem>>)
      %dma_wait3A_46 = tpu.memref_slice %arg14[%mul3A_36] : memref<10016xi32, #tpu.memory_space<vmem>> -> memref<40xi32, #tpu.memory_space<vmem>>
      %dma_wait3A_47 = arith.constant 0 : i32
      %dma_wait3A_48 = arith.constant 0 : i32
      %dma_wait3A_49 = tpu.memref_slice %arg3[%dma_wait3A_47, %dma_wait3A_48] : memref<10000x128xf32, #tpu.memory_space<hbm>> -> memref<10000x128xf32, #tpu.memory_space<hbm>>
      tpu.wait_indirect_dma semaphore(%arg21 : memref<!tpu.dma_semaphore, #tpu.memory_space<semaphore_mem>>) src(%dma_wait3A_49 : memref<10000x128xf32, #tpu.memory_space<hbm>>) dst(%arg16 : memref<40x128xf32, #tpu.memory_space<vmem>>)
      %dma_wait3A_50 = arith.constant 0 : i32
      %dma_wait3A_51 = arith.constant 0 : i32
      %dma_wait3A_52 = tpu.memref_slice %arg4[%dma_wait3A_50, %dma_wait3A_51] : memref<10000x128xf32, #tpu.memory_space<hbm>> -> memref<10000x128xf32, #tpu.memory_space<hbm>>
      tpu.wait_indirect_dma semaphore(%arg21 : memref<!tpu.dma_semaphore, #tpu.memory_space<semaphore_mem>>) src(%dma_wait3A_52 : memref<10000x128xf32, #tpu.memory_space<hbm>>) dst(%arg17 : memref<40x128xf32, #tpu.memory_space<vmem>>)
      %scan3A_53 = arith.constant 0 : i32
      %scan3A_54 = arith.constant 0 : i32
      %scan3A_55 = arith.constant 40 : i32
      %scan3A_56 = arith.addi %scan3A_54, %scan3A_55 : i32
      %scan3A_57 = arith.constant 1 : i32
      scf.for %scan3A_61 = %scan3A_54 to %scan3A_56 step %scan3A_57  : i32 {
        %get3A = arith.index_cast %scan3A_61 : i32 to index
        %get3A_62 = arith.constant 0 : index
        %get3A_63 = tpu.vector_load %arg15[%get3A, %get3A_62] {strides = array<i32>} : memref<40x128xf32, #tpu.memory_space<vmem>>, vector<1x16xf32>,
        %get3A_64 = vector.shape_cast %get3A_63 : vector<1x16xf32> to vector<16xf32>
        %get3A_65 = arith.index_cast %scan3A_61 : i32 to index
        %get3A_66 = arith.constant 0 : index
        %get3A_67 = tpu.vector_load %arg16[%get3A_65, %get3A_66] {strides = array<i32>} : memref<40x128xf32, #tpu.memory_space<vmem>>, vector<1x16xf32>,
        %get3A_68 = vector.shape_cast %get3A_67 : vector<1x16xf32> to vector<16xf32>
        %mul3A_69 = arith.mulf %get3A_64, %get3A_68 : vector<16xf32>
        %gather3A = vector.shape_cast %reshape3A : vector<16x1xi32> to vector<16xi32>
        %gather3A_70 = tpu.dynamic_gather %mul3A_69[%gather3A] in [0] : vector<16xf32>, vector<16xi32> -> vector<16xf32>
        %add3A_71 = arith.addf %mul3A_69, %gather3A_70 : vector<16xf32>
        %gather3A_72 = vector.shape_cast %reshape3A_9 : vector<16x1xi32> to vector<16xi32>
        %gather3A_73 = tpu.dynamic_gather %add3A_71[%gather3A_72] in [0] : vector<16xf32>, vector<16xi32> -> vector<16xf32>
        %add3A_74 = arith.addf %add3A_71, %gather3A_73 : vector<16xf32>
        %gather3A_75 = vector.shape_cast %reshape3A_13 : vector<16x1xi32> to vector<16xi32>
        %gather3A_76 = tpu.dynamic_gather %add3A_74[%gather3A_75] in [0] : vector<16xf32>, vector<16xi32> -> vector<16xf32>
        %add3A_77 = arith.addf %add3A_74, %gather3A_76 : vector<16xf32>
        %gather3A_78 = vector.shape_cast %reshape3A_17 : vector<16x1xi32> to vector<16xi32>
        %gather3A_79 = tpu.dynamic_gather %add3A_77[%gather3A_78] in [0] : vector<16xf32>, vector<16xi32> -> vector<16xf32>
        %add3A_80 = arith.addf %add3A_77, %gather3A_79 : vector<16xf32>
        %jit3A = arith.constant -5.000000e+00 : f32
        %jit3A_81 = arith.constant 5.000000e+00 : f32
        %max3A = vector.broadcast %jit3A : f32 to vector<16xf32>
        %max3A_82 = arith.maximumf %max3A, %add3A_80 : vector<16xf32>
        %min3A = vector.broadcast %jit3A_81 : f32 to vector<16xf32>
        %min3A_83 = arith.minimumf %min3A, %max3A_82 : vector<16xf32>
        %exp3A = math.exp %min3A_83 : vector<16xf32>
        %get3A_84 = arith.index_cast %scan3A_61 : i32 to index
        %get3A_85 = arith.constant 0 : index
        %get3A_86 = tpu.vector_load %arg17[%get3A_84, %get3A_85] {strides = array<i32>} : memref<40x128xf32, #tpu.memory_space<vmem>>, vector<1x16xf32>,
        %get3A_87 = vector.shape_cast %get3A_86 : vector<1x16xf32> to vector<16xf32>
        %mul3A_88 = arith.mulf %exp3A, %get3A_87 : vector<16xf32>
        %swap3A = arith.index_cast %scan3A_61 : i32 to index
        %swap3A_89 = arith.constant 0 : index
        %swap3A_90 = tpu.vector_load %arg15[%swap3A, %swap3A_89] {strides = array<i32>} : memref<40x128xf32, #tpu.memory_space<vmem>>, vector<1x16xf32>,
        %swap3A_91 = vector.shape_cast %swap3A_90 : vector<1x16xf32> to vector<16xf32>
        %swap3A_92 = vector.shape_cast %mul3A_88 : vector<16xf32> to vector<1x16xf32>
        tpu.vector_store %arg15[%swap3A, %swap3A_89], %swap3A_92 {strides = array<i32>} : memref<40x128xf32, #tpu.memory_space<vmem>>, vector<1x16xf32>,
        %eq3A = arith.constant 0 : i32
        %eq3A_93 = vector.broadcast %eq3A : i32 to vector<16xi32>
        %eq3A_94 = arith.cmpi eq, %iota3A, %eq3A_93 : vector<16xi32>
        %select_n3A = arith.select %eq3A_94, %exp3A, %broadcast_in_dim3A_3 : vector<16xi1>, vector<16xf32>
        %get3A_95 = arith.index_cast %scan3A_61 : i32 to index
        %get3A_96 = arith.constant 16 : index
        %get3A_97 = tpu.vector_load %arg15[%get3A_95, %get3A_96] {strides = array<i32>} : memref<40x128xf32, #tpu.memory_space<vmem>>, vector<1x16xf32>,
        %get3A_98 = vector.shape_cast %get3A_97 : vector<1x16xf32> to vector<16xf32>
        %get3A_99 = arith.index_cast %scan3A_61 : i32 to index
        %get3A_100 = arith.constant 16 : index
        %get3A_101 = tpu.vector_load %arg16[%get3A_99, %get3A_100] {strides = array<i32>} : memref<40x128xf32, #tpu.memory_space<vmem>>, vector<1x16xf32>,
        %get3A_102 = vector.shape_cast %get3A_101 : vector<1x16xf32> to vector<16xf32>
        %mul3A_103 = arith.mulf %get3A_98, %get3A_102 : vector<16xf32>
        %gather3A_104 = vector.shape_cast %reshape3A : vector<16x1xi32> to vector<16xi32>
        %gather3A_105 = tpu.dynamic_gather %mul3A_103[%gather3A_104] in [0] : vector<16xf32>, vector<16xi32> -> vector<16xf32>
        %add3A_106 = arith.addf %mul3A_103, %gather3A_105 : vector<16xf32>
        %gather3A_107 = vector.shape_cast %reshape3A_9 : vector<16x1xi32> to vector<16xi32>
        %gather3A_108 = tpu.dynamic_gather %add3A_106[%gather3A_107] in [0] : vector<16xf32>, vector<16xi32> -> vector<16xf32>
        %add3A_109 = arith.addf %add3A_106, %gather3A_108 : vector<16xf32>
        %gather3A_110 = vector.shape_cast %reshape3A_13 : vector<16x1xi32> to vector<16xi32>
        %gather3A_111 = tpu.dynamic_gather %add3A_109[%gather3A_110] in [0] : vector<16xf32>, vector<16xi32> -> vector<16xf32>
        %add3A_112 = arith.addf %add3A_109, %gather3A_111 : vector<16xf32>
        %gather3A_113 = vector.shape_cast %reshape3A_17 : vector<16x1xi32> to vector<16xi32>
        %gather3A_114 = tpu.dynamic_gather %add3A_112[%gather3A_113] in [0] : vector<16xf32>, vector<16xi32> -> vector<16xf32>
        %add3A_115 = arith.addf %add3A_112, %gather3A_114 : vector<16xf32>
        %jit3A_116 = arith.constant -5.000000e+00 : f32
        %jit3A_117 = arith.constant 5.000000e+00 : f32
        %max3A_118 = vector.broadcast %jit3A_116 : f32 to vector<16xf32>
        %max3A_119 = arith.maximumf %max3A_118, %add3A_115 : vector<16xf32>
        %min3A_120 = vector.broadcast %jit3A_117 : f32 to vector<16xf32>
        %min3A_121 = arith.minimumf %min3A_120, %max3A_119 : vector<16xf32>
        %exp3A_122 = math.exp %min3A_121 : vector<16xf32>
        %get3A_123 = arith.index_cast %scan3A_61 : i32 to index
        %get3A_124 = arith.constant 16 : index
        %get3A_125 = tpu.vector_load %arg17[%get3A_123, %get3A_124] {strides = array<i32>} : memref<40x128xf32, #tpu.memory_space<vmem>>, vector<1x16xf32>,
        %get3A_126 = vector.shape_cast %get3A_125 : vector<1x16xf32> to vector<16xf32>
        %mul3A_127 = arith.mulf %exp3A_122, %get3A_126 : vector<16xf32>
        %swap3A_128 = arith.index_cast %scan3A_61 : i32 to index
        %swap3A_129 = arith.constant 16 : index
        %swap3A_130 = tpu.vector_load %arg15[%swap3A_128, %swap3A_129] {strides = array<i32>} : memref<40x128xf32, #tpu.memory_space<vmem>>, vector<1x16xf32>,
        %swap3A_131 = vector.shape_cast %swap3A_130 : vector<1x16xf32> to vector<16xf32>
        %swap3A_132 = vector.shape_cast %mul3A_127 : vector<16xf32> to vector<1x16xf32>
        tpu.vector_store %arg15[%swap3A_128, %swap3A_129], %swap3A_132 {strides = array<i32>} : memref<40x128xf32, #tpu.memory_space<vmem>>, vector<1x16xf32>,
        %eq3A_133 = arith.constant 1 : i32
        %eq3A_134 = vector.broadcast %eq3A_133 : i32 to vector<16xi32>
        %eq3A_135 = arith.cmpi eq, %iota3A, %eq3A_134 : vector<16xi32>
        %select_n3A_136 = arith.select %eq3A_135, %exp3A_122, %select_n3A : vector<16xi1>, vector<16xf32>
        %get3A_137 = arith.index_cast %scan3A_61 : i32 to index
        %get3A_138 = arith.constant 32 : index
        %get3A_139 = tpu.vector_load %arg15[%get3A_137, %get3A_138] {strides = array<i32>} : memref<40x128xf32, #tpu.memory_space<vmem>>, vector<1x16xf32>,
        %get3A_140 = vector.shape_cast %get3A_139 : vector<1x16xf32> to vector<16xf32>
        %get3A_141 = arith.index_cast %scan3A_61 : i32 to index
        %get3A_142 = arith.constant 32 : index
        %get3A_143 = tpu.vector_load %arg16[%get3A_141, %get3A_142] {strides = array<i32>} : memref<40x128xf32, #tpu.memory_space<vmem>>, vector<1x16xf32>,
        %get3A_144 = vector.shape_cast %get3A_143 : vector<1x16xf32> to vector<16xf32>
        %mul3A_145 = arith.mulf %get3A_140, %get3A_144 : vector<16xf32>
        %gather3A_146 = vector.shape_cast %reshape3A : vector<16x1xi32> to vector<16xi32>
        %gather3A_147 = tpu.dynamic_gather %mul3A_145[%gather3A_146] in [0] : vector<16xf32>, vector<16xi32> -> vector<16xf32>
        %add3A_148 = arith.addf %mul3A_145, %gather3A_147 : vector<16xf32>
        %gather3A_149 = vector.shape_cast %reshape3A_9 : vector<16x1xi32> to vector<16xi32>
        %gather3A_150 = tpu.dynamic_gather %add3A_148[%gather3A_149] in [0] : vector<16xf32>, vector<16xi32> -> vector<16xf32>
        %add3A_151 = arith.addf %add3A_148, %gather3A_150 : vector<16xf32>
        %gather3A_152 = vector.shape_cast %reshape3A_13 : vector<16x1xi32> to vector<16xi32>
        %gather3A_153 = tpu.dynamic_gather %add3A_151[%gather3A_152] in [0] : vector<16xf32>, vector<16xi32> -> vector<16xf32>
        %add3A_154 = arith.addf %add3A_151, %gather3A_153 : vector<16xf32>
        %gather3A_155 = vector.shape_cast %reshape3A_17 : vector<16x1xi32> to vector<16xi32>
        %gather3A_156 = tpu.dynamic_gather %add3A_154[%gather3A_155] in [0] : vector<16xf32>, vector<16xi32> -> vector<16xf32>
        %add3A_157 = arith.addf %add3A_154, %gather3A_156 : vector<16xf32>
        %jit3A_158 = arith.constant -5.000000e+00 : f32
        %jit3A_159 = arith.constant 5.000000e+00 : f32
        %max3A_160 = vector.broadcast %jit3A_158 : f32 to vector<16xf32>
        %max3A_161 = arith.maximumf %max3A_160, %add3A_157 : vector<16xf32>
        %min3A_162 = vector.broadcast %jit3A_159 : f32 to vector<16xf32>
        %min3A_163 = arith.minimumf %min3A_162, %max3A_161 : vector<16xf32>
        %exp3A_164 = math.exp %min3A_163 : vector<16xf32>
        %get3A_165 = arith.index_cast %scan3A_61 : i32 to index
        %get3A_166 = arith.constant 32 : index
        %get3A_167 = tpu.vector_load %arg17[%get3A_165, %get3A_166] {strides = array<i32>} : memref<40x128xf32, #tpu.memory_space<vmem>>, vector<1x16xf32>,
        %get3A_168 = vector.shape_cast %get3A_167 : vector<1x16xf32> to vector<16xf32>
        %mul3A_169 = arith.mulf %exp3A_164, %get3A_168 : vector<16xf32>
        %swap3A_170 = arith.index_cast %scan3A_61 : i32 to index
        %swap3A_171 = arith.constant 32 : index
        %swap3A_172 = tpu.vector_load %arg15[%swap3A_170, %swap3A_171] {strides = array<i32>} : memref<40x128xf32, #tpu.memory_space<vmem>>, vector<1x16xf32>,
        %swap3A_173 = vector.shape_cast %swap3A_172 : vector<1x16xf32> to vector<16xf32>
        %swap3A_174 = vector.shape_cast %mul3A_169 : vector<16xf32> to vector<1x16xf32>
        tpu.vector_store %arg15[%swap3A_170, %swap3A_171], %swap3A_174 {strides = array<i32>} : memref<40x128xf32, #tpu.memory_space<vmem>>, vector<1x16xf32>,
        %eq3A_175 = arith.constant 2 : i32
        %eq3A_176 = vector.broadcast %eq3A_175 : i32 to vector<16xi32>
        %eq3A_177 = arith.cmpi eq, %iota3A, %eq3A_176 : vector<16xi32>
        %select_n3A_178 = arith.select %eq3A_177, %exp3A_164, %select_n3A_136 : vector<16xi1>, vector<16xf32>
        %get3A_179 = arith.index_cast %scan3A_61 : i32 to index
        %get3A_180 = arith.constant 48 : index
        %get3A_181 = tpu.vector_load %arg15[%get3A_179, %get3A_180] {strides = array<i32>} : memref<40x128xf32, #tpu.memory_space<vmem>>, vector<1x16xf32>,
        %get3A_182 = vector.shape_cast %get3A_181 : vector<1x16xf32> to vector<16xf32>
        %get3A_183 = arith.index_cast %scan3A_61 : i32 to index
        %get3A_184 = arith.constant 48 : index
        %get3A_185 = tpu.vector_load %arg16[%get3A_183, %get3A_184] {strides = array<i32>} : memref<40x128xf32, #tpu.memory_space<vmem>>, vector<1x16xf32>,
        %get3A_186 = vector.shape_cast %get3A_185 : vector<1x16xf32> to vector<16xf32>
        %mul3A_187 = arith.mulf %get3A_182, %get3A_186 : vector<16xf32>
        %gather3A_188 = vector.shape_cast %reshape3A : vector<16x1xi32> to vector<16xi32>
        %gather3A_189 = tpu.dynamic_gather %mul3A_187[%gather3A_188] in [0] : vector<16xf32>, vector<16xi32> -> vector<16xf32>
        %add3A_190 = arith.addf %mul3A_187, %gather3A_189 : vector<16xf32>
        %gather3A_191 = vector.shape_cast %reshape3A_9 : vector<16x1xi32> to vector<16xi32>
        %gather3A_192 = tpu.dynamic_gather %add3A_190[%gather3A_191] in [0] : vector<16xf32>, vector<16xi32> -> vector<16xf32>
        %add3A_193 = arith.addf %add3A_190, %gather3A_192 : vector<16xf32>
        %gather3A_194 = vector.shape_cast %reshape3A_13 : vector<16x1xi32> to vector<16xi32>
        %gather3A_195 = tpu.dynamic_gather %add3A_193[%gather3A_194] in [0] : vector<16xf32>, vector<16xi32> -> vector<16xf32>
        %add3A_196 = arith.addf %add3A_193, %gather3A_195 : vector<16xf32>
        %gather3A_197 = vector.shape_cast %reshape3A_17 : vector<16x1xi32> to vector<16xi32>
        %gather3A_198 = tpu.dynamic_gather %add3A_196[%gather3A_197] in [0] : vector<16xf32>, vector<16xi32> -> vector<16xf32>
        %add3A_199 = arith.addf %add3A_196, %gather3A_198 : vector<16xf32>
        %jit3A_200 = arith.constant -5.000000e+00 : f32
        %jit3A_201 = arith.constant 5.000000e+00 : f32
        %max3A_202 = vector.broadcast %jit3A_200 : f32 to vector<16xf32>
        %max3A_203 = arith.maximumf %max3A_202, %add3A_199 : vector<16xf32>
        %min3A_204 = vector.broadcast %jit3A_201 : f32 to vector<16xf32>
        %min3A_205 = arith.minimumf %min3A_204, %max3A_203 : vector<16xf32>
        %exp3A_206 = math.exp %min3A_205 : vector<16xf32>
        %get3A_207 = arith.index_cast %scan3A_61 : i32 to index
        %get3A_208 = arith.constant 48 : index
        %get3A_209 = tpu.vector_load %arg17[%get3A_207, %get3A_208] {strides = array<i32>} : memref<40x128xf32, #tpu.memory_space<vmem>>, vector<1x16xf32>,
        %get3A_210 = vector.shape_cast %get3A_209 : vector<1x16xf32> to vector<16xf32>
        %mul3A_211 = arith.mulf %exp3A_206, %get3A_210 : vector<16xf32>
        %swap3A_212 = arith.index_cast %scan3A_61 : i32 to index
        %swap3A_213 = arith.constant 48 : index
        %swap3A_214 = tpu.vector_load %arg15[%swap3A_212, %swap3A_213] {strides = array<i32>} : memref<40x128xf32, #tpu.memory_space<vmem>>, vector<1x16xf32>,
        %swap3A_215 = vector.shape_cast %swap3A_214 : vector<1x16xf32> to vector<16xf32>
        %swap3A_216 = vector.shape_cast %mul3A_211 : vector<16xf32> to vector<1x16xf32>
        tpu.vector_store %arg15[%swap3A_212, %swap3A_213], %swap3A_216 {strides = array<i32>} : memref<40x128xf32, #tpu.memory_space<vmem>>, vector<1x16xf32>,
        %eq3A_217 = arith.constant 3 : i32
        %eq3A_218 = vector.broadcast %eq3A_217 : i32 to vector<16xi32>
        %eq3A_219 = arith.cmpi eq, %iota3A, %eq3A_218 : vector<16xi32>
        %select_n3A_220 = arith.select %eq3A_219, %exp3A_206, %select_n3A_178 : vector<16xi1>, vector<16xf32>
        %get3A_221 = arith.index_cast %scan3A_61 : i32 to index
        %get3A_222 = arith.constant 64 : index
        %get3A_223 = tpu.vector_load %arg15[%get3A_221, %get3A_222] {strides = array<i32>} : memref<40x128xf32, #tpu.memory_space<vmem>>, vector<1x16xf32>,
        %get3A_224 = vector.shape_cast %get3A_223 : vector<1x16xf32> to vector<16xf32>
        %get3A_225 = arith.index_cast %scan3A_61 : i32 to index
        %get3A_226 = arith.constant 64 : index
        %get3A_227 = tpu.vector_load %arg16[%get3A_225, %get3A_226] {strides = array<i32>} : memref<40x128xf32, #tpu.memory_space<vmem>>, vector<1x16xf32>,
        %get3A_228 = vector.shape_cast %get3A_227 : vector<1x16xf32> to vector<16xf32>
        %mul3A_229 = arith.mulf %get3A_224, %get3A_228 : vector<16xf32>
        %gather3A_230 = vector.shape_cast %reshape3A : vector<16x1xi32> to vector<16xi32>
        %gather3A_231 = tpu.dynamic_gather %mul3A_229[%gather3A_230] in [0] : vector<16xf32>, vector<16xi32> -> vector<16xf32>
        %add3A_232 = arith.addf %mul3A_229, %gather3A_231 : vector<16xf32>
        %gather3A_233 = vector.shape_cast %reshape3A_9 : vector<16x1xi32> to vector<16xi32>
        %gather3A_234 = tpu.dynamic_gather %add3A_232[%gather3A_233] in [0] : vector<16xf32>, vector<16xi32> -> vector<16xf32>
        %add3A_235 = arith.addf %add3A_232, %gather3A_234 : vector<16xf32>
        %gather3A_236 = vector.shape_cast %reshape3A_13 : vector<16x1xi32> to vector<16xi32>
        %gather3A_237 = tpu.dynamic_gather %add3A_235[%gather3A_236] in [0] : vector<16xf32>, vector<16xi32> -> vector<16xf32>
        %add3A_238 = arith.addf %add3A_235, %gather3A_237 : vector<16xf32>
        %gather3A_239 = vector.shape_cast %reshape3A_17 : vector<16x1xi32> to vector<16xi32>
        %gather3A_240 = tpu.dynamic_gather %add3A_238[%gather3A_239] in [0] : vector<16xf32>, vector<16xi32> -> vector<16xf32>
        %add3A_241 = arith.addf %add3A_238, %gather3A_240 : vector<16xf32>
        %jit3A_242 = arith.constant -5.000000e+00 : f32
        %jit3A_243 = arith.constant 5.000000e+00 : f32
        %max3A_244 = vector.broadcast %jit3A_242 : f32 to vector<16xf32>
        %max3A_245 = arith.maximumf %max3A_244, %add3A_241 : vector<16xf32>
        %min3A_246 = vector.broadcast %jit3A_243 : f32 to vector<16xf32>
        %min3A_247 = arith.minimumf %min3A_246, %max3A_245 : vector<16xf32>
        %exp3A_248 = math.exp %min3A_247 : vector<16xf32>
        %get3A_249 = arith.index_cast %scan3A_61 : i32 to index
        %get3A_250 = arith.constant 64 : index
        %get3A_251 = tpu.vector_load %arg17[%get3A_249, %get3A_250] {strides = array<i32>} : memref<40x128xf32, #tpu.memory_space<vmem>>, vector<1x16xf32>,
        %get3A_252 = vector.shape_cast %get3A_251 : vector<1x16xf32> to vector<16xf32>
        %mul3A_253 = arith.mulf %exp3A_248, %get3A_252 : vector<16xf32>
        %swap3A_254 = arith.index_cast %scan3A_61 : i32 to index
        %swap3A_255 = arith.constant 64 : index
        %swap3A_256 = tpu.vector_load %arg15[%swap3A_254, %swap3A_255] {strides = array<i32>} : memref<40x128xf32, #tpu.memory_space<vmem>>, vector<1x16xf32>,
        %swap3A_257 = vector.shape_cast %swap3A_256 : vector<1x16xf32> to vector<16xf32>
        %swap3A_258 = vector.shape_cast %mul3A_253 : vector<16xf32> to vector<1x16xf32>
        tpu.vector_store %arg15[%swap3A_254, %swap3A_255], %swap3A_258 {strides = array<i32>} : memref<40x128xf32, #tpu.memory_space<vmem>>, vector<1x16xf32>,
        %eq3A_259 = arith.constant 4 : i32
        %eq3A_260 = vector.broadcast %eq3A_259 : i32 to vector<16xi32>
        %eq3A_261 = arith.cmpi eq, %iota3A, %eq3A_260 : vector<16xi32>
        %select_n3A_262 = arith.select %eq3A_261, %exp3A_248, %select_n3A_220 : vector<16xi1>, vector<16xf32>
        %get3A_263 = arith.index_cast %scan3A_61 : i32 to index
        %get3A_264 = arith.constant 80 : index
        %get3A_265 = tpu.vector_load %arg15[%get3A_263, %get3A_264] {strides = array<i32>} : memref<40x128xf32, #tpu.memory_space<vmem>>, vector<1x16xf32>,
        %get3A_266 = vector.shape_cast %get3A_265 : vector<1x16xf32> to vector<16xf32>
        %get3A_267 = arith.index_cast %scan3A_61 : i32 to index
        %get3A_268 = arith.constant 80 : index
        %get3A_269 = tpu.vector_load %arg16[%get3A_267, %get3A_268] {strides = array<i32>} : memref<40x128xf32, #tpu.memory_space<vmem>>, vector<1x16xf32>,
        %get3A_270 = vector.shape_cast %get3A_269 : vector<1x16xf32> to vector<16xf32>
        %mul3A_271 = arith.mulf %get3A_266, %get3A_270 : vector<16xf32>
        %gather3A_272 = vector.shape_cast %reshape3A : vector<16x1xi32> to vector<16xi32>
        %gather3A_273 = tpu.dynamic_gather %mul3A_271[%gather3A_272] in [0] : vector<16xf32>, vector<16xi32> -> vector<16xf32>
        %add3A_274 = arith.addf %mul3A_271, %gather3A_273 : vector<16xf32>
        %gather3A_275 = vector.shape_cast %reshape3A_9 : vector<16x1xi32> to vector<16xi32>
        %gather3A_276 = tpu.dynamic_gather %add3A_274[%gather3A_275] in [0] : vector<16xf32>, vector<16xi32> -> vector<16xf32>
        %add3A_277 = arith.addf %add3A_274, %gather3A_276 : vector<16xf32>
        %gather3A_278 = vector.shape_cast %reshape3A_13 : vector<16x1xi32> to vector<16xi32>
        %gather3A_279 = tpu.dynamic_gather %add3A_277[%gather3A_278] in [0] : vector<16xf32>, vector<16xi32> -> vector<16xf32>
        %add3A_280 = arith.addf %add3A_277, %gather3A_279 : vector<16xf32>
        %gather3A_281 = vector.shape_cast %reshape3A_17 : vector<16x1xi32> to vector<16xi32>
        %gather3A_282 = tpu.dynamic_gather %add3A_280[%gather3A_281] in [0] : vector<16xf32>, vector<16xi32> -> vector<16xf32>
        %add3A_283 = arith.addf %add3A_280, %gather3A_282 : vector<16xf32>
        %jit3A_284 = arith.constant -5.000000e+00 : f32
        %jit3A_285 = arith.constant 5.000000e+00 : f32
        %max3A_286 = vector.broadcast %jit3A_284 : f32 to vector<16xf32>
        %max3A_287 = arith.maximumf %max3A_286, %add3A_283 : vector<16xf32>
        %min3A_288 = vector.broadcast %jit3A_285 : f32 to vector<16xf32>
        %min3A_289 = arith.minimumf %min3A_288, %max3A_287 : vector<16xf32>
        %exp3A_290 = math.exp %min3A_289 : vector<16xf32>
        %get3A_291 = arith.index_cast %scan3A_61 : i32 to index
        %get3A_292 = arith.constant 80 : index
        %get3A_293 = tpu.vector_load %arg17[%get3A_291, %get3A_292] {strides = array<i32>} : memref<40x128xf32, #tpu.memory_space<vmem>>, vector<1x16xf32>,
        %get3A_294 = vector.shape_cast %get3A_293 : vector<1x16xf32> to vector<16xf32>
        %mul3A_295 = arith.mulf %exp3A_290, %get3A_294 : vector<16xf32>
        %swap3A_296 = arith.index_cast %scan3A_61 : i32 to index
        %swap3A_297 = arith.constant 80 : index
        %swap3A_298 = tpu.vector_load %arg15[%swap3A_296, %swap3A_297] {strides = array<i32>} : memref<40x128xf32, #tpu.memory_space<vmem>>, vector<1x16xf32>,
        %swap3A_299 = vector.shape_cast %swap3A_298 : vector<1x16xf32> to vector<16xf32>
        %swap3A_300 = vector.shape_cast %mul3A_295 : vector<16xf32> to vector<1x16xf32>
        tpu.vector_store %arg15[%swap3A_296, %swap3A_297], %swap3A_300 {strides = array<i32>} : memref<40x128xf32, #tpu.memory_space<vmem>>, vector<1x16xf32>,
        %eq3A_301 = arith.constant 5 : i32
        %eq3A_302 = vector.broadcast %eq3A_301 : i32 to vector<16xi32>
        %eq3A_303 = arith.cmpi eq, %iota3A, %eq3A_302 : vector<16xi32>
        %select_n3A_304 = arith.select %eq3A_303, %exp3A_290, %select_n3A_262 : vector<16xi1>, vector<16xf32>
        %get3A_305 = arith.index_cast %scan3A_61 : i32 to index
        %get3A_306 = arith.constant 96 : index
        %get3A_307 = tpu.vector_load %arg15[%get3A_305, %get3A_306] {strides = array<i32>} : memref<40x128xf32, #tpu.memory_space<vmem>>, vector<1x16xf32>,
        %get3A_308 = vector.shape_cast %get3A_307 : vector<1x16xf32> to vector<16xf32>
        %get3A_309 = arith.index_cast %scan3A_61 : i32 to index
        %get3A_310 = arith.constant 96 : index
        %get3A_311 = tpu.vector_load %arg16[%get3A_309, %get3A_310] {strides = array<i32>} : memref<40x128xf32, #tpu.memory_space<vmem>>, vector<1x16xf32>,
        %get3A_312 = vector.shape_cast %get3A_311 : vector<1x16xf32> to vector<16xf32>
        %mul3A_313 = arith.mulf %get3A_308, %get3A_312 : vector<16xf32>
        %gather3A_314 = vector.shape_cast %reshape3A : vector<16x1xi32> to vector<16xi32>
        %gather3A_315 = tpu.dynamic_gather %mul3A_313[%gather3A_314] in [0] : vector<16xf32>, vector<16xi32> -> vector<16xf32>
        %add3A_316 = arith.addf %mul3A_313, %gather3A_315 : vector<16xf32>
        %gather3A_317 = vector.shape_cast %reshape3A_9 : vector<16x1xi32> to vector<16xi32>
        %gather3A_318 = tpu.dynamic_gather %add3A_316[%gather3A_317] in [0] : vector<16xf32>, vector<16xi32> -> vector<16xf32>
        %add3A_319 = arith.addf %add3A_316, %gather3A_318 : vector<16xf32>
        %gather3A_320 = vector.shape_cast %reshape3A_13 : vector<16x1xi32> to vector<16xi32>
        %gather3A_321 = tpu.dynamic_gather %add3A_319[%gather3A_320] in [0] : vector<16xf32>, vector<16xi32> -> vector<16xf32>
        %add3A_322 = arith.addf %add3A_319, %gather3A_321 : vector<16xf32>
        %gather3A_323 = vector.shape_cast %reshape3A_17 : vector<16x1xi32> to vector<16xi32>
        %gather3A_324 = tpu.dynamic_gather %add3A_322[%gather3A_323] in [0] : vector<16xf32>, vector<16xi32> -> vector<16xf32>
        %add3A_325 = arith.addf %add3A_322, %gather3A_324 : vector<16xf32>
        %jit3A_326 = arith.constant -5.000000e+00 : f32
        %jit3A_327 = arith.constant 5.000000e+00 : f32
        %max3A_328 = vector.broadcast %jit3A_326 : f32 to vector<16xf32>
        %max3A_329 = arith.maximumf %max3A_328, %add3A_325 : vector<16xf32>
        %min3A_330 = vector.broadcast %jit3A_327 : f32 to vector<16xf32>
        %min3A_331 = arith.minimumf %min3A_330, %max3A_329 : vector<16xf32>
        %exp3A_332 = math.exp %min3A_331 : vector<16xf32>
        %get3A_333 = arith.index_cast %scan3A_61 : i32 to index
        %get3A_334 = arith.constant 96 : index
        %get3A_335 = tpu.vector_load %arg17[%get3A_333, %get3A_334] {strides = array<i32>} : memref<40x128xf32, #tpu.memory_space<vmem>>, vector<1x16xf32>,
        %get3A_336 = vector.shape_cast %get3A_335 : vector<1x16xf32> to vector<16xf32>
        %mul3A_337 = arith.mulf %exp3A_332, %get3A_336 : vector<16xf32>
        %swap3A_338 = arith.index_cast %scan3A_61 : i32 to index
        %swap3A_339 = arith.constant 96 : index
        %swap3A_340 = tpu.vector_load %arg15[%swap3A_338, %swap3A_339] {strides = array<i32>} : memref<40x128xf32, #tpu.memory_space<vmem>>, vector<1x16xf32>,
        %swap3A_341 = vector.shape_cast %swap3A_340 : vector<1x16xf32> to vector<16xf32>
        %swap3A_342 = vector.shape_cast %mul3A_337 : vector<16xf32> to vector<1x16xf32>
        tpu.vector_store %arg15[%swap3A_338, %swap3A_339], %swap3A_342 {strides = array<i32>} : memref<40x128xf32, #tpu.memory_space<vmem>>, vector<1x16xf32>,
        %eq3A_343 = arith.constant 6 : i32
        %eq3A_344 = vector.broadcast %eq3A_343 : i32 to vector<16xi32>
        %eq3A_345 = arith.cmpi eq, %iota3A, %eq3A_344 : vector<16xi32>
        %select_n3A_346 = arith.select %eq3A_345, %exp3A_332, %select_n3A_304 : vector<16xi1>, vector<16xf32>
        %get3A_347 = arith.index_cast %scan3A_61 : i32 to index
        %get3A_348 = arith.constant 112 : index
        %get3A_349 = tpu.vector_load %arg15[%get3A_347, %get3A_348] {strides = array<i32>} : memref<40x128xf32, #tpu.memory_space<vmem>>, vector<1x16xf32>,
        %get3A_350 = vector.shape_cast %get3A_349 : vector<1x16xf32> to vector<16xf32>
        %get3A_351 = arith.index_cast %scan3A_61 : i32 to index
        %get3A_352 = arith.constant 112 : index
        %get3A_353 = tpu.vector_load %arg16[%get3A_351, %get3A_352] {strides = array<i32>} : memref<40x128xf32, #tpu.memory_space<vmem>>, vector<1x16xf32>,
        %get3A_354 = vector.shape_cast %get3A_353 : vector<1x16xf32> to vector<16xf32>
        %mul3A_355 = arith.mulf %get3A_350, %get3A_354 : vector<16xf32>
        %gather3A_356 = vector.shape_cast %reshape3A : vector<16x1xi32> to vector<16xi32>
        %gather3A_357 = tpu.dynamic_gather %mul3A_355[%gather3A_356] in [0] : vector<16xf32>, vector<16xi32> -> vector<16xf32>
        %add3A_358 = arith.addf %mul3A_355, %gather3A_357 : vector<16xf32>
        %gather3A_359 = vector.shape_cast %reshape3A_9 : vector<16x1xi32> to vector<16xi32>
        %gather3A_360 = tpu.dynamic_gather %add3A_358[%gather3A_359] in [0] : vector<16xf32>, vector<16xi32> -> vector<16xf32>
        %add3A_361 = arith.addf %add3A_358, %gather3A_360 : vector<16xf32>
        %gather3A_362 = vector.shape_cast %reshape3A_13 : vector<16x1xi32> to vector<16xi32>
        %gather3A_363 = tpu.dynamic_gather %add3A_361[%gather3A_362] in [0] : vector<16xf32>, vector<16xi32> -> vector<16xf32>
        %add3A_364 = arith.addf %add3A_361, %gather3A_363 : vector<16xf32>
        %gather3A_365 = vector.shape_cast %reshape3A_17 : vector<16x1xi32> to vector<16xi32>
        %gather3A_366 = tpu.dynamic_gather %add3A_364[%gather3A_365] in [0] : vector<16xf32>, vector<16xi32> -> vector<16xf32>
        %add3A_367 = arith.addf %add3A_364, %gather3A_366 : vector<16xf32>
        %jit3A_368 = arith.constant -5.000000e+00 : f32
        %jit3A_369 = arith.constant 5.000000e+00 : f32
        %max3A_370 = vector.broadcast %jit3A_368 : f32 to vector<16xf32>
        %max3A_371 = arith.maximumf %max3A_370, %add3A_367 : vector<16xf32>
        %min3A_372 = vector.broadcast %jit3A_369 : f32 to vector<16xf32>
        %min3A_373 = arith.minimumf %min3A_372, %max3A_371 : vector<16xf32>
        %exp3A_374 = math.exp %min3A_373 : vector<16xf32>
        %get3A_375 = arith.index_cast %scan3A_61 : i32 to index
        %get3A_376 = arith.constant 112 : index
        %get3A_377 = tpu.vector_load %arg17[%get3A_375, %get3A_376] {strides = array<i32>} : memref<40x128xf32, #tpu.memory_space<vmem>>, vector<1x16xf32>,
        %get3A_378 = vector.shape_cast %get3A_377 : vector<1x16xf32> to vector<16xf32>
        %mul3A_379 = arith.mulf %exp3A_374, %get3A_378 : vector<16xf32>
        %swap3A_380 = arith.index_cast %scan3A_61 : i32 to index
        %swap3A_381 = arith.constant 112 : index
        %swap3A_382 = tpu.vector_load %arg15[%swap3A_380, %swap3A_381] {strides = array<i32>} : memref<40x128xf32, #tpu.memory_space<vmem>>, vector<1x16xf32>,
        %swap3A_383 = vector.shape_cast %swap3A_382 : vector<1x16xf32> to vector<16xf32>
        %swap3A_384 = vector.shape_cast %mul3A_379 : vector<16xf32> to vector<1x16xf32>
        tpu.vector_store %arg15[%swap3A_380, %swap3A_381], %swap3A_384 {strides = array<i32>} : memref<40x128xf32, #tpu.memory_space<vmem>>, vector<1x16xf32>,
        %eq3A_385 = arith.constant 7 : i32
        %eq3A_386 = vector.broadcast %eq3A_385 : i32 to vector<16xi32>
        %eq3A_387 = arith.cmpi eq, %iota3A, %eq3A_386 : vector<16xi32>
        %select_n3A_388 = arith.select %eq3A_387, %exp3A_374, %select_n3A_346 : vector<16xi1>, vector<16xf32>
        %mul3A_389 = arith.constant 16 : i32
        %mul3A_390 = arith.muli %scan3A_61, %mul3A_389 : i32
        %swap3A_391 = arith.index_cast %mul3A_390 : i32 to index
        %swap3A_392 = tpu.vector_load %arg18[%swap3A_391] {strides = array<i32>} : memref<640xf32, #tpu.memory_space<vmem>>, vector<16xf32>,
        %swap3A_393 = vector.shape_cast %swap3A_392 : vector<16xf32> to vector<16xf32>
        %swap3A_394 = vector.shape_cast %select_n3A_388 : vector<16xf32> to vector<16xf32>
        tpu.vector_store %arg18[%swap3A_391], %swap3A_394 {strides = array<i32>} : memref<640xf32, #tpu.memory_space<vmem>>, vector<16xf32>,
      }
      %scan3A_58 = arith.constant 40 : i32
      "tpu.region"() ({
        %run_scoped3A = tpu.sem_alloc : memref<!tpu.dma_semaphore, #tpu.memory_space<semaphore_mem>>
        %dma_start3A_61 = arith.constant 0 : i32
        %dma_start3A_62 = tpu.memref_slice %arg7[%add3A_32, %dma_start3A_61] : memref<320000x128xf32, #tpu.memory_space<hbm>> -> memref<40x128xf32, #tpu.memory_space<hbm>>
        %dma_start3A_63 = arith.constant 0 : i32
        %dma_start3A_64 = tpu.memref_slice %arg7[%add3A_32, %dma_start3A_63] : memref<320000x128xf32, #tpu.memory_space<hbm>> -> memref<40x128xf32, #tpu.memory_space<hbm>>
        tpu.enqueue_dma source(%arg15 : memref<40x128xf32, #tpu.memory_space<vmem>>) target(%dma_start3A_64 : memref<40x128xf32, #tpu.memory_space<hbm>>) target_semaphore(%run_scoped3A : memref<!tpu.dma_semaphore, #tpu.memory_space<semaphore_mem>>)
        %dma_wait3A_65 = arith.constant 0 : i32
        %dma_wait3A_66 = tpu.memref_slice %arg7[%add3A_32, %dma_wait3A_65] : memref<320000x128xf32, #tpu.memory_space<hbm>> -> memref<40x128xf32, #tpu.memory_space<hbm>>
        %dma_wait3A_67 = arith.constant 0 : i32
        %dma_wait3A_68 = tpu.memref_slice %arg7[%add3A_32, %dma_wait3A_67] : memref<320000x128xf32, #tpu.memory_space<hbm>> -> memref<40x128xf32, #tpu.memory_space<hbm>>
        tpu.wait_dma2 semaphore(%run_scoped3A : memref<!tpu.dma_semaphore, #tpu.memory_space<semaphore_mem>>) src(%arg15 : memref<40x128xf32, #tpu.memory_space<vmem>>) dst(%dma_wait3A_68 : memref<40x128xf32, #tpu.memory_space<hbm>>)
        tpu.yield
      }) : () -> ()
      %mul3A_59 = arith.constant 16 : i32
      %mul3A_60 = arith.muli %add3A_32, %mul3A_59 : i32
      "tpu.region"() ({
        %run_scoped3A = tpu.sem_alloc : memref<!tpu.dma_semaphore, #tpu.memory_space<semaphore_mem>>
        %dma_start3A_61 = tpu.memref_slice %arg8[%mul3A_60] : memref<5120000xf32, #tpu.memory_space<hbm>> -> memref<640xf32, #tpu.memory_space<hbm>>
        %dma_start3A_62 = tpu.memref_slice %arg8[%mul3A_60] : memref<5120000xf32, #tpu.memory_space<hbm>> -> memref<640xf32, #tpu.memory_space<hbm>>
        tpu.enqueue_dma source(%arg18 : memref<640xf32, #tpu.memory_space<vmem>>) target(%dma_start3A_62 : memref<640xf32, #tpu.memory_space<hbm>>) target_semaphore(%run_scoped3A : memref<!tpu.dma_semaphore, #tpu.memory_space<semaphore_mem>>)
        %dma_wait3A_63 = tpu.memref_slice %arg8[%mul3A_60] : memref<5120000xf32, #tpu.memory_space<hbm>> -> memref<640xf32, #tpu.memory_space<hbm>>
        %dma_wait3A_64 = tpu.memref_slice %arg8[%mul3A_60] : memref<5120000xf32, #tpu.memory_space<hbm>> -> memref<640xf32, #tpu.memory_space<hbm>>
        tpu.wait_dma2 semaphore(%run_scoped3A : memref<!tpu.dma_semaphore, #tpu.memory_space<semaphore_mem>>) src(%arg18 : memref<640xf32, #tpu.memory_space<vmem>>) dst(%dma_wait3A_64 : memref<640xf32, #tpu.memory_space<hbm>>)
        tpu.yield
      }) : () -> ()
    }
    %scan3A_22 = arith.constant 250 : i32
    %scan3A_23 = arith.constant 0 : i32
    %scan3A_24 = arith.constant 0 : i32
    %scan3A_25 = arith.constant 20 : i32
    %scan3A_26 = arith.addi %scan3A_24, %scan3A_25 : i32
    %scan3A_27 = arith.constant 1 : i32
    scf.for %scan3A_29 = %scan3A_24 to %scan3A_26 step %scan3A_27  : i32 {
      %mul3A_30 = arith.constant 512 : i32
      %mul3A_31 = arith.muli %scan3A_29, %mul3A_30 : i32
      %scan3A_32 = arith.constant 0 : i32
      %scan3A_33 = arith.constant 0 : i32
      %scan3A_34 = arith.constant 513 : i32
      %scan3A_35 = arith.addi %scan3A_33, %scan3A_34 : i32
      %scan3A_36 = arith.constant 1 : i32
      scf.for %scan3A_46 = %scan3A_33 to %scan3A_35 step %scan3A_36  : i32 {
        %swap3A = arith.index_cast %scan3A_46 : i32 to index
        %swap3A_47 = arith.constant 0 : index
        %swap3A_48 = tpu.vector_load %arg11[%swap3A, %swap3A_47] {strides = array<i32>} : memref<520x128xf32, #tpu.memory_space<vmem>>, vector<1x16xf32>,
        %swap3A_49 = vector.shape_cast %swap3A_48 : vector<1x16xf32> to vector<16xf32>
        %swap3A_50 = vector.shape_cast %broadcast_in_dim3A_3 : vector<16xf32> to vector<1x16xf32>
        tpu.vector_store %arg11[%swap3A, %swap3A_47], %swap3A_50 {strides = array<i32>} : memref<520x128xf32, #tpu.memory_space<vmem>>, vector<1x16xf32>,
        %swap3A_51 = arith.index_cast %scan3A_46 : i32 to index
        %swap3A_52 = arith.constant 16 : index
        %swap3A_53 = tpu.vector_load %arg11[%swap3A_51, %swap3A_52] {strides = array<i32>} : memref<520x128xf32, #tpu.memory_space<vmem>>, vector<1x16xf32>,
        %swap3A_54 = vector.shape_cast %swap3A_53 : vector<1x16xf32> to vector<16xf32>
        %swap3A_55 = vector.shape_cast %broadcast_in_dim3A_3 : vector<16xf32> to vector<1x16xf32>
        tpu.vector_store %arg11[%swap3A_51, %swap3A_52], %swap3A_55 {strides = array<i32>} : memref<520x128xf32, #tpu.memory_space<vmem>>, vector<1x16xf32>,
        %swap3A_56 = arith.index_cast %scan3A_46 : i32 to index
        %swap3A_57 = arith.constant 32 : index
        %swap3A_58 = tpu.vector_load %arg11[%swap3A_56, %swap3A_57] {strides = array<i32>} : memref<520x128xf32, #tpu.memory_space<vmem>>, vector<1x16xf32>,
        %swap3A_59 = vector.shape_cast %swap3A_58 : vector<1x16xf32> to vector<16xf32>
        %swap3A_60 = vector.shape_cast %broadcast_in_dim3A_3 : vector<16xf32> to vector<1x16xf32>
        tpu.vector_store %arg11[%swap3A_56, %swap3A_57], %swap3A_60 {strides = array<i32>} : memref<520x128xf32, #tpu.memory_space<vmem>>, vector<1x16xf32>,
        %swap3A_61 = arith.index_cast %scan3A_46 : i32 to index
        %swap3A_62 = arith.constant 48 : index
        %swap3A_63 = tpu.vector_load %arg11[%swap3A_61, %swap3A_62] {strides = array<i32>} : memref<520x128xf32, #tpu.memory_space<vmem>>, vector<1x16xf32>,
        %swap3A_64 = vector.shape_cast %swap3A_63 : vector<1x16xf32> to vector<16xf32>
        %swap3A_65 = vector.shape_cast %broadcast_in_dim3A_3 : vector<16xf32> to vector<1x16xf32>
        tpu.vector_store %arg11[%swap3A_61, %swap3A_62], %swap3A_65 {strides = array<i32>} : memref<520x128xf32, #tpu.memory_space<vmem>>, vector<1x16xf32>,
        %swap3A_66 = arith.index_cast %scan3A_46 : i32 to index
        %swap3A_67 = arith.constant 64 : index
        %swap3A_68 = tpu.vector_load %arg11[%swap3A_66, %swap3A_67] {strides = array<i32>} : memref<520x128xf32, #tpu.memory_space<vmem>>, vector<1x16xf32>,
        %swap3A_69 = vector.shape_cast %swap3A_68 : vector<1x16xf32> to vector<16xf32>
        %swap3A_70 = vector.shape_cast %broadcast_in_dim3A_3 : vector<16xf32> to vector<1x16xf32>
        tpu.vector_store %arg11[%swap3A_66, %swap3A_67], %swap3A_70 {strides = array<i32>} : memref<520x128xf32, #tpu.memory_space<vmem>>, vector<1x16xf32>,
        %swap3A_71 = arith.index_cast %scan3A_46 : i32 to index
        %swap3A_72 = arith.constant 80 : index
        %swap3A_73 = tpu.vector_load %arg11[%swap3A_71, %swap3A_72] {strides = array<i32>} : memref<520x128xf32, #tpu.memory_space<vmem>>, vector<1x16xf32>,
        %swap3A_74 = vector.shape_cast %swap3A_73 : vector<1x16xf32> to vector<16xf32>
        %swap3A_75 = vector.shape_cast %broadcast_in_dim3A_3 : vector<16xf32> to vector<1x16xf32>
        tpu.vector_store %arg11[%swap3A_71, %swap3A_72], %swap3A_75 {strides = array<i32>} : memref<520x128xf32, #tpu.memory_space<vmem>>, vector<1x16xf32>,
        %swap3A_76 = arith.index_cast %scan3A_46 : i32 to index
        %swap3A_77 = arith.constant 96 : index
        %swap3A_78 = tpu.vector_load %arg11[%swap3A_76, %swap3A_77] {strides = array<i32>} : memref<520x128xf32, #tpu.memory_space<vmem>>, vector<1x16xf32>,
        %swap3A_79 = vector.shape_cast %swap3A_78 : vector<1x16xf32> to vector<16xf32>
        %swap3A_80 = vector.shape_cast %broadcast_in_dim3A_3 : vector<16xf32> to vector<1x16xf32>
        tpu.vector_store %arg11[%swap3A_76, %swap3A_77], %swap3A_80 {strides = array<i32>} : memref<520x128xf32, #tpu.memory_space<vmem>>, vector<1x16xf32>,
        %swap3A_81 = arith.index_cast %scan3A_46 : i32 to index
        %swap3A_82 = arith.constant 112 : index
        %swap3A_83 = tpu.vector_load %arg11[%swap3A_81, %swap3A_82] {strides = array<i32>} : memref<520x128xf32, #tpu.memory_space<vmem>>, vector<1x16xf32>,
        %swap3A_84 = vector.shape_cast %swap3A_83 : vector<1x16xf32> to vector<16xf32>
        %swap3A_85 = vector.shape_cast %broadcast_in_dim3A_3 : vector<16xf32> to vector<1x16xf32>
        tpu.vector_store %arg11[%swap3A_81, %swap3A_82], %swap3A_85 {strides = array<i32>} : memref<520x128xf32, #tpu.memory_space<vmem>>, vector<1x16xf32>,
        %mul3A_86 = arith.constant 16 : i32
        %mul3A_87 = arith.muli %scan3A_46, %mul3A_86 : i32
        %swap3A_88 = arith.index_cast %mul3A_87 : i32 to index
        %swap3A_89 = tpu.vector_load %arg12[%swap3A_88] {strides = array<i32>} : memref<8320xf32, #tpu.memory_space<vmem>>, vector<16xf32>,
        %swap3A_90 = vector.shape_cast %swap3A_89 : vector<16xf32> to vector<16xf32>
        %swap3A_91 = vector.shape_cast %broadcast_in_dim3A_3 : vector<16xf32> to vector<16xf32>
        tpu.vector_store %arg12[%swap3A_88], %swap3A_91 {strides = array<i32>} : memref<8320xf32, #tpu.memory_space<vmem>>, vector<16xf32>,
      }
      %scan3A_37 = arith.constant 513 : i32
      %scan3A_38 = arith.constant 0 : i32
      %scan3A_39 = arith.constant 0 : i32
      %scan3A_40 = arith.constant 125 : i32
      %scan3A_41 = arith.addi %scan3A_39, %scan3A_40 : i32
      %scan3A_42 = arith.constant 1 : i32
      scf.for %scan3A_46 = %scan3A_39 to %scan3A_41 step %scan3A_42  : i32 {
        %mul3A_47 = arith.constant 80 : i32
        %mul3A_48 = arith.muli %scan3A_46, %mul3A_47 : i32
        %add3A_49 = arith.addi %mul3A_2, %mul3A_48 : i32
        "tpu.region"() ({
          %run_scoped3A = tpu.sem_alloc : memref<!tpu.dma_semaphore, #tpu.memory_space<semaphore_mem>>
          %dma_start3A = arith.constant 0 : i32
          %dma_start3A_58 = tpu.memref_slice %arg7[%add3A_49, %dma_start3A] : memref<320000x128xf32, #tpu.memory_space<hbm>> -> memref<80x128xf32, #tpu.memory_space<hbm>>
          %dma_start3A_59 = arith.constant 0 : i32
          %dma_start3A_60 = tpu.memref_slice %arg7[%add3A_49, %dma_start3A_59] : memref<320000x128xf32, #tpu.memory_space<hbm>> -> memref<80x128xf32, #tpu.memory_space<hbm>>
          tpu.enqueue_dma source(%dma_start3A_60 : memref<80x128xf32, #tpu.memory_space<hbm>>) target(%arg19 : memref<80x128xf32, #tpu.memory_space<vmem>>) target_semaphore(%run_scoped3A : memref<!tpu.dma_semaphore, #tpu.memory_space<semaphore_mem>>)
          %dma_wait3A = arith.constant 0 : i32
          %dma_wait3A_61 = tpu.memref_slice %arg7[%add3A_49, %dma_wait3A] : memref<320000x128xf32, #tpu.memory_space<hbm>> -> memref<80x128xf32, #tpu.memory_space<hbm>>
          %dma_wait3A_62 = arith.constant 0 : i32
          %dma_wait3A_63 = tpu.memref_slice %arg7[%add3A_49, %dma_wait3A_62] : memref<320000x128xf32, #tpu.memory_space<hbm>> -> memref<80x128xf32, #tpu.memory_space<hbm>>
          tpu.wait_dma2 semaphore(%run_scoped3A : memref<!tpu.dma_semaphore, #tpu.memory_space<semaphore_mem>>) src(%dma_wait3A_63 : memref<80x128xf32, #tpu.memory_space<hbm>>) dst(%arg19 : memref<80x128xf32, #tpu.memory_space<vmem>>)
          tpu.yield
        }) : () -> ()
        %mul3A_50 = arith.constant 16 : i32
        %mul3A_51 = arith.muli %add3A_49, %mul3A_50 : i32
        "tpu.region"() ({
          %run_scoped3A = tpu.sem_alloc : memref<!tpu.dma_semaphore, #tpu.memory_space<semaphore_mem>>
          %dma_start3A = tpu.memref_slice %arg8[%mul3A_51] : memref<5120000xf32, #tpu.memory_space<hbm>> -> memref<1280xf32, #tpu.memory_space<hbm>>
          %dma_start3A_58 = tpu.memref_slice %arg8[%mul3A_51] : memref<5120000xf32, #tpu.memory_space<hbm>> -> memref<1280xf32, #tpu.memory_space<hbm>>
          tpu.enqueue_dma source(%dma_start3A_58 : memref<1280xf32, #tpu.memory_space<hbm>>) target(%arg20 : memref<1280xf32, #tpu.memory_space<vmem>>) target_semaphore(%run_scoped3A : memref<!tpu.dma_semaphore, #tpu.memory_space<semaphore_mem>>)
          %dma_wait3A = tpu.memref_slice %arg8[%mul3A_51] : memref<5120000xf32, #tpu.memory_space<hbm>> -> memref<1280xf32, #tpu.memory_space<hbm>>
          %dma_wait3A_59 = tpu.memref_slice %arg8[%mul3A_51] : memref<5120000xf32, #tpu.memory_space<hbm>> -> memref<1280xf32, #tpu.memory_space<hbm>>
          tpu.wait_dma2 semaphore(%run_scoped3A : memref<!tpu.dma_semaphore, #tpu.memory_space<semaphore_mem>>) src(%dma_wait3A_59 : memref<1280xf32, #tpu.memory_space<hbm>>) dst(%arg20 : memref<1280xf32, #tpu.memory_space<vmem>>)
          tpu.yield
        }) : () -> ()
        %scan3A_52 = arith.constant 0 : i32
        %scan3A_53 = arith.constant 0 : i32
        %scan3A_54 = arith.constant 5 : i32
        %scan3A_55 = arith.addi %scan3A_53, %scan3A_54 : i32
        %scan3A_56 = arith.constant 1 : i32
        scf.for %scan3A_58 = %scan3A_53 to %scan3A_55 step %scan3A_56  : i32 {
          %mul3A_59 = arith.constant 80 : i32
          %mul3A_60 = arith.muli %scan3A_46, %mul3A_59 : i32
          %mul3A_61 = arith.constant 16 : i32
          %mul3A_62 = arith.muli %scan3A_58, %mul3A_61 : i32
          %add3A_63 = arith.addi %mul3A_60, %mul3A_62 : i32
          %get3A = arith.index_cast %add3A_63 : i32 to index
          %get3A_64 = tpu.vector_load %arg14[%get3A] {strides = array<i32>} : memref<10016xi32, #tpu.memory_space<vmem>>, vector<16xi32>,
          %get3A_65 = vector.shape_cast %get3A_64 : vector<16xi32> to vector<16xi32>
          %sub3A = vector.broadcast %mul3A_31 : i32 to vector<16xi32>
          %sub3A_66 = arith.subi %get3A_65, %sub3A : vector<16xi32>
          %mul3A_67 = arith.constant 16 : i32
          %mul3A_68 = arith.muli %scan3A_58, %mul3A_67 : i32
          %add3A_69 = arith.constant 0 : i32
          %add3A_70 = arith.addi %mul3A_68, %add3A_69 : i32
          %slice3A = vector.extract_strided_slice %sub3A_66 {offsets = [0], sizes = [1], strides = [1]} : vector<16xi32> to vector<1xi32>
          %squeeze3A = vector.extract %slice3A[0] : i32 from vector<1xi32>
          %ge3A = arith.constant 0 : i32
          %ge3A_71 = arith.cmpi sge, %squeeze3A, %ge3A : i32
          %lt3A = arith.constant 512 : i32
          %lt3A_72 = arith.cmpi slt, %squeeze3A, %lt3A : i32
          %and3A = arith.andi %ge3A_71, %lt3A_72 : i1
          %jit3A = arith.constant 0 : i32
          %jit3A_73 = arith.constant 511 : i32
          %max3A = arith.maxsi %jit3A, %squeeze3A : i32
          %min3A = arith.minsi %jit3A_73, %max3A : i32
          %jit3A_74 = arith.constant 512 : i32
          %select_n3A = arith.select %and3A, %min3A, %jit3A_74 : i32
          %get3A_75 = arith.index_cast %select_n3A : i32 to index
          %get3A_76 = arith.constant 0 : index
          %get3A_77 = tpu.vector_load %arg11[%get3A_75, %get3A_76] {strides = array<i32>} : memref<520x128xf32, #tpu.memory_space<vmem>>, vector<1x16xf32>,
          %get3A_78 = vector.shape_cast %get3A_77 : vector<1x16xf32> to vector<16xf32>
          %get3A_79 = arith.index_cast %add3A_70 : i32 to index
          %get3A_80 = arith.constant 0 : index
          %get3A_81 = tpu.vector_load %arg19[%get3A_79, %get3A_80] {strides = array<i32>} : memref<80x128xf32, #tpu.memory_space<vmem>>, vector<1x16xf32>,
          %get3A_82 = vector.shape_cast %get3A_81 : vector<1x16xf32> to vector<16xf32>
          %add3A_83 = arith.addf %get3A_78, %get3A_82 : vector<16xf32>
          %swap3A = arith.index_cast %select_n3A : i32 to index
          %swap3A_84 = arith.constant 0 : index
          %swap3A_85 = tpu.vector_load %arg11[%swap3A, %swap3A_84] {strides = array<i32>} : memref<520x128xf32, #tpu.memory_space<vmem>>, vector<1x16xf32>,
          %swap3A_86 = vector.shape_cast %swap3A_85 : vector<1x16xf32> to vector<16xf32>
          %swap3A_87 = vector.shape_cast %add3A_83 : vector<16xf32> to vector<1x16xf32>
          tpu.vector_store %arg11[%swap3A, %swap3A_84], %swap3A_87 {strides = array<i32>} : memref<520x128xf32, #tpu.memory_space<vmem>>, vector<1x16xf32>,
          %get3A_88 = arith.index_cast %select_n3A : i32 to index
          %get3A_89 = arith.constant 16 : index
          %get3A_90 = tpu.vector_load %arg11[%get3A_88, %get3A_89] {strides = array<i32>} : memref<520x128xf32, #tpu.memory_space<vmem>>, vector<1x16xf32>,
          %get3A_91 = vector.shape_cast %get3A_90 : vector<1x16xf32> to vector<16xf32>
          %get3A_92 = arith.index_cast %add3A_70 : i32 to index
          %get3A_93 = arith.constant 16 : index
          %get3A_94 = tpu.vector_load %arg19[%get3A_92, %get3A_93] {strides = array<i32>} : memref<80x128xf32, #tpu.memory_space<vmem>>, vector<1x16xf32>,
          %get3A_95 = vector.shape_cast %get3A_94 : vector<1x16xf32> to vector<16xf32>
          %add3A_96 = arith.addf %get3A_91, %get3A_95 : vector<16xf32>
          %swap3A_97 = arith.index_cast %select_n3A : i32 to index
          %swap3A_98 = arith.constant 16 : index
          %swap3A_99 = tpu.vector_load %arg11[%swap3A_97, %swap3A_98] {strides = array<i32>} : memref<520x128xf32, #tpu.memory_space<vmem>>, vector<1x16xf32>,
          %swap3A_100 = vector.shape_cast %swap3A_99 : vector<1x16xf32> to vector<16xf32>
          %swap3A_101 = vector.shape_cast %add3A_96 : vector<16xf32> to vector<1x16xf32>
          tpu.vector_store %arg11[%swap3A_97, %swap3A_98], %swap3A_101 {strides = array<i32>} : memref<520x128xf32, #tpu.memory_space<vmem>>, vector<1x16xf32>,
          %get3A_102 = arith.index_cast %select_n3A : i32 to index
          %get3A_103 = arith.constant 32 : index
          %get3A_104 = tpu.vector_load %arg11[%get3A_102, %get3A_103] {strides = array<i32>} : memref<520x128xf32, #tpu.memory_space<vmem>>, vector<1x16xf32>,
          %get3A_105 = vector.shape_cast %get3A_104 : vector<1x16xf32> to vector<16xf32>
          %get3A_106 = arith.index_cast %add3A_70 : i32 to index
          %get3A_107 = arith.constant 32 : index
          %get3A_108 = tpu.vector_load %arg19[%get3A_106, %get3A_107] {strides = array<i32>} : memref<80x128xf32, #tpu.memory_space<vmem>>, vector<1x16xf32>,
          %get3A_109 = vector.shape_cast %get3A_108 : vector<1x16xf32> to vector<16xf32>
          %add3A_110 = arith.addf %get3A_105, %get3A_109 : vector<16xf32>
          %swap3A_111 = arith.index_cast %select_n3A : i32 to index
          %swap3A_112 = arith.constant 32 : index
          %swap3A_113 = tpu.vector_load %arg11[%swap3A_111, %swap3A_112] {strides = array<i32>} : memref<520x128xf32, #tpu.memory_space<vmem>>, vector<1x16xf32>,
          %swap3A_114 = vector.shape_cast %swap3A_113 : vector<1x16xf32> to vector<16xf32>
          %swap3A_115 = vector.shape_cast %add3A_110 : vector<16xf32> to vector<1x16xf32>
          tpu.vector_store %arg11[%swap3A_111, %swap3A_112], %swap3A_115 {strides = array<i32>} : memref<520x128xf32, #tpu.memory_space<vmem>>, vector<1x16xf32>,
          %get3A_116 = arith.index_cast %select_n3A : i32 to index
          %get3A_117 = arith.constant 48 : index
          %get3A_118 = tpu.vector_load %arg11[%get3A_116, %get3A_117] {strides = array<i32>} : memref<520x128xf32, #tpu.memory_space<vmem>>, vector<1x16xf32>,
          %get3A_119 = vector.shape_cast %get3A_118 : vector<1x16xf32> to vector<16xf32>
          %get3A_120 = arith.index_cast %add3A_70 : i32 to index
          %get3A_121 = arith.constant 48 : index
          %get3A_122 = tpu.vector_load %arg19[%get3A_120, %get3A_121] {strides = array<i32>} : memref<80x128xf32, #tpu.memory_space<vmem>>, vector<1x16xf32>,
          %get3A_123 = vector.shape_cast %get3A_122 : vector<1x16xf32> to vector<16xf32>
          %add3A_124 = arith.addf %get3A_119, %get3A_123 : vector<16xf32>
          %swap3A_125 = arith.index_cast %select_n3A : i32 to index
          %swap3A_126 = arith.constant 48 : index
          %swap3A_127 = tpu.vector_load %arg11[%swap3A_125, %swap3A_126] {strides = array<i32>} : memref<520x128xf32, #tpu.memory_space<vmem>>, vector<1x16xf32>,
          %swap3A_128 = vector.shape_cast %swap3A_127 : vector<1x16xf32> to vector<16xf32>
          %swap3A_129 = vector.shape_cast %add3A_124 : vector<16xf32> to vector<1x16xf32>
          tpu.vector_store %arg11[%swap3A_125, %swap3A_126], %swap3A_129 {strides = array<i32>} : memref<520x128xf32, #tpu.memory_space<vmem>>, vector<1x16xf32>,
          %get3A_130 = arith.index_cast %select_n3A : i32 to index
          %get3A_131 = arith.constant 64 : index
          %get3A_132 = tpu.vector_load %arg11[%get3A_130, %get3A_131] {strides = array<i32>} : memref<520x128xf32, #tpu.memory_space<vmem>>, vector<1x16xf32>,
          %get3A_133 = vector.shape_cast %get3A_132 : vector<1x16xf32> to vector<16xf32>
          %get3A_134 = arith.index_cast %add3A_70 : i32 to index
          %get3A_135 = arith.constant 64 : index
          %get3A_136 = tpu.vector_load %arg19[%get3A_134, %get3A_135] {strides = array<i32>} : memref<80x128xf32, #tpu.memory_space<vmem>>, vector<1x16xf32>,
          %get3A_137 = vector.shape_cast %get3A_136 : vector<1x16xf32> to vector<16xf32>
          %add3A_138 = arith.addf %get3A_133, %get3A_137 : vector<16xf32>
          %swap3A_139 = arith.index_cast %select_n3A : i32 to index
          %swap3A_140 = arith.constant 64 : index
          %swap3A_141 = tpu.vector_load %arg11[%swap3A_139, %swap3A_140] {strides = array<i32>} : memref<520x128xf32, #tpu.memory_space<vmem>>, vector<1x16xf32>,
          %swap3A_142 = vector.shape_cast %swap3A_141 : vector<1x16xf32> to vector<16xf32>
          %swap3A_143 = vector.shape_cast %add3A_138 : vector<16xf32> to vector<1x16xf32>
          tpu.vector_store %arg11[%swap3A_139, %swap3A_140], %swap3A_143 {strides = array<i32>} : memref<520x128xf32, #tpu.memory_space<vmem>>, vector<1x16xf32>,
          %get3A_144 = arith.index_cast %select_n3A : i32 to index
          %get3A_145 = arith.constant 80 : index
          %get3A_146 = tpu.vector_load %arg11[%get3A_144, %get3A_145] {strides = array<i32>} : memref<520x128xf32, #tpu.memory_space<vmem>>, vector<1x16xf32>,
          %get3A_147 = vector.shape_cast %get3A_146 : vector<1x16xf32> to vector<16xf32>
          %get3A_148 = arith.index_cast %add3A_70 : i32 to index
          %get3A_149 = arith.constant 80 : index
          %get3A_150 = tpu.vector_load %arg19[%get3A_148, %get3A_149] {strides = array<i32>} : memref<80x128xf32, #tpu.memory_space<vmem>>, vector<1x16xf32>,
          %get3A_151 = vector.shape_cast %get3A_150 : vector<1x16xf32> to vector<16xf32>
          %add3A_152 = arith.addf %get3A_147, %get3A_151 : vector<16xf32>
          %swap3A_153 = arith.index_cast %select_n3A : i32 to index
          %swap3A_154 = arith.constant 80 : index
          %swap3A_155 = tpu.vector_load %arg11[%swap3A_153, %swap3A_154] {strides = array<i32>} : memref<520x128xf32, #tpu.memory_space<vmem>>, vector<1x16xf32>,
          %swap3A_156 = vector.shape_cast %swap3A_155 : vector<1x16xf32> to vector<16xf32>
          %swap3A_157 = vector.shape_cast %add3A_152 : vector<16xf32> to vector<1x16xf32>
          tpu.vector_store %arg11[%swap3A_153, %swap3A_154], %swap3A_157 {strides = array<i32>} : memref<520x128xf32, #tpu.memory_space<vmem>>, vector<1x16xf32>,
          %get3A_158 = arith.index_cast %select_n3A : i32 to index
          %get3A_159 = arith.constant 96 : index
          %get3A_160 = tpu.vector_load %arg11[%get3A_158, %get3A_159] {strides = array<i32>} : memref<520x128xf32, #tpu.memory_space<vmem>>, vector<1x16xf32>,
          %get3A_161 = vector.shape_cast %get3A_160 : vector<1x16xf32> to vector<16xf32>
          %get3A_162 = arith.index_cast %add3A_70 : i32 to index
          %get3A_163 = arith.constant 96 : index
          %get3A_164 = tpu.vector_load %arg19[%get3A_162, %get3A_163] {strides = array<i32>} : memref<80x128xf32, #tpu.memory_space<vmem>>, vector<1x16xf32>,
          %get3A_165 = vector.shape_cast %get3A_164 : vector<1x16xf32> to vector<16xf32>
          %add3A_166 = arith.addf %get3A_161, %get3A_165 : vector<16xf32>
          %swap3A_167 = arith.index_cast %select_n3A : i32 to index
          %swap3A_168 = arith.constant 96 : index
          %swap3A_169 = tpu.vector_load %arg11[%swap3A_167, %swap3A_168] {strides = array<i32>} : memref<520x128xf32, #tpu.memory_space<vmem>>, vector<1x16xf32>,
          %swap3A_170 = vector.shape_cast %swap3A_169 : vector<1x16xf32> to vector<16xf32>
          %swap3A_171 = vector.shape_cast %add3A_166 : vector<16xf32> to vector<1x16xf32>
          tpu.vector_store %arg11[%swap3A_167, %swap3A_168], %swap3A_171 {strides = array<i32>} : memref<520x128xf32, #tpu.memory_space<vmem>>, vector<1x16xf32>,
          %get3A_172 = arith.index_cast %select_n3A : i32 to index
          %get3A_173 = arith.constant 112 : index
          %get3A_174 = tpu.vector_load %arg11[%get3A_172, %get3A_173] {strides = array<i32>} : memref<520x128xf32, #tpu.memory_space<vmem>>, vector<1x16xf32>,
          %get3A_175 = vector.shape_cast %get3A_174 : vector<1x16xf32> to vector<16xf32>
          %get3A_176 = arith.index_cast %add3A_70 : i32 to index
          %get3A_177 = arith.constant 112 : index
          %get3A_178 = tpu.vector_load %arg19[%get3A_176, %get3A_177] {strides = array<i32>} : memref<80x128xf32, #tpu.memory_space<vmem>>, vector<1x16xf32>,
          %get3A_179 = vector.shape_cast %get3A_178 : vector<1x16xf32> to vector<16xf32>
          %add3A_180 = arith.addf %get3A_175, %get3A_179 : vector<16xf32>
          %swap3A_181 = arith.index_cast %select_n3A : i32 to index
          %swap3A_182 = arith.constant 112 : index
          %swap3A_183 = tpu.vector_load %arg11[%swap3A_181, %swap3A_182] {strides = array<i32>} : memref<520x128xf32, #tpu.memory_space<vmem>>, vector<1x16xf32>,
          %swap3A_184 = vector.shape_cast %swap3A_183 : vector<1x16xf32> to vector<16xf32>
          %swap3A_185 = vector.shape_cast %add3A_180 : vector<16xf32> to vector<1x16xf32>
          tpu.vector_store %arg11[%swap3A_181, %swap3A_182], %swap3A_185 {strides = array<i32>} : memref<520x128xf32, #tpu.memory_space<vmem>>, vector<1x16xf32>,
          %mul3A_186 = arith.constant 16 : i32
          %mul3A_187 = arith.muli %select_n3A, %mul3A_186 : i32
          %get3A_188 = arith.index_cast %mul3A_187 : i32 to index
          %get3A_189 = tpu.vector_load %arg12[%get3A_188] {strides = array<i32>} : memref<8320xf32, #tpu.memory_space<vmem>>, vector<16xf32>,
          %get3A_190 = vector.shape_cast %get3A_189 : vector<16xf32> to vector<16xf32>
          %mul3A_191 = arith.constant 16 : i32
          %mul3A_192 = arith.muli %add3A_70, %mul3A_191 : i32
          %get3A_193 = arith.index_cast %mul3A_192 : i32 to index
          %get3A_194 = tpu.vector_load %arg20[%get3A_193] {strides = array<i32>} : memref<1280xf32, #tpu.memory_space<vmem>>, vector<16xf32>,
          %get3A_195 = vector.shape_cast %get3A_194 : vector<16xf32> to vector<16xf32>
          %add3A_196 = arith.addf %get3A_190, %get3A_195 : vector<16xf32>
          %swap3A_197 = arith.index_cast %mul3A_187 : i32 to index
          %swap3A_198 = tpu.vector_load %arg12[%swap3A_197] {strides = array<i32>} : memref<8320xf32, #tpu.memory_space<vmem>>, vector<16xf32>,
          %swap3A_199 = vector.shape_cast %swap3A_198 : vector<16xf32> to vector<16xf32>
          %swap3A_200 = vector.shape_cast %add3A_196 : vector<16xf32> to vector<16xf32>
          tpu.vector_store %arg12[%swap3A_197], %swap3A_200 {strides = array<i32>} : memref<8320xf32, #tpu.memory_space<vmem>>, vector<16xf32>,
          %mul3A_201 = arith.constant 16 : i32
          %mul3A_202 = arith.muli %scan3A_58, %mul3A_201 : i32
          %add3A_203 = arith.constant 1 : i32
          %add3A_204 = arith.addi %mul3A_202, %add3A_203 : i32
          %slice3A_205 = vector.extract_strided_slice %sub3A_66 {offsets = [1], sizes = [1], strides = [1]} : vector<16xi32> to vector<1xi32>
          %squeeze3A_206 = vector.extract %slice3A_205[0] : i32 from vector<1xi32>
          %ge3A_207 = arith.constant 0 : i32
          %ge3A_208 = arith.cmpi sge, %squeeze3A_206, %ge3A_207 : i32
          %lt3A_209 = arith.constant 512 : i32
          %lt3A_210 = arith.cmpi slt, %squeeze3A_206, %lt3A_209 : i32
          %and3A_211 = arith.andi %ge3A_208, %lt3A_210 : i1
          %jit3A_212 = arith.constant 0 : i32
          %jit3A_213 = arith.constant 511 : i32
          %max3A_214 = arith.maxsi %jit3A_212, %squeeze3A_206 : i32
          %min3A_215 = arith.minsi %jit3A_213, %max3A_214 : i32
          %jit3A_216 = arith.constant 512 : i32
          %select_n3A_217 = arith.select %and3A_211, %min3A_215, %jit3A_216 : i32
          %get3A_218 = arith.index_cast %select_n3A_217 : i32 to index
          %get3A_219 = arith.constant 0 : index
          %get3A_220 = tpu.vector_load %arg11[%get3A_218, %get3A_219] {strides = array<i32>} : memref<520x128xf32, #tpu.memory_space<vmem>>, vector<1x16xf32>,
          %get3A_221 = vector.shape_cast %get3A_220 : vector<1x16xf32> to vector<16xf32>
          %get3A_222 = arith.index_cast %add3A_204 : i32 to index
          %get3A_223 = arith.constant 0 : index
          %get3A_224 = tpu.vector_load %arg19[%get3A_222, %get3A_223] {strides = array<i32>} : memref<80x128xf32, #tpu.memory_space<vmem>>, vector<1x16xf32>,
          %get3A_225 = vector.shape_cast %get3A_224 : vector<1x16xf32> to vector<16xf32>
          %add3A_226 = arith.addf %get3A_221, %get3A_225 : vector<16xf32>
          %swap3A_227 = arith.index_cast %select_n3A_217 : i32 to index
          %swap3A_228 = arith.constant 0 : index
          %swap3A_229 = tpu.vector_load %arg11[%swap3A_227, %swap3A_228] {strides = array<i32>} : memref<520x128xf32, #tpu.memory_space<vmem>>, vector<1x16xf32>,
          %swap3A_230 = vector.shape_cast %swap3A_229 : vector<1x16xf32> to vector<16xf32>
          %swap3A_231 = vector.shape_cast %add3A_226 : vector<16xf32> to vector<1x16xf32>
          tpu.vector_store %arg11[%swap3A_227, %swap3A_228], %swap3A_231 {strides = array<i32>} : memref<520x128xf32, #tpu.memory_space<vmem>>, vector<1x16xf32>,
          %get3A_232 = arith.index_cast %select_n3A_217 : i32 to index
          %get3A_233 = arith.constant 16 : index
          %get3A_234 = tpu.vector_load %arg11[%get3A_232, %get3A_233] {strides = array<i32>} : memref<520x128xf32, #tpu.memory_space<vmem>>, vector<1x16xf32>,
          %get3A_235 = vector.shape_cast %get3A_234 : vector<1x16xf32> to vector<16xf32>
          %get3A_236 = arith.index_cast %add3A_204 : i32 to index
          %get3A_237 = arith.constant 16 : index
          %get3A_238 = tpu.vector_load %arg19[%get3A_236, %get3A_237] {strides = array<i32>} : memref<80x128xf32, #tpu.memory_space<vmem>>, vector<1x16xf32>,
          %get3A_239 = vector.shape_cast %get3A_238 : vector<1x16xf32> to vector<16xf32>
          %add3A_240 = arith.addf %get3A_235, %get3A_239 : vector<16xf32>
          %swap3A_241 = arith.index_cast %select_n3A_217 : i32 to index
          %swap3A_242 = arith.constant 16 : index
          %swap3A_243 = tpu.vector_load %arg11[%swap3A_241, %swap3A_242] {strides = array<i32>} : memref<520x128xf32, #tpu.memory_space<vmem>>, vector<1x16xf32>,
          %swap3A_244 = vector.shape_cast %swap3A_243 : vector<1x16xf32> to vector<16xf32>
          %swap3A_245 = vector.shape_cast %add3A_240 : vector<16xf32> to vector<1x16xf32>
          tpu.vector_store %arg11[%swap3A_241, %swap3A_242], %swap3A_245 {strides = array<i32>} : memref<520x128xf32, #tpu.memory_space<vmem>>, vector<1x16xf32>,
          %get3A_246 = arith.index_cast %select_n3A_217 : i32 to index
          %get3A_247 = arith.constant 32 : index
          %get3A_248 = tpu.vector_load %arg11[%get3A_246, %get3A_247] {strides = array<i32>} : memref<520x128xf32, #tpu.memory_space<vmem>>, vector<1x16xf32>,
          %get3A_249 = vector.shape_cast %get3A_248 : vector<1x16xf32> to vector<16xf32>
          %get3A_250 = arith.index_cast %add3A_204 : i32 to index
          %get3A_251 = arith.constant 32 : index
          %get3A_252 = tpu.vector_load %arg19[%get3A_250, %get3A_251] {strides = array<i32>} : memref<80x128xf32, #tpu.memory_space<vmem>>, vector<1x16xf32>,
          %get3A_253 = vector.shape_cast %get3A_252 : vector<1x16xf32> to vector<16xf32>
          %add3A_254 = arith.addf %get3A_249, %get3A_253 : vector<16xf32>
          %swap3A_255 = arith.index_cast %select_n3A_217 : i32 to index
          %swap3A_256 = arith.constant 32 : index
          %swap3A_257 = tpu.vector_load %arg11[%swap3A_255, %swap3A_256] {strides = array<i32>} : memref<520x128xf32, #tpu.memory_space<vmem>>, vector<1x16xf32>,
          %swap3A_258 = vector.shape_cast %swap3A_257 : vector<1x16xf32> to vector<16xf32>
          %swap3A_259 = vector.shape_cast %add3A_254 : vector<16xf32> to vector<1x16xf32>
          tpu.vector_store %arg11[%swap3A_255, %swap3A_256], %swap3A_259 {strides = array<i32>} : memref<520x128xf32, #tpu.memory_space<vmem>>, vector<1x16xf32>,
          %get3A_260 = arith.index_cast %select_n3A_217 : i32 to index
          %get3A_261 = arith.constant 48 : index
          %get3A_262 = tpu.vector_load %arg11[%get3A_260, %get3A_261] {strides = array<i32>} : memref<520x128xf32, #tpu.memory_space<vmem>>, vector<1x16xf32>,
          %get3A_263 = vector.shape_cast %get3A_262 : vector<1x16xf32> to vector<16xf32>
          %get3A_264 = arith.index_cast %add3A_204 : i32 to index
          %get3A_265 = arith.constant 48 : index
          %get3A_266 = tpu.vector_load %arg19[%get3A_264, %get3A_265] {strides = array<i32>} : memref<80x128xf32, #tpu.memory_space<vmem>>, vector<1x16xf32>,
          %get3A_267 = vector.shape_cast %get3A_266 : vector<1x16xf32> to vector<16xf32>
          %add3A_268 = arith.addf %get3A_263, %get3A_267 : vector<16xf32>
          %swap3A_269 = arith.index_cast %select_n3A_217 : i32 to index
          %swap3A_270 = arith.constant 48 : index
          %swap3A_271 = tpu.vector_load %arg11[%swap3A_269, %swap3A_270] {strides = array<i32>} : memref<520x128xf32, #tpu.memory_space<vmem>>, vector<1x16xf32>,
          %swap3A_272 = vector.shape_cast %swap3A_271 : vector<1x16xf32> to vector<16xf32>
          %swap3A_273 = vector.shape_cast %add3A_268 : vector<16xf32> to vector<1x16xf32>
          tpu.vector_store %arg11[%swap3A_269, %swap3A_270], %swap3A_273 {strides = array<i32>} : memref<520x128xf32, #tpu.memory_space<vmem>>, vector<1x16xf32>,
          %get3A_274 = arith.index_cast %select_n3A_217 : i32 to index
          %get3A_275 = arith.constant 64 : index
          %get3A_276 = tpu.vector_load %arg11[%get3A_274, %get3A_275] {strides = array<i32>} : memref<520x128xf32, #tpu.memory_space<vmem>>, vector<1x16xf32>,
          %get3A_277 = vector.shape_cast %get3A_276 : vector<1x16xf32> to vector<16xf32>
          %get3A_278 = arith.index_cast %add3A_204 : i32 to index
          %get3A_279 = arith.constant 64 : index
          %get3A_280 = tpu.vector_load %arg19[%get3A_278, %get3A_279] {strides = array<i32>} : memref<80x128xf32, #tpu.memory_space<vmem>>, vector<1x16xf32>,
          %get3A_281 = vector.shape_cast %get3A_280 : vector<1x16xf32> to vector<16xf32>
          %add3A_282 = arith.addf %get3A_277, %get3A_281 : vector<16xf32>
          %swap3A_283 = arith.index_cast %select_n3A_217 : i32 to index
          %swap3A_284 = arith.constant 64 : index
          %swap3A_285 = tpu.vector_load %arg11[%swap3A_283, %swap3A_284] {strides = array<i32>} : memref<520x128xf32, #tpu.memory_space<vmem>>, vector<1x16xf32>,
          %swap3A_286 = vector.shape_cast %swap3A_285 : vector<1x16xf32> to vector<16xf32>
          %swap3A_287 = vector.shape_cast %add3A_282 : vector<16xf32> to vector<1x16xf32>
          tpu.vector_store %arg11[%swap3A_283, %swap3A_284], %swap3A_287 {strides = array<i32>} : memref<520x128xf32, #tpu.memory_space<vmem>>, vector<1x16xf32>,
          %get3A_288 = arith.index_cast %select_n3A_217 : i32 to index
          %get3A_289 = arith.constant 80 : index
          %get3A_290 = tpu.vector_load %arg11[%get3A_288, %get3A_289] {strides = array<i32>} : memref<520x128xf32, #tpu.memory_space<vmem>>, vector<1x16xf32>,
          %get3A_291 = vector.shape_cast %get3A_290 : vector<1x16xf32> to vector<16xf32>
          %get3A_292 = arith.index_cast %add3A_204 : i32 to index
          %get3A_293 = arith.constant 80 : index
          %get3A_294 = tpu.vector_load %arg19[%get3A_292, %get3A_293] {strides = array<i32>} : memref<80x128xf32, #tpu.memory_space<vmem>>, vector<1x16xf32>,
          %get3A_295 = vector.shape_cast %get3A_294 : vector<1x16xf32> to vector<16xf32>
          %add3A_296 = arith.addf %get3A_291, %get3A_295 : vector<16xf32>
          %swap3A_297 = arith.index_cast %select_n3A_217 : i32 to index
          %swap3A_298 = arith.constant 80 : index
          %swap3A_299 = tpu.vector_load %arg11[%swap3A_297, %swap3A_298] {strides = array<i32>} : memref<520x128xf32, #tpu.memory_space<vmem>>, vector<1x16xf32>,
          %swap3A_300 = vector.shape_cast %swap3A_299 : vector<1x16xf32> to vector<16xf32>
          %swap3A_301 = vector.shape_cast %add3A_296 : vector<16xf32> to vector<1x16xf32>
          tpu.vector_store %arg11[%swap3A_297, %swap3A_298], %swap3A_301 {strides = array<i32>} : memref<520x128xf32, #tpu.memory_space<vmem>>, vector<1x16xf32>,
          %get3A_302 = arith.index_cast %select_n3A_217 : i32 to index
          %get3A_303 = arith.constant 96 : index
          %get3A_304 = tpu.vector_load %arg11[%get3A_302, %get3A_303] {strides = array<i32>} : memref<520x128xf32, #tpu.memory_space<vmem>>, vector<1x16xf32>,
          %get3A_305 = vector.shape_cast %get3A_304 : vector<1x16xf32> to vector<16xf32>
          %get3A_306 = arith.index_cast %add3A_204 : i32 to index
          %get3A_307 = arith.constant 96 : index
          %get3A_308 = tpu.vector_load %arg19[%get3A_306, %get3A_307] {strides = array<i32>} : memref<80x128xf32, #tpu.memory_space<vmem>>, vector<1x16xf32>,
          %get3A_309 = vector.shape_cast %get3A_308 : vector<1x16xf32> to vector<16xf32>
          %add3A_310 = arith.addf %get3A_305, %get3A_309 : vector<16xf32>
          %swap3A_311 = arith.index_cast %select_n3A_217 : i32 to index
          %swap3A_312 = arith.constant 96 : index
          %swap3A_313 = tpu.vector_load %arg11[%swap3A_311, %swap3A_312] {strides = array<i32>} : memref<520x128xf32, #tpu.memory_space<vmem>>, vector<1x16xf32>,
          %swap3A_314 = vector.shape_cast %swap3A_313 : vector<1x16xf32> to vector<16xf32>
          %swap3A_315 = vector.shape_cast %add3A_310 : vector<16xf32> to vector<1x16xf32>
          tpu.vector_store %arg11[%swap3A_311, %swap3A_312], %swap3A_315 {strides = array<i32>} : memref<520x128xf32, #tpu.memory_space<vmem>>, vector<1x16xf32>,
          %get3A_316 = arith.index_cast %select_n3A_217 : i32 to index
          %get3A_317 = arith.constant 112 : index
          %get3A_318 = tpu.vector_load %arg11[%get3A_316, %get3A_317] {strides = array<i32>} : memref<520x128xf32, #tpu.memory_space<vmem>>, vector<1x16xf32>,
          %get3A_319 = vector.shape_cast %get3A_318 : vector<1x16xf32> to vector<16xf32>
          %get3A_320 = arith.index_cast %add3A_204 : i32 to index
          %get3A_321 = arith.constant 112 : index
          %get3A_322 = tpu.vector_load %arg19[%get3A_320, %get3A_321] {strides = array<i32>} : memref<80x128xf32, #tpu.memory_space<vmem>>, vector<1x16xf32>,
          %get3A_323 = vector.shape_cast %get3A_322 : vector<1x16xf32> to vector<16xf32>
          %add3A_324 = arith.addf %get3A_319, %get3A_323 : vector<16xf32>
          %swap3A_325 = arith.index_cast %select_n3A_217 : i32 to index
          %swap3A_326 = arith.constant 112 : index
          %swap3A_327 = tpu.vector_load %arg11[%swap3A_325, %swap3A_326] {strides = array<i32>} : memref<520x128xf32, #tpu.memory_space<vmem>>, vector<1x16xf32>,
          %swap3A_328 = vector.shape_cast %swap3A_327 : vector<1x16xf32> to vector<16xf32>
          %swap3A_329 = vector.shape_cast %add3A_324 : vector<16xf32> to vector<1x16xf32>
          tpu.vector_store %arg11[%swap3A_325, %swap3A_326], %swap3A_329 {strides = array<i32>} : memref<520x128xf32, #tpu.memory_space<vmem>>, vector<1x16xf32>,
          %mul3A_330 = arith.constant 16 : i32
          %mul3A_331 = arith.muli %select_n3A_217, %mul3A_330 : i32
          %get3A_332 = arith.index_cast %mul3A_331 : i32 to index
          %get3A_333 = tpu.vector_load %arg12[%get3A_332] {strides = array<i32>} : memref<8320xf32, #tpu.memory_space<vmem>>, vector<16xf32>,
          %get3A_334 = vector.shape_cast %get3A_333 : vector<16xf32> to vector<16xf32>
          %mul3A_335 = arith.constant 16 : i32
          %mul3A_336 = arith.muli %add3A_204, %mul3A_335 : i32
          %get3A_337 = arith.index_cast %mul3A_336 : i32 to index
          %get3A_338 = tpu.vector_load %arg20[%get3A_337] {strides = array<i32>} : memref<1280xf32, #tpu.memory_space<vmem>>, vector<16xf32>,
          %get3A_339 = vector.shape_cast %get3A_338 : vector<16xf32> to vector<16xf32>
          %add3A_340 = arith.addf %get3A_334, %get3A_339 : vector<16xf32>
          %swap3A_341 = arith.index_cast %mul3A_331 : i32 to index
          %swap3A_342 = tpu.vector_load %arg12[%swap3A_341] {strides = array<i32>} : memref<8320xf32, #tpu.memory_space<vmem>>, vector<16xf32>,
          %swap3A_343 = vector.shape_cast %swap3A_342 : vector<16xf32> to vector<16xf32>
          %swap3A_344 = vector.shape_cast %add3A_340 : vector<16xf32> to vector<16xf32>
          tpu.vector_store %arg12[%swap3A_341], %swap3A_344 {strides = array<i32>} : memref<8320xf32, #tpu.memory_space<vmem>>, vector<16xf32>,
          %mul3A_345 = arith.constant 16 : i32
          %mul3A_346 = arith.muli %scan3A_58, %mul3A_345 : i32
          %add3A_347 = arith.constant 2 : i32
          %add3A_348 = arith.addi %mul3A_346, %add3A_347 : i32
          %slice3A_349 = vector.extract_strided_slice %sub3A_66 {offsets = [2], sizes = [1], strides = [1]} : vector<16xi32> to vector<1xi32>
          %squeeze3A_350 = vector.extract %slice3A_349[0] : i32 from vector<1xi32>
          %ge3A_351 = arith.constant 0 : i32
          %ge3A_352 = arith.cmpi sge, %squeeze3A_350, %ge3A_351 : i32
          %lt3A_353 = arith.constant 512 : i32
          %lt3A_354 = arith.cmpi slt, %squeeze3A_350, %lt3A_353 : i32
          %and3A_355 = arith.andi %ge3A_352, %lt3A_354 : i1
          %jit3A_356 = arith.constant 0 : i32
          %jit3A_357 = arith.constant 511 : i32
          %max3A_358 = arith.maxsi %jit3A_356, %squeeze3A_350 : i32
          %min3A_359 = arith.minsi %jit3A_357, %max3A_358 : i32
          %jit3A_360 = arith.constant 512 : i32
          %select_n3A_361 = arith.select %and3A_355, %min3A_359, %jit3A_360 : i32
          %get3A_362 = arith.index_cast %select_n3A_361 : i32 to index
          %get3A_363 = arith.constant 0 : index
          %get3A_364 = tpu.vector_load %arg11[%get3A_362, %get3A_363] {strides = array<i32>} : memref<520x128xf32, #tpu.memory_space<vmem>>, vector<1x16xf32>,
          %get3A_365 = vector.shape_cast %get3A_364 : vector<1x16xf32> to vector<16xf32>
          %get3A_366 = arith.index_cast %add3A_348 : i32 to index
          %get3A_367 = arith.constant 0 : index
          %get3A_368 = tpu.vector_load %arg19[%get3A_366, %get3A_367] {strides = array<i32>} : memref<80x128xf32, #tpu.memory_space<vmem>>, vector<1x16xf32>,
          %get3A_369 = vector.shape_cast %get3A_368 : vector<1x16xf32> to vector<16xf32>
          %add3A_370 = arith.addf %get3A_365, %get3A_369 : vector<16xf32>
          %swap3A_371 = arith.index_cast %select_n3A_361 : i32 to index
          %swap3A_372 = arith.constant 0 : index
          %swap3A_373 = tpu.vector_load %arg11[%swap3A_371, %swap3A_372] {strides = array<i32>} : memref<520x128xf32, #tpu.memory_space<vmem>>, vector<1x16xf32>,
          %swap3A_374 = vector.shape_cast %swap3A_373 : vector<1x16xf32> to vector<16xf32>
          %swap3A_375 = vector.shape_cast %add3A_370 : vector<16xf32> to vector<1x16xf32>
          tpu.vector_store %arg11[%swap3A_371, %swap3A_372], %swap3A_375 {strides = array<i32>} : memref<520x128xf32, #tpu.memory_space<vmem>>, vector<1x16xf32>,
          %get3A_376 = arith.index_cast %select_n3A_361 : i32 to index
          %get3A_377 = arith.constant 16 : index
          %get3A_378 = tpu.vector_load %arg11[%get3A_376, %get3A_377] {strides = array<i32>} : memref<520x128xf32, #tpu.memory_space<vmem>>, vector<1x16xf32>,
          %get3A_379 = vector.shape_cast %get3A_378 : vector<1x16xf32> to vector<16xf32>
          %get3A_380 = arith.index_cast %add3A_348 : i32 to index
          %get3A_381 = arith.constant 16 : index
          %get3A_382 = tpu.vector_load %arg19[%get3A_380, %get3A_381] {strides = array<i32>} : memref<80x128xf32, #tpu.memory_space<vmem>>, vector<1x16xf32>,
          %get3A_383 = vector.shape_cast %get3A_382 : vector<1x16xf32> to vector<16xf32>
          %add3A_384 = arith.addf %get3A_379, %get3A_383 : vector<16xf32>
          %swap3A_385 = arith.index_cast %select_n3A_361 : i32 to index
          %swap3A_386 = arith.constant 16 : index
          %swap3A_387 = tpu.vector_load %arg11[%swap3A_385, %swap3A_386] {strides = array<i32>} : memref<520x128xf32, #tpu.memory_space<vmem>>, vector<1x16xf32>,
          %swap3A_388 = vector.shape_cast %swap3A_387 : vector<1x16xf32> to vector<16xf32>
          %swap3A_389 = vector.shape_cast %add3A_384 : vector<16xf32> to vector<1x16xf32>
          tpu.vector_store %arg11[%swap3A_385, %swap3A_386], %swap3A_389 {strides = array<i32>} : memref<520x128xf32, #tpu.memory_space<vmem>>, vector<1x16xf32>,
          %get3A_390 = arith.index_cast %select_n3A_361 : i32 to index
          %get3A_391 = arith.constant 32 : index
          %get3A_392 = tpu.vector_load %arg11[%get3A_390, %get3A_391] {strides = array<i32>} : memref<520x128xf32, #tpu.memory_space<vmem>>, vector<1x16xf32>,
          %get3A_393 = vector.shape_cast %get3A_392 : vector<1x16xf32> to vector<16xf32>
          %get3A_394 = arith.index_cast %add3A_348 : i32 to index
          %get3A_395 = arith.constant 32 : index
          %get3A_396 = tpu.vector_load %arg19[%get3A_394, %get3A_395] {strides = array<i32>} : memref<80x128xf32, #tpu.memory_space<vmem>>, vector<1x16xf32>,
          %get3A_397 = vector.shape_cast %get3A_396 : vector<1x16xf32> to vector<16xf32>
          %add3A_398 = arith.addf %get3A_393, %get3A_397 : vector<16xf32>
          %swap3A_399 = arith.index_cast %select_n3A_361 : i32 to index
          %swap3A_400 = arith.constant 32 : index
          %swap3A_401 = tpu.vector_load %arg11[%swap3A_399, %swap3A_400] {strides = array<i32>} : memref<520x128xf32, #tpu.memory_space<vmem>>, vector<1x16xf32>,
          %swap3A_402 = vector.shape_cast %swap3A_401 : vector<1x16xf32> to vector<16xf32>
          %swap3A_403 = vector.shape_cast %add3A_398 : vector<16xf32> to vector<1x16xf32>
          tpu.vector_store %arg11[%swap3A_399, %swap3A_400], %swap3A_403 {strides = array<i32>} : memref<520x128xf32, #tpu.memory_space<vmem>>, vector<1x16xf32>,
          %get3A_404 = arith.index_cast %select_n3A_361 : i32 to index
          %get3A_405 = arith.constant 48 : index
          %get3A_406 = tpu.vector_load %arg11[%get3A_404, %get3A_405] {strides = array<i32>} : memref<520x128xf32, #tpu.memory_space<vmem>>, vector<1x16xf32>,
          %get3A_407 = vector.shape_cast %get3A_406 : vector<1x16xf32> to vector<16xf32>
          %get3A_408 = arith.index_cast %add3A_348 : i32 to index
          %get3A_409 = arith.constant 48 : index
          %get3A_410 = tpu.vector_load %arg19[%get3A_408, %get3A_409] {strides = array<i32>} : memref<80x128xf32, #tpu.memory_space<vmem>>, vector<1x16xf32>,
          %get3A_411 = vector.shape_cast %get3A_410 : vector<1x16xf32> to vector<16xf32>
          %add3A_412 = arith.addf %get3A_407, %get3A_411 : vector<16xf32>
          %swap3A_413 = arith.index_cast %select_n3A_361 : i32 to index
          %swap3A_414 = arith.constant 48 : index
          %swap3A_415 = tpu.vector_load %arg11[%swap3A_413, %swap3A_414] {strides = array<i32>} : memref<520x128xf32, #tpu.memory_space<vmem>>, vector<1x16xf32>,
          %swap3A_416 = vector.shape_cast %swap3A_415 : vector<1x16xf32> to vector<16xf32>
          %swap3A_417 = vector.shape_cast %add3A_412 : vector<16xf32> to vector<1x16xf32>
          tpu.vector_store %arg11[%swap3A_413, %swap3A_414], %swap3A_417 {strides = array<i32>} : memref<520x128xf32, #tpu.memory_space<vmem>>, vector<1x16xf32>,
          %get3A_418 = arith.index_cast %select_n3A_361 : i32 to index
          %get3A_419 = arith.constant 64 : index
          %get3A_420 = tpu.vector_load %arg11[%get3A_418, %get3A_419] {strides = array<i32>} : memref<520x128xf32, #tpu.memory_space<vmem>>, vector<1x16xf32>,
          %get3A_421 = vector.shape_cast %get3A_420 : vector<1x16xf32> to vector<16xf32>
          %get3A_422 = arith.index_cast %add3A_348 : i32 to index
          %get3A_423 = arith.constant 64 : index
          %get3A_424 = tpu.vector_load %arg19[%get3A_422, %get3A_423] {strides = array<i32>} : memref<80x128xf32, #tpu.memory_space<vmem>>, vector<1x16xf32>,
          %get3A_425 = vector.shape_cast %get3A_424 : vector<1x16xf32> to vector<16xf32>
          %add3A_426 = arith.addf %get3A_421, %get3A_425 : vector<16xf32>
          %swap3A_427 = arith.index_cast %select_n3A_361 : i32 to index
          %swap3A_428 = arith.constant 64 : index
          %swap3A_429 = tpu.vector_load %arg11[%swap3A_427, %swap3A_428] {strides = array<i32>} : memref<520x128xf32, #tpu.memory_space<vmem>>, vector<1x16xf32>,
          %swap3A_430 = vector.shape_cast %swap3A_429 : vector<1x16xf32> to vector<16xf32>
          %swap3A_431 = vector.shape_cast %add3A_426 : vector<16xf32> to vector<1x16xf32>
          tpu.vector_store %arg11[%swap3A_427, %swap3A_428], %swap3A_431 {strides = array<i32>} : memref<520x128xf32, #tpu.memory_space<vmem>>, vector<1x16xf32>,
          %get3A_432 = arith.index_cast %select_n3A_361 : i32 to index
          %get3A_433 = arith.constant 80 : index
          %get3A_434 = tpu.vector_load %arg11[%get3A_432, %get3A_433] {strides = array<i32>} : memref<520x128xf32, #tpu.memory_space<vmem>>, vector<1x16xf32>,
          %get3A_435 = vector.shape_cast %get3A_434 : vector<1x16xf32> to vector<16xf32>
          %get3A_436 = arith.index_cast %add3A_348 : i32 to index
          %get3A_437 = arith.constant 80 : index
          %get3A_438 = tpu.vector_load %arg19[%get3A_436, %get3A_437] {strides = array<i32>} : memref<80x128xf32, #tpu.memory_space<vmem>>, vector<1x16xf32>,
          %get3A_439 = vector.shape_cast %get3A_438 : vector<1x16xf32> to vector<16xf32>
          %add3A_440 = arith.addf %get3A_435, %get3A_439 : vector<16xf32>
          %swap3A_441 = arith.index_cast %select_n3A_361 : i32 to index
          %swap3A_442 = arith.constant 80 : index
          %swap3A_443 = tpu.vector_load %arg11[%swap3A_441, %swap3A_442] {strides = array<i32>} : memref<520x128xf32, #tpu.memory_space<vmem>>, vector<1x16xf32>,
          %swap3A_444 = vector.shape_cast %swap3A_443 : vector<1x16xf32> to vector<16xf32>
          %swap3A_445 = vector.shape_cast %add3A_440 : vector<16xf32> to vector<1x16xf32>
          tpu.vector_store %arg11[%swap3A_441, %swap3A_442], %swap3A_445 {strides = array<i32>} : memref<520x128xf32, #tpu.memory_space<vmem>>, vector<1x16xf32>,
          %get3A_446 = arith.index_cast %select_n3A_361 : i32 to index
          %get3A_447 = arith.constant 96 : index
          %get3A_448 = tpu.vector_load %arg11[%get3A_446, %get3A_447] {strides = array<i32>} : memref<520x128xf32, #tpu.memory_space<vmem>>, vector<1x16xf32>,
          %get3A_449 = vector.shape_cast %get3A_448 : vector<1x16xf32> to vector<16xf32>
          %get3A_450 = arith.index_cast %add3A_348 : i32 to index
          %get3A_451 = arith.constant 96 : index
          %get3A_452 = tpu.vector_load %arg19[%get3A_450, %get3A_451] {strides = array<i32>} : memref<80x128xf32, #tpu.memory_space<vmem>>, vector<1x16xf32>,
          %get3A_453 = vector.shape_cast %get3A_452 : vector<1x16xf32> to vector<16xf32>
          %add3A_454 = arith.addf %get3A_449, %get3A_453 : vector<16xf32>
          %swap3A_455 = arith.index_cast %select_n3A_361 : i32 to index
          %swap3A_456 = arith.constant 96 : index
          %swap3A_457 = tpu.vector_load %arg11[%swap3A_455, %swap3A_456] {strides = array<i32>} : memref<520x128xf32, #tpu.memory_space<vmem>>, vector<1x16xf32>,
          %swap3A_458 = vector.shape_cast %swap3A_457 : vector<1x16xf32> to vector<16xf32>
          %swap3A_459 = vector.shape_cast %add3A_454 : vector<16xf32> to vector<1x16xf32>
          tpu.vector_store %arg11[%swap3A_455, %swap3A_456], %swap3A_459 {strides = array<i32>} : memref<520x128xf32, #tpu.memory_space<vmem>>, vector<1x16xf32>,
          %get3A_460 = arith.index_cast %select_n3A_361 : i32 to index
          %get3A_461 = arith.constant 112 : index
          %get3A_462 = tpu.vector_load %arg11[%get3A_460, %get3A_461] {strides = array<i32>} : memref<520x128xf32, #tpu.memory_space<vmem>>, vector<1x16xf32>,
          %get3A_463 = vector.shape_cast %get3A_462 : vector<1x16xf32> to vector<16xf32>
          %get3A_464 = arith.index_cast %add3A_348 : i32 to index
          %get3A_465 = arith.constant 112 : index
          %get3A_466 = tpu.vector_load %arg19[%get3A_464, %get3A_465] {strides = array<i32>} : memref<80x128xf32, #tpu.memory_space<vmem>>, vector<1x16xf32>,
          %get3A_467 = vector.shape_cast %get3A_466 : vector<1x16xf32> to vector<16xf32>
          %add3A_468 = arith.addf %get3A_463, %get3A_467 : vector<16xf32>
          %swap3A_469 = arith.index_cast %select_n3A_361 : i32 to index
          %swap3A_470 = arith.constant 112 : index
          %swap3A_471 = tpu.vector_load %arg11[%swap3A_469, %swap3A_470] {strides = array<i32>} : memref<520x128xf32, #tpu.memory_space<vmem>>, vector<1x16xf32>,
          %swap3A_472 = vector.shape_cast %swap3A_471 : vector<1x16xf32> to vector<16xf32>
          %swap3A_473 = vector.shape_cast %add3A_468 : vector<16xf32> to vector<1x16xf32>
          tpu.vector_store %arg11[%swap3A_469, %swap3A_470], %swap3A_473 {strides = array<i32>} : memref<520x128xf32, #tpu.memory_space<vmem>>, vector<1x16xf32>,
          %mul3A_474 = arith.constant 16 : i32
          %mul3A_475 = arith.muli %select_n3A_361, %mul3A_474 : i32
          %get3A_476 = arith.index_cast %mul3A_475 : i32 to index
          %get3A_477 = tpu.vector_load %arg12[%get3A_476] {strides = array<i32>} : memref<8320xf32, #tpu.memory_space<vmem>>, vector<16xf32>,
          %get3A_478 = vector.shape_cast %get3A_477 : vector<16xf32> to vector<16xf32>
          %mul3A_479 = arith.constant 16 : i32
          %mul3A_480 = arith.muli %add3A_348, %mul3A_479 : i32
          %get3A_481 = arith.index_cast %mul3A_480 : i32 to index
          %get3A_482 = tpu.vector_load %arg20[%get3A_481] {strides = array<i32>} : memref<1280xf32, #tpu.memory_space<vmem>>, vector<16xf32>,
          %get3A_483 = vector.shape_cast %get3A_482 : vector<16xf32> to vector<16xf32>
          %add3A_484 = arith.addf %get3A_478, %get3A_483 : vector<16xf32>
          %swap3A_485 = arith.index_cast %mul3A_475 : i32 to index
          %swap3A_486 = tpu.vector_load %arg12[%swap3A_485] {strides = array<i32>} : memref<8320xf32, #tpu.memory_space<vmem>>, vector<16xf32>,
          %swap3A_487 = vector.shape_cast %swap3A_486 : vector<16xf32> to vector<16xf32>
          %swap3A_488 = vector.shape_cast %add3A_484 : vector<16xf32> to vector<16xf32>
          tpu.vector_store %arg12[%swap3A_485], %swap3A_488 {strides = array<i32>} : memref<8320xf32, #tpu.memory_space<vmem>>, vector<16xf32>,
          %mul3A_489 = arith.constant 16 : i32
          %mul3A_490 = arith.muli %scan3A_58, %mul3A_489 : i32
          %add3A_491 = arith.constant 3 : i32
          %add3A_492 = arith.addi %mul3A_490, %add3A_491 : i32
          %slice3A_493 = vector.extract_strided_slice %sub3A_66 {offsets = [3], sizes = [1], strides = [1]} : vector<16xi32> to vector<1xi32>
          %squeeze3A_494 = vector.extract %slice3A_493[0] : i32 from vector<1xi32>
          %ge3A_495 = arith.constant 0 : i32
          %ge3A_496 = arith.cmpi sge, %squeeze3A_494, %ge3A_495 : i32
          %lt3A_497 = arith.constant 512 : i32
          %lt3A_498 = arith.cmpi slt, %squeeze3A_494, %lt3A_497 : i32
          %and3A_499 = arith.andi %ge3A_496, %lt3A_498 : i1
          %jit3A_500 = arith.constant 0 : i32
          %jit3A_501 = arith.constant 511 : i32
          %max3A_502 = arith.maxsi %jit3A_500, %squeeze3A_494 : i32
          %min3A_503 = arith.minsi %jit3A_501, %max3A_502 : i32
          %jit3A_504 = arith.constant 512 : i32
          %select_n3A_505 = arith.select %and3A_499, %min3A_503, %jit3A_504 : i32
          %get3A_506 = arith.index_cast %select_n3A_505 : i32 to index
          %get3A_507 = arith.constant 0 : index
          %get3A_508 = tpu.vector_load %arg11[%get3A_506, %get3A_507] {strides = array<i32>} : memref<520x128xf32, #tpu.memory_space<vmem>>, vector<1x16xf32>,
          %get3A_509 = vector.shape_cast %get3A_508 : vector<1x16xf32> to vector<16xf32>
          %get3A_510 = arith.index_cast %add3A_492 : i32 to index
          %get3A_511 = arith.constant 0 : index
          %get3A_512 = tpu.vector_load %arg19[%get3A_510, %get3A_511] {strides = array<i32>} : memref<80x128xf32, #tpu.memory_space<vmem>>, vector<1x16xf32>,
          %get3A_513 = vector.shape_cast %get3A_512 : vector<1x16xf32> to vector<16xf32>
          %add3A_514 = arith.addf %get3A_509, %get3A_513 : vector<16xf32>
          %swap3A_515 = arith.index_cast %select_n3A_505 : i32 to index
          %swap3A_516 = arith.constant 0 : index
          %swap3A_517 = tpu.vector_load %arg11[%swap3A_515, %swap3A_516] {strides = array<i32>} : memref<520x128xf32, #tpu.memory_space<vmem>>, vector<1x16xf32>,
          %swap3A_518 = vector.shape_cast %swap3A_517 : vector<1x16xf32> to vector<16xf32>
          %swap3A_519 = vector.shape_cast %add3A_514 : vector<16xf32> to vector<1x16xf32>
          tpu.vector_store %arg11[%swap3A_515, %swap3A_516], %swap3A_519 {strides = array<i32>} : memref<520x128xf32, #tpu.memory_space<vmem>>, vector<1x16xf32>,
          %get3A_520 = arith.index_cast %select_n3A_505 : i32 to index
          %get3A_521 = arith.constant 16 : index
          %get3A_522 = tpu.vector_load %arg11[%get3A_520, %get3A_521] {strides = array<i32>} : memref<520x128xf32, #tpu.memory_space<vmem>>, vector<1x16xf32>,
          %get3A_523 = vector.shape_cast %get3A_522 : vector<1x16xf32> to vector<16xf32>
          %get3A_524 = arith.index_cast %add3A_492 : i32 to index
          %get3A_525 = arith.constant 16 : index
          %get3A_526 = tpu.vector_load %arg19[%get3A_524, %get3A_525] {strides = array<i32>} : memref<80x128xf32, #tpu.memory_space<vmem>>, vector<1x16xf32>,
          %get3A_527 = vector.shape_cast %get3A_526 : vector<1x16xf32> to vector<16xf32>
          %add3A_528 = arith.addf %get3A_523, %get3A_527 : vector<16xf32>
          %swap3A_529 = arith.index_cast %select_n3A_505 : i32 to index
          %swap3A_530 = arith.constant 16 : index
          %swap3A_531 = tpu.vector_load %arg11[%swap3A_529, %swap3A_530] {strides = array<i32>} : memref<520x128xf32, #tpu.memory_space<vmem>>, vector<1x16xf32>,
          %swap3A_532 = vector.shape_cast %swap3A_531 : vector<1x16xf32> to vector<16xf32>
          %swap3A_533 = vector.shape_cast %add3A_528 : vector<16xf32> to vector<1x16xf32>
          tpu.vector_store %arg11[%swap3A_529, %swap3A_530], %swap3A_533 {strides = array<i32>} : memref<520x128xf32, #tpu.memory_space<vmem>>, vector<1x16xf32>,
          %get3A_534 = arith.index_cast %select_n3A_505 : i32 to index
          %get3A_535 = arith.constant 32 : index
          %get3A_536 = tpu.vector_load %arg11[%get3A_534, %get3A_535] {strides = array<i32>} : memref<520x128xf32, #tpu.memory_space<vmem>>, vector<1x16xf32>,
          %get3A_537 = vector.shape_cast %get3A_536 : vector<1x16xf32> to vector<16xf32>
          %get3A_538 = arith.index_cast %add3A_492 : i32 to index
          %get3A_539 = arith.constant 32 : index
          %get3A_540 = tpu.vector_load %arg19[%get3A_538, %get3A_539] {strides = array<i32>} : memref<80x128xf32, #tpu.memory_space<vmem>>, vector<1x16xf32>,
          %get3A_541 = vector.shape_cast %get3A_540 : vector<1x16xf32> to vector<16xf32>
          %add3A_542 = arith.addf %get3A_537, %get3A_541 : vector<16xf32>
          %swap3A_543 = arith.index_cast %select_n3A_505 : i32 to index
          %swap3A_544 = arith.constant 32 : index
          %swap3A_545 = tpu.vector_load %arg11[%swap3A_543, %swap3A_544] {strides = array<i32>} : memref<520x128xf32, #tpu.memory_space<vmem>>, vector<1x16xf32>,
          %swap3A_546 = vector.shape_cast %swap3A_545 : vector<1x16xf32> to vector<16xf32>
          %swap3A_547 = vector.shape_cast %add3A_542 : vector<16xf32> to vector<1x16xf32>
          tpu.vector_store %arg11[%swap3A_543, %swap3A_544], %swap3A_547 {strides = array<i32>} : memref<520x128xf32, #tpu.memory_space<vmem>>, vector<1x16xf32>,
          %get3A_548 = arith.index_cast %select_n3A_505 : i32 to index
          %get3A_549 = arith.constant 48 : index
          %get3A_550 = tpu.vector_load %arg11[%get3A_548, %get3A_549] {strides = array<i32>} : memref<520x128xf32, #tpu.memory_space<vmem>>, vector<1x16xf32>,
          %get3A_551 = vector.shape_cast %get3A_550 : vector<1x16xf32> to vector<16xf32>
          %get3A_552 = arith.index_cast %add3A_492 : i32 to index
          %get3A_553 = arith.constant 48 : index
          %get3A_554 = tpu.vector_load %arg19[%get3A_552, %get3A_553] {strides = array<i32>} : memref<80x128xf32, #tpu.memory_space<vmem>>, vector<1x16xf32>,
          %get3A_555 = vector.shape_cast %get3A_554 : vector<1x16xf32> to vector<16xf32>
          %add3A_556 = arith.addf %get3A_551, %get3A_555 : vector<16xf32>
          %swap3A_557 = arith.index_cast %select_n3A_505 : i32 to index
          %swap3A_558 = arith.constant 48 : index
          %swap3A_559 = tpu.vector_load %arg11[%swap3A_557, %swap3A_558] {strides = array<i32>} : memref<520x128xf32, #tpu.memory_space<vmem>>, vector<1x16xf32>,
          %swap3A_560 = vector.shape_cast %swap3A_559 : vector<1x16xf32> to vector<16xf32>
          %swap3A_561 = vector.shape_cast %add3A_556 : vector<16xf32> to vector<1x16xf32>
          tpu.vector_store %arg11[%swap3A_557, %swap3A_558], %swap3A_561 {strides = array<i32>} : memref<520x128xf32, #tpu.memory_space<vmem>>, vector<1x16xf32>,
          %get3A_562 = arith.index_cast %select_n3A_505 : i32 to index
          %get3A_563 = arith.constant 64 : index
          %get3A_564 = tpu.vector_load %arg11[%get3A_562, %get3A_563] {strides = array<i32>} : memref<520x128xf32, #tpu.memory_space<vmem>>, vector<1x16xf32>,
          %get3A_565 = vector.shape_cast %get3A_564 : vector<1x16xf32> to vector<16xf32>
          %get3A_566 = arith.index_cast %add3A_492 : i32 to index
          %get3A_567 = arith.constant 64 : index
          %get3A_568 = tpu.vector_load %arg19[%get3A_566, %get3A_567] {strides = array<i32>} : memref<80x128xf32, #tpu.memory_space<vmem>>, vector<1x16xf32>,
          %get3A_569 = vector.shape_cast %get3A_568 : vector<1x16xf32> to vector<16xf32>
          %add3A_570 = arith.addf %get3A_565, %get3A_569 : vector<16xf32>
          %swap3A_571 = arith.index_cast %select_n3A_505 : i32 to index
          %swap3A_572 = arith.constant 64 : index
          %swap3A_573 = tpu.vector_load %arg11[%swap3A_571, %swap3A_572] {strides = array<i32>} : memref<520x128xf32, #tpu.memory_space<vmem>>, vector<1x16xf32>,
          %swap3A_574 = vector.shape_cast %swap3A_573 : vector<1x16xf32> to vector<16xf32>
          %swap3A_575 = vector.shape_cast %add3A_570 : vector<16xf32> to vector<1x16xf32>
          tpu.vector_store %arg11[%swap3A_571, %swap3A_572], %swap3A_575 {strides = array<i32>} : memref<520x128xf32, #tpu.memory_space<vmem>>, vector<1x16xf32>,
          %get3A_576 = arith.index_cast %select_n3A_505 : i32 to index
          %get3A_577 = arith.constant 80 : index
          %get3A_578 = tpu.vector_load %arg11[%get3A_576, %get3A_577] {strides = array<i32>} : memref<520x128xf32, #tpu.memory_space<vmem>>, vector<1x16xf32>,
          %get3A_579 = vector.shape_cast %get3A_578 : vector<1x16xf32> to vector<16xf32>
          %get3A_580 = arith.index_cast %add3A_492 : i32 to index
          %get3A_581 = arith.constant 80 : index
          %get3A_582 = tpu.vector_load %arg19[%get3A_580, %get3A_581] {strides = array<i32>} : memref<80x128xf32, #tpu.memory_space<vmem>>, vector<1x16xf32>,
          %get3A_583 = vector.shape_cast %get3A_582 : vector<1x16xf32> to vector<16xf32>
          %add3A_584 = arith.addf %get3A_579, %get3A_583 : vector<16xf32>
          %swap3A_585 = arith.index_cast %select_n3A_505 : i32 to index
          %swap3A_586 = arith.constant 80 : index
          %swap3A_587 = tpu.vector_load %arg11[%swap3A_585, %swap3A_586] {strides = array<i32>} : memref<520x128xf32, #tpu.memory_space<vmem>>, vector<1x16xf32>,
          %swap3A_588 = vector.shape_cast %swap3A_587 : vector<1x16xf32> to vector<16xf32>
          %swap3A_589 = vector.shape_cast %add3A_584 : vector<16xf32> to vector<1x16xf32>
          tpu.vector_store %arg11[%swap3A_585, %swap3A_586], %swap3A_589 {strides = array<i32>} : memref<520x128xf32, #tpu.memory_space<vmem>>, vector<1x16xf32>,
          %get3A_590 = arith.index_cast %select_n3A_505 : i32 to index
          %get3A_591 = arith.constant 96 : index
          %get3A_592 = tpu.vector_load %arg11[%get3A_590, %get3A_591] {strides = array<i32>} : memref<520x128xf32, #tpu.memory_space<vmem>>, vector<1x16xf32>,
          %get3A_593 = vector.shape_cast %get3A_592 : vector<1x16xf32> to vector<16xf32>
          %get3A_594 = arith.index_cast %add3A_492 : i32 to index
          %get3A_595 = arith.constant 96 : index
          %get3A_596 = tpu.vector_load %arg19[%get3A_594, %get3A_595] {strides = array<i32>} : memref<80x128xf32, #tpu.memory_space<vmem>>, vector<1x16xf32>,
          %get3A_597 = vector.shape_cast %get3A_596 : vector<1x16xf32> to vector<16xf32>
          %add3A_598 = arith.addf %get3A_593, %get3A_597 : vector<16xf32>
          %swap3A_599 = arith.index_cast %select_n3A_505 : i32 to index
          %swap3A_600 = arith.constant 96 : index
          %swap3A_601 = tpu.vector_load %arg11[%swap3A_599, %swap3A_600] {strides = array<i32>} : memref<520x128xf32, #tpu.memory_space<vmem>>, vector<1x16xf32>,
          %swap3A_602 = vector.shape_cast %swap3A_601 : vector<1x16xf32> to vector<16xf32>
          %swap3A_603 = vector.shape_cast %add3A_598 : vector<16xf32> to vector<1x16xf32>
          tpu.vector_store %arg11[%swap3A_599, %swap3A_600], %swap3A_603 {strides = array<i32>} : memref<520x128xf32, #tpu.memory_space<vmem>>, vector<1x16xf32>,
          %get3A_604 = arith.index_cast %select_n3A_505 : i32 to index
          %get3A_605 = arith.constant 112 : index
          %get3A_606 = tpu.vector_load %arg11[%get3A_604, %get3A_605] {strides = array<i32>} : memref<520x128xf32, #tpu.memory_space<vmem>>, vector<1x16xf32>,
          %get3A_607 = vector.shape_cast %get3A_606 : vector<1x16xf32> to vector<16xf32>
          %get3A_608 = arith.index_cast %add3A_492 : i32 to index
          %get3A_609 = arith.constant 112 : index
          %get3A_610 = tpu.vector_load %arg19[%get3A_608, %get3A_609] {strides = array<i32>} : memref<80x128xf32, #tpu.memory_space<vmem>>, vector<1x16xf32>,
          %get3A_611 = vector.shape_cast %get3A_610 : vector<1x16xf32> to vector<16xf32>
          %add3A_612 = arith.addf %get3A_607, %get3A_611 : vector<16xf32>
          %swap3A_613 = arith.index_cast %select_n3A_505 : i32 to index
          %swap3A_614 = arith.constant 112 : index
          %swap3A_615 = tpu.vector_load %arg11[%swap3A_613, %swap3A_614] {strides = array<i32>} : memref<520x128xf32, #tpu.memory_space<vmem>>, vector<1x16xf32>,
          %swap3A_616 = vector.shape_cast %swap3A_615 : vector<1x16xf32> to vector<16xf32>
          %swap3A_617 = vector.shape_cast %add3A_612 : vector<16xf32> to vector<1x16xf32>
          tpu.vector_store %arg11[%swap3A_613, %swap3A_614], %swap3A_617 {strides = array<i32>} : memref<520x128xf32, #tpu.memory_space<vmem>>, vector<1x16xf32>,
          %mul3A_618 = arith.constant 16 : i32
          %mul3A_619 = arith.muli %select_n3A_505, %mul3A_618 : i32
          %get3A_620 = arith.index_cast %mul3A_619 : i32 to index
          %get3A_621 = tpu.vector_load %arg12[%get3A_620] {strides = array<i32>} : memref<8320xf32, #tpu.memory_space<vmem>>, vector<16xf32>,
          %get3A_622 = vector.shape_cast %get3A_621 : vector<16xf32> to vector<16xf32>
          %mul3A_623 = arith.constant 16 : i32
          %mul3A_624 = arith.muli %add3A_492, %mul3A_623 : i32
          %get3A_625 = arith.index_cast %mul3A_624 : i32 to index
          %get3A_626 = tpu.vector_load %arg20[%get3A_625] {strides = array<i32>} : memref<1280xf32, #tpu.memory_space<vmem>>, vector<16xf32>,
          %get3A_627 = vector.shape_cast %get3A_626 : vector<16xf32> to vector<16xf32>
          %add3A_628 = arith.addf %get3A_622, %get3A_627 : vector<16xf32>
          %swap3A_629 = arith.index_cast %mul3A_619 : i32 to index
          %swap3A_630 = tpu.vector_load %arg12[%swap3A_629] {strides = array<i32>} : memref<8320xf32, #tpu.memory_space<vmem>>, vector<16xf32>,
          %swap3A_631 = vector.shape_cast %swap3A_630 : vector<16xf32> to vector<16xf32>
          %swap3A_632 = vector.shape_cast %add3A_628 : vector<16xf32> to vector<16xf32>
          tpu.vector_store %arg12[%swap3A_629], %swap3A_632 {strides = array<i32>} : memref<8320xf32, #tpu.memory_space<vmem>>, vector<16xf32>,
          %mul3A_633 = arith.constant 16 : i32
          %mul3A_634 = arith.muli %scan3A_58, %mul3A_633 : i32
          %add3A_635 = arith.constant 4 : i32
          %add3A_636 = arith.addi %mul3A_634, %add3A_635 : i32
          %slice3A_637 = vector.extract_strided_slice %sub3A_66 {offsets = [4], sizes = [1], strides = [1]} : vector<16xi32> to vector<1xi32>
          %squeeze3A_638 = vector.extract %slice3A_637[0] : i32 from vector<1xi32>
          %ge3A_639 = arith.constant 0 : i32
          %ge3A_640 = arith.cmpi sge, %squeeze3A_638, %ge3A_639 : i32
          %lt3A_641 = arith.constant 512 : i32
          %lt3A_642 = arith.cmpi slt, %squeeze3A_638, %lt3A_641 : i32
          %and3A_643 = arith.andi %ge3A_640, %lt3A_642 : i1
          %jit3A_644 = arith.constant 0 : i32
          %jit3A_645 = arith.constant 511 : i32
          %max3A_646 = arith.maxsi %jit3A_644, %squeeze3A_638 : i32
          %min3A_647 = arith.minsi %jit3A_645, %max3A_646 : i32
          %jit3A_648 = arith.constant 512 : i32
          %select_n3A_649 = arith.select %and3A_643, %min3A_647, %jit3A_648 : i32
          %get3A_650 = arith.index_cast %select_n3A_649 : i32 to index
          %get3A_651 = arith.constant 0 : index
          %get3A_652 = tpu.vector_load %arg11[%get3A_650, %get3A_651] {strides = array<i32>} : memref<520x128xf32, #tpu.memory_space<vmem>>, vector<1x16xf32>,
          %get3A_653 = vector.shape_cast %get3A_652 : vector<1x16xf32> to vector<16xf32>
          %get3A_654 = arith.index_cast %add3A_636 : i32 to index
          %get3A_655 = arith.constant 0 : index
          %get3A_656 = tpu.vector_load %arg19[%get3A_654, %get3A_655] {strides = array<i32>} : memref<80x128xf32, #tpu.memory_space<vmem>>, vector<1x16xf32>,
          %get3A_657 = vector.shape_cast %get3A_656 : vector<1x16xf32> to vector<16xf32>
          %add3A_658 = arith.addf %get3A_653, %get3A_657 : vector<16xf32>
          %swap3A_659 = arith.index_cast %select_n3A_649 : i32 to index
          %swap3A_660 = arith.constant 0 : index
          %swap3A_661 = tpu.vector_load %arg11[%swap3A_659, %swap3A_660] {strides = array<i32>} : memref<520x128xf32, #tpu.memory_space<vmem>>, vector<1x16xf32>,
          %swap3A_662 = vector.shape_cast %swap3A_661 : vector<1x16xf32> to vector<16xf32>
          %swap3A_663 = vector.shape_cast %add3A_658 : vector<16xf32> to vector<1x16xf32>
          tpu.vector_store %arg11[%swap3A_659, %swap3A_660], %swap3A_663 {strides = array<i32>} : memref<520x128xf32, #tpu.memory_space<vmem>>, vector<1x16xf32>,
          %get3A_664 = arith.index_cast %select_n3A_649 : i32 to index
          %get3A_665 = arith.constant 16 : index
          %get3A_666 = tpu.vector_load %arg11[%get3A_664, %get3A_665] {strides = array<i32>} : memref<520x128xf32, #tpu.memory_space<vmem>>, vector<1x16xf32>,
          %get3A_667 = vector.shape_cast %get3A_666 : vector<1x16xf32> to vector<16xf32>
          %get3A_668 = arith.index_cast %add3A_636 : i32 to index
          %get3A_669 = arith.constant 16 : index
          %get3A_670 = tpu.vector_load %arg19[%get3A_668, %get3A_669] {strides = array<i32>} : memref<80x128xf32, #tpu.memory_space<vmem>>, vector<1x16xf32>,
          %get3A_671 = vector.shape_cast %get3A_670 : vector<1x16xf32> to vector<16xf32>
          %add3A_672 = arith.addf %get3A_667, %get3A_671 : vector<16xf32>
          %swap3A_673 = arith.index_cast %select_n3A_649 : i32 to index
          %swap3A_674 = arith.constant 16 : index
          %swap3A_675 = tpu.vector_load %arg11[%swap3A_673, %swap3A_674] {strides = array<i32>} : memref<520x128xf32, #tpu.memory_space<vmem>>, vector<1x16xf32>,
          %swap3A_676 = vector.shape_cast %swap3A_675 : vector<1x16xf32> to vector<16xf32>
          %swap3A_677 = vector.shape_cast %add3A_672 : vector<16xf32> to vector<1x16xf32>
          tpu.vector_store %arg11[%swap3A_673, %swap3A_674], %swap3A_677 {strides = array<i32>} : memref<520x128xf32, #tpu.memory_space<vmem>>, vector<1x16xf32>,
          %get3A_678 = arith.index_cast %select_n3A_649 : i32 to index
          %get3A_679 = arith.constant 32 : index
          %get3A_680 = tpu.vector_load %arg11[%get3A_678, %get3A_679] {strides = array<i32>} : memref<520x128xf32, #tpu.memory_space<vmem>>, vector<1x16xf32>,
          %get3A_681 = vector.shape_cast %get3A_680 : vector<1x16xf32> to vector<16xf32>
          %get3A_682 = arith.index_cast %add3A_636 : i32 to index
          %get3A_683 = arith.constant 32 : index
          %get3A_684 = tpu.vector_load %arg19[%get3A_682, %get3A_683] {strides = array<i32>} : memref<80x128xf32, #tpu.memory_space<vmem>>, vector<1x16xf32>,
          %get3A_685 = vector.shape_cast %get3A_684 : vector<1x16xf32> to vector<16xf32>
          %add3A_686 = arith.addf %get3A_681, %get3A_685 : vector<16xf32>
          %swap3A_687 = arith.index_cast %select_n3A_649 : i32 to index
          %swap3A_688 = arith.constant 32 : index
          %swap3A_689 = tpu.vector_load %arg11[%swap3A_687, %swap3A_688] {strides = array<i32>} : memref<520x128xf32, #tpu.memory_space<vmem>>, vector<1x16xf32>,
          %swap3A_690 = vector.shape_cast %swap3A_689 : vector<1x16xf32> to vector<16xf32>
          %swap3A_691 = vector.shape_cast %add3A_686 : vector<16xf32> to vector<1x16xf32>
          tpu.vector_store %arg11[%swap3A_687, %swap3A_688], %swap3A_691 {strides = array<i32>} : memref<520x128xf32, #tpu.memory_space<vmem>>, vector<1x16xf32>,
          %get3A_692 = arith.index_cast %select_n3A_649 : i32 to index
          %get3A_693 = arith.constant 48 : index
          %get3A_694 = tpu.vector_load %arg11[%get3A_692, %get3A_693] {strides = array<i32>} : memref<520x128xf32, #tpu.memory_space<vmem>>, vector<1x16xf32>,
          %get3A_695 = vector.shape_cast %get3A_694 : vector<1x16xf32> to vector<16xf32>
          %get3A_696 = arith.index_cast %add3A_636 : i32 to index
          %get3A_697 = arith.constant 48 : index
          %get3A_698 = tpu.vector_load %arg19[%get3A_696, %get3A_697] {strides = array<i32>} : memref<80x128xf32, #tpu.memory_space<vmem>>, vector<1x16xf32>,
          %get3A_699 = vector.shape_cast %get3A_698 : vector<1x16xf32> to vector<16xf32>
          %add3A_700 = arith.addf %get3A_695, %get3A_699 : vector<16xf32>
          %swap3A_701 = arith.index_cast %select_n3A_649 : i32 to index
          %swap3A_702 = arith.constant 48 : index
          %swap3A_703 = tpu.vector_load %arg11[%swap3A_701, %swap3A_702] {strides = array<i32>} : memref<520x128xf32, #tpu.memory_space<vmem>>, vector<1x16xf32>,
          %swap3A_704 = vector.shape_cast %swap3A_703 : vector<1x16xf32> to vector<16xf32>
          %swap3A_705 = vector.shape_cast %add3A_700 : vector<16xf32> to vector<1x16xf32>
          tpu.vector_store %arg11[%swap3A_701, %swap3A_702], %swap3A_705 {strides = array<i32>} : memref<520x128xf32, #tpu.memory_space<vmem>>, vector<1x16xf32>,
          %get3A_706 = arith.index_cast %select_n3A_649 : i32 to index
          %get3A_707 = arith.constant 64 : index
          %get3A_708 = tpu.vector_load %arg11[%get3A_706, %get3A_707] {strides = array<i32>} : memref<520x128xf32, #tpu.memory_space<vmem>>, vector<1x16xf32>,
          %get3A_709 = vector.shape_cast %get3A_708 : vector<1x16xf32> to vector<16xf32>
          %get3A_710 = arith.index_cast %add3A_636 : i32 to index
          %get3A_711 = arith.constant 64 : index
          %get3A_712 = tpu.vector_load %arg19[%get3A_710, %get3A_711] {strides = array<i32>} : memref<80x128xf32, #tpu.memory_space<vmem>>, vector<1x16xf32>,
          %get3A_713 = vector.shape_cast %get3A_712 : vector<1x16xf32> to vector<16xf32>
          %add3A_714 = arith.addf %get3A_709, %get3A_713 : vector<16xf32>
          %swap3A_715 = arith.index_cast %select_n3A_649 : i32 to index
          %swap3A_716 = arith.constant 64 : index
          %swap3A_717 = tpu.vector_load %arg11[%swap3A_715, %swap3A_716] {strides = array<i32>} : memref<520x128xf32, #tpu.memory_space<vmem>>, vector<1x16xf32>,
          %swap3A_718 = vector.shape_cast %swap3A_717 : vector<1x16xf32> to vector<16xf32>
          %swap3A_719 = vector.shape_cast %add3A_714 : vector<16xf32> to vector<1x16xf32>
          tpu.vector_store %arg11[%swap3A_715, %swap3A_716], %swap3A_719 {strides = array<i32>} : memref<520x128xf32, #tpu.memory_space<vmem>>, vector<1x16xf32>,
          %get3A_720 = arith.index_cast %select_n3A_649 : i32 to index
          %get3A_721 = arith.constant 80 : index
          %get3A_722 = tpu.vector_load %arg11[%get3A_720, %get3A_721] {strides = array<i32>} : memref<520x128xf32, #tpu.memory_space<vmem>>, vector<1x16xf32>,
          %get3A_723 = vector.shape_cast %get3A_722 : vector<1x16xf32> to vector<16xf32>
          %get3A_724 = arith.index_cast %add3A_636 : i32 to index
          %get3A_725 = arith.constant 80 : index
          %get3A_726 = tpu.vector_load %arg19[%get3A_724, %get3A_725] {strides = array<i32>} : memref<80x128xf32, #tpu.memory_space<vmem>>, vector<1x16xf32>,
          %get3A_727 = vector.shape_cast %get3A_726 : vector<1x16xf32> to vector<16xf32>
          %add3A_728 = arith.addf %get3A_723, %get3A_727 : vector<16xf32>
          %swap3A_729 = arith.index_cast %select_n3A_649 : i32 to index
          %swap3A_730 = arith.constant 80 : index
          %swap3A_731 = tpu.vector_load %arg11[%swap3A_729, %swap3A_730] {strides = array<i32>} : memref<520x128xf32, #tpu.memory_space<vmem>>, vector<1x16xf32>,
          %swap3A_732 = vector.shape_cast %swap3A_731 : vector<1x16xf32> to vector<16xf32>
          %swap3A_733 = vector.shape_cast %add3A_728 : vector<16xf32> to vector<1x16xf32>
          tpu.vector_store %arg11[%swap3A_729, %swap3A_730], %swap3A_733 {strides = array<i32>} : memref<520x128xf32, #tpu.memory_space<vmem>>, vector<1x16xf32>,
          %get3A_734 = arith.index_cast %select_n3A_649 : i32 to index
          %get3A_735 = arith.constant 96 : index
          %get3A_736 = tpu.vector_load %arg11[%get3A_734, %get3A_735] {strides = array<i32>} : memref<520x128xf32, #tpu.memory_space<vmem>>, vector<1x16xf32>,
          %get3A_737 = vector.shape_cast %get3A_736 : vector<1x16xf32> to vector<16xf32>
          %get3A_738 = arith.index_cast %add3A_636 : i32 to index
          %get3A_739 = arith.constant 96 : index
          %get3A_740 = tpu.vector_load %arg19[%get3A_738, %get3A_739] {strides = array<i32>} : memref<80x128xf32, #tpu.memory_space<vmem>>, vector<1x16xf32>,
          %get3A_741 = vector.shape_cast %get3A_740 : vector<1x16xf32> to vector<16xf32>
          %add3A_742 = arith.addf %get3A_737, %get3A_741 : vector<16xf32>
          %swap3A_743 = arith.index_cast %select_n3A_649 : i32 to index
          %swap3A_744 = arith.constant 96 : index
          %swap3A_745 = tpu.vector_load %arg11[%swap3A_743, %swap3A_744] {strides = array<i32>} : memref<520x128xf32, #tpu.memory_space<vmem>>, vector<1x16xf32>,
          %swap3A_746 = vector.shape_cast %swap3A_745 : vector<1x16xf32> to vector<16xf32>
          %swap3A_747 = vector.shape_cast %add3A_742 : vector<16xf32> to vector<1x16xf32>
          tpu.vector_store %arg11[%swap3A_743, %swap3A_744], %swap3A_747 {strides = array<i32>} : memref<520x128xf32, #tpu.memory_space<vmem>>, vector<1x16xf32>,
          %get3A_748 = arith.index_cast %select_n3A_649 : i32 to index
          %get3A_749 = arith.constant 112 : index
          %get3A_750 = tpu.vector_load %arg11[%get3A_748, %get3A_749] {strides = array<i32>} : memref<520x128xf32, #tpu.memory_space<vmem>>, vector<1x16xf32>,
          %get3A_751 = vector.shape_cast %get3A_750 : vector<1x16xf32> to vector<16xf32>
          %get3A_752 = arith.index_cast %add3A_636 : i32 to index
          %get3A_753 = arith.constant 112 : index
          %get3A_754 = tpu.vector_load %arg19[%get3A_752, %get3A_753] {strides = array<i32>} : memref<80x128xf32, #tpu.memory_space<vmem>>, vector<1x16xf32>,
          %get3A_755 = vector.shape_cast %get3A_754 : vector<1x16xf32> to vector<16xf32>
          %add3A_756 = arith.addf %get3A_751, %get3A_755 : vector<16xf32>
          %swap3A_757 = arith.index_cast %select_n3A_649 : i32 to index
          %swap3A_758 = arith.constant 112 : index
          %swap3A_759 = tpu.vector_load %arg11[%swap3A_757, %swap3A_758] {strides = array<i32>} : memref<520x128xf32, #tpu.memory_space<vmem>>, vector<1x16xf32>,
          %swap3A_760 = vector.shape_cast %swap3A_759 : vector<1x16xf32> to vector<16xf32>
          %swap3A_761 = vector.shape_cast %add3A_756 : vector<16xf32> to vector<1x16xf32>
          tpu.vector_store %arg11[%swap3A_757, %swap3A_758], %swap3A_761 {strides = array<i32>} : memref<520x128xf32, #tpu.memory_space<vmem>>, vector<1x16xf32>,
          %mul3A_762 = arith.constant 16 : i32
          %mul3A_763 = arith.muli %select_n3A_649, %mul3A_762 : i32
          %get3A_764 = arith.index_cast %mul3A_763 : i32 to index
          %get3A_765 = tpu.vector_load %arg12[%get3A_764] {strides = array<i32>} : memref<8320xf32, #tpu.memory_space<vmem>>, vector<16xf32>,
          %get3A_766 = vector.shape_cast %get3A_765 : vector<16xf32> to vector<16xf32>
          %mul3A_767 = arith.constant 16 : i32
          %mul3A_768 = arith.muli %add3A_636, %mul3A_767 : i32
          %get3A_769 = arith.index_cast %mul3A_768 : i32 to index
          %get3A_770 = tpu.vector_load %arg20[%get3A_769] {strides = array<i32>} : memref<1280xf32, #tpu.memory_space<vmem>>, vector<16xf32>,
          %get3A_771 = vector.shape_cast %get3A_770 : vector<16xf32> to vector<16xf32>
          %add3A_772 = arith.addf %get3A_766, %get3A_771 : vector<16xf32>
          %swap3A_773 = arith.index_cast %mul3A_763 : i32 to index
          %swap3A_774 = tpu.vector_load %arg12[%swap3A_773] {strides = array<i32>} : memref<8320xf32, #tpu.memory_space<vmem>>, vector<16xf32>,
          %swap3A_775 = vector.shape_cast %swap3A_774 : vector<16xf32> to vector<16xf32>
          %swap3A_776 = vector.shape_cast %add3A_772 : vector<16xf32> to vector<16xf32>
          tpu.vector_store %arg12[%swap3A_773], %swap3A_776 {strides = array<i32>} : memref<8320xf32, #tpu.memory_space<vmem>>, vector<16xf32>,
          %mul3A_777 = arith.constant 16 : i32
          %mul3A_778 = arith.muli %scan3A_58, %mul3A_777 : i32
          %add3A_779 = arith.constant 5 : i32
          %add3A_780 = arith.addi %mul3A_778, %add3A_779 : i32
          %slice3A_781 = vector.extract_strided_slice %sub3A_66 {offsets = [5], sizes = [1], strides = [1]} : vector<16xi32> to vector<1xi32>
          %squeeze3A_782 = vector.extract %slice3A_781[0] : i32 from vector<1xi32>
          %ge3A_783 = arith.constant 0 : i32
          %ge3A_784 = arith.cmpi sge, %squeeze3A_782, %ge3A_783 : i32
          %lt3A_785 = arith.constant 512 : i32
          %lt3A_786 = arith.cmpi slt, %squeeze3A_782, %lt3A_785 : i32
          %and3A_787 = arith.andi %ge3A_784, %lt3A_786 : i1
          %jit3A_788 = arith.constant 0 : i32
          %jit3A_789 = arith.constant 511 : i32
          %max3A_790 = arith.maxsi %jit3A_788, %squeeze3A_782 : i32
          %min3A_791 = arith.minsi %jit3A_789, %max3A_790 : i32
          %jit3A_792 = arith.constant 512 : i32
          %select_n3A_793 = arith.select %and3A_787, %min3A_791, %jit3A_792 : i32
          %get3A_794 = arith.index_cast %select_n3A_793 : i32 to index
          %get3A_795 = arith.constant 0 : index
          %get3A_796 = tpu.vector_load %arg11[%get3A_794, %get3A_795] {strides = array<i32>} : memref<520x128xf32, #tpu.memory_space<vmem>>, vector<1x16xf32>,
          %get3A_797 = vector.shape_cast %get3A_796 : vector<1x16xf32> to vector<16xf32>
          %get3A_798 = arith.index_cast %add3A_780 : i32 to index
          %get3A_799 = arith.constant 0 : index
          %get3A_800 = tpu.vector_load %arg19[%get3A_798, %get3A_799] {strides = array<i32>} : memref<80x128xf32, #tpu.memory_space<vmem>>, vector<1x16xf32>,
          %get3A_801 = vector.shape_cast %get3A_800 : vector<1x16xf32> to vector<16xf32>
          %add3A_802 = arith.addf %get3A_797, %get3A_801 : vector<16xf32>
          %swap3A_803 = arith.index_cast %select_n3A_793 : i32 to index
          %swap3A_804 = arith.constant 0 : index
          %swap3A_805 = tpu.vector_load %arg11[%swap3A_803, %swap3A_804] {strides = array<i32>} : memref<520x128xf32, #tpu.memory_space<vmem>>, vector<1x16xf32>,
          %swap3A_806 = vector.shape_cast %swap3A_805 : vector<1x16xf32> to vector<16xf32>
          %swap3A_807 = vector.shape_cast %add3A_802 : vector<16xf32> to vector<1x16xf32>
          tpu.vector_store %arg11[%swap3A_803, %swap3A_804], %swap3A_807 {strides = array<i32>} : memref<520x128xf32, #tpu.memory_space<vmem>>, vector<1x16xf32>,
          %get3A_808 = arith.index_cast %select_n3A_793 : i32 to index
          %get3A_809 = arith.constant 16 : index
          %get3A_810 = tpu.vector_load %arg11[%get3A_808, %get3A_809] {strides = array<i32>} : memref<520x128xf32, #tpu.memory_space<vmem>>, vector<1x16xf32>,
          %get3A_811 = vector.shape_cast %get3A_810 : vector<1x16xf32> to vector<16xf32>
          %get3A_812 = arith.index_cast %add3A_780 : i32 to index
          %get3A_813 = arith.constant 16 : index
          %get3A_814 = tpu.vector_load %arg19[%get3A_812, %get3A_813] {strides = array<i32>} : memref<80x128xf32, #tpu.memory_space<vmem>>, vector<1x16xf32>,
          %get3A_815 = vector.shape_cast %get3A_814 : vector<1x16xf32> to vector<16xf32>
          %add3A_816 = arith.addf %get3A_811, %get3A_815 : vector<16xf32>
          %swap3A_817 = arith.index_cast %select_n3A_793 : i32 to index
          %swap3A_818 = arith.constant 16 : index
          %swap3A_819 = tpu.vector_load %arg11[%swap3A_817, %swap3A_818] {strides = array<i32>} : memref<520x128xf32, #tpu.memory_space<vmem>>, vector<1x16xf32>,
          %swap3A_820 = vector.shape_cast %swap3A_819 : vector<1x16xf32> to vector<16xf32>
          %swap3A_821 = vector.shape_cast %add3A_816 : vector<16xf32> to vector<1x16xf32>
          tpu.vector_store %arg11[%swap3A_817, %swap3A_818], %swap3A_821 {strides = array<i32>} : memref<520x128xf32, #tpu.memory_space<vmem>>, vector<1x16xf32>,
          %get3A_822 = arith.index_cast %select_n3A_793 : i32 to index
          %get3A_823 = arith.constant 32 : index
          %get3A_824 = tpu.vector_load %arg11[%get3A_822, %get3A_823] {strides = array<i32>} : memref<520x128xf32, #tpu.memory_space<vmem>>, vector<1x16xf32>,
          %get3A_825 = vector.shape_cast %get3A_824 : vector<1x16xf32> to vector<16xf32>
          %get3A_826 = arith.index_cast %add3A_780 : i32 to index
          %get3A_827 = arith.constant 32 : index
          %get3A_828 = tpu.vector_load %arg19[%get3A_826, %get3A_827] {strides = array<i32>} : memref<80x128xf32, #tpu.memory_space<vmem>>, vector<1x16xf32>,
          %get3A_829 = vector.shape_cast %get3A_828 : vector<1x16xf32> to vector<16xf32>
          %add3A_830 = arith.addf %get3A_825, %get3A_829 : vector<16xf32>
          %swap3A_831 = arith.index_cast %select_n3A_793 : i32 to index
          %swap3A_832 = arith.constant 32 : index
          %swap3A_833 = tpu.vector_load %arg11[%swap3A_831, %swap3A_832] {strides = array<i32>} : memref<520x128xf32, #tpu.memory_space<vmem>>, vector<1x16xf32>,
          %swap3A_834 = vector.shape_cast %swap3A_833 : vector<1x16xf32> to vector<16xf32>
          %swap3A_835 = vector.shape_cast %add3A_830 : vector<16xf32> to vector<1x16xf32>
          tpu.vector_store %arg11[%swap3A_831, %swap3A_832], %swap3A_835 {strides = array<i32>} : memref<520x128xf32, #tpu.memory_space<vmem>>, vector<1x16xf32>,
          %get3A_836 = arith.index_cast %select_n3A_793 : i32 to index
          %get3A_837 = arith.constant 48 : index
          %get3A_838 = tpu.vector_load %arg11[%get3A_836, %get3A_837] {strides = array<i32>} : memref<520x128xf32, #tpu.memory_space<vmem>>, vector<1x16xf32>,
          %get3A_839 = vector.shape_cast %get3A_838 : vector<1x16xf32> to vector<16xf32>
          %get3A_840 = arith.index_cast %add3A_780 : i32 to index
          %get3A_841 = arith.constant 48 : index
          %get3A_842 = tpu.vector_load %arg19[%get3A_840, %get3A_841] {strides = array<i32>} : memref<80x128xf32, #tpu.memory_space<vmem>>, vector<1x16xf32>,
          %get3A_843 = vector.shape_cast %get3A_842 : vector<1x16xf32> to vector<16xf32>
          %add3A_844 = arith.addf %get3A_839, %get3A_843 : vector<16xf32>
          %swap3A_845 = arith.index_cast %select_n3A_793 : i32 to index
          %swap3A_846 = arith.constant 48 : index
          %swap3A_847 = tpu.vector_load %arg11[%swap3A_845, %swap3A_846] {strides = array<i32>} : memref<520x128xf32, #tpu.memory_space<vmem>>, vector<1x16xf32>,
          %swap3A_848 = vector.shape_cast %swap3A_847 : vector<1x16xf32> to vector<16xf32>
          %swap3A_849 = vector.shape_cast %add3A_844 : vector<16xf32> to vector<1x16xf32>
          tpu.vector_store %arg11[%swap3A_845, %swap3A_846], %swap3A_849 {strides = array<i32>} : memref<520x128xf32, #tpu.memory_space<vmem>>, vector<1x16xf32>,
          %get3A_850 = arith.index_cast %select_n3A_793 : i32 to index
          %get3A_851 = arith.constant 64 : index
          %get3A_852 = tpu.vector_load %arg11[%get3A_850, %get3A_851] {strides = array<i32>} : memref<520x128xf32, #tpu.memory_space<vmem>>, vector<1x16xf32>,
          %get3A_853 = vector.shape_cast %get3A_852 : vector<1x16xf32> to vector<16xf32>
          %get3A_854 = arith.index_cast %add3A_780 : i32 to index
          %get3A_855 = arith.constant 64 : index
          %get3A_856 = tpu.vector_load %arg19[%get3A_854, %get3A_855] {strides = array<i32>} : memref<80x128xf32, #tpu.memory_space<vmem>>, vector<1x16xf32>,
          %get3A_857 = vector.shape_cast %get3A_856 : vector<1x16xf32> to vector<16xf32>
          %add3A_858 = arith.addf %get3A_853, %get3A_857 : vector<16xf32>
          %swap3A_859 = arith.index_cast %select_n3A_793 : i32 to index
          %swap3A_860 = arith.constant 64 : index
          %swap3A_861 = tpu.vector_load %arg11[%swap3A_859, %swap3A_860] {strides = array<i32>} : memref<520x128xf32, #tpu.memory_space<vmem>>, vector<1x16xf32>,
          %swap3A_862 = vector.shape_cast %swap3A_861 : vector<1x16xf32> to vector<16xf32>
          %swap3A_863 = vector.shape_cast %add3A_858 : vector<16xf32> to vector<1x16xf32>
          tpu.vector_store %arg11[%swap3A_859, %swap3A_860], %swap3A_863 {strides = array<i32>} : memref<520x128xf32, #tpu.memory_space<vmem>>, vector<1x16xf32>,
          %get3A_864 = arith.index_cast %select_n3A_793 : i32 to index
          %get3A_865 = arith.constant 80 : index
          %get3A_866 = tpu.vector_load %arg11[%get3A_864, %get3A_865] {strides = array<i32>} : memref<520x128xf32, #tpu.memory_space<vmem>>, vector<1x16xf32>,
          %get3A_867 = vector.shape_cast %get3A_866 : vector<1x16xf32> to vector<16xf32>
          %get3A_868 = arith.index_cast %add3A_780 : i32 to index
          %get3A_869 = arith.constant 80 : index
          %get3A_870 = tpu.vector_load %arg19[%get3A_868, %get3A_869] {strides = array<i32>} : memref<80x128xf32, #tpu.memory_space<vmem>>, vector<1x16xf32>,
          %get3A_871 = vector.shape_cast %get3A_870 : vector<1x16xf32> to vector<16xf32>
          %add3A_872 = arith.addf %get3A_867, %get3A_871 : vector<16xf32>
          %swap3A_873 = arith.index_cast %select_n3A_793 : i32 to index
          %swap3A_874 = arith.constant 80 : index
          %swap3A_875 = tpu.vector_load %arg11[%swap3A_873, %swap3A_874] {strides = array<i32>} : memref<520x128xf32, #tpu.memory_space<vmem>>, vector<1x16xf32>,
          %swap3A_876 = vector.shape_cast %swap3A_875 : vector<1x16xf32> to vector<16xf32>
          %swap3A_877 = vector.shape_cast %add3A_872 : vector<16xf32> to vector<1x16xf32>
          tpu.vector_store %arg11[%swap3A_873, %swap3A_874], %swap3A_877 {strides = array<i32>} : memref<520x128xf32, #tpu.memory_space<vmem>>, vector<1x16xf32>,
          %get3A_878 = arith.index_cast %select_n3A_793 : i32 to index
          %get3A_879 = arith.constant 96 : index
          %get3A_880 = tpu.vector_load %arg11[%get3A_878, %get3A_879] {strides = array<i32>} : memref<520x128xf32, #tpu.memory_space<vmem>>, vector<1x16xf32>,
          %get3A_881 = vector.shape_cast %get3A_880 : vector<1x16xf32> to vector<16xf32>
          %get3A_882 = arith.index_cast %add3A_780 : i32 to index
          %get3A_883 = arith.constant 96 : index
          %get3A_884 = tpu.vector_load %arg19[%get3A_882, %get3A_883] {strides = array<i32>} : memref<80x128xf32, #tpu.memory_space<vmem>>, vector<1x16xf32>,
          %get3A_885 = vector.shape_cast %get3A_884 : vector<1x16xf32> to vector<16xf32>
          %add3A_886 = arith.addf %get3A_881, %get3A_885 : vector<16xf32>
          %swap3A_887 = arith.index_cast %select_n3A_793 : i32 to index
          %swap3A_888 = arith.constant 96 : index
          %swap3A_889 = tpu.vector_load %arg11[%swap3A_887, %swap3A_888] {strides = array<i32>} : memref<520x128xf32, #tpu.memory_space<vmem>>, vector<1x16xf32>,
          %swap3A_890 = vector.shape_cast %swap3A_889 : vector<1x16xf32> to vector<16xf32>
          %swap3A_891 = vector.shape_cast %add3A_886 : vector<16xf32> to vector<1x16xf32>
          tpu.vector_store %arg11[%swap3A_887, %swap3A_888], %swap3A_891 {strides = array<i32>} : memref<520x128xf32, #tpu.memory_space<vmem>>, vector<1x16xf32>,
          %get3A_892 = arith.index_cast %select_n3A_793 : i32 to index
          %get3A_893 = arith.constant 112 : index
          %get3A_894 = tpu.vector_load %arg11[%get3A_892, %get3A_893] {strides = array<i32>} : memref<520x128xf32, #tpu.memory_space<vmem>>, vector<1x16xf32>,
          %get3A_895 = vector.shape_cast %get3A_894 : vector<1x16xf32> to vector<16xf32>
          %get3A_896 = arith.index_cast %add3A_780 : i32 to index
          %get3A_897 = arith.constant 112 : index
          %get3A_898 = tpu.vector_load %arg19[%get3A_896, %get3A_897] {strides = array<i32>} : memref<80x128xf32, #tpu.memory_space<vmem>>, vector<1x16xf32>,
          %get3A_899 = vector.shape_cast %get3A_898 : vector<1x16xf32> to vector<16xf32>
          %add3A_900 = arith.addf %get3A_895, %get3A_899 : vector<16xf32>
          %swap3A_901 = arith.index_cast %select_n3A_793 : i32 to index
          %swap3A_902 = arith.constant 112 : index
          %swap3A_903 = tpu.vector_load %arg11[%swap3A_901, %swap3A_902] {strides = array<i32>} : memref<520x128xf32, #tpu.memory_space<vmem>>, vector<1x16xf32>,
          %swap3A_904 = vector.shape_cast %swap3A_903 : vector<1x16xf32> to vector<16xf32>
          %swap3A_905 = vector.shape_cast %add3A_900 : vector<16xf32> to vector<1x16xf32>
          tpu.vector_store %arg11[%swap3A_901, %swap3A_902], %swap3A_905 {strides = array<i32>} : memref<520x128xf32, #tpu.memory_space<vmem>>, vector<1x16xf32>,
          %mul3A_906 = arith.constant 16 : i32
          %mul3A_907 = arith.muli %select_n3A_793, %mul3A_906 : i32
          %get3A_908 = arith.index_cast %mul3A_907 : i32 to index
          %get3A_909 = tpu.vector_load %arg12[%get3A_908] {strides = array<i32>} : memref<8320xf32, #tpu.memory_space<vmem>>, vector<16xf32>,
          %get3A_910 = vector.shape_cast %get3A_909 : vector<16xf32> to vector<16xf32>
          %mul3A_911 = arith.constant 16 : i32
          %mul3A_912 = arith.muli %add3A_780, %mul3A_911 : i32
          %get3A_913 = arith.index_cast %mul3A_912 : i32 to index
          %get3A_914 = tpu.vector_load %arg20[%get3A_913] {strides = array<i32>} : memref<1280xf32, #tpu.memory_space<vmem>>, vector<16xf32>,
          %get3A_915 = vector.shape_cast %get3A_914 : vector<16xf32> to vector<16xf32>
          %add3A_916 = arith.addf %get3A_910, %get3A_915 : vector<16xf32>
          %swap3A_917 = arith.index_cast %mul3A_907 : i32 to index
          %swap3A_918 = tpu.vector_load %arg12[%swap3A_917] {strides = array<i32>} : memref<8320xf32, #tpu.memory_space<vmem>>, vector<16xf32>,
          %swap3A_919 = vector.shape_cast %swap3A_918 : vector<16xf32> to vector<16xf32>
          %swap3A_920 = vector.shape_cast %add3A_916 : vector<16xf32> to vector<16xf32>
          tpu.vector_store %arg12[%swap3A_917], %swap3A_920 {strides = array<i32>} : memref<8320xf32, #tpu.memory_space<vmem>>, vector<16xf32>,
          %mul3A_921 = arith.constant 16 : i32
          %mul3A_922 = arith.muli %scan3A_58, %mul3A_921 : i32
          %add3A_923 = arith.constant 6 : i32
          %add3A_924 = arith.addi %mul3A_922, %add3A_923 : i32
          %slice3A_925 = vector.extract_strided_slice %sub3A_66 {offsets = [6], sizes = [1], strides = [1]} : vector<16xi32> to vector<1xi32>
          %squeeze3A_926 = vector.extract %slice3A_925[0] : i32 from vector<1xi32>
          %ge3A_927 = arith.constant 0 : i32
          %ge3A_928 = arith.cmpi sge, %squeeze3A_926, %ge3A_927 : i32
          %lt3A_929 = arith.constant 512 : i32
          %lt3A_930 = arith.cmpi slt, %squeeze3A_926, %lt3A_929 : i32
          %and3A_931 = arith.andi %ge3A_928, %lt3A_930 : i1
          %jit3A_932 = arith.constant 0 : i32
          %jit3A_933 = arith.constant 511 : i32
          %max3A_934 = arith.maxsi %jit3A_932, %squeeze3A_926 : i32
          %min3A_935 = arith.minsi %jit3A_933, %max3A_934 : i32
          %jit3A_936 = arith.constant 512 : i32
          %select_n3A_937 = arith.select %and3A_931, %min3A_935, %jit3A_936 : i32
          %get3A_938 = arith.index_cast %select_n3A_937 : i32 to index
          %get3A_939 = arith.constant 0 : index
          %get3A_940 = tpu.vector_load %arg11[%get3A_938, %get3A_939] {strides = array<i32>} : memref<520x128xf32, #tpu.memory_space<vmem>>, vector<1x16xf32>,
          %get3A_941 = vector.shape_cast %get3A_940 : vector<1x16xf32> to vector<16xf32>
          %get3A_942 = arith.index_cast %add3A_924 : i32 to index
          %get3A_943 = arith.constant 0 : index
          %get3A_944 = tpu.vector_load %arg19[%get3A_942, %get3A_943] {strides = array<i32>} : memref<80x128xf32, #tpu.memory_space<vmem>>, vector<1x16xf32>,
          %get3A_945 = vector.shape_cast %get3A_944 : vector<1x16xf32> to vector<16xf32>
          %add3A_946 = arith.addf %get3A_941, %get3A_945 : vector<16xf32>
          %swap3A_947 = arith.index_cast %select_n3A_937 : i32 to index
          %swap3A_948 = arith.constant 0 : index
          %swap3A_949 = tpu.vector_load %arg11[%swap3A_947, %swap3A_948] {strides = array<i32>} : memref<520x128xf32, #tpu.memory_space<vmem>>, vector<1x16xf32>,
          %swap3A_950 = vector.shape_cast %swap3A_949 : vector<1x16xf32> to vector<16xf32>
          %swap3A_951 = vector.shape_cast %add3A_946 : vector<16xf32> to vector<1x16xf32>
          tpu.vector_store %arg11[%swap3A_947, %swap3A_948], %swap3A_951 {strides = array<i32>} : memref<520x128xf32, #tpu.memory_space<vmem>>, vector<1x16xf32>,
          %get3A_952 = arith.index_cast %select_n3A_937 : i32 to index
          %get3A_953 = arith.constant 16 : index
          %get3A_954 = tpu.vector_load %arg11[%get3A_952, %get3A_953] {strides = array<i32>} : memref<520x128xf32, #tpu.memory_space<vmem>>, vector<1x16xf32>,
          %get3A_955 = vector.shape_cast %get3A_954 : vector<1x16xf32> to vector<16xf32>
          %get3A_956 = arith.index_cast %add3A_924 : i32 to index
          %get3A_957 = arith.constant 16 : index
          %get3A_958 = tpu.vector_load %arg19[%get3A_956, %get3A_957] {strides = array<i32>} : memref<80x128xf32, #tpu.memory_space<vmem>>, vector<1x16xf32>,
          %get3A_959 = vector.shape_cast %get3A_958 : vector<1x16xf32> to vector<16xf32>
          %add3A_960 = arith.addf %get3A_955, %get3A_959 : vector<16xf32>
          %swap3A_961 = arith.index_cast %select_n3A_937 : i32 to index
          %swap3A_962 = arith.constant 16 : index
          %swap3A_963 = tpu.vector_load %arg11[%swap3A_961, %swap3A_962] {strides = array<i32>} : memref<520x128xf32, #tpu.memory_space<vmem>>, vector<1x16xf32>,
          %swap3A_964 = vector.shape_cast %swap3A_963 : vector<1x16xf32> to vector<16xf32>
          %swap3A_965 = vector.shape_cast %add3A_960 : vector<16xf32> to vector<1x16xf32>
          tpu.vector_store %arg11[%swap3A_961, %swap3A_962], %swap3A_965 {strides = array<i32>} : memref<520x128xf32, #tpu.memory_space<vmem>>, vector<1x16xf32>,
          %get3A_966 = arith.index_cast %select_n3A_937 : i32 to index
          %get3A_967 = arith.constant 32 : index
          %get3A_968 = tpu.vector_load %arg11[%get3A_966, %get3A_967] {strides = array<i32>} : memref<520x128xf32, #tpu.memory_space<vmem>>, vector<1x16xf32>,
          %get3A_969 = vector.shape_cast %get3A_968 : vector<1x16xf32> to vector<16xf32>
          %get3A_970 = arith.index_cast %add3A_924 : i32 to index
          %get3A_971 = arith.constant 32 : index
          %get3A_972 = tpu.vector_load %arg19[%get3A_970, %get3A_971] {strides = array<i32>} : memref<80x128xf32, #tpu.memory_space<vmem>>, vector<1x16xf32>,
          %get3A_973 = vector.shape_cast %get3A_972 : vector<1x16xf32> to vector<16xf32>
          %add3A_974 = arith.addf %get3A_969, %get3A_973 : vector<16xf32>
          %swap3A_975 = arith.index_cast %select_n3A_937 : i32 to index
          %swap3A_976 = arith.constant 32 : index
          %swap3A_977 = tpu.vector_load %arg11[%swap3A_975, %swap3A_976] {strides = array<i32>} : memref<520x128xf32, #tpu.memory_space<vmem>>, vector<1x16xf32>,
          %swap3A_978 = vector.shape_cast %swap3A_977 : vector<1x16xf32> to vector<16xf32>
          %swap3A_979 = vector.shape_cast %add3A_974 : vector<16xf32> to vector<1x16xf32>
          tpu.vector_store %arg11[%swap3A_975, %swap3A_976], %swap3A_979 {strides = array<i32>} : memref<520x128xf32, #tpu.memory_space<vmem>>, vector<1x16xf32>,
          %get3A_980 = arith.index_cast %select_n3A_937 : i32 to index
          %get3A_981 = arith.constant 48 : index
          %get3A_982 = tpu.vector_load %arg11[%get3A_980, %get3A_981] {strides = array<i32>} : memref<520x128xf32, #tpu.memory_space<vmem>>, vector<1x16xf32>,
          %get3A_983 = vector.shape_cast %get3A_982 : vector<1x16xf32> to vector<16xf32>
          %get3A_984 = arith.index_cast %add3A_924 : i32 to index
          %get3A_985 = arith.constant 48 : index
          %get3A_986 = tpu.vector_load %arg19[%get3A_984, %get3A_985] {strides = array<i32>} : memref<80x128xf32, #tpu.memory_space<vmem>>, vector<1x16xf32>,
          %get3A_987 = vector.shape_cast %get3A_986 : vector<1x16xf32> to vector<16xf32>
          %add3A_988 = arith.addf %get3A_983, %get3A_987 : vector<16xf32>
          %swap3A_989 = arith.index_cast %select_n3A_937 : i32 to index
          %swap3A_990 = arith.constant 48 : index
          %swap3A_991 = tpu.vector_load %arg11[%swap3A_989, %swap3A_990] {strides = array<i32>} : memref<520x128xf32, #tpu.memory_space<vmem>>, vector<1x16xf32>,
          %swap3A_992 = vector.shape_cast %swap3A_991 : vector<1x16xf32> to vector<16xf32>
          %swap3A_993 = vector.shape_cast %add3A_988 : vector<16xf32> to vector<1x16xf32>
          tpu.vector_store %arg11[%swap3A_989, %swap3A_990], %swap3A_993 {strides = array<i32>} : memref<520x128xf32, #tpu.memory_space<vmem>>, vector<1x16xf32>,
          %get3A_994 = arith.index_cast %select_n3A_937 : i32 to index
          %get3A_995 = arith.constant 64 : index
          %get3A_996 = tpu.vector_load %arg11[%get3A_994, %get3A_995] {strides = array<i32>} : memref<520x128xf32, #tpu.memory_space<vmem>>, vector<1x16xf32>,
          %get3A_997 = vector.shape_cast %get3A_996 : vector<1x16xf32> to vector<16xf32>
          %get3A_998 = arith.index_cast %add3A_924 : i32 to index
          %get3A_999 = arith.constant 64 : index
          %get3A_1000 = tpu.vector_load %arg19[%get3A_998, %get3A_999] {strides = array<i32>} : memref<80x128xf32, #tpu.memory_space<vmem>>, vector<1x16xf32>,
          %get3A_1001 = vector.shape_cast %get3A_1000 : vector<1x16xf32> to vector<16xf32>
          %add3A_1002 = arith.addf %get3A_997, %get3A_1001 : vector<16xf32>
          %swap3A_1003 = arith.index_cast %select_n3A_937 : i32 to index
          %swap3A_1004 = arith.constant 64 : index
          %swap3A_1005 = tpu.vector_load %arg11[%swap3A_1003, %swap3A_1004] {strides = array<i32>} : memref<520x128xf32, #tpu.memory_space<vmem>>, vector<1x16xf32>,
          %swap3A_1006 = vector.shape_cast %swap3A_1005 : vector<1x16xf32> to vector<16xf32>
          %swap3A_1007 = vector.shape_cast %add3A_1002 : vector<16xf32> to vector<1x16xf32>
          tpu.vector_store %arg11[%swap3A_1003, %swap3A_1004], %swap3A_1007 {strides = array<i32>} : memref<520x128xf32, #tpu.memory_space<vmem>>, vector<1x16xf32>,
          %get3A_1008 = arith.index_cast %select_n3A_937 : i32 to index
          %get3A_1009 = arith.constant 80 : index
          %get3A_1010 = tpu.vector_load %arg11[%get3A_1008, %get3A_1009] {strides = array<i32>} : memref<520x128xf32, #tpu.memory_space<vmem>>, vector<1x16xf32>,
          %get3A_1011 = vector.shape_cast %get3A_1010 : vector<1x16xf32> to vector<16xf32>
          %get3A_1012 = arith.index_cast %add3A_924 : i32 to index
          %get3A_1013 = arith.constant 80 : index
          %get3A_1014 = tpu.vector_load %arg19[%get3A_1012, %get3A_1013] {strides = array<i32>} : memref<80x128xf32, #tpu.memory_space<vmem>>, vector<1x16xf32>,
          %get3A_1015 = vector.shape_cast %get3A_1014 : vector<1x16xf32> to vector<16xf32>
          %add3A_1016 = arith.addf %get3A_1011, %get3A_1015 : vector<16xf32>
          %swap3A_1017 = arith.index_cast %select_n3A_937 : i32 to index
          %swap3A_1018 = arith.constant 80 : index
          %swap3A_1019 = tpu.vector_load %arg11[%swap3A_1017, %swap3A_1018] {strides = array<i32>} : memref<520x128xf32, #tpu.memory_space<vmem>>, vector<1x16xf32>,
          %swap3A_1020 = vector.shape_cast %swap3A_1019 : vector<1x16xf32> to vector<16xf32>
          %swap3A_1021 = vector.shape_cast %add3A_1016 : vector<16xf32> to vector<1x16xf32>
          tpu.vector_store %arg11[%swap3A_1017, %swap3A_1018], %swap3A_1021 {strides = array<i32>} : memref<520x128xf32, #tpu.memory_space<vmem>>, vector<1x16xf32>,
          %get3A_1022 = arith.index_cast %select_n3A_937 : i32 to index
          %get3A_1023 = arith.constant 96 : index
          %get3A_1024 = tpu.vector_load %arg11[%get3A_1022, %get3A_1023] {strides = array<i32>} : memref<520x128xf32, #tpu.memory_space<vmem>>, vector<1x16xf32>,
          %get3A_1025 = vector.shape_cast %get3A_1024 : vector<1x16xf32> to vector<16xf32>
          %get3A_1026 = arith.index_cast %add3A_924 : i32 to index
          %get3A_1027 = arith.constant 96 : index
          %get3A_1028 = tpu.vector_load %arg19[%get3A_1026, %get3A_1027] {strides = array<i32>} : memref<80x128xf32, #tpu.memory_space<vmem>>, vector<1x16xf32>,
          %get3A_1029 = vector.shape_cast %get3A_1028 : vector<1x16xf32> to vector<16xf32>
          %add3A_1030 = arith.addf %get3A_1025, %get3A_1029 : vector<16xf32>
          %swap3A_1031 = arith.index_cast %select_n3A_937 : i32 to index
          %swap3A_1032 = arith.constant 96 : index
          %swap3A_1033 = tpu.vector_load %arg11[%swap3A_1031, %swap3A_1032] {strides = array<i32>} : memref<520x128xf32, #tpu.memory_space<vmem>>, vector<1x16xf32>,
          %swap3A_1034 = vector.shape_cast %swap3A_1033 : vector<1x16xf32> to vector<16xf32>
          %swap3A_1035 = vector.shape_cast %add3A_1030 : vector<16xf32> to vector<1x16xf32>
          tpu.vector_store %arg11[%swap3A_1031, %swap3A_1032], %swap3A_1035 {strides = array<i32>} : memref<520x128xf32, #tpu.memory_space<vmem>>, vector<1x16xf32>,
          %get3A_1036 = arith.index_cast %select_n3A_937 : i32 to index
          %get3A_1037 = arith.constant 112 : index
          %get3A_1038 = tpu.vector_load %arg11[%get3A_1036, %get3A_1037] {strides = array<i32>} : memref<520x128xf32, #tpu.memory_space<vmem>>, vector<1x16xf32>,
          %get3A_1039 = vector.shape_cast %get3A_1038 : vector<1x16xf32> to vector<16xf32>
          %get3A_1040 = arith.index_cast %add3A_924 : i32 to index
          %get3A_1041 = arith.constant 112 : index
          %get3A_1042 = tpu.vector_load %arg19[%get3A_1040, %get3A_1041] {strides = array<i32>} : memref<80x128xf32, #tpu.memory_space<vmem>>, vector<1x16xf32>,
          %get3A_1043 = vector.shape_cast %get3A_1042 : vector<1x16xf32> to vector<16xf32>
          %add3A_1044 = arith.addf %get3A_1039, %get3A_1043 : vector<16xf32>
          %swap3A_1045 = arith.index_cast %select_n3A_937 : i32 to index
          %swap3A_1046 = arith.constant 112 : index
          %swap3A_1047 = tpu.vector_load %arg11[%swap3A_1045, %swap3A_1046] {strides = array<i32>} : memref<520x128xf32, #tpu.memory_space<vmem>>, vector<1x16xf32>,
          %swap3A_1048 = vector.shape_cast %swap3A_1047 : vector<1x16xf32> to vector<16xf32>
          %swap3A_1049 = vector.shape_cast %add3A_1044 : vector<16xf32> to vector<1x16xf32>
          tpu.vector_store %arg11[%swap3A_1045, %swap3A_1046], %swap3A_1049 {strides = array<i32>} : memref<520x128xf32, #tpu.memory_space<vmem>>, vector<1x16xf32>,
          %mul3A_1050 = arith.constant 16 : i32
          %mul3A_1051 = arith.muli %select_n3A_937, %mul3A_1050 : i32
          %get3A_1052 = arith.index_cast %mul3A_1051 : i32 to index
          %get3A_1053 = tpu.vector_load %arg12[%get3A_1052] {strides = array<i32>} : memref<8320xf32, #tpu.memory_space<vmem>>, vector<16xf32>,
          %get3A_1054 = vector.shape_cast %get3A_1053 : vector<16xf32> to vector<16xf32>
          %mul3A_1055 = arith.constant 16 : i32
          %mul3A_1056 = arith.muli %add3A_924, %mul3A_1055 : i32
          %get3A_1057 = arith.index_cast %mul3A_1056 : i32 to index
          %get3A_1058 = tpu.vector_load %arg20[%get3A_1057] {strides = array<i32>} : memref<1280xf32, #tpu.memory_space<vmem>>, vector<16xf32>,
          %get3A_1059 = vector.shape_cast %get3A_1058 : vector<16xf32> to vector<16xf32>
          %add3A_1060 = arith.addf %get3A_1054, %get3A_1059 : vector<16xf32>
          %swap3A_1061 = arith.index_cast %mul3A_1051 : i32 to index
          %swap3A_1062 = tpu.vector_load %arg12[%swap3A_1061] {strides = array<i32>} : memref<8320xf32, #tpu.memory_space<vmem>>, vector<16xf32>,
          %swap3A_1063 = vector.shape_cast %swap3A_1062 : vector<16xf32> to vector<16xf32>
          %swap3A_1064 = vector.shape_cast %add3A_1060 : vector<16xf32> to vector<16xf32>
          tpu.vector_store %arg12[%swap3A_1061], %swap3A_1064 {strides = array<i32>} : memref<8320xf32, #tpu.memory_space<vmem>>, vector<16xf32>,
          %mul3A_1065 = arith.constant 16 : i32
          %mul3A_1066 = arith.muli %scan3A_58, %mul3A_1065 : i32
          %add3A_1067 = arith.constant 7 : i32
          %add3A_1068 = arith.addi %mul3A_1066, %add3A_1067 : i32
          %slice3A_1069 = vector.extract_strided_slice %sub3A_66 {offsets = [7], sizes = [1], strides = [1]} : vector<16xi32> to vector<1xi32>
          %squeeze3A_1070 = vector.extract %slice3A_1069[0] : i32 from vector<1xi32>
          %ge3A_1071 = arith.constant 0 : i32
          %ge3A_1072 = arith.cmpi sge, %squeeze3A_1070, %ge3A_1071 : i32
          %lt3A_1073 = arith.constant 512 : i32
          %lt3A_1074 = arith.cmpi slt, %squeeze3A_1070, %lt3A_1073 : i32
          %and3A_1075 = arith.andi %ge3A_1072, %lt3A_1074 : i1
          %jit3A_1076 = arith.constant 0 : i32
          %jit3A_1077 = arith.constant 511 : i32
          %max3A_1078 = arith.maxsi %jit3A_1076, %squeeze3A_1070 : i32
          %min3A_1079 = arith.minsi %jit3A_1077, %max3A_1078 : i32
          %jit3A_1080 = arith.constant 512 : i32
          %select_n3A_1081 = arith.select %and3A_1075, %min3A_1079, %jit3A_1080 : i32
          %get3A_1082 = arith.index_cast %select_n3A_1081 : i32 to index
          %get3A_1083 = arith.constant 0 : index
          %get3A_1084 = tpu.vector_load %arg11[%get3A_1082, %get3A_1083] {strides = array<i32>} : memref<520x128xf32, #tpu.memory_space<vmem>>, vector<1x16xf32>,
          %get3A_1085 = vector.shape_cast %get3A_1084 : vector<1x16xf32> to vector<16xf32>
          %get3A_1086 = arith.index_cast %add3A_1068 : i32 to index
          %get3A_1087 = arith.constant 0 : index
          %get3A_1088 = tpu.vector_load %arg19[%get3A_1086, %get3A_1087] {strides = array<i32>} : memref<80x128xf32, #tpu.memory_space<vmem>>, vector<1x16xf32>,
          %get3A_1089 = vector.shape_cast %get3A_1088 : vector<1x16xf32> to vector<16xf32>
          %add3A_1090 = arith.addf %get3A_1085, %get3A_1089 : vector<16xf32>
          %swap3A_1091 = arith.index_cast %select_n3A_1081 : i32 to index
          %swap3A_1092 = arith.constant 0 : index
          %swap3A_1093 = tpu.vector_load %arg11[%swap3A_1091, %swap3A_1092] {strides = array<i32>} : memref<520x128xf32, #tpu.memory_space<vmem>>, vector<1x16xf32>,
          %swap3A_1094 = vector.shape_cast %swap3A_1093 : vector<1x16xf32> to vector<16xf32>
          %swap3A_1095 = vector.shape_cast %add3A_1090 : vector<16xf32> to vector<1x16xf32>
          tpu.vector_store %arg11[%swap3A_1091, %swap3A_1092], %swap3A_1095 {strides = array<i32>} : memref<520x128xf32, #tpu.memory_space<vmem>>, vector<1x16xf32>,
          %get3A_1096 = arith.index_cast %select_n3A_1081 : i32 to index
          %get3A_1097 = arith.constant 16 : index
          %get3A_1098 = tpu.vector_load %arg11[%get3A_1096, %get3A_1097] {strides = array<i32>} : memref<520x128xf32, #tpu.memory_space<vmem>>, vector<1x16xf32>,
          %get3A_1099 = vector.shape_cast %get3A_1098 : vector<1x16xf32> to vector<16xf32>
          %get3A_1100 = arith.index_cast %add3A_1068 : i32 to index
          %get3A_1101 = arith.constant 16 : index
          %get3A_1102 = tpu.vector_load %arg19[%get3A_1100, %get3A_1101] {strides = array<i32>} : memref<80x128xf32, #tpu.memory_space<vmem>>, vector<1x16xf32>,
          %get3A_1103 = vector.shape_cast %get3A_1102 : vector<1x16xf32> to vector<16xf32>
          %add3A_1104 = arith.addf %get3A_1099, %get3A_1103 : vector<16xf32>
          %swap3A_1105 = arith.index_cast %select_n3A_1081 : i32 to index
          %swap3A_1106 = arith.constant 16 : index
          %swap3A_1107 = tpu.vector_load %arg11[%swap3A_1105, %swap3A_1106] {strides = array<i32>} : memref<520x128xf32, #tpu.memory_space<vmem>>, vector<1x16xf32>,
          %swap3A_1108 = vector.shape_cast %swap3A_1107 : vector<1x16xf32> to vector<16xf32>
          %swap3A_1109 = vector.shape_cast %add3A_1104 : vector<16xf32> to vector<1x16xf32>
          tpu.vector_store %arg11[%swap3A_1105, %swap3A_1106], %swap3A_1109 {strides = array<i32>} : memref<520x128xf32, #tpu.memory_space<vmem>>, vector<1x16xf32>,
          %get3A_1110 = arith.index_cast %select_n3A_1081 : i32 to index
          %get3A_1111 = arith.constant 32 : index
          %get3A_1112 = tpu.vector_load %arg11[%get3A_1110, %get3A_1111] {strides = array<i32>} : memref<520x128xf32, #tpu.memory_space<vmem>>, vector<1x16xf32>,
          %get3A_1113 = vector.shape_cast %get3A_1112 : vector<1x16xf32> to vector<16xf32>
          %get3A_1114 = arith.index_cast %add3A_1068 : i32 to index
          %get3A_1115 = arith.constant 32 : index
          %get3A_1116 = tpu.vector_load %arg19[%get3A_1114, %get3A_1115] {strides = array<i32>} : memref<80x128xf32, #tpu.memory_space<vmem>>, vector<1x16xf32>,
          %get3A_1117 = vector.shape_cast %get3A_1116 : vector<1x16xf32> to vector<16xf32>
          %add3A_1118 = arith.addf %get3A_1113, %get3A_1117 : vector<16xf32>
          %swap3A_1119 = arith.index_cast %select_n3A_1081 : i32 to index
          %swap3A_1120 = arith.constant 32 : index
          %swap3A_1121 = tpu.vector_load %arg11[%swap3A_1119, %swap3A_1120] {strides = array<i32>} : memref<520x128xf32, #tpu.memory_space<vmem>>, vector<1x16xf32>,
          %swap3A_1122 = vector.shape_cast %swap3A_1121 : vector<1x16xf32> to vector<16xf32>
          %swap3A_1123 = vector.shape_cast %add3A_1118 : vector<16xf32> to vector<1x16xf32>
          tpu.vector_store %arg11[%swap3A_1119, %swap3A_1120], %swap3A_1123 {strides = array<i32>} : memref<520x128xf32, #tpu.memory_space<vmem>>, vector<1x16xf32>,
          %get3A_1124 = arith.index_cast %select_n3A_1081 : i32 to index
          %get3A_1125 = arith.constant 48 : index
          %get3A_1126 = tpu.vector_load %arg11[%get3A_1124, %get3A_1125] {strides = array<i32>} : memref<520x128xf32, #tpu.memory_space<vmem>>, vector<1x16xf32>,
          %get3A_1127 = vector.shape_cast %get3A_1126 : vector<1x16xf32> to vector<16xf32>
          %get3A_1128 = arith.index_cast %add3A_1068 : i32 to index
          %get3A_1129 = arith.constant 48 : index
          %get3A_1130 = tpu.vector_load %arg19[%get3A_1128, %get3A_1129] {strides = array<i32>} : memref<80x128xf32, #tpu.memory_space<vmem>>, vector<1x16xf32>,
          %get3A_1131 = vector.shape_cast %get3A_1130 : vector<1x16xf32> to vector<16xf32>
          %add3A_1132 = arith.addf %get3A_1127, %get3A_1131 : vector<16xf32>
          %swap3A_1133 = arith.index_cast %select_n3A_1081 : i32 to index
          %swap3A_1134 = arith.constant 48 : index
          %swap3A_1135 = tpu.vector_load %arg11[%swap3A_1133, %swap3A_1134] {strides = array<i32>} : memref<520x128xf32, #tpu.memory_space<vmem>>, vector<1x16xf32>,
          %swap3A_1136 = vector.shape_cast %swap3A_1135 : vector<1x16xf32> to vector<16xf32>
          %swap3A_1137 = vector.shape_cast %add3A_1132 : vector<16xf32> to vector<1x16xf32>
          tpu.vector_store %arg11[%swap3A_1133, %swap3A_1134], %swap3A_1137 {strides = array<i32>} : memref<520x128xf32, #tpu.memory_space<vmem>>, vector<1x16xf32>,
          %get3A_1138 = arith.index_cast %select_n3A_1081 : i32 to index
          %get3A_1139 = arith.constant 64 : index
          %get3A_1140 = tpu.vector_load %arg11[%get3A_1138, %get3A_1139] {strides = array<i32>} : memref<520x128xf32, #tpu.memory_space<vmem>>, vector<1x16xf32>,
          %get3A_1141 = vector.shape_cast %get3A_1140 : vector<1x16xf32> to vector<16xf32>
          %get3A_1142 = arith.index_cast %add3A_1068 : i32 to index
          %get3A_1143 = arith.constant 64 : index
          %get3A_1144 = tpu.vector_load %arg19[%get3A_1142, %get3A_1143] {strides = array<i32>} : memref<80x128xf32, #tpu.memory_space<vmem>>, vector<1x16xf32>,
          %get3A_1145 = vector.shape_cast %get3A_1144 : vector<1x16xf32> to vector<16xf32>
          %add3A_1146 = arith.addf %get3A_1141, %get3A_1145 : vector<16xf32>
          %swap3A_1147 = arith.index_cast %select_n3A_1081 : i32 to index
          %swap3A_1148 = arith.constant 64 : index
          %swap3A_1149 = tpu.vector_load %arg11[%swap3A_1147, %swap3A_1148] {strides = array<i32>} : memref<520x128xf32, #tpu.memory_space<vmem>>, vector<1x16xf32>,
          %swap3A_1150 = vector.shape_cast %swap3A_1149 : vector<1x16xf32> to vector<16xf32>
          %swap3A_1151 = vector.shape_cast %add3A_1146 : vector<16xf32> to vector<1x16xf32>
          tpu.vector_store %arg11[%swap3A_1147, %swap3A_1148], %swap3A_1151 {strides = array<i32>} : memref<520x128xf32, #tpu.memory_space<vmem>>, vector<1x16xf32>,
          %get3A_1152 = arith.index_cast %select_n3A_1081 : i32 to index
          %get3A_1153 = arith.constant 80 : index
          %get3A_1154 = tpu.vector_load %arg11[%get3A_1152, %get3A_1153] {strides = array<i32>} : memref<520x128xf32, #tpu.memory_space<vmem>>, vector<1x16xf32>,
          %get3A_1155 = vector.shape_cast %get3A_1154 : vector<1x16xf32> to vector<16xf32>
          %get3A_1156 = arith.index_cast %add3A_1068 : i32 to index
          %get3A_1157 = arith.constant 80 : index
          %get3A_1158 = tpu.vector_load %arg19[%get3A_1156, %get3A_1157] {strides = array<i32>} : memref<80x128xf32, #tpu.memory_space<vmem>>, vector<1x16xf32>,
          %get3A_1159 = vector.shape_cast %get3A_1158 : vector<1x16xf32> to vector<16xf32>
          %add3A_1160 = arith.addf %get3A_1155, %get3A_1159 : vector<16xf32>
          %swap3A_1161 = arith.index_cast %select_n3A_1081 : i32 to index
          %swap3A_1162 = arith.constant 80 : index
          %swap3A_1163 = tpu.vector_load %arg11[%swap3A_1161, %swap3A_1162] {strides = array<i32>} : memref<520x128xf32, #tpu.memory_space<vmem>>, vector<1x16xf32>,
          %swap3A_1164 = vector.shape_cast %swap3A_1163 : vector<1x16xf32> to vector<16xf32>
          %swap3A_1165 = vector.shape_cast %add3A_1160 : vector<16xf32> to vector<1x16xf32>
          tpu.vector_store %arg11[%swap3A_1161, %swap3A_1162], %swap3A_1165 {strides = array<i32>} : memref<520x128xf32, #tpu.memory_space<vmem>>, vector<1x16xf32>,
          %get3A_1166 = arith.index_cast %select_n3A_1081 : i32 to index
          %get3A_1167 = arith.constant 96 : index
          %get3A_1168 = tpu.vector_load %arg11[%get3A_1166, %get3A_1167] {strides = array<i32>} : memref<520x128xf32, #tpu.memory_space<vmem>>, vector<1x16xf32>,
          %get3A_1169 = vector.shape_cast %get3A_1168 : vector<1x16xf32> to vector<16xf32>
          %get3A_1170 = arith.index_cast %add3A_1068 : i32 to index
          %get3A_1171 = arith.constant 96 : index
          %get3A_1172 = tpu.vector_load %arg19[%get3A_1170, %get3A_1171] {strides = array<i32>} : memref<80x128xf32, #tpu.memory_space<vmem>>, vector<1x16xf32>,
          %get3A_1173 = vector.shape_cast %get3A_1172 : vector<1x16xf32> to vector<16xf32>
          %add3A_1174 = arith.addf %get3A_1169, %get3A_1173 : vector<16xf32>
          %swap3A_1175 = arith.index_cast %select_n3A_1081 : i32 to index
          %swap3A_1176 = arith.constant 96 : index
          %swap3A_1177 = tpu.vector_load %arg11[%swap3A_1175, %swap3A_1176] {strides = array<i32>} : memref<520x128xf32, #tpu.memory_space<vmem>>, vector<1x16xf32>,
          %swap3A_1178 = vector.shape_cast %swap3A_1177 : vector<1x16xf32> to vector<16xf32>
          %swap3A_1179 = vector.shape_cast %add3A_1174 : vector<16xf32> to vector<1x16xf32>
          tpu.vector_store %arg11[%swap3A_1175, %swap3A_1176], %swap3A_1179 {strides = array<i32>} : memref<520x128xf32, #tpu.memory_space<vmem>>, vector<1x16xf32>,
          %get3A_1180 = arith.index_cast %select_n3A_1081 : i32 to index
          %get3A_1181 = arith.constant 112 : index
          %get3A_1182 = tpu.vector_load %arg11[%get3A_1180, %get3A_1181] {strides = array<i32>} : memref<520x128xf32, #tpu.memory_space<vmem>>, vector<1x16xf32>,
          %get3A_1183 = vector.shape_cast %get3A_1182 : vector<1x16xf32> to vector<16xf32>
          %get3A_1184 = arith.index_cast %add3A_1068 : i32 to index
          %get3A_1185 = arith.constant 112 : index
          %get3A_1186 = tpu.vector_load %arg19[%get3A_1184, %get3A_1185] {strides = array<i32>} : memref<80x128xf32, #tpu.memory_space<vmem>>, vector<1x16xf32>,
          %get3A_1187 = vector.shape_cast %get3A_1186 : vector<1x16xf32> to vector<16xf32>
          %add3A_1188 = arith.addf %get3A_1183, %get3A_1187 : vector<16xf32>
          %swap3A_1189 = arith.index_cast %select_n3A_1081 : i32 to index
          %swap3A_1190 = arith.constant 112 : index
          %swap3A_1191 = tpu.vector_load %arg11[%swap3A_1189, %swap3A_1190] {strides = array<i32>} : memref<520x128xf32, #tpu.memory_space<vmem>>, vector<1x16xf32>,
          %swap3A_1192 = vector.shape_cast %swap3A_1191 : vector<1x16xf32> to vector<16xf32>
          %swap3A_1193 = vector.shape_cast %add3A_1188 : vector<16xf32> to vector<1x16xf32>
          tpu.vector_store %arg11[%swap3A_1189, %swap3A_1190], %swap3A_1193 {strides = array<i32>} : memref<520x128xf32, #tpu.memory_space<vmem>>, vector<1x16xf32>,
          %mul3A_1194 = arith.constant 16 : i32
          %mul3A_1195 = arith.muli %select_n3A_1081, %mul3A_1194 : i32
          %get3A_1196 = arith.index_cast %mul3A_1195 : i32 to index
          %get3A_1197 = tpu.vector_load %arg12[%get3A_1196] {strides = array<i32>} : memref<8320xf32, #tpu.memory_space<vmem>>, vector<16xf32>,
          %get3A_1198 = vector.shape_cast %get3A_1197 : vector<16xf32> to vector<16xf32>
          %mul3A_1199 = arith.constant 16 : i32
          %mul3A_1200 = arith.muli %add3A_1068, %mul3A_1199 : i32
          %get3A_1201 = arith.index_cast %mul3A_1200 : i32 to index
          %get3A_1202 = tpu.vector_load %arg20[%get3A_1201] {strides = array<i32>} : memref<1280xf32, #tpu.memory_space<vmem>>, vector<16xf32>,
          %get3A_1203 = vector.shape_cast %get3A_1202 : vector<16xf32> to vector<16xf32>
          %add3A_1204 = arith.addf %get3A_1198, %get3A_1203 : vector<16xf32>
          %swap3A_1205 = arith.index_cast %mul3A_1195 : i32 to index
          %swap3A_1206 = tpu.vector_load %arg12[%swap3A_1205] {strides = array<i32>} : memref<8320xf32, #tpu.memory_space<vmem>>, vector<16xf32>,
          %swap3A_1207 = vector.shape_cast %swap3A_1206 : vector<16xf32> to vector<16xf32>
          %swap3A_1208 = vector.shape_cast %add3A_1204 : vector<16xf32> to vector<16xf32>
          tpu.vector_store %arg12[%swap3A_1205], %swap3A_1208 {strides = array<i32>} : memref<8320xf32, #tpu.memory_space<vmem>>, vector<16xf32>,
          %mul3A_1209 = arith.constant 16 : i32
          %mul3A_1210 = arith.muli %scan3A_58, %mul3A_1209 : i32
          %add3A_1211 = arith.constant 8 : i32
          %add3A_1212 = arith.addi %mul3A_1210, %add3A_1211 : i32
          %slice3A_1213 = vector.extract_strided_slice %sub3A_66 {offsets = [8], sizes = [1], strides = [1]} : vector<16xi32> to vector<1xi32>
          %squeeze3A_1214 = vector.extract %slice3A_1213[0] : i32 from vector<1xi32>
          %ge3A_1215 = arith.constant 0 : i32
          %ge3A_1216 = arith.cmpi sge, %squeeze3A_1214, %ge3A_1215 : i32
          %lt3A_1217 = arith.constant 512 : i32
          %lt3A_1218 = arith.cmpi slt, %squeeze3A_1214, %lt3A_1217 : i32
          %and3A_1219 = arith.andi %ge3A_1216, %lt3A_1218 : i1
          %jit3A_1220 = arith.constant 0 : i32
          %jit3A_1221 = arith.constant 511 : i32
          %max3A_1222 = arith.maxsi %jit3A_1220, %squeeze3A_1214 : i32
          %min3A_1223 = arith.minsi %jit3A_1221, %max3A_1222 : i32
          %jit3A_1224 = arith.constant 512 : i32
          %select_n3A_1225 = arith.select %and3A_1219, %min3A_1223, %jit3A_1224 : i32
          %get3A_1226 = arith.index_cast %select_n3A_1225 : i32 to index
          %get3A_1227 = arith.constant 0 : index
          %get3A_1228 = tpu.vector_load %arg11[%get3A_1226, %get3A_1227] {strides = array<i32>} : memref<520x128xf32, #tpu.memory_space<vmem>>, vector<1x16xf32>,
          %get3A_1229 = vector.shape_cast %get3A_1228 : vector<1x16xf32> to vector<16xf32>
          %get3A_1230 = arith.index_cast %add3A_1212 : i32 to index
          %get3A_1231 = arith.constant 0 : index
          %get3A_1232 = tpu.vector_load %arg19[%get3A_1230, %get3A_1231] {strides = array<i32>} : memref<80x128xf32, #tpu.memory_space<vmem>>, vector<1x16xf32>,
          %get3A_1233 = vector.shape_cast %get3A_1232 : vector<1x16xf32> to vector<16xf32>
          %add3A_1234 = arith.addf %get3A_1229, %get3A_1233 : vector<16xf32>
          %swap3A_1235 = arith.index_cast %select_n3A_1225 : i32 to index
          %swap3A_1236 = arith.constant 0 : index
          %swap3A_1237 = tpu.vector_load %arg11[%swap3A_1235, %swap3A_1236] {strides = array<i32>} : memref<520x128xf32, #tpu.memory_space<vmem>>, vector<1x16xf32>,
          %swap3A_1238 = vector.shape_cast %swap3A_1237 : vector<1x16xf32> to vector<16xf32>
          %swap3A_1239 = vector.shape_cast %add3A_1234 : vector<16xf32> to vector<1x16xf32>
          tpu.vector_store %arg11[%swap3A_1235, %swap3A_1236], %swap3A_1239 {strides = array<i32>} : memref<520x128xf32, #tpu.memory_space<vmem>>, vector<1x16xf32>,
          %get3A_1240 = arith.index_cast %select_n3A_1225 : i32 to index
          %get3A_1241 = arith.constant 16 : index
          %get3A_1242 = tpu.vector_load %arg11[%get3A_1240, %get3A_1241] {strides = array<i32>} : memref<520x128xf32, #tpu.memory_space<vmem>>, vector<1x16xf32>,
          %get3A_1243 = vector.shape_cast %get3A_1242 : vector<1x16xf32> to vector<16xf32>
          %get3A_1244 = arith.index_cast %add3A_1212 : i32 to index
          %get3A_1245 = arith.constant 16 : index
          %get3A_1246 = tpu.vector_load %arg19[%get3A_1244, %get3A_1245] {strides = array<i32>} : memref<80x128xf32, #tpu.memory_space<vmem>>, vector<1x16xf32>,
          %get3A_1247 = vector.shape_cast %get3A_1246 : vector<1x16xf32> to vector<16xf32>
          %add3A_1248 = arith.addf %get3A_1243, %get3A_1247 : vector<16xf32>
          %swap3A_1249 = arith.index_cast %select_n3A_1225 : i32 to index
          %swap3A_1250 = arith.constant 16 : index
          %swap3A_1251 = tpu.vector_load %arg11[%swap3A_1249, %swap3A_1250] {strides = array<i32>} : memref<520x128xf32, #tpu.memory_space<vmem>>, vector<1x16xf32>,
          %swap3A_1252 = vector.shape_cast %swap3A_1251 : vector<1x16xf32> to vector<16xf32>
          %swap3A_1253 = vector.shape_cast %add3A_1248 : vector<16xf32> to vector<1x16xf32>
          tpu.vector_store %arg11[%swap3A_1249, %swap3A_1250], %swap3A_1253 {strides = array<i32>} : memref<520x128xf32, #tpu.memory_space<vmem>>, vector<1x16xf32>,
          %get3A_1254 = arith.index_cast %select_n3A_1225 : i32 to index
          %get3A_1255 = arith.constant 32 : index
          %get3A_1256 = tpu.vector_load %arg11[%get3A_1254, %get3A_1255] {strides = array<i32>} : memref<520x128xf32, #tpu.memory_space<vmem>>, vector<1x16xf32>,
          %get3A_1257 = vector.shape_cast %get3A_1256 : vector<1x16xf32> to vector<16xf32>
          %get3A_1258 = arith.index_cast %add3A_1212 : i32 to index
          %get3A_1259 = arith.constant 32 : index
          %get3A_1260 = tpu.vector_load %arg19[%get3A_1258, %get3A_1259] {strides = array<i32>} : memref<80x128xf32, #tpu.memory_space<vmem>>, vector<1x16xf32>,
          %get3A_1261 = vector.shape_cast %get3A_1260 : vector<1x16xf32> to vector<16xf32>
          %add3A_1262 = arith.addf %get3A_1257, %get3A_1261 : vector<16xf32>
          %swap3A_1263 = arith.index_cast %select_n3A_1225 : i32 to index
          %swap3A_1264 = arith.constant 32 : index
          %swap3A_1265 = tpu.vector_load %arg11[%swap3A_1263, %swap3A_1264] {strides = array<i32>} : memref<520x128xf32, #tpu.memory_space<vmem>>, vector<1x16xf32>,
          %swap3A_1266 = vector.shape_cast %swap3A_1265 : vector<1x16xf32> to vector<16xf32>
          %swap3A_1267 = vector.shape_cast %add3A_1262 : vector<16xf32> to vector<1x16xf32>
          tpu.vector_store %arg11[%swap3A_1263, %swap3A_1264], %swap3A_1267 {strides = array<i32>} : memref<520x128xf32, #tpu.memory_space<vmem>>, vector<1x16xf32>,
          %get3A_1268 = arith.index_cast %select_n3A_1225 : i32 to index
          %get3A_1269 = arith.constant 48 : index
          %get3A_1270 = tpu.vector_load %arg11[%get3A_1268, %get3A_1269] {strides = array<i32>} : memref<520x128xf32, #tpu.memory_space<vmem>>, vector<1x16xf32>,
          %get3A_1271 = vector.shape_cast %get3A_1270 : vector<1x16xf32> to vector<16xf32>
          %get3A_1272 = arith.index_cast %add3A_1212 : i32 to index
          %get3A_1273 = arith.constant 48 : index
          %get3A_1274 = tpu.vector_load %arg19[%get3A_1272, %get3A_1273] {strides = array<i32>} : memref<80x128xf32, #tpu.memory_space<vmem>>, vector<1x16xf32>,
          %get3A_1275 = vector.shape_cast %get3A_1274 : vector<1x16xf32> to vector<16xf32>
          %add3A_1276 = arith.addf %get3A_1271, %get3A_1275 : vector<16xf32>
          %swap3A_1277 = arith.index_cast %select_n3A_1225 : i32 to index
          %swap3A_1278 = arith.constant 48 : index
          %swap3A_1279 = tpu.vector_load %arg11[%swap3A_1277, %swap3A_1278] {strides = array<i32>} : memref<520x128xf32, #tpu.memory_space<vmem>>, vector<1x16xf32>,
          %swap3A_1280 = vector.shape_cast %swap3A_1279 : vector<1x16xf32> to vector<16xf32>
          %swap3A_1281 = vector.shape_cast %add3A_1276 : vector<16xf32> to vector<1x16xf32>
          tpu.vector_store %arg11[%swap3A_1277, %swap3A_1278], %swap3A_1281 {strides = array<i32>} : memref<520x128xf32, #tpu.memory_space<vmem>>, vector<1x16xf32>,
          %get3A_1282 = arith.index_cast %select_n3A_1225 : i32 to index
          %get3A_1283 = arith.constant 64 : index
          %get3A_1284 = tpu.vector_load %arg11[%get3A_1282, %get3A_1283] {strides = array<i32>} : memref<520x128xf32, #tpu.memory_space<vmem>>, vector<1x16xf32>,
          %get3A_1285 = vector.shape_cast %get3A_1284 : vector<1x16xf32> to vector<16xf32>
          %get3A_1286 = arith.index_cast %add3A_1212 : i32 to index
          %get3A_1287 = arith.constant 64 : index
          %get3A_1288 = tpu.vector_load %arg19[%get3A_1286, %get3A_1287] {strides = array<i32>} : memref<80x128xf32, #tpu.memory_space<vmem>>, vector<1x16xf32>,
          %get3A_1289 = vector.shape_cast %get3A_1288 : vector<1x16xf32> to vector<16xf32>
          %add3A_1290 = arith.addf %get3A_1285, %get3A_1289 : vector<16xf32>
          %swap3A_1291 = arith.index_cast %select_n3A_1225 : i32 to index
          %swap3A_1292 = arith.constant 64 : index
          %swap3A_1293 = tpu.vector_load %arg11[%swap3A_1291, %swap3A_1292] {strides = array<i32>} : memref<520x128xf32, #tpu.memory_space<vmem>>, vector<1x16xf32>,
          %swap3A_1294 = vector.shape_cast %swap3A_1293 : vector<1x16xf32> to vector<16xf32>
          %swap3A_1295 = vector.shape_cast %add3A_1290 : vector<16xf32> to vector<1x16xf32>
          tpu.vector_store %arg11[%swap3A_1291, %swap3A_1292], %swap3A_1295 {strides = array<i32>} : memref<520x128xf32, #tpu.memory_space<vmem>>, vector<1x16xf32>,
          %get3A_1296 = arith.index_cast %select_n3A_1225 : i32 to index
          %get3A_1297 = arith.constant 80 : index
          %get3A_1298 = tpu.vector_load %arg11[%get3A_1296, %get3A_1297] {strides = array<i32>} : memref<520x128xf32, #tpu.memory_space<vmem>>, vector<1x16xf32>,
          %get3A_1299 = vector.shape_cast %get3A_1298 : vector<1x16xf32> to vector<16xf32>
          %get3A_1300 = arith.index_cast %add3A_1212 : i32 to index
          %get3A_1301 = arith.constant 80 : index
          %get3A_1302 = tpu.vector_load %arg19[%get3A_1300, %get3A_1301] {strides = array<i32>} : memref<80x128xf32, #tpu.memory_space<vmem>>, vector<1x16xf32>,
          %get3A_1303 = vector.shape_cast %get3A_1302 : vector<1x16xf32> to vector<16xf32>
          %add3A_1304 = arith.addf %get3A_1299, %get3A_1303 : vector<16xf32>
          %swap3A_1305 = arith.index_cast %select_n3A_1225 : i32 to index
          %swap3A_1306 = arith.constant 80 : index
          %swap3A_1307 = tpu.vector_load %arg11[%swap3A_1305, %swap3A_1306] {strides = array<i32>} : memref<520x128xf32, #tpu.memory_space<vmem>>, vector<1x16xf32>,
          %swap3A_1308 = vector.shape_cast %swap3A_1307 : vector<1x16xf32> to vector<16xf32>
          %swap3A_1309 = vector.shape_cast %add3A_1304 : vector<16xf32> to vector<1x16xf32>
          tpu.vector_store %arg11[%swap3A_1305, %swap3A_1306], %swap3A_1309 {strides = array<i32>} : memref<520x128xf32, #tpu.memory_space<vmem>>, vector<1x16xf32>,
          %get3A_1310 = arith.index_cast %select_n3A_1225 : i32 to index
          %get3A_1311 = arith.constant 96 : index
          %get3A_1312 = tpu.vector_load %arg11[%get3A_1310, %get3A_1311] {strides = array<i32>} : memref<520x128xf32, #tpu.memory_space<vmem>>, vector<1x16xf32>,
          %get3A_1313 = vector.shape_cast %get3A_1312 : vector<1x16xf32> to vector<16xf32>
          %get3A_1314 = arith.index_cast %add3A_1212 : i32 to index
          %get3A_1315 = arith.constant 96 : index
          %get3A_1316 = tpu.vector_load %arg19[%get3A_1314, %get3A_1315] {strides = array<i32>} : memref<80x128xf32, #tpu.memory_space<vmem>>, vector<1x16xf32>,
          %get3A_1317 = vector.shape_cast %get3A_1316 : vector<1x16xf32> to vector<16xf32>
          %add3A_1318 = arith.addf %get3A_1313, %get3A_1317 : vector<16xf32>
          %swap3A_1319 = arith.index_cast %select_n3A_1225 : i32 to index
          %swap3A_1320 = arith.constant 96 : index
          %swap3A_1321 = tpu.vector_load %arg11[%swap3A_1319, %swap3A_1320] {strides = array<i32>} : memref<520x128xf32, #tpu.memory_space<vmem>>, vector<1x16xf32>,
          %swap3A_1322 = vector.shape_cast %swap3A_1321 : vector<1x16xf32> to vector<16xf32>
          %swap3A_1323 = vector.shape_cast %add3A_1318 : vector<16xf32> to vector<1x16xf32>
          tpu.vector_store %arg11[%swap3A_1319, %swap3A_1320], %swap3A_1323 {strides = array<i32>} : memref<520x128xf32, #tpu.memory_space<vmem>>, vector<1x16xf32>,
          %get3A_1324 = arith.index_cast %select_n3A_1225 : i32 to index
          %get3A_1325 = arith.constant 112 : index
          %get3A_1326 = tpu.vector_load %arg11[%get3A_1324, %get3A_1325] {strides = array<i32>} : memref<520x128xf32, #tpu.memory_space<vmem>>, vector<1x16xf32>,
          %get3A_1327 = vector.shape_cast %get3A_1326 : vector<1x16xf32> to vector<16xf32>
          %get3A_1328 = arith.index_cast %add3A_1212 : i32 to index
          %get3A_1329 = arith.constant 112 : index
          %get3A_1330 = tpu.vector_load %arg19[%get3A_1328, %get3A_1329] {strides = array<i32>} : memref<80x128xf32, #tpu.memory_space<vmem>>, vector<1x16xf32>,
          %get3A_1331 = vector.shape_cast %get3A_1330 : vector<1x16xf32> to vector<16xf32>
          %add3A_1332 = arith.addf %get3A_1327, %get3A_1331 : vector<16xf32>
          %swap3A_1333 = arith.index_cast %select_n3A_1225 : i32 to index
          %swap3A_1334 = arith.constant 112 : index
          %swap3A_1335 = tpu.vector_load %arg11[%swap3A_1333, %swap3A_1334] {strides = array<i32>} : memref<520x128xf32, #tpu.memory_space<vmem>>, vector<1x16xf32>,
          %swap3A_1336 = vector.shape_cast %swap3A_1335 : vector<1x16xf32> to vector<16xf32>
          %swap3A_1337 = vector.shape_cast %add3A_1332 : vector<16xf32> to vector<1x16xf32>
          tpu.vector_store %arg11[%swap3A_1333, %swap3A_1334], %swap3A_1337 {strides = array<i32>} : memref<520x128xf32, #tpu.memory_space<vmem>>, vector<1x16xf32>,
          %mul3A_1338 = arith.constant 16 : i32
          %mul3A_1339 = arith.muli %select_n3A_1225, %mul3A_1338 : i32
          %get3A_1340 = arith.index_cast %mul3A_1339 : i32 to index
          %get3A_1341 = tpu.vector_load %arg12[%get3A_1340] {strides = array<i32>} : memref<8320xf32, #tpu.memory_space<vmem>>, vector<16xf32>,
          %get3A_1342 = vector.shape_cast %get3A_1341 : vector<16xf32> to vector<16xf32>
          %mul3A_1343 = arith.constant 16 : i32
          %mul3A_1344 = arith.muli %add3A_1212, %mul3A_1343 : i32
          %get3A_1345 = arith.index_cast %mul3A_1344 : i32 to index
          %get3A_1346 = tpu.vector_load %arg20[%get3A_1345] {strides = array<i32>} : memref<1280xf32, #tpu.memory_space<vmem>>, vector<16xf32>,
          %get3A_1347 = vector.shape_cast %get3A_1346 : vector<16xf32> to vector<16xf32>
          %add3A_1348 = arith.addf %get3A_1342, %get3A_1347 : vector<16xf32>
          %swap3A_1349 = arith.index_cast %mul3A_1339 : i32 to index
          %swap3A_1350 = tpu.vector_load %arg12[%swap3A_1349] {strides = array<i32>} : memref<8320xf32, #tpu.memory_space<vmem>>, vector<16xf32>,
          %swap3A_1351 = vector.shape_cast %swap3A_1350 : vector<16xf32> to vector<16xf32>
          %swap3A_1352 = vector.shape_cast %add3A_1348 : vector<16xf32> to vector<16xf32>
          tpu.vector_store %arg12[%swap3A_1349], %swap3A_1352 {strides = array<i32>} : memref<8320xf32, #tpu.memory_space<vmem>>, vector<16xf32>,
          %mul3A_1353 = arith.constant 16 : i32
          %mul3A_1354 = arith.muli %scan3A_58, %mul3A_1353 : i32
          %add3A_1355 = arith.constant 9 : i32
          %add3A_1356 = arith.addi %mul3A_1354, %add3A_1355 : i32
          %slice3A_1357 = vector.extract_strided_slice %sub3A_66 {offsets = [9], sizes = [1], strides = [1]} : vector<16xi32> to vector<1xi32>
          %squeeze3A_1358 = vector.extract %slice3A_1357[0] : i32 from vector<1xi32>
          %ge3A_1359 = arith.constant 0 : i32
          %ge3A_1360 = arith.cmpi sge, %squeeze3A_1358, %ge3A_1359 : i32
          %lt3A_1361 = arith.constant 512 : i32
          %lt3A_1362 = arith.cmpi slt, %squeeze3A_1358, %lt3A_1361 : i32
          %and3A_1363 = arith.andi %ge3A_1360, %lt3A_1362 : i1
          %jit3A_1364 = arith.constant 0 : i32
          %jit3A_1365 = arith.constant 511 : i32
          %max3A_1366 = arith.maxsi %jit3A_1364, %squeeze3A_1358 : i32
          %min3A_1367 = arith.minsi %jit3A_1365, %max3A_1366 : i32
          %jit3A_1368 = arith.constant 512 : i32
          %select_n3A_1369 = arith.select %and3A_1363, %min3A_1367, %jit3A_1368 : i32
          %get3A_1370 = arith.index_cast %select_n3A_1369 : i32 to index
          %get3A_1371 = arith.constant 0 : index
          %get3A_1372 = tpu.vector_load %arg11[%get3A_1370, %get3A_1371] {strides = array<i32>} : memref<520x128xf32, #tpu.memory_space<vmem>>, vector<1x16xf32>,
          %get3A_1373 = vector.shape_cast %get3A_1372 : vector<1x16xf32> to vector<16xf32>
          %get3A_1374 = arith.index_cast %add3A_1356 : i32 to index
          %get3A_1375 = arith.constant 0 : index
          %get3A_1376 = tpu.vector_load %arg19[%get3A_1374, %get3A_1375] {strides = array<i32>} : memref<80x128xf32, #tpu.memory_space<vmem>>, vector<1x16xf32>,
          %get3A_1377 = vector.shape_cast %get3A_1376 : vector<1x16xf32> to vector<16xf32>
          %add3A_1378 = arith.addf %get3A_1373, %get3A_1377 : vector<16xf32>
          %swap3A_1379 = arith.index_cast %select_n3A_1369 : i32 to index
          %swap3A_1380 = arith.constant 0 : index
          %swap3A_1381 = tpu.vector_load %arg11[%swap3A_1379, %swap3A_1380] {strides = array<i32>} : memref<520x128xf32, #tpu.memory_space<vmem>>, vector<1x16xf32>,
          %swap3A_1382 = vector.shape_cast %swap3A_1381 : vector<1x16xf32> to vector<16xf32>
          %swap3A_1383 = vector.shape_cast %add3A_1378 : vector<16xf32> to vector<1x16xf32>
          tpu.vector_store %arg11[%swap3A_1379, %swap3A_1380], %swap3A_1383 {strides = array<i32>} : memref<520x128xf32, #tpu.memory_space<vmem>>, vector<1x16xf32>,
          %get3A_1384 = arith.index_cast %select_n3A_1369 : i32 to index
          %get3A_1385 = arith.constant 16 : index
          %get3A_1386 = tpu.vector_load %arg11[%get3A_1384, %get3A_1385] {strides = array<i32>} : memref<520x128xf32, #tpu.memory_space<vmem>>, vector<1x16xf32>,
          %get3A_1387 = vector.shape_cast %get3A_1386 : vector<1x16xf32> to vector<16xf32>
          %get3A_1388 = arith.index_cast %add3A_1356 : i32 to index
          %get3A_1389 = arith.constant 16 : index
          %get3A_1390 = tpu.vector_load %arg19[%get3A_1388, %get3A_1389] {strides = array<i32>} : memref<80x128xf32, #tpu.memory_space<vmem>>, vector<1x16xf32>,
          %get3A_1391 = vector.shape_cast %get3A_1390 : vector<1x16xf32> to vector<16xf32>
          %add3A_1392 = arith.addf %get3A_1387, %get3A_1391 : vector<16xf32>
          %swap3A_1393 = arith.index_cast %select_n3A_1369 : i32 to index
          %swap3A_1394 = arith.constant 16 : index
          %swap3A_1395 = tpu.vector_load %arg11[%swap3A_1393, %swap3A_1394] {strides = array<i32>} : memref<520x128xf32, #tpu.memory_space<vmem>>, vector<1x16xf32>,
          %swap3A_1396 = vector.shape_cast %swap3A_1395 : vector<1x16xf32> to vector<16xf32>
          %swap3A_1397 = vector.shape_cast %add3A_1392 : vector<16xf32> to vector<1x16xf32>
          tpu.vector_store %arg11[%swap3A_1393, %swap3A_1394], %swap3A_1397 {strides = array<i32>} : memref<520x128xf32, #tpu.memory_space<vmem>>, vector<1x16xf32>,
          %get3A_1398 = arith.index_cast %select_n3A_1369 : i32 to index
          %get3A_1399 = arith.constant 32 : index
          %get3A_1400 = tpu.vector_load %arg11[%get3A_1398, %get3A_1399] {strides = array<i32>} : memref<520x128xf32, #tpu.memory_space<vmem>>, vector<1x16xf32>,
          %get3A_1401 = vector.shape_cast %get3A_1400 : vector<1x16xf32> to vector<16xf32>
          %get3A_1402 = arith.index_cast %add3A_1356 : i32 to index
          %get3A_1403 = arith.constant 32 : index
          %get3A_1404 = tpu.vector_load %arg19[%get3A_1402, %get3A_1403] {strides = array<i32>} : memref<80x128xf32, #tpu.memory_space<vmem>>, vector<1x16xf32>,
          %get3A_1405 = vector.shape_cast %get3A_1404 : vector<1x16xf32> to vector<16xf32>
          %add3A_1406 = arith.addf %get3A_1401, %get3A_1405 : vector<16xf32>
          %swap3A_1407 = arith.index_cast %select_n3A_1369 : i32 to index
          %swap3A_1408 = arith.constant 32 : index
          %swap3A_1409 = tpu.vector_load %arg11[%swap3A_1407, %swap3A_1408] {strides = array<i32>} : memref<520x128xf32, #tpu.memory_space<vmem>>, vector<1x16xf32>,
          %swap3A_1410 = vector.shape_cast %swap3A_1409 : vector<1x16xf32> to vector<16xf32>
          %swap3A_1411 = vector.shape_cast %add3A_1406 : vector<16xf32> to vector<1x16xf32>
          tpu.vector_store %arg11[%swap3A_1407, %swap3A_1408], %swap3A_1411 {strides = array<i32>} : memref<520x128xf32, #tpu.memory_space<vmem>>, vector<1x16xf32>,
          %get3A_1412 = arith.index_cast %select_n3A_1369 : i32 to index
          %get3A_1413 = arith.constant 48 : index
          %get3A_1414 = tpu.vector_load %arg11[%get3A_1412, %get3A_1413] {strides = array<i32>} : memref<520x128xf32, #tpu.memory_space<vmem>>, vector<1x16xf32>,
          %get3A_1415 = vector.shape_cast %get3A_1414 : vector<1x16xf32> to vector<16xf32>
          %get3A_1416 = arith.index_cast %add3A_1356 : i32 to index
          %get3A_1417 = arith.constant 48 : index
          %get3A_1418 = tpu.vector_load %arg19[%get3A_1416, %get3A_1417] {strides = array<i32>} : memref<80x128xf32, #tpu.memory_space<vmem>>, vector<1x16xf32>,
          %get3A_1419 = vector.shape_cast %get3A_1418 : vector<1x16xf32> to vector<16xf32>
          %add3A_1420 = arith.addf %get3A_1415, %get3A_1419 : vector<16xf32>
          %swap3A_1421 = arith.index_cast %select_n3A_1369 : i32 to index
          %swap3A_1422 = arith.constant 48 : index
          %swap3A_1423 = tpu.vector_load %arg11[%swap3A_1421, %swap3A_1422] {strides = array<i32>} : memref<520x128xf32, #tpu.memory_space<vmem>>, vector<1x16xf32>,
          %swap3A_1424 = vector.shape_cast %swap3A_1423 : vector<1x16xf32> to vector<16xf32>
          %swap3A_1425 = vector.shape_cast %add3A_1420 : vector<16xf32> to vector<1x16xf32>
          tpu.vector_store %arg11[%swap3A_1421, %swap3A_1422], %swap3A_1425 {strides = array<i32>} : memref<520x128xf32, #tpu.memory_space<vmem>>, vector<1x16xf32>,
          %get3A_1426 = arith.index_cast %select_n3A_1369 : i32 to index
          %get3A_1427 = arith.constant 64 : index
          %get3A_1428 = tpu.vector_load %arg11[%get3A_1426, %get3A_1427] {strides = array<i32>} : memref<520x128xf32, #tpu.memory_space<vmem>>, vector<1x16xf32>,
          %get3A_1429 = vector.shape_cast %get3A_1428 : vector<1x16xf32> to vector<16xf32>
          %get3A_1430 = arith.index_cast %add3A_1356 : i32 to index
          %get3A_1431 = arith.constant 64 : index
          %get3A_1432 = tpu.vector_load %arg19[%get3A_1430, %get3A_1431] {strides = array<i32>} : memref<80x128xf32, #tpu.memory_space<vmem>>, vector<1x16xf32>,
          %get3A_1433 = vector.shape_cast %get3A_1432 : vector<1x16xf32> to vector<16xf32>
          %add3A_1434 = arith.addf %get3A_1429, %get3A_1433 : vector<16xf32>
          %swap3A_1435 = arith.index_cast %select_n3A_1369 : i32 to index
          %swap3A_1436 = arith.constant 64 : index
          %swap3A_1437 = tpu.vector_load %arg11[%swap3A_1435, %swap3A_1436] {strides = array<i32>} : memref<520x128xf32, #tpu.memory_space<vmem>>, vector<1x16xf32>,
          %swap3A_1438 = vector.shape_cast %swap3A_1437 : vector<1x16xf32> to vector<16xf32>
          %swap3A_1439 = vector.shape_cast %add3A_1434 : vector<16xf32> to vector<1x16xf32>
          tpu.vector_store %arg11[%swap3A_1435, %swap3A_1436], %swap3A_1439 {strides = array<i32>} : memref<520x128xf32, #tpu.memory_space<vmem>>, vector<1x16xf32>,
          %get3A_1440 = arith.index_cast %select_n3A_1369 : i32 to index
          %get3A_1441 = arith.constant 80 : index
          %get3A_1442 = tpu.vector_load %arg11[%get3A_1440, %get3A_1441] {strides = array<i32>} : memref<520x128xf32, #tpu.memory_space<vmem>>, vector<1x16xf32>,
          %get3A_1443 = vector.shape_cast %get3A_1442 : vector<1x16xf32> to vector<16xf32>
          %get3A_1444 = arith.index_cast %add3A_1356 : i32 to index
          %get3A_1445 = arith.constant 80 : index
          %get3A_1446 = tpu.vector_load %arg19[%get3A_1444, %get3A_1445] {strides = array<i32>} : memref<80x128xf32, #tpu.memory_space<vmem>>, vector<1x16xf32>,
          %get3A_1447 = vector.shape_cast %get3A_1446 : vector<1x16xf32> to vector<16xf32>
          %add3A_1448 = arith.addf %get3A_1443, %get3A_1447 : vector<16xf32>
          %swap3A_1449 = arith.index_cast %select_n3A_1369 : i32 to index
          %swap3A_1450 = arith.constant 80 : index
          %swap3A_1451 = tpu.vector_load %arg11[%swap3A_1449, %swap3A_1450] {strides = array<i32>} : memref<520x128xf32, #tpu.memory_space<vmem>>, vector<1x16xf32>,
          %swap3A_1452 = vector.shape_cast %swap3A_1451 : vector<1x16xf32> to vector<16xf32>
          %swap3A_1453 = vector.shape_cast %add3A_1448 : vector<16xf32> to vector<1x16xf32>
          tpu.vector_store %arg11[%swap3A_1449, %swap3A_1450], %swap3A_1453 {strides = array<i32>} : memref<520x128xf32, #tpu.memory_space<vmem>>, vector<1x16xf32>,
          %get3A_1454 = arith.index_cast %select_n3A_1369 : i32 to index
          %get3A_1455 = arith.constant 96 : index
          %get3A_1456 = tpu.vector_load %arg11[%get3A_1454, %get3A_1455] {strides = array<i32>} : memref<520x128xf32, #tpu.memory_space<vmem>>, vector<1x16xf32>,
          %get3A_1457 = vector.shape_cast %get3A_1456 : vector<1x16xf32> to vector<16xf32>
          %get3A_1458 = arith.index_cast %add3A_1356 : i32 to index
          %get3A_1459 = arith.constant 96 : index
          %get3A_1460 = tpu.vector_load %arg19[%get3A_1458, %get3A_1459] {strides = array<i32>} : memref<80x128xf32, #tpu.memory_space<vmem>>, vector<1x16xf32>,
          %get3A_1461 = vector.shape_cast %get3A_1460 : vector<1x16xf32> to vector<16xf32>
          %add3A_1462 = arith.addf %get3A_1457, %get3A_1461 : vector<16xf32>
          %swap3A_1463 = arith.index_cast %select_n3A_1369 : i32 to index
          %swap3A_1464 = arith.constant 96 : index
          %swap3A_1465 = tpu.vector_load %arg11[%swap3A_1463, %swap3A_1464] {strides = array<i32>} : memref<520x128xf32, #tpu.memory_space<vmem>>, vector<1x16xf32>,
          %swap3A_1466 = vector.shape_cast %swap3A_1465 : vector<1x16xf32> to vector<16xf32>
          %swap3A_1467 = vector.shape_cast %add3A_1462 : vector<16xf32> to vector<1x16xf32>
          tpu.vector_store %arg11[%swap3A_1463, %swap3A_1464], %swap3A_1467 {strides = array<i32>} : memref<520x128xf32, #tpu.memory_space<vmem>>, vector<1x16xf32>,
          %get3A_1468 = arith.index_cast %select_n3A_1369 : i32 to index
          %get3A_1469 = arith.constant 112 : index
          %get3A_1470 = tpu.vector_load %arg11[%get3A_1468, %get3A_1469] {strides = array<i32>} : memref<520x128xf32, #tpu.memory_space<vmem>>, vector<1x16xf32>,
          %get3A_1471 = vector.shape_cast %get3A_1470 : vector<1x16xf32> to vector<16xf32>
          %get3A_1472 = arith.index_cast %add3A_1356 : i32 to index
          %get3A_1473 = arith.constant 112 : index
          %get3A_1474 = tpu.vector_load %arg19[%get3A_1472, %get3A_1473] {strides = array<i32>} : memref<80x128xf32, #tpu.memory_space<vmem>>, vector<1x16xf32>,
          %get3A_1475 = vector.shape_cast %get3A_1474 : vector<1x16xf32> to vector<16xf32>
          %add3A_1476 = arith.addf %get3A_1471, %get3A_1475 : vector<16xf32>
          %swap3A_1477 = arith.index_cast %select_n3A_1369 : i32 to index
          %swap3A_1478 = arith.constant 112 : index
          %swap3A_1479 = tpu.vector_load %arg11[%swap3A_1477, %swap3A_1478] {strides = array<i32>} : memref<520x128xf32, #tpu.memory_space<vmem>>, vector<1x16xf32>,
          %swap3A_1480 = vector.shape_cast %swap3A_1479 : vector<1x16xf32> to vector<16xf32>
          %swap3A_1481 = vector.shape_cast %add3A_1476 : vector<16xf32> to vector<1x16xf32>
          tpu.vector_store %arg11[%swap3A_1477, %swap3A_1478], %swap3A_1481 {strides = array<i32>} : memref<520x128xf32, #tpu.memory_space<vmem>>, vector<1x16xf32>,
          %mul3A_1482 = arith.constant 16 : i32
          %mul3A_1483 = arith.muli %select_n3A_1369, %mul3A_1482 : i32
          %get3A_1484 = arith.index_cast %mul3A_1483 : i32 to index
          %get3A_1485 = tpu.vector_load %arg12[%get3A_1484] {strides = array<i32>} : memref<8320xf32, #tpu.memory_space<vmem>>, vector<16xf32>,
          %get3A_1486 = vector.shape_cast %get3A_1485 : vector<16xf32> to vector<16xf32>
          %mul3A_1487 = arith.constant 16 : i32
          %mul3A_1488 = arith.muli %add3A_1356, %mul3A_1487 : i32
          %get3A_1489 = arith.index_cast %mul3A_1488 : i32 to index
          %get3A_1490 = tpu.vector_load %arg20[%get3A_1489] {strides = array<i32>} : memref<1280xf32, #tpu.memory_space<vmem>>, vector<16xf32>,
          %get3A_1491 = vector.shape_cast %get3A_1490 : vector<16xf32> to vector<16xf32>
          %add3A_1492 = arith.addf %get3A_1486, %get3A_1491 : vector<16xf32>
          %swap3A_1493 = arith.index_cast %mul3A_1483 : i32 to index
          %swap3A_1494 = tpu.vector_load %arg12[%swap3A_1493] {strides = array<i32>} : memref<8320xf32, #tpu.memory_space<vmem>>, vector<16xf32>,
          %swap3A_1495 = vector.shape_cast %swap3A_1494 : vector<16xf32> to vector<16xf32>
          %swap3A_1496 = vector.shape_cast %add3A_1492 : vector<16xf32> to vector<16xf32>
          tpu.vector_store %arg12[%swap3A_1493], %swap3A_1496 {strides = array<i32>} : memref<8320xf32, #tpu.memory_space<vmem>>, vector<16xf32>,
          %mul3A_1497 = arith.constant 16 : i32
          %mul3A_1498 = arith.muli %scan3A_58, %mul3A_1497 : i32
          %add3A_1499 = arith.constant 10 : i32
          %add3A_1500 = arith.addi %mul3A_1498, %add3A_1499 : i32
          %slice3A_1501 = vector.extract_strided_slice %sub3A_66 {offsets = [10], sizes = [1], strides = [1]} : vector<16xi32> to vector<1xi32>
          %squeeze3A_1502 = vector.extract %slice3A_1501[0] : i32 from vector<1xi32>
          %ge3A_1503 = arith.constant 0 : i32
          %ge3A_1504 = arith.cmpi sge, %squeeze3A_1502, %ge3A_1503 : i32
          %lt3A_1505 = arith.constant 512 : i32
          %lt3A_1506 = arith.cmpi slt, %squeeze3A_1502, %lt3A_1505 : i32
          %and3A_1507 = arith.andi %ge3A_1504, %lt3A_1506 : i1
          %jit3A_1508 = arith.constant 0 : i32
          %jit3A_1509 = arith.constant 511 : i32
          %max3A_1510 = arith.maxsi %jit3A_1508, %squeeze3A_1502 : i32
          %min3A_1511 = arith.minsi %jit3A_1509, %max3A_1510 : i32
          %jit3A_1512 = arith.constant 512 : i32
          %select_n3A_1513 = arith.select %and3A_1507, %min3A_1511, %jit3A_1512 : i32
          %get3A_1514 = arith.index_cast %select_n3A_1513 : i32 to index
          %get3A_1515 = arith.constant 0 : index
          %get3A_1516 = tpu.vector_load %arg11[%get3A_1514, %get3A_1515] {strides = array<i32>} : memref<520x128xf32, #tpu.memory_space<vmem>>, vector<1x16xf32>,
          %get3A_1517 = vector.shape_cast %get3A_1516 : vector<1x16xf32> to vector<16xf32>
          %get3A_1518 = arith.index_cast %add3A_1500 : i32 to index
          %get3A_1519 = arith.constant 0 : index
          %get3A_1520 = tpu.vector_load %arg19[%get3A_1518, %get3A_1519] {strides = array<i32>} : memref<80x128xf32, #tpu.memory_space<vmem>>, vector<1x16xf32>,
          %get3A_1521 = vector.shape_cast %get3A_1520 : vector<1x16xf32> to vector<16xf32>
          %add3A_1522 = arith.addf %get3A_1517, %get3A_1521 : vector<16xf32>
          %swap3A_1523 = arith.index_cast %select_n3A_1513 : i32 to index
          %swap3A_1524 = arith.constant 0 : index
          %swap3A_1525 = tpu.vector_load %arg11[%swap3A_1523, %swap3A_1524] {strides = array<i32>} : memref<520x128xf32, #tpu.memory_space<vmem>>, vector<1x16xf32>,
          %swap3A_1526 = vector.shape_cast %swap3A_1525 : vector<1x16xf32> to vector<16xf32>
          %swap3A_1527 = vector.shape_cast %add3A_1522 : vector<16xf32> to vector<1x16xf32>
          tpu.vector_store %arg11[%swap3A_1523, %swap3A_1524], %swap3A_1527 {strides = array<i32>} : memref<520x128xf32, #tpu.memory_space<vmem>>, vector<1x16xf32>,
          %get3A_1528 = arith.index_cast %select_n3A_1513 : i32 to index
          %get3A_1529 = arith.constant 16 : index
          %get3A_1530 = tpu.vector_load %arg11[%get3A_1528, %get3A_1529] {strides = array<i32>} : memref<520x128xf32, #tpu.memory_space<vmem>>, vector<1x16xf32>,
          %get3A_1531 = vector.shape_cast %get3A_1530 : vector<1x16xf32> to vector<16xf32>
          %get3A_1532 = arith.index_cast %add3A_1500 : i32 to index
          %get3A_1533 = arith.constant 16 : index
          %get3A_1534 = tpu.vector_load %arg19[%get3A_1532, %get3A_1533] {strides = array<i32>} : memref<80x128xf32, #tpu.memory_space<vmem>>, vector<1x16xf32>,
          %get3A_1535 = vector.shape_cast %get3A_1534 : vector<1x16xf32> to vector<16xf32>
          %add3A_1536 = arith.addf %get3A_1531, %get3A_1535 : vector<16xf32>
          %swap3A_1537 = arith.index_cast %select_n3A_1513 : i32 to index
          %swap3A_1538 = arith.constant 16 : index
          %swap3A_1539 = tpu.vector_load %arg11[%swap3A_1537, %swap3A_1538] {strides = array<i32>} : memref<520x128xf32, #tpu.memory_space<vmem>>, vector<1x16xf32>,
          %swap3A_1540 = vector.shape_cast %swap3A_1539 : vector<1x16xf32> to vector<16xf32>
          %swap3A_1541 = vector.shape_cast %add3A_1536 : vector<16xf32> to vector<1x16xf32>
          tpu.vector_store %arg11[%swap3A_1537, %swap3A_1538], %swap3A_1541 {strides = array<i32>} : memref<520x128xf32, #tpu.memory_space<vmem>>, vector<1x16xf32>,
          %get3A_1542 = arith.index_cast %select_n3A_1513 : i32 to index
          %get3A_1543 = arith.constant 32 : index
          %get3A_1544 = tpu.vector_load %arg11[%get3A_1542, %get3A_1543] {strides = array<i32>} : memref<520x128xf32, #tpu.memory_space<vmem>>, vector<1x16xf32>,
          %get3A_1545 = vector.shape_cast %get3A_1544 : vector<1x16xf32> to vector<16xf32>
          %get3A_1546 = arith.index_cast %add3A_1500 : i32 to index
          %get3A_1547 = arith.constant 32 : index
          %get3A_1548 = tpu.vector_load %arg19[%get3A_1546, %get3A_1547] {strides = array<i32>} : memref<80x128xf32, #tpu.memory_space<vmem>>, vector<1x16xf32>,
          %get3A_1549 = vector.shape_cast %get3A_1548 : vector<1x16xf32> to vector<16xf32>
          %add3A_1550 = arith.addf %get3A_1545, %get3A_1549 : vector<16xf32>
          %swap3A_1551 = arith.index_cast %select_n3A_1513 : i32 to index
          %swap3A_1552 = arith.constant 32 : index
          %swap3A_1553 = tpu.vector_load %arg11[%swap3A_1551, %swap3A_1552] {strides = array<i32>} : memref<520x128xf32, #tpu.memory_space<vmem>>, vector<1x16xf32>,
          %swap3A_1554 = vector.shape_cast %swap3A_1553 : vector<1x16xf32> to vector<16xf32>
          %swap3A_1555 = vector.shape_cast %add3A_1550 : vector<16xf32> to vector<1x16xf32>
          tpu.vector_store %arg11[%swap3A_1551, %swap3A_1552], %swap3A_1555 {strides = array<i32>} : memref<520x128xf32, #tpu.memory_space<vmem>>, vector<1x16xf32>,
          %get3A_1556 = arith.index_cast %select_n3A_1513 : i32 to index
          %get3A_1557 = arith.constant 48 : index
          %get3A_1558 = tpu.vector_load %arg11[%get3A_1556, %get3A_1557] {strides = array<i32>} : memref<520x128xf32, #tpu.memory_space<vmem>>, vector<1x16xf32>,
          %get3A_1559 = vector.shape_cast %get3A_1558 : vector<1x16xf32> to vector<16xf32>
          %get3A_1560 = arith.index_cast %add3A_1500 : i32 to index
          %get3A_1561 = arith.constant 48 : index
          %get3A_1562 = tpu.vector_load %arg19[%get3A_1560, %get3A_1561] {strides = array<i32>} : memref<80x128xf32, #tpu.memory_space<vmem>>, vector<1x16xf32>,
          %get3A_1563 = vector.shape_cast %get3A_1562 : vector<1x16xf32> to vector<16xf32>
          %add3A_1564 = arith.addf %get3A_1559, %get3A_1563 : vector<16xf32>
          %swap3A_1565 = arith.index_cast %select_n3A_1513 : i32 to index
          %swap3A_1566 = arith.constant 48 : index
          %swap3A_1567 = tpu.vector_load %arg11[%swap3A_1565, %swap3A_1566] {strides = array<i32>} : memref<520x128xf32, #tpu.memory_space<vmem>>, vector<1x16xf32>,
          %swap3A_1568 = vector.shape_cast %swap3A_1567 : vector<1x16xf32> to vector<16xf32>
          %swap3A_1569 = vector.shape_cast %add3A_1564 : vector<16xf32> to vector<1x16xf32>
          tpu.vector_store %arg11[%swap3A_1565, %swap3A_1566], %swap3A_1569 {strides = array<i32>} : memref<520x128xf32, #tpu.memory_space<vmem>>, vector<1x16xf32>,
          %get3A_1570 = arith.index_cast %select_n3A_1513 : i32 to index
          %get3A_1571 = arith.constant 64 : index
          %get3A_1572 = tpu.vector_load %arg11[%get3A_1570, %get3A_1571] {strides = array<i32>} : memref<520x128xf32, #tpu.memory_space<vmem>>, vector<1x16xf32>,
          %get3A_1573 = vector.shape_cast %get3A_1572 : vector<1x16xf32> to vector<16xf32>
          %get3A_1574 = arith.index_cast %add3A_1500 : i32 to index
          %get3A_1575 = arith.constant 64 : index
          %get3A_1576 = tpu.vector_load %arg19[%get3A_1574, %get3A_1575] {strides = array<i32>} : memref<80x128xf32, #tpu.memory_space<vmem>>, vector<1x16xf32>,
          %get3A_1577 = vector.shape_cast %get3A_1576 : vector<1x16xf32> to vector<16xf32>
          %add3A_1578 = arith.addf %get3A_1573, %get3A_1577 : vector<16xf32>
          %swap3A_1579 = arith.index_cast %select_n3A_1513 : i32 to index
          %swap3A_1580 = arith.constant 64 : index
          %swap3A_1581 = tpu.vector_load %arg11[%swap3A_1579, %swap3A_1580] {strides = array<i32>} : memref<520x128xf32, #tpu.memory_space<vmem>>, vector<1x16xf32>,
          %swap3A_1582 = vector.shape_cast %swap3A_1581 : vector<1x16xf32> to vector<16xf32>
          %swap3A_1583 = vector.shape_cast %add3A_1578 : vector<16xf32> to vector<1x16xf32>
          tpu.vector_store %arg11[%swap3A_1579, %swap3A_1580], %swap3A_1583 {strides = array<i32>} : memref<520x128xf32, #tpu.memory_space<vmem>>, vector<1x16xf32>,
          %get3A_1584 = arith.index_cast %select_n3A_1513 : i32 to index
          %get3A_1585 = arith.constant 80 : index
          %get3A_1586 = tpu.vector_load %arg11[%get3A_1584, %get3A_1585] {strides = array<i32>} : memref<520x128xf32, #tpu.memory_space<vmem>>, vector<1x16xf32>,
          %get3A_1587 = vector.shape_cast %get3A_1586 : vector<1x16xf32> to vector<16xf32>
          %get3A_1588 = arith.index_cast %add3A_1500 : i32 to index
          %get3A_1589 = arith.constant 80 : index
          %get3A_1590 = tpu.vector_load %arg19[%get3A_1588, %get3A_1589] {strides = array<i32>} : memref<80x128xf32, #tpu.memory_space<vmem>>, vector<1x16xf32>,
          %get3A_1591 = vector.shape_cast %get3A_1590 : vector<1x16xf32> to vector<16xf32>
          %add3A_1592 = arith.addf %get3A_1587, %get3A_1591 : vector<16xf32>
          %swap3A_1593 = arith.index_cast %select_n3A_1513 : i32 to index
          %swap3A_1594 = arith.constant 80 : index
          %swap3A_1595 = tpu.vector_load %arg11[%swap3A_1593, %swap3A_1594] {strides = array<i32>} : memref<520x128xf32, #tpu.memory_space<vmem>>, vector<1x16xf32>,
          %swap3A_1596 = vector.shape_cast %swap3A_1595 : vector<1x16xf32> to vector<16xf32>
          %swap3A_1597 = vector.shape_cast %add3A_1592 : vector<16xf32> to vector<1x16xf32>
          tpu.vector_store %arg11[%swap3A_1593, %swap3A_1594], %swap3A_1597 {strides = array<i32>} : memref<520x128xf32, #tpu.memory_space<vmem>>, vector<1x16xf32>,
          %get3A_1598 = arith.index_cast %select_n3A_1513 : i32 to index
          %get3A_1599 = arith.constant 96 : index
          %get3A_1600 = tpu.vector_load %arg11[%get3A_1598, %get3A_1599] {strides = array<i32>} : memref<520x128xf32, #tpu.memory_space<vmem>>, vector<1x16xf32>,
          %get3A_1601 = vector.shape_cast %get3A_1600 : vector<1x16xf32> to vector<16xf32>
          %get3A_1602 = arith.index_cast %add3A_1500 : i32 to index
          %get3A_1603 = arith.constant 96 : index
          %get3A_1604 = tpu.vector_load %arg19[%get3A_1602, %get3A_1603] {strides = array<i32>} : memref<80x128xf32, #tpu.memory_space<vmem>>, vector<1x16xf32>,
          %get3A_1605 = vector.shape_cast %get3A_1604 : vector<1x16xf32> to vector<16xf32>
          %add3A_1606 = arith.addf %get3A_1601, %get3A_1605 : vector<16xf32>
          %swap3A_1607 = arith.index_cast %select_n3A_1513 : i32 to index
          %swap3A_1608 = arith.constant 96 : index
          %swap3A_1609 = tpu.vector_load %arg11[%swap3A_1607, %swap3A_1608] {strides = array<i32>} : memref<520x128xf32, #tpu.memory_space<vmem>>, vector<1x16xf32>,
          %swap3A_1610 = vector.shape_cast %swap3A_1609 : vector<1x16xf32> to vector<16xf32>
          %swap3A_1611 = vector.shape_cast %add3A_1606 : vector<16xf32> to vector<1x16xf32>
          tpu.vector_store %arg11[%swap3A_1607, %swap3A_1608], %swap3A_1611 {strides = array<i32>} : memref<520x128xf32, #tpu.memory_space<vmem>>, vector<1x16xf32>,
          %get3A_1612 = arith.index_cast %select_n3A_1513 : i32 to index
          %get3A_1613 = arith.constant 112 : index
          %get3A_1614 = tpu.vector_load %arg11[%get3A_1612, %get3A_1613] {strides = array<i32>} : memref<520x128xf32, #tpu.memory_space<vmem>>, vector<1x16xf32>,
          %get3A_1615 = vector.shape_cast %get3A_1614 : vector<1x16xf32> to vector<16xf32>
          %get3A_1616 = arith.index_cast %add3A_1500 : i32 to index
          %get3A_1617 = arith.constant 112 : index
          %get3A_1618 = tpu.vector_load %arg19[%get3A_1616, %get3A_1617] {strides = array<i32>} : memref<80x128xf32, #tpu.memory_space<vmem>>, vector<1x16xf32>,
          %get3A_1619 = vector.shape_cast %get3A_1618 : vector<1x16xf32> to vector<16xf32>
          %add3A_1620 = arith.addf %get3A_1615, %get3A_1619 : vector<16xf32>
          %swap3A_1621 = arith.index_cast %select_n3A_1513 : i32 to index
          %swap3A_1622 = arith.constant 112 : index
          %swap3A_1623 = tpu.vector_load %arg11[%swap3A_1621, %swap3A_1622] {strides = array<i32>} : memref<520x128xf32, #tpu.memory_space<vmem>>, vector<1x16xf32>,
          %swap3A_1624 = vector.shape_cast %swap3A_1623 : vector<1x16xf32> to vector<16xf32>
          %swap3A_1625 = vector.shape_cast %add3A_1620 : vector<16xf32> to vector<1x16xf32>
          tpu.vector_store %arg11[%swap3A_1621, %swap3A_1622], %swap3A_1625 {strides = array<i32>} : memref<520x128xf32, #tpu.memory_space<vmem>>, vector<1x16xf32>,
          %mul3A_1626 = arith.constant 16 : i32
          %mul3A_1627 = arith.muli %select_n3A_1513, %mul3A_1626 : i32
          %get3A_1628 = arith.index_cast %mul3A_1627 : i32 to index
          %get3A_1629 = tpu.vector_load %arg12[%get3A_1628] {strides = array<i32>} : memref<8320xf32, #tpu.memory_space<vmem>>, vector<16xf32>,
          %get3A_1630 = vector.shape_cast %get3A_1629 : vector<16xf32> to vector<16xf32>
          %mul3A_1631 = arith.constant 16 : i32
          %mul3A_1632 = arith.muli %add3A_1500, %mul3A_1631 : i32
          %get3A_1633 = arith.index_cast %mul3A_1632 : i32 to index
          %get3A_1634 = tpu.vector_load %arg20[%get3A_1633] {strides = array<i32>} : memref<1280xf32, #tpu.memory_space<vmem>>, vector<16xf32>,
          %get3A_1635 = vector.shape_cast %get3A_1634 : vector<16xf32> to vector<16xf32>
          %add3A_1636 = arith.addf %get3A_1630, %get3A_1635 : vector<16xf32>
          %swap3A_1637 = arith.index_cast %mul3A_1627 : i32 to index
          %swap3A_1638 = tpu.vector_load %arg12[%swap3A_1637] {strides = array<i32>} : memref<8320xf32, #tpu.memory_space<vmem>>, vector<16xf32>,
          %swap3A_1639 = vector.shape_cast %swap3A_1638 : vector<16xf32> to vector<16xf32>
          %swap3A_1640 = vector.shape_cast %add3A_1636 : vector<16xf32> to vector<16xf32>
          tpu.vector_store %arg12[%swap3A_1637], %swap3A_1640 {strides = array<i32>} : memref<8320xf32, #tpu.memory_space<vmem>>, vector<16xf32>,
          %mul3A_1641 = arith.constant 16 : i32
          %mul3A_1642 = arith.muli %scan3A_58, %mul3A_1641 : i32
          %add3A_1643 = arith.constant 11 : i32
          %add3A_1644 = arith.addi %mul3A_1642, %add3A_1643 : i32
          %slice3A_1645 = vector.extract_strided_slice %sub3A_66 {offsets = [11], sizes = [1], strides = [1]} : vector<16xi32> to vector<1xi32>
          %squeeze3A_1646 = vector.extract %slice3A_1645[0] : i32 from vector<1xi32>
          %ge3A_1647 = arith.constant 0 : i32
          %ge3A_1648 = arith.cmpi sge, %squeeze3A_1646, %ge3A_1647 : i32
          %lt3A_1649 = arith.constant 512 : i32
          %lt3A_1650 = arith.cmpi slt, %squeeze3A_1646, %lt3A_1649 : i32
          %and3A_1651 = arith.andi %ge3A_1648, %lt3A_1650 : i1
          %jit3A_1652 = arith.constant 0 : i32
          %jit3A_1653 = arith.constant 511 : i32
          %max3A_1654 = arith.maxsi %jit3A_1652, %squeeze3A_1646 : i32
          %min3A_1655 = arith.minsi %jit3A_1653, %max3A_1654 : i32
          %jit3A_1656 = arith.constant 512 : i32
          %select_n3A_1657 = arith.select %and3A_1651, %min3A_1655, %jit3A_1656 : i32
          %get3A_1658 = arith.index_cast %select_n3A_1657 : i32 to index
          %get3A_1659 = arith.constant 0 : index
          %get3A_1660 = tpu.vector_load %arg11[%get3A_1658, %get3A_1659] {strides = array<i32>} : memref<520x128xf32, #tpu.memory_space<vmem>>, vector<1x16xf32>,
          %get3A_1661 = vector.shape_cast %get3A_1660 : vector<1x16xf32> to vector<16xf32>
          %get3A_1662 = arith.index_cast %add3A_1644 : i32 to index
          %get3A_1663 = arith.constant 0 : index
          %get3A_1664 = tpu.vector_load %arg19[%get3A_1662, %get3A_1663] {strides = array<i32>} : memref<80x128xf32, #tpu.memory_space<vmem>>, vector<1x16xf32>,
          %get3A_1665 = vector.shape_cast %get3A_1664 : vector<1x16xf32> to vector<16xf32>
          %add3A_1666 = arith.addf %get3A_1661, %get3A_1665 : vector<16xf32>
          %swap3A_1667 = arith.index_cast %select_n3A_1657 : i32 to index
          %swap3A_1668 = arith.constant 0 : index
          %swap3A_1669 = tpu.vector_load %arg11[%swap3A_1667, %swap3A_1668] {strides = array<i32>} : memref<520x128xf32, #tpu.memory_space<vmem>>, vector<1x16xf32>,
          %swap3A_1670 = vector.shape_cast %swap3A_1669 : vector<1x16xf32> to vector<16xf32>
          %swap3A_1671 = vector.shape_cast %add3A_1666 : vector<16xf32> to vector<1x16xf32>
          tpu.vector_store %arg11[%swap3A_1667, %swap3A_1668], %swap3A_1671 {strides = array<i32>} : memref<520x128xf32, #tpu.memory_space<vmem>>, vector<1x16xf32>,
          %get3A_1672 = arith.index_cast %select_n3A_1657 : i32 to index
          %get3A_1673 = arith.constant 16 : index
          %get3A_1674 = tpu.vector_load %arg11[%get3A_1672, %get3A_1673] {strides = array<i32>} : memref<520x128xf32, #tpu.memory_space<vmem>>, vector<1x16xf32>,
          %get3A_1675 = vector.shape_cast %get3A_1674 : vector<1x16xf32> to vector<16xf32>
          %get3A_1676 = arith.index_cast %add3A_1644 : i32 to index
          %get3A_1677 = arith.constant 16 : index
          %get3A_1678 = tpu.vector_load %arg19[%get3A_1676, %get3A_1677] {strides = array<i32>} : memref<80x128xf32, #tpu.memory_space<vmem>>, vector<1x16xf32>,
          %get3A_1679 = vector.shape_cast %get3A_1678 : vector<1x16xf32> to vector<16xf32>
          %add3A_1680 = arith.addf %get3A_1675, %get3A_1679 : vector<16xf32>
          %swap3A_1681 = arith.index_cast %select_n3A_1657 : i32 to index
          %swap3A_1682 = arith.constant 16 : index
          %swap3A_1683 = tpu.vector_load %arg11[%swap3A_1681, %swap3A_1682] {strides = array<i32>} : memref<520x128xf32, #tpu.memory_space<vmem>>, vector<1x16xf32>,
          %swap3A_1684 = vector.shape_cast %swap3A_1683 : vector<1x16xf32> to vector<16xf32>
          %swap3A_1685 = vector.shape_cast %add3A_1680 : vector<16xf32> to vector<1x16xf32>
          tpu.vector_store %arg11[%swap3A_1681, %swap3A_1682], %swap3A_1685 {strides = array<i32>} : memref<520x128xf32, #tpu.memory_space<vmem>>, vector<1x16xf32>,
          %get3A_1686 = arith.index_cast %select_n3A_1657 : i32 to index
          %get3A_1687 = arith.constant 32 : index
          %get3A_1688 = tpu.vector_load %arg11[%get3A_1686, %get3A_1687] {strides = array<i32>} : memref<520x128xf32, #tpu.memory_space<vmem>>, vector<1x16xf32>,
          %get3A_1689 = vector.shape_cast %get3A_1688 : vector<1x16xf32> to vector<16xf32>
          %get3A_1690 = arith.index_cast %add3A_1644 : i32 to index
          %get3A_1691 = arith.constant 32 : index
          %get3A_1692 = tpu.vector_load %arg19[%get3A_1690, %get3A_1691] {strides = array<i32>} : memref<80x128xf32, #tpu.memory_space<vmem>>, vector<1x16xf32>,
          %get3A_1693 = vector.shape_cast %get3A_1692 : vector<1x16xf32> to vector<16xf32>
          %add3A_1694 = arith.addf %get3A_1689, %get3A_1693 : vector<16xf32>
          %swap3A_1695 = arith.index_cast %select_n3A_1657 : i32 to index
          %swap3A_1696 = arith.constant 32 : index
          %swap3A_1697 = tpu.vector_load %arg11[%swap3A_1695, %swap3A_1696] {strides = array<i32>} : memref<520x128xf32, #tpu.memory_space<vmem>>, vector<1x16xf32>,
          %swap3A_1698 = vector.shape_cast %swap3A_1697 : vector<1x16xf32> to vector<16xf32>
          %swap3A_1699 = vector.shape_cast %add3A_1694 : vector<16xf32> to vector<1x16xf32>
          tpu.vector_store %arg11[%swap3A_1695, %swap3A_1696], %swap3A_1699 {strides = array<i32>} : memref<520x128xf32, #tpu.memory_space<vmem>>, vector<1x16xf32>,
          %get3A_1700 = arith.index_cast %select_n3A_1657 : i32 to index
          %get3A_1701 = arith.constant 48 : index
          %get3A_1702 = tpu.vector_load %arg11[%get3A_1700, %get3A_1701] {strides = array<i32>} : memref<520x128xf32, #tpu.memory_space<vmem>>, vector<1x16xf32>,
          %get3A_1703 = vector.shape_cast %get3A_1702 : vector<1x16xf32> to vector<16xf32>
          %get3A_1704 = arith.index_cast %add3A_1644 : i32 to index
          %get3A_1705 = arith.constant 48 : index
          %get3A_1706 = tpu.vector_load %arg19[%get3A_1704, %get3A_1705] {strides = array<i32>} : memref<80x128xf32, #tpu.memory_space<vmem>>, vector<1x16xf32>,
          %get3A_1707 = vector.shape_cast %get3A_1706 : vector<1x16xf32> to vector<16xf32>
          %add3A_1708 = arith.addf %get3A_1703, %get3A_1707 : vector<16xf32>
          %swap3A_1709 = arith.index_cast %select_n3A_1657 : i32 to index
          %swap3A_1710 = arith.constant 48 : index
          %swap3A_1711 = tpu.vector_load %arg11[%swap3A_1709, %swap3A_1710] {strides = array<i32>} : memref<520x128xf32, #tpu.memory_space<vmem>>, vector<1x16xf32>,
          %swap3A_1712 = vector.shape_cast %swap3A_1711 : vector<1x16xf32> to vector<16xf32>
          %swap3A_1713 = vector.shape_cast %add3A_1708 : vector<16xf32> to vector<1x16xf32>
          tpu.vector_store %arg11[%swap3A_1709, %swap3A_1710], %swap3A_1713 {strides = array<i32>} : memref<520x128xf32, #tpu.memory_space<vmem>>, vector<1x16xf32>,
          %get3A_1714 = arith.index_cast %select_n3A_1657 : i32 to index
          %get3A_1715 = arith.constant 64 : index
          %get3A_1716 = tpu.vector_load %arg11[%get3A_1714, %get3A_1715] {strides = array<i32>} : memref<520x128xf32, #tpu.memory_space<vmem>>, vector<1x16xf32>,
          %get3A_1717 = vector.shape_cast %get3A_1716 : vector<1x16xf32> to vector<16xf32>
          %get3A_1718 = arith.index_cast %add3A_1644 : i32 to index
          %get3A_1719 = arith.constant 64 : index
          %get3A_1720 = tpu.vector_load %arg19[%get3A_1718, %get3A_1719] {strides = array<i32>} : memref<80x128xf32, #tpu.memory_space<vmem>>, vector<1x16xf32>,
          %get3A_1721 = vector.shape_cast %get3A_1720 : vector<1x16xf32> to vector<16xf32>
          %add3A_1722 = arith.addf %get3A_1717, %get3A_1721 : vector<16xf32>
          %swap3A_1723 = arith.index_cast %select_n3A_1657 : i32 to index
          %swap3A_1724 = arith.constant 64 : index
          %swap3A_1725 = tpu.vector_load %arg11[%swap3A_1723, %swap3A_1724] {strides = array<i32>} : memref<520x128xf32, #tpu.memory_space<vmem>>, vector<1x16xf32>,
          %swap3A_1726 = vector.shape_cast %swap3A_1725 : vector<1x16xf32> to vector<16xf32>
          %swap3A_1727 = vector.shape_cast %add3A_1722 : vector<16xf32> to vector<1x16xf32>
          tpu.vector_store %arg11[%swap3A_1723, %swap3A_1724], %swap3A_1727 {strides = array<i32>} : memref<520x128xf32, #tpu.memory_space<vmem>>, vector<1x16xf32>,
          %get3A_1728 = arith.index_cast %select_n3A_1657 : i32 to index
          %get3A_1729 = arith.constant 80 : index
          %get3A_1730 = tpu.vector_load %arg11[%get3A_1728, %get3A_1729] {strides = array<i32>} : memref<520x128xf32, #tpu.memory_space<vmem>>, vector<1x16xf32>,
          %get3A_1731 = vector.shape_cast %get3A_1730 : vector<1x16xf32> to vector<16xf32>
          %get3A_1732 = arith.index_cast %add3A_1644 : i32 to index
          %get3A_1733 = arith.constant 80 : index
          %get3A_1734 = tpu.vector_load %arg19[%get3A_1732, %get3A_1733] {strides = array<i32>} : memref<80x128xf32, #tpu.memory_space<vmem>>, vector<1x16xf32>,
          %get3A_1735 = vector.shape_cast %get3A_1734 : vector<1x16xf32> to vector<16xf32>
          %add3A_1736 = arith.addf %get3A_1731, %get3A_1735 : vector<16xf32>
          %swap3A_1737 = arith.index_cast %select_n3A_1657 : i32 to index
          %swap3A_1738 = arith.constant 80 : index
          %swap3A_1739 = tpu.vector_load %arg11[%swap3A_1737, %swap3A_1738] {strides = array<i32>} : memref<520x128xf32, #tpu.memory_space<vmem>>, vector<1x16xf32>,
          %swap3A_1740 = vector.shape_cast %swap3A_1739 : vector<1x16xf32> to vector<16xf32>
          %swap3A_1741 = vector.shape_cast %add3A_1736 : vector<16xf32> to vector<1x16xf32>
          tpu.vector_store %arg11[%swap3A_1737, %swap3A_1738], %swap3A_1741 {strides = array<i32>} : memref<520x128xf32, #tpu.memory_space<vmem>>, vector<1x16xf32>,
          %get3A_1742 = arith.index_cast %select_n3A_1657 : i32 to index
          %get3A_1743 = arith.constant 96 : index
          %get3A_1744 = tpu.vector_load %arg11[%get3A_1742, %get3A_1743] {strides = array<i32>} : memref<520x128xf32, #tpu.memory_space<vmem>>, vector<1x16xf32>,
          %get3A_1745 = vector.shape_cast %get3A_1744 : vector<1x16xf32> to vector<16xf32>
          %get3A_1746 = arith.index_cast %add3A_1644 : i32 to index
          %get3A_1747 = arith.constant 96 : index
          %get3A_1748 = tpu.vector_load %arg19[%get3A_1746, %get3A_1747] {strides = array<i32>} : memref<80x128xf32, #tpu.memory_space<vmem>>, vector<1x16xf32>,
          %get3A_1749 = vector.shape_cast %get3A_1748 : vector<1x16xf32> to vector<16xf32>
          %add3A_1750 = arith.addf %get3A_1745, %get3A_1749 : vector<16xf32>
          %swap3A_1751 = arith.index_cast %select_n3A_1657 : i32 to index
          %swap3A_1752 = arith.constant 96 : index
          %swap3A_1753 = tpu.vector_load %arg11[%swap3A_1751, %swap3A_1752] {strides = array<i32>} : memref<520x128xf32, #tpu.memory_space<vmem>>, vector<1x16xf32>,
          %swap3A_1754 = vector.shape_cast %swap3A_1753 : vector<1x16xf32> to vector<16xf32>
          %swap3A_1755 = vector.shape_cast %add3A_1750 : vector<16xf32> to vector<1x16xf32>
          tpu.vector_store %arg11[%swap3A_1751, %swap3A_1752], %swap3A_1755 {strides = array<i32>} : memref<520x128xf32, #tpu.memory_space<vmem>>, vector<1x16xf32>,
          %get3A_1756 = arith.index_cast %select_n3A_1657 : i32 to index
          %get3A_1757 = arith.constant 112 : index
          %get3A_1758 = tpu.vector_load %arg11[%get3A_1756, %get3A_1757] {strides = array<i32>} : memref<520x128xf32, #tpu.memory_space<vmem>>, vector<1x16xf32>,
          %get3A_1759 = vector.shape_cast %get3A_1758 : vector<1x16xf32> to vector<16xf32>
          %get3A_1760 = arith.index_cast %add3A_1644 : i32 to index
          %get3A_1761 = arith.constant 112 : index
          %get3A_1762 = tpu.vector_load %arg19[%get3A_1760, %get3A_1761] {strides = array<i32>} : memref<80x128xf32, #tpu.memory_space<vmem>>, vector<1x16xf32>,
          %get3A_1763 = vector.shape_cast %get3A_1762 : vector<1x16xf32> to vector<16xf32>
          %add3A_1764 = arith.addf %get3A_1759, %get3A_1763 : vector<16xf32>
          %swap3A_1765 = arith.index_cast %select_n3A_1657 : i32 to index
          %swap3A_1766 = arith.constant 112 : index
          %swap3A_1767 = tpu.vector_load %arg11[%swap3A_1765, %swap3A_1766] {strides = array<i32>} : memref<520x128xf32, #tpu.memory_space<vmem>>, vector<1x16xf32>,
          %swap3A_1768 = vector.shape_cast %swap3A_1767 : vector<1x16xf32> to vector<16xf32>
          %swap3A_1769 = vector.shape_cast %add3A_1764 : vector<16xf32> to vector<1x16xf32>
          tpu.vector_store %arg11[%swap3A_1765, %swap3A_1766], %swap3A_1769 {strides = array<i32>} : memref<520x128xf32, #tpu.memory_space<vmem>>, vector<1x16xf32>,
          %mul3A_1770 = arith.constant 16 : i32
          %mul3A_1771 = arith.muli %select_n3A_1657, %mul3A_1770 : i32
          %get3A_1772 = arith.index_cast %mul3A_1771 : i32 to index
          %get3A_1773 = tpu.vector_load %arg12[%get3A_1772] {strides = array<i32>} : memref<8320xf32, #tpu.memory_space<vmem>>, vector<16xf32>,
          %get3A_1774 = vector.shape_cast %get3A_1773 : vector<16xf32> to vector<16xf32>
          %mul3A_1775 = arith.constant 16 : i32
          %mul3A_1776 = arith.muli %add3A_1644, %mul3A_1775 : i32
          %get3A_1777 = arith.index_cast %mul3A_1776 : i32 to index
          %get3A_1778 = tpu.vector_load %arg20[%get3A_1777] {strides = array<i32>} : memref<1280xf32, #tpu.memory_space<vmem>>, vector<16xf32>,
          %get3A_1779 = vector.shape_cast %get3A_1778 : vector<16xf32> to vector<16xf32>
          %add3A_1780 = arith.addf %get3A_1774, %get3A_1779 : vector<16xf32>
          %swap3A_1781 = arith.index_cast %mul3A_1771 : i32 to index
          %swap3A_1782 = tpu.vector_load %arg12[%swap3A_1781] {strides = array<i32>} : memref<8320xf32, #tpu.memory_space<vmem>>, vector<16xf32>,
          %swap3A_1783 = vector.shape_cast %swap3A_1782 : vector<16xf32> to vector<16xf32>
          %swap3A_1784 = vector.shape_cast %add3A_1780 : vector<16xf32> to vector<16xf32>
          tpu.vector_store %arg12[%swap3A_1781], %swap3A_1784 {strides = array<i32>} : memref<8320xf32, #tpu.memory_space<vmem>>, vector<16xf32>,
          %mul3A_1785 = arith.constant 16 : i32
          %mul3A_1786 = arith.muli %scan3A_58, %mul3A_1785 : i32
          %add3A_1787 = arith.constant 12 : i32
          %add3A_1788 = arith.addi %mul3A_1786, %add3A_1787 : i32
          %slice3A_1789 = vector.extract_strided_slice %sub3A_66 {offsets = [12], sizes = [1], strides = [1]} : vector<16xi32> to vector<1xi32>
          %squeeze3A_1790 = vector.extract %slice3A_1789[0] : i32 from vector<1xi32>
          %ge3A_1791 = arith.constant 0 : i32
          %ge3A_1792 = arith.cmpi sge, %squeeze3A_1790, %ge3A_1791 : i32
          %lt3A_1793 = arith.constant 512 : i32
          %lt3A_1794 = arith.cmpi slt, %squeeze3A_1790, %lt3A_1793 : i32
          %and3A_1795 = arith.andi %ge3A_1792, %lt3A_1794 : i1
          %jit3A_1796 = arith.constant 0 : i32
          %jit3A_1797 = arith.constant 511 : i32
          %max3A_1798 = arith.maxsi %jit3A_1796, %squeeze3A_1790 : i32
          %min3A_1799 = arith.minsi %jit3A_1797, %max3A_1798 : i32
          %jit3A_1800 = arith.constant 512 : i32
          %select_n3A_1801 = arith.select %and3A_1795, %min3A_1799, %jit3A_1800 : i32
          %get3A_1802 = arith.index_cast %select_n3A_1801 : i32 to index
          %get3A_1803 = arith.constant 0 : index
          %get3A_1804 = tpu.vector_load %arg11[%get3A_1802, %get3A_1803] {strides = array<i32>} : memref<520x128xf32, #tpu.memory_space<vmem>>, vector<1x16xf32>,
          %get3A_1805 = vector.shape_cast %get3A_1804 : vector<1x16xf32> to vector<16xf32>
          %get3A_1806 = arith.index_cast %add3A_1788 : i32 to index
          %get3A_1807 = arith.constant 0 : index
          %get3A_1808 = tpu.vector_load %arg19[%get3A_1806, %get3A_1807] {strides = array<i32>} : memref<80x128xf32, #tpu.memory_space<vmem>>, vector<1x16xf32>,
          %get3A_1809 = vector.shape_cast %get3A_1808 : vector<1x16xf32> to vector<16xf32>
          %add3A_1810 = arith.addf %get3A_1805, %get3A_1809 : vector<16xf32>
          %swap3A_1811 = arith.index_cast %select_n3A_1801 : i32 to index
          %swap3A_1812 = arith.constant 0 : index
          %swap3A_1813 = tpu.vector_load %arg11[%swap3A_1811, %swap3A_1812] {strides = array<i32>} : memref<520x128xf32, #tpu.memory_space<vmem>>, vector<1x16xf32>,
          %swap3A_1814 = vector.shape_cast %swap3A_1813 : vector<1x16xf32> to vector<16xf32>
          %swap3A_1815 = vector.shape_cast %add3A_1810 : vector<16xf32> to vector<1x16xf32>
          tpu.vector_store %arg11[%swap3A_1811, %swap3A_1812], %swap3A_1815 {strides = array<i32>} : memref<520x128xf32, #tpu.memory_space<vmem>>, vector<1x16xf32>,
          %get3A_1816 = arith.index_cast %select_n3A_1801 : i32 to index
          %get3A_1817 = arith.constant 16 : index
          %get3A_1818 = tpu.vector_load %arg11[%get3A_1816, %get3A_1817] {strides = array<i32>} : memref<520x128xf32, #tpu.memory_space<vmem>>, vector<1x16xf32>,
          %get3A_1819 = vector.shape_cast %get3A_1818 : vector<1x16xf32> to vector<16xf32>
          %get3A_1820 = arith.index_cast %add3A_1788 : i32 to index
          %get3A_1821 = arith.constant 16 : index
          %get3A_1822 = tpu.vector_load %arg19[%get3A_1820, %get3A_1821] {strides = array<i32>} : memref<80x128xf32, #tpu.memory_space<vmem>>, vector<1x16xf32>,
          %get3A_1823 = vector.shape_cast %get3A_1822 : vector<1x16xf32> to vector<16xf32>
          %add3A_1824 = arith.addf %get3A_1819, %get3A_1823 : vector<16xf32>
          %swap3A_1825 = arith.index_cast %select_n3A_1801 : i32 to index
          %swap3A_1826 = arith.constant 16 : index
          %swap3A_1827 = tpu.vector_load %arg11[%swap3A_1825, %swap3A_1826] {strides = array<i32>} : memref<520x128xf32, #tpu.memory_space<vmem>>, vector<1x16xf32>,
          %swap3A_1828 = vector.shape_cast %swap3A_1827 : vector<1x16xf32> to vector<16xf32>
          %swap3A_1829 = vector.shape_cast %add3A_1824 : vector<16xf32> to vector<1x16xf32>
          tpu.vector_store %arg11[%swap3A_1825, %swap3A_1826], %swap3A_1829 {strides = array<i32>} : memref<520x128xf32, #tpu.memory_space<vmem>>, vector<1x16xf32>,
          %get3A_1830 = arith.index_cast %select_n3A_1801 : i32 to index
          %get3A_1831 = arith.constant 32 : index
          %get3A_1832 = tpu.vector_load %arg11[%get3A_1830, %get3A_1831] {strides = array<i32>} : memref<520x128xf32, #tpu.memory_space<vmem>>, vector<1x16xf32>,
          %get3A_1833 = vector.shape_cast %get3A_1832 : vector<1x16xf32> to vector<16xf32>
          %get3A_1834 = arith.index_cast %add3A_1788 : i32 to index
          %get3A_1835 = arith.constant 32 : index
          %get3A_1836 = tpu.vector_load %arg19[%get3A_1834, %get3A_1835] {strides = array<i32>} : memref<80x128xf32, #tpu.memory_space<vmem>>, vector<1x16xf32>,
          %get3A_1837 = vector.shape_cast %get3A_1836 : vector<1x16xf32> to vector<16xf32>
          %add3A_1838 = arith.addf %get3A_1833, %get3A_1837 : vector<16xf32>
          %swap3A_1839 = arith.index_cast %select_n3A_1801 : i32 to index
          %swap3A_1840 = arith.constant 32 : index
          %swap3A_1841 = tpu.vector_load %arg11[%swap3A_1839, %swap3A_1840] {strides = array<i32>} : memref<520x128xf32, #tpu.memory_space<vmem>>, vector<1x16xf32>,
          %swap3A_1842 = vector.shape_cast %swap3A_1841 : vector<1x16xf32> to vector<16xf32>
          %swap3A_1843 = vector.shape_cast %add3A_1838 : vector<16xf32> to vector<1x16xf32>
          tpu.vector_store %arg11[%swap3A_1839, %swap3A_1840], %swap3A_1843 {strides = array<i32>} : memref<520x128xf32, #tpu.memory_space<vmem>>, vector<1x16xf32>,
          %get3A_1844 = arith.index_cast %select_n3A_1801 : i32 to index
          %get3A_1845 = arith.constant 48 : index
          %get3A_1846 = tpu.vector_load %arg11[%get3A_1844, %get3A_1845] {strides = array<i32>} : memref<520x128xf32, #tpu.memory_space<vmem>>, vector<1x16xf32>,
          %get3A_1847 = vector.shape_cast %get3A_1846 : vector<1x16xf32> to vector<16xf32>
          %get3A_1848 = arith.index_cast %add3A_1788 : i32 to index
          %get3A_1849 = arith.constant 48 : index
          %get3A_1850 = tpu.vector_load %arg19[%get3A_1848, %get3A_1849] {strides = array<i32>} : memref<80x128xf32, #tpu.memory_space<vmem>>, vector<1x16xf32>,
          %get3A_1851 = vector.shape_cast %get3A_1850 : vector<1x16xf32> to vector<16xf32>
          %add3A_1852 = arith.addf %get3A_1847, %get3A_1851 : vector<16xf32>
          %swap3A_1853 = arith.index_cast %select_n3A_1801 : i32 to index
          %swap3A_1854 = arith.constant 48 : index
          %swap3A_1855 = tpu.vector_load %arg11[%swap3A_1853, %swap3A_1854] {strides = array<i32>} : memref<520x128xf32, #tpu.memory_space<vmem>>, vector<1x16xf32>,
          %swap3A_1856 = vector.shape_cast %swap3A_1855 : vector<1x16xf32> to vector<16xf32>
          %swap3A_1857 = vector.shape_cast %add3A_1852 : vector<16xf32> to vector<1x16xf32>
          tpu.vector_store %arg11[%swap3A_1853, %swap3A_1854], %swap3A_1857 {strides = array<i32>} : memref<520x128xf32, #tpu.memory_space<vmem>>, vector<1x16xf32>,
          %get3A_1858 = arith.index_cast %select_n3A_1801 : i32 to index
          %get3A_1859 = arith.constant 64 : index
          %get3A_1860 = tpu.vector_load %arg11[%get3A_1858, %get3A_1859] {strides = array<i32>} : memref<520x128xf32, #tpu.memory_space<vmem>>, vector<1x16xf32>,
          %get3A_1861 = vector.shape_cast %get3A_1860 : vector<1x16xf32> to vector<16xf32>
          %get3A_1862 = arith.index_cast %add3A_1788 : i32 to index
          %get3A_1863 = arith.constant 64 : index
          %get3A_1864 = tpu.vector_load %arg19[%get3A_1862, %get3A_1863] {strides = array<i32>} : memref<80x128xf32, #tpu.memory_space<vmem>>, vector<1x16xf32>,
          %get3A_1865 = vector.shape_cast %get3A_1864 : vector<1x16xf32> to vector<16xf32>
          %add3A_1866 = arith.addf %get3A_1861, %get3A_1865 : vector<16xf32>
          %swap3A_1867 = arith.index_cast %select_n3A_1801 : i32 to index
          %swap3A_1868 = arith.constant 64 : index
          %swap3A_1869 = tpu.vector_load %arg11[%swap3A_1867, %swap3A_1868] {strides = array<i32>} : memref<520x128xf32, #tpu.memory_space<vmem>>, vector<1x16xf32>,
          %swap3A_1870 = vector.shape_cast %swap3A_1869 : vector<1x16xf32> to vector<16xf32>
          %swap3A_1871 = vector.shape_cast %add3A_1866 : vector<16xf32> to vector<1x16xf32>
          tpu.vector_store %arg11[%swap3A_1867, %swap3A_1868], %swap3A_1871 {strides = array<i32>} : memref<520x128xf32, #tpu.memory_space<vmem>>, vector<1x16xf32>,
          %get3A_1872 = arith.index_cast %select_n3A_1801 : i32 to index
          %get3A_1873 = arith.constant 80 : index
          %get3A_1874 = tpu.vector_load %arg11[%get3A_1872, %get3A_1873] {strides = array<i32>} : memref<520x128xf32, #tpu.memory_space<vmem>>, vector<1x16xf32>,
          %get3A_1875 = vector.shape_cast %get3A_1874 : vector<1x16xf32> to vector<16xf32>
          %get3A_1876 = arith.index_cast %add3A_1788 : i32 to index
          %get3A_1877 = arith.constant 80 : index
          %get3A_1878 = tpu.vector_load %arg19[%get3A_1876, %get3A_1877] {strides = array<i32>} : memref<80x128xf32, #tpu.memory_space<vmem>>, vector<1x16xf32>,
          %get3A_1879 = vector.shape_cast %get3A_1878 : vector<1x16xf32> to vector<16xf32>
          %add3A_1880 = arith.addf %get3A_1875, %get3A_1879 : vector<16xf32>
          %swap3A_1881 = arith.index_cast %select_n3A_1801 : i32 to index
          %swap3A_1882 = arith.constant 80 : index
          %swap3A_1883 = tpu.vector_load %arg11[%swap3A_1881, %swap3A_1882] {strides = array<i32>} : memref<520x128xf32, #tpu.memory_space<vmem>>, vector<1x16xf32>,
          %swap3A_1884 = vector.shape_cast %swap3A_1883 : vector<1x16xf32> to vector<16xf32>
          %swap3A_1885 = vector.shape_cast %add3A_1880 : vector<16xf32> to vector<1x16xf32>
          tpu.vector_store %arg11[%swap3A_1881, %swap3A_1882], %swap3A_1885 {strides = array<i32>} : memref<520x128xf32, #tpu.memory_space<vmem>>, vector<1x16xf32>,
          %get3A_1886 = arith.index_cast %select_n3A_1801 : i32 to index
          %get3A_1887 = arith.constant 96 : index
          %get3A_1888 = tpu.vector_load %arg11[%get3A_1886, %get3A_1887] {strides = array<i32>} : memref<520x128xf32, #tpu.memory_space<vmem>>, vector<1x16xf32>,
          %get3A_1889 = vector.shape_cast %get3A_1888 : vector<1x16xf32> to vector<16xf32>
          %get3A_1890 = arith.index_cast %add3A_1788 : i32 to index
          %get3A_1891 = arith.constant 96 : index
          %get3A_1892 = tpu.vector_load %arg19[%get3A_1890, %get3A_1891] {strides = array<i32>} : memref<80x128xf32, #tpu.memory_space<vmem>>, vector<1x16xf32>,
          %get3A_1893 = vector.shape_cast %get3A_1892 : vector<1x16xf32> to vector<16xf32>
          %add3A_1894 = arith.addf %get3A_1889, %get3A_1893 : vector<16xf32>
          %swap3A_1895 = arith.index_cast %select_n3A_1801 : i32 to index
          %swap3A_1896 = arith.constant 96 : index
          %swap3A_1897 = tpu.vector_load %arg11[%swap3A_1895, %swap3A_1896] {strides = array<i32>} : memref<520x128xf32, #tpu.memory_space<vmem>>, vector<1x16xf32>,
          %swap3A_1898 = vector.shape_cast %swap3A_1897 : vector<1x16xf32> to vector<16xf32>
          %swap3A_1899 = vector.shape_cast %add3A_1894 : vector<16xf32> to vector<1x16xf32>
          tpu.vector_store %arg11[%swap3A_1895, %swap3A_1896], %swap3A_1899 {strides = array<i32>} : memref<520x128xf32, #tpu.memory_space<vmem>>, vector<1x16xf32>,
          %get3A_1900 = arith.index_cast %select_n3A_1801 : i32 to index
          %get3A_1901 = arith.constant 112 : index
          %get3A_1902 = tpu.vector_load %arg11[%get3A_1900, %get3A_1901] {strides = array<i32>} : memref<520x128xf32, #tpu.memory_space<vmem>>, vector<1x16xf32>,
          %get3A_1903 = vector.shape_cast %get3A_1902 : vector<1x16xf32> to vector<16xf32>
          %get3A_1904 = arith.index_cast %add3A_1788 : i32 to index
          %get3A_1905 = arith.constant 112 : index
          %get3A_1906 = tpu.vector_load %arg19[%get3A_1904, %get3A_1905] {strides = array<i32>} : memref<80x128xf32, #tpu.memory_space<vmem>>, vector<1x16xf32>,
          %get3A_1907 = vector.shape_cast %get3A_1906 : vector<1x16xf32> to vector<16xf32>
          %add3A_1908 = arith.addf %get3A_1903, %get3A_1907 : vector<16xf32>
          %swap3A_1909 = arith.index_cast %select_n3A_1801 : i32 to index
          %swap3A_1910 = arith.constant 112 : index
          %swap3A_1911 = tpu.vector_load %arg11[%swap3A_1909, %swap3A_1910] {strides = array<i32>} : memref<520x128xf32, #tpu.memory_space<vmem>>, vector<1x16xf32>,
          %swap3A_1912 = vector.shape_cast %swap3A_1911 : vector<1x16xf32> to vector<16xf32>
          %swap3A_1913 = vector.shape_cast %add3A_1908 : vector<16xf32> to vector<1x16xf32>
          tpu.vector_store %arg11[%swap3A_1909, %swap3A_1910], %swap3A_1913 {strides = array<i32>} : memref<520x128xf32, #tpu.memory_space<vmem>>, vector<1x16xf32>,
          %mul3A_1914 = arith.constant 16 : i32
          %mul3A_1915 = arith.muli %select_n3A_1801, %mul3A_1914 : i32
          %get3A_1916 = arith.index_cast %mul3A_1915 : i32 to index
          %get3A_1917 = tpu.vector_load %arg12[%get3A_1916] {strides = array<i32>} : memref<8320xf32, #tpu.memory_space<vmem>>, vector<16xf32>,
          %get3A_1918 = vector.shape_cast %get3A_1917 : vector<16xf32> to vector<16xf32>
          %mul3A_1919 = arith.constant 16 : i32
          %mul3A_1920 = arith.muli %add3A_1788, %mul3A_1919 : i32
          %get3A_1921 = arith.index_cast %mul3A_1920 : i32 to index
          %get3A_1922 = tpu.vector_load %arg20[%get3A_1921] {strides = array<i32>} : memref<1280xf32, #tpu.memory_space<vmem>>, vector<16xf32>,
          %get3A_1923 = vector.shape_cast %get3A_1922 : vector<16xf32> to vector<16xf32>
          %add3A_1924 = arith.addf %get3A_1918, %get3A_1923 : vector<16xf32>
          %swap3A_1925 = arith.index_cast %mul3A_1915 : i32 to index
          %swap3A_1926 = tpu.vector_load %arg12[%swap3A_1925] {strides = array<i32>} : memref<8320xf32, #tpu.memory_space<vmem>>, vector<16xf32>,
          %swap3A_1927 = vector.shape_cast %swap3A_1926 : vector<16xf32> to vector<16xf32>
          %swap3A_1928 = vector.shape_cast %add3A_1924 : vector<16xf32> to vector<16xf32>
          tpu.vector_store %arg12[%swap3A_1925], %swap3A_1928 {strides = array<i32>} : memref<8320xf32, #tpu.memory_space<vmem>>, vector<16xf32>,
          %mul3A_1929 = arith.constant 16 : i32
          %mul3A_1930 = arith.muli %scan3A_58, %mul3A_1929 : i32
          %add3A_1931 = arith.constant 13 : i32
          %add3A_1932 = arith.addi %mul3A_1930, %add3A_1931 : i32
          %slice3A_1933 = vector.extract_strided_slice %sub3A_66 {offsets = [13], sizes = [1], strides = [1]} : vector<16xi32> to vector<1xi32>
          %squeeze3A_1934 = vector.extract %slice3A_1933[0] : i32 from vector<1xi32>
          %ge3A_1935 = arith.constant 0 : i32
          %ge3A_1936 = arith.cmpi sge, %squeeze3A_1934, %ge3A_1935 : i32
          %lt3A_1937 = arith.constant 512 : i32
          %lt3A_1938 = arith.cmpi slt, %squeeze3A_1934, %lt3A_1937 : i32
          %and3A_1939 = arith.andi %ge3A_1936, %lt3A_1938 : i1
          %jit3A_1940 = arith.constant 0 : i32
          %jit3A_1941 = arith.constant 511 : i32
          %max3A_1942 = arith.maxsi %jit3A_1940, %squeeze3A_1934 : i32
          %min3A_1943 = arith.minsi %jit3A_1941, %max3A_1942 : i32
          %jit3A_1944 = arith.constant 512 : i32
          %select_n3A_1945 = arith.select %and3A_1939, %min3A_1943, %jit3A_1944 : i32
          %get3A_1946 = arith.index_cast %select_n3A_1945 : i32 to index
          %get3A_1947 = arith.constant 0 : index
          %get3A_1948 = tpu.vector_load %arg11[%get3A_1946, %get3A_1947] {strides = array<i32>} : memref<520x128xf32, #tpu.memory_space<vmem>>, vector<1x16xf32>,
          %get3A_1949 = vector.shape_cast %get3A_1948 : vector<1x16xf32> to vector<16xf32>
          %get3A_1950 = arith.index_cast %add3A_1932 : i32 to index
          %get3A_1951 = arith.constant 0 : index
          %get3A_1952 = tpu.vector_load %arg19[%get3A_1950, %get3A_1951] {strides = array<i32>} : memref<80x128xf32, #tpu.memory_space<vmem>>, vector<1x16xf32>,
          %get3A_1953 = vector.shape_cast %get3A_1952 : vector<1x16xf32> to vector<16xf32>
          %add3A_1954 = arith.addf %get3A_1949, %get3A_1953 : vector<16xf32>
          %swap3A_1955 = arith.index_cast %select_n3A_1945 : i32 to index
          %swap3A_1956 = arith.constant 0 : index
          %swap3A_1957 = tpu.vector_load %arg11[%swap3A_1955, %swap3A_1956] {strides = array<i32>} : memref<520x128xf32, #tpu.memory_space<vmem>>, vector<1x16xf32>,
          %swap3A_1958 = vector.shape_cast %swap3A_1957 : vector<1x16xf32> to vector<16xf32>
          %swap3A_1959 = vector.shape_cast %add3A_1954 : vector<16xf32> to vector<1x16xf32>
          tpu.vector_store %arg11[%swap3A_1955, %swap3A_1956], %swap3A_1959 {strides = array<i32>} : memref<520x128xf32, #tpu.memory_space<vmem>>, vector<1x16xf32>,
          %get3A_1960 = arith.index_cast %select_n3A_1945 : i32 to index
          %get3A_1961 = arith.constant 16 : index
          %get3A_1962 = tpu.vector_load %arg11[%get3A_1960, %get3A_1961] {strides = array<i32>} : memref<520x128xf32, #tpu.memory_space<vmem>>, vector<1x16xf32>,
          %get3A_1963 = vector.shape_cast %get3A_1962 : vector<1x16xf32> to vector<16xf32>
          %get3A_1964 = arith.index_cast %add3A_1932 : i32 to index
          %get3A_1965 = arith.constant 16 : index
          %get3A_1966 = tpu.vector_load %arg19[%get3A_1964, %get3A_1965] {strides = array<i32>} : memref<80x128xf32, #tpu.memory_space<vmem>>, vector<1x16xf32>,
          %get3A_1967 = vector.shape_cast %get3A_1966 : vector<1x16xf32> to vector<16xf32>
          %add3A_1968 = arith.addf %get3A_1963, %get3A_1967 : vector<16xf32>
          %swap3A_1969 = arith.index_cast %select_n3A_1945 : i32 to index
          %swap3A_1970 = arith.constant 16 : index
          %swap3A_1971 = tpu.vector_load %arg11[%swap3A_1969, %swap3A_1970] {strides = array<i32>} : memref<520x128xf32, #tpu.memory_space<vmem>>, vector<1x16xf32>,
          %swap3A_1972 = vector.shape_cast %swap3A_1971 : vector<1x16xf32> to vector<16xf32>
          %swap3A_1973 = vector.shape_cast %add3A_1968 : vector<16xf32> to vector<1x16xf32>
          tpu.vector_store %arg11[%swap3A_1969, %swap3A_1970], %swap3A_1973 {strides = array<i32>} : memref<520x128xf32, #tpu.memory_space<vmem>>, vector<1x16xf32>,
          %get3A_1974 = arith.index_cast %select_n3A_1945 : i32 to index
          %get3A_1975 = arith.constant 32 : index
          %get3A_1976 = tpu.vector_load %arg11[%get3A_1974, %get3A_1975] {strides = array<i32>} : memref<520x128xf32, #tpu.memory_space<vmem>>, vector<1x16xf32>,
          %get3A_1977 = vector.shape_cast %get3A_1976 : vector<1x16xf32> to vector<16xf32>
          %get3A_1978 = arith.index_cast %add3A_1932 : i32 to index
          %get3A_1979 = arith.constant 32 : index
          %get3A_1980 = tpu.vector_load %arg19[%get3A_1978, %get3A_1979] {strides = array<i32>} : memref<80x128xf32, #tpu.memory_space<vmem>>, vector<1x16xf32>,
          %get3A_1981 = vector.shape_cast %get3A_1980 : vector<1x16xf32> to vector<16xf32>
          %add3A_1982 = arith.addf %get3A_1977, %get3A_1981 : vector<16xf32>
          %swap3A_1983 = arith.index_cast %select_n3A_1945 : i32 to index
          %swap3A_1984 = arith.constant 32 : index
          %swap3A_1985 = tpu.vector_load %arg11[%swap3A_1983, %swap3A_1984] {strides = array<i32>} : memref<520x128xf32, #tpu.memory_space<vmem>>, vector<1x16xf32>,
          %swap3A_1986 = vector.shape_cast %swap3A_1985 : vector<1x16xf32> to vector<16xf32>
          %swap3A_1987 = vector.shape_cast %add3A_1982 : vector<16xf32> to vector<1x16xf32>
          tpu.vector_store %arg11[%swap3A_1983, %swap3A_1984], %swap3A_1987 {strides = array<i32>} : memref<520x128xf32, #tpu.memory_space<vmem>>, vector<1x16xf32>,
          %get3A_1988 = arith.index_cast %select_n3A_1945 : i32 to index
          %get3A_1989 = arith.constant 48 : index
          %get3A_1990 = tpu.vector_load %arg11[%get3A_1988, %get3A_1989] {strides = array<i32>} : memref<520x128xf32, #tpu.memory_space<vmem>>, vector<1x16xf32>,
          %get3A_1991 = vector.shape_cast %get3A_1990 : vector<1x16xf32> to vector<16xf32>
          %get3A_1992 = arith.index_cast %add3A_1932 : i32 to index
          %get3A_1993 = arith.constant 48 : index
          %get3A_1994 = tpu.vector_load %arg19[%get3A_1992, %get3A_1993] {strides = array<i32>} : memref<80x128xf32, #tpu.memory_space<vmem>>, vector<1x16xf32>,
          %get3A_1995 = vector.shape_cast %get3A_1994 : vector<1x16xf32> to vector<16xf32>
          %add3A_1996 = arith.addf %get3A_1991, %get3A_1995 : vector<16xf32>
          %swap3A_1997 = arith.index_cast %select_n3A_1945 : i32 to index
          %swap3A_1998 = arith.constant 48 : index
          %swap3A_1999 = tpu.vector_load %arg11[%swap3A_1997, %swap3A_1998] {strides = array<i32>} : memref<520x128xf32, #tpu.memory_space<vmem>>, vector<1x16xf32>,
          %swap3A_2000 = vector.shape_cast %swap3A_1999 : vector<1x16xf32> to vector<16xf32>
          %swap3A_2001 = vector.shape_cast %add3A_1996 : vector<16xf32> to vector<1x16xf32>
          tpu.vector_store %arg11[%swap3A_1997, %swap3A_1998], %swap3A_2001 {strides = array<i32>} : memref<520x128xf32, #tpu.memory_space<vmem>>, vector<1x16xf32>,
          %get3A_2002 = arith.index_cast %select_n3A_1945 : i32 to index
          %get3A_2003 = arith.constant 64 : index
          %get3A_2004 = tpu.vector_load %arg11[%get3A_2002, %get3A_2003] {strides = array<i32>} : memref<520x128xf32, #tpu.memory_space<vmem>>, vector<1x16xf32>,
          %get3A_2005 = vector.shape_cast %get3A_2004 : vector<1x16xf32> to vector<16xf32>
          %get3A_2006 = arith.index_cast %add3A_1932 : i32 to index
          %get3A_2007 = arith.constant 64 : index
          %get3A_2008 = tpu.vector_load %arg19[%get3A_2006, %get3A_2007] {strides = array<i32>} : memref<80x128xf32, #tpu.memory_space<vmem>>, vector<1x16xf32>,
          %get3A_2009 = vector.shape_cast %get3A_2008 : vector<1x16xf32> to vector<16xf32>
          %add3A_2010 = arith.addf %get3A_2005, %get3A_2009 : vector<16xf32>
          %swap3A_2011 = arith.index_cast %select_n3A_1945 : i32 to index
          %swap3A_2012 = arith.constant 64 : index
          %swap3A_2013 = tpu.vector_load %arg11[%swap3A_2011, %swap3A_2012] {strides = array<i32>} : memref<520x128xf32, #tpu.memory_space<vmem>>, vector<1x16xf32>,
          %swap3A_2014 = vector.shape_cast %swap3A_2013 : vector<1x16xf32> to vector<16xf32>
          %swap3A_2015 = vector.shape_cast %add3A_2010 : vector<16xf32> to vector<1x16xf32>
          tpu.vector_store %arg11[%swap3A_2011, %swap3A_2012], %swap3A_2015 {strides = array<i32>} : memref<520x128xf32, #tpu.memory_space<vmem>>, vector<1x16xf32>,
          %get3A_2016 = arith.index_cast %select_n3A_1945 : i32 to index
          %get3A_2017 = arith.constant 80 : index
          %get3A_2018 = tpu.vector_load %arg11[%get3A_2016, %get3A_2017] {strides = array<i32>} : memref<520x128xf32, #tpu.memory_space<vmem>>, vector<1x16xf32>,
          %get3A_2019 = vector.shape_cast %get3A_2018 : vector<1x16xf32> to vector<16xf32>
          %get3A_2020 = arith.index_cast %add3A_1932 : i32 to index
          %get3A_2021 = arith.constant 80 : index
          %get3A_2022 = tpu.vector_load %arg19[%get3A_2020, %get3A_2021] {strides = array<i32>} : memref<80x128xf32, #tpu.memory_space<vmem>>, vector<1x16xf32>,
          %get3A_2023 = vector.shape_cast %get3A_2022 : vector<1x16xf32> to vector<16xf32>
          %add3A_2024 = arith.addf %get3A_2019, %get3A_2023 : vector<16xf32>
          %swap3A_2025 = arith.index_cast %select_n3A_1945 : i32 to index
          %swap3A_2026 = arith.constant 80 : index
          %swap3A_2027 = tpu.vector_load %arg11[%swap3A_2025, %swap3A_2026] {strides = array<i32>} : memref<520x128xf32, #tpu.memory_space<vmem>>, vector<1x16xf32>,
          %swap3A_2028 = vector.shape_cast %swap3A_2027 : vector<1x16xf32> to vector<16xf32>
          %swap3A_2029 = vector.shape_cast %add3A_2024 : vector<16xf32> to vector<1x16xf32>
          tpu.vector_store %arg11[%swap3A_2025, %swap3A_2026], %swap3A_2029 {strides = array<i32>} : memref<520x128xf32, #tpu.memory_space<vmem>>, vector<1x16xf32>,
          %get3A_2030 = arith.index_cast %select_n3A_1945 : i32 to index
          %get3A_2031 = arith.constant 96 : index
          %get3A_2032 = tpu.vector_load %arg11[%get3A_2030, %get3A_2031] {strides = array<i32>} : memref<520x128xf32, #tpu.memory_space<vmem>>, vector<1x16xf32>,
          %get3A_2033 = vector.shape_cast %get3A_2032 : vector<1x16xf32> to vector<16xf32>
          %get3A_2034 = arith.index_cast %add3A_1932 : i32 to index
          %get3A_2035 = arith.constant 96 : index
          %get3A_2036 = tpu.vector_load %arg19[%get3A_2034, %get3A_2035] {strides = array<i32>} : memref<80x128xf32, #tpu.memory_space<vmem>>, vector<1x16xf32>,
          %get3A_2037 = vector.shape_cast %get3A_2036 : vector<1x16xf32> to vector<16xf32>
          %add3A_2038 = arith.addf %get3A_2033, %get3A_2037 : vector<16xf32>
          %swap3A_2039 = arith.index_cast %select_n3A_1945 : i32 to index
          %swap3A_2040 = arith.constant 96 : index
          %swap3A_2041 = tpu.vector_load %arg11[%swap3A_2039, %swap3A_2040] {strides = array<i32>} : memref<520x128xf32, #tpu.memory_space<vmem>>, vector<1x16xf32>,
          %swap3A_2042 = vector.shape_cast %swap3A_2041 : vector<1x16xf32> to vector<16xf32>
          %swap3A_2043 = vector.shape_cast %add3A_2038 : vector<16xf32> to vector<1x16xf32>
          tpu.vector_store %arg11[%swap3A_2039, %swap3A_2040], %swap3A_2043 {strides = array<i32>} : memref<520x128xf32, #tpu.memory_space<vmem>>, vector<1x16xf32>,
          %get3A_2044 = arith.index_cast %select_n3A_1945 : i32 to index
          %get3A_2045 = arith.constant 112 : index
          %get3A_2046 = tpu.vector_load %arg11[%get3A_2044, %get3A_2045] {strides = array<i32>} : memref<520x128xf32, #tpu.memory_space<vmem>>, vector<1x16xf32>,
          %get3A_2047 = vector.shape_cast %get3A_2046 : vector<1x16xf32> to vector<16xf32>
          %get3A_2048 = arith.index_cast %add3A_1932 : i32 to index
          %get3A_2049 = arith.constant 112 : index
          %get3A_2050 = tpu.vector_load %arg19[%get3A_2048, %get3A_2049] {strides = array<i32>} : memref<80x128xf32, #tpu.memory_space<vmem>>, vector<1x16xf32>,
          %get3A_2051 = vector.shape_cast %get3A_2050 : vector<1x16xf32> to vector<16xf32>
          %add3A_2052 = arith.addf %get3A_2047, %get3A_2051 : vector<16xf32>
          %swap3A_2053 = arith.index_cast %select_n3A_1945 : i32 to index
          %swap3A_2054 = arith.constant 112 : index
          %swap3A_2055 = tpu.vector_load %arg11[%swap3A_2053, %swap3A_2054] {strides = array<i32>} : memref<520x128xf32, #tpu.memory_space<vmem>>, vector<1x16xf32>,
          %swap3A_2056 = vector.shape_cast %swap3A_2055 : vector<1x16xf32> to vector<16xf32>
          %swap3A_2057 = vector.shape_cast %add3A_2052 : vector<16xf32> to vector<1x16xf32>
          tpu.vector_store %arg11[%swap3A_2053, %swap3A_2054], %swap3A_2057 {strides = array<i32>} : memref<520x128xf32, #tpu.memory_space<vmem>>, vector<1x16xf32>,
          %mul3A_2058 = arith.constant 16 : i32
          %mul3A_2059 = arith.muli %select_n3A_1945, %mul3A_2058 : i32
          %get3A_2060 = arith.index_cast %mul3A_2059 : i32 to index
          %get3A_2061 = tpu.vector_load %arg12[%get3A_2060] {strides = array<i32>} : memref<8320xf32, #tpu.memory_space<vmem>>, vector<16xf32>,
          %get3A_2062 = vector.shape_cast %get3A_2061 : vector<16xf32> to vector<16xf32>
          %mul3A_2063 = arith.constant 16 : i32
          %mul3A_2064 = arith.muli %add3A_1932, %mul3A_2063 : i32
          %get3A_2065 = arith.index_cast %mul3A_2064 : i32 to index
          %get3A_2066 = tpu.vector_load %arg20[%get3A_2065] {strides = array<i32>} : memref<1280xf32, #tpu.memory_space<vmem>>, vector<16xf32>,
          %get3A_2067 = vector.shape_cast %get3A_2066 : vector<16xf32> to vector<16xf32>
          %add3A_2068 = arith.addf %get3A_2062, %get3A_2067 : vector<16xf32>
          %swap3A_2069 = arith.index_cast %mul3A_2059 : i32 to index
          %swap3A_2070 = tpu.vector_load %arg12[%swap3A_2069] {strides = array<i32>} : memref<8320xf32, #tpu.memory_space<vmem>>, vector<16xf32>,
          %swap3A_2071 = vector.shape_cast %swap3A_2070 : vector<16xf32> to vector<16xf32>
          %swap3A_2072 = vector.shape_cast %add3A_2068 : vector<16xf32> to vector<16xf32>
          tpu.vector_store %arg12[%swap3A_2069], %swap3A_2072 {strides = array<i32>} : memref<8320xf32, #tpu.memory_space<vmem>>, vector<16xf32>,
          %mul3A_2073 = arith.constant 16 : i32
          %mul3A_2074 = arith.muli %scan3A_58, %mul3A_2073 : i32
          %add3A_2075 = arith.constant 14 : i32
          %add3A_2076 = arith.addi %mul3A_2074, %add3A_2075 : i32
          %slice3A_2077 = vector.extract_strided_slice %sub3A_66 {offsets = [14], sizes = [1], strides = [1]} : vector<16xi32> to vector<1xi32>
          %squeeze3A_2078 = vector.extract %slice3A_2077[0] : i32 from vector<1xi32>
          %ge3A_2079 = arith.constant 0 : i32
          %ge3A_2080 = arith.cmpi sge, %squeeze3A_2078, %ge3A_2079 : i32
          %lt3A_2081 = arith.constant 512 : i32
          %lt3A_2082 = arith.cmpi slt, %squeeze3A_2078, %lt3A_2081 : i32
          %and3A_2083 = arith.andi %ge3A_2080, %lt3A_2082 : i1
          %jit3A_2084 = arith.constant 0 : i32
          %jit3A_2085 = arith.constant 511 : i32
          %max3A_2086 = arith.maxsi %jit3A_2084, %squeeze3A_2078 : i32
          %min3A_2087 = arith.minsi %jit3A_2085, %max3A_2086 : i32
          %jit3A_2088 = arith.constant 512 : i32
          %select_n3A_2089 = arith.select %and3A_2083, %min3A_2087, %jit3A_2088 : i32
          %get3A_2090 = arith.index_cast %select_n3A_2089 : i32 to index
          %get3A_2091 = arith.constant 0 : index
          %get3A_2092 = tpu.vector_load %arg11[%get3A_2090, %get3A_2091] {strides = array<i32>} : memref<520x128xf32, #tpu.memory_space<vmem>>, vector<1x16xf32>,
          %get3A_2093 = vector.shape_cast %get3A_2092 : vector<1x16xf32> to vector<16xf32>
          %get3A_2094 = arith.index_cast %add3A_2076 : i32 to index
          %get3A_2095 = arith.constant 0 : index
          %get3A_2096 = tpu.vector_load %arg19[%get3A_2094, %get3A_2095] {strides = array<i32>} : memref<80x128xf32, #tpu.memory_space<vmem>>, vector<1x16xf32>,
          %get3A_2097 = vector.shape_cast %get3A_2096 : vector<1x16xf32> to vector<16xf32>
          %add3A_2098 = arith.addf %get3A_2093, %get3A_2097 : vector<16xf32>
          %swap3A_2099 = arith.index_cast %select_n3A_2089 : i32 to index
          %swap3A_2100 = arith.constant 0 : index
          %swap3A_2101 = tpu.vector_load %arg11[%swap3A_2099, %swap3A_2100] {strides = array<i32>} : memref<520x128xf32, #tpu.memory_space<vmem>>, vector<1x16xf32>,
          %swap3A_2102 = vector.shape_cast %swap3A_2101 : vector<1x16xf32> to vector<16xf32>
          %swap3A_2103 = vector.shape_cast %add3A_2098 : vector<16xf32> to vector<1x16xf32>
          tpu.vector_store %arg11[%swap3A_2099, %swap3A_2100], %swap3A_2103 {strides = array<i32>} : memref<520x128xf32, #tpu.memory_space<vmem>>, vector<1x16xf32>,
          %get3A_2104 = arith.index_cast %select_n3A_2089 : i32 to index
          %get3A_2105 = arith.constant 16 : index
          %get3A_2106 = tpu.vector_load %arg11[%get3A_2104, %get3A_2105] {strides = array<i32>} : memref<520x128xf32, #tpu.memory_space<vmem>>, vector<1x16xf32>,
          %get3A_2107 = vector.shape_cast %get3A_2106 : vector<1x16xf32> to vector<16xf32>
          %get3A_2108 = arith.index_cast %add3A_2076 : i32 to index
          %get3A_2109 = arith.constant 16 : index
          %get3A_2110 = tpu.vector_load %arg19[%get3A_2108, %get3A_2109] {strides = array<i32>} : memref<80x128xf32, #tpu.memory_space<vmem>>, vector<1x16xf32>,
          %get3A_2111 = vector.shape_cast %get3A_2110 : vector<1x16xf32> to vector<16xf32>
          %add3A_2112 = arith.addf %get3A_2107, %get3A_2111 : vector<16xf32>
          %swap3A_2113 = arith.index_cast %select_n3A_2089 : i32 to index
          %swap3A_2114 = arith.constant 16 : index
          %swap3A_2115 = tpu.vector_load %arg11[%swap3A_2113, %swap3A_2114] {strides = array<i32>} : memref<520x128xf32, #tpu.memory_space<vmem>>, vector<1x16xf32>,
          %swap3A_2116 = vector.shape_cast %swap3A_2115 : vector<1x16xf32> to vector<16xf32>
          %swap3A_2117 = vector.shape_cast %add3A_2112 : vector<16xf32> to vector<1x16xf32>
          tpu.vector_store %arg11[%swap3A_2113, %swap3A_2114], %swap3A_2117 {strides = array<i32>} : memref<520x128xf32, #tpu.memory_space<vmem>>, vector<1x16xf32>,
          %get3A_2118 = arith.index_cast %select_n3A_2089 : i32 to index
          %get3A_2119 = arith.constant 32 : index
          %get3A_2120 = tpu.vector_load %arg11[%get3A_2118, %get3A_2119] {strides = array<i32>} : memref<520x128xf32, #tpu.memory_space<vmem>>, vector<1x16xf32>,
          %get3A_2121 = vector.shape_cast %get3A_2120 : vector<1x16xf32> to vector<16xf32>
          %get3A_2122 = arith.index_cast %add3A_2076 : i32 to index
          %get3A_2123 = arith.constant 32 : index
          %get3A_2124 = tpu.vector_load %arg19[%get3A_2122, %get3A_2123] {strides = array<i32>} : memref<80x128xf32, #tpu.memory_space<vmem>>, vector<1x16xf32>,
          %get3A_2125 = vector.shape_cast %get3A_2124 : vector<1x16xf32> to vector<16xf32>
          %add3A_2126 = arith.addf %get3A_2121, %get3A_2125 : vector<16xf32>
          %swap3A_2127 = arith.index_cast %select_n3A_2089 : i32 to index
          %swap3A_2128 = arith.constant 32 : index
          %swap3A_2129 = tpu.vector_load %arg11[%swap3A_2127, %swap3A_2128] {strides = array<i32>} : memref<520x128xf32, #tpu.memory_space<vmem>>, vector<1x16xf32>,
          %swap3A_2130 = vector.shape_cast %swap3A_2129 : vector<1x16xf32> to vector<16xf32>
          %swap3A_2131 = vector.shape_cast %add3A_2126 : vector<16xf32> to vector<1x16xf32>
          tpu.vector_store %arg11[%swap3A_2127, %swap3A_2128], %swap3A_2131 {strides = array<i32>} : memref<520x128xf32, #tpu.memory_space<vmem>>, vector<1x16xf32>,
          %get3A_2132 = arith.index_cast %select_n3A_2089 : i32 to index
          %get3A_2133 = arith.constant 48 : index
          %get3A_2134 = tpu.vector_load %arg11[%get3A_2132, %get3A_2133] {strides = array<i32>} : memref<520x128xf32, #tpu.memory_space<vmem>>, vector<1x16xf32>,
          %get3A_2135 = vector.shape_cast %get3A_2134 : vector<1x16xf32> to vector<16xf32>
          %get3A_2136 = arith.index_cast %add3A_2076 : i32 to index
          %get3A_2137 = arith.constant 48 : index
          %get3A_2138 = tpu.vector_load %arg19[%get3A_2136, %get3A_2137] {strides = array<i32>} : memref<80x128xf32, #tpu.memory_space<vmem>>, vector<1x16xf32>,
          %get3A_2139 = vector.shape_cast %get3A_2138 : vector<1x16xf32> to vector<16xf32>
          %add3A_2140 = arith.addf %get3A_2135, %get3A_2139 : vector<16xf32>
          %swap3A_2141 = arith.index_cast %select_n3A_2089 : i32 to index
          %swap3A_2142 = arith.constant 48 : index
          %swap3A_2143 = tpu.vector_load %arg11[%swap3A_2141, %swap3A_2142] {strides = array<i32>} : memref<520x128xf32, #tpu.memory_space<vmem>>, vector<1x16xf32>,
          %swap3A_2144 = vector.shape_cast %swap3A_2143 : vector<1x16xf32> to vector<16xf32>
          %swap3A_2145 = vector.shape_cast %add3A_2140 : vector<16xf32> to vector<1x16xf32>
          tpu.vector_store %arg11[%swap3A_2141, %swap3A_2142], %swap3A_2145 {strides = array<i32>} : memref<520x128xf32, #tpu.memory_space<vmem>>, vector<1x16xf32>,
          %get3A_2146 = arith.index_cast %select_n3A_2089 : i32 to index
          %get3A_2147 = arith.constant 64 : index
          %get3A_2148 = tpu.vector_load %arg11[%get3A_2146, %get3A_2147] {strides = array<i32>} : memref<520x128xf32, #tpu.memory_space<vmem>>, vector<1x16xf32>,
          %get3A_2149 = vector.shape_cast %get3A_2148 : vector<1x16xf32> to vector<16xf32>
          %get3A_2150 = arith.index_cast %add3A_2076 : i32 to index
          %get3A_2151 = arith.constant 64 : index
          %get3A_2152 = tpu.vector_load %arg19[%get3A_2150, %get3A_2151] {strides = array<i32>} : memref<80x128xf32, #tpu.memory_space<vmem>>, vector<1x16xf32>,
          %get3A_2153 = vector.shape_cast %get3A_2152 : vector<1x16xf32> to vector<16xf32>
          %add3A_2154 = arith.addf %get3A_2149, %get3A_2153 : vector<16xf32>
          %swap3A_2155 = arith.index_cast %select_n3A_2089 : i32 to index
          %swap3A_2156 = arith.constant 64 : index
          %swap3A_2157 = tpu.vector_load %arg11[%swap3A_2155, %swap3A_2156] {strides = array<i32>} : memref<520x128xf32, #tpu.memory_space<vmem>>, vector<1x16xf32>,
          %swap3A_2158 = vector.shape_cast %swap3A_2157 : vector<1x16xf32> to vector<16xf32>
          %swap3A_2159 = vector.shape_cast %add3A_2154 : vector<16xf32> to vector<1x16xf32>
          tpu.vector_store %arg11[%swap3A_2155, %swap3A_2156], %swap3A_2159 {strides = array<i32>} : memref<520x128xf32, #tpu.memory_space<vmem>>, vector<1x16xf32>,
          %get3A_2160 = arith.index_cast %select_n3A_2089 : i32 to index
          %get3A_2161 = arith.constant 80 : index
          %get3A_2162 = tpu.vector_load %arg11[%get3A_2160, %get3A_2161] {strides = array<i32>} : memref<520x128xf32, #tpu.memory_space<vmem>>, vector<1x16xf32>,
          %get3A_2163 = vector.shape_cast %get3A_2162 : vector<1x16xf32> to vector<16xf32>
          %get3A_2164 = arith.index_cast %add3A_2076 : i32 to index
          %get3A_2165 = arith.constant 80 : index
          %get3A_2166 = tpu.vector_load %arg19[%get3A_2164, %get3A_2165] {strides = array<i32>} : memref<80x128xf32, #tpu.memory_space<vmem>>, vector<1x16xf32>,
          %get3A_2167 = vector.shape_cast %get3A_2166 : vector<1x16xf32> to vector<16xf32>
          %add3A_2168 = arith.addf %get3A_2163, %get3A_2167 : vector<16xf32>
          %swap3A_2169 = arith.index_cast %select_n3A_2089 : i32 to index
          %swap3A_2170 = arith.constant 80 : index
          %swap3A_2171 = tpu.vector_load %arg11[%swap3A_2169, %swap3A_2170] {strides = array<i32>} : memref<520x128xf32, #tpu.memory_space<vmem>>, vector<1x16xf32>,
          %swap3A_2172 = vector.shape_cast %swap3A_2171 : vector<1x16xf32> to vector<16xf32>
          %swap3A_2173 = vector.shape_cast %add3A_2168 : vector<16xf32> to vector<1x16xf32>
          tpu.vector_store %arg11[%swap3A_2169, %swap3A_2170], %swap3A_2173 {strides = array<i32>} : memref<520x128xf32, #tpu.memory_space<vmem>>, vector<1x16xf32>,
          %get3A_2174 = arith.index_cast %select_n3A_2089 : i32 to index
          %get3A_2175 = arith.constant 96 : index
          %get3A_2176 = tpu.vector_load %arg11[%get3A_2174, %get3A_2175] {strides = array<i32>} : memref<520x128xf32, #tpu.memory_space<vmem>>, vector<1x16xf32>,
          %get3A_2177 = vector.shape_cast %get3A_2176 : vector<1x16xf32> to vector<16xf32>
          %get3A_2178 = arith.index_cast %add3A_2076 : i32 to index
          %get3A_2179 = arith.constant 96 : index
          %get3A_2180 = tpu.vector_load %arg19[%get3A_2178, %get3A_2179] {strides = array<i32>} : memref<80x128xf32, #tpu.memory_space<vmem>>, vector<1x16xf32>,
          %get3A_2181 = vector.shape_cast %get3A_2180 : vector<1x16xf32> to vector<16xf32>
          %add3A_2182 = arith.addf %get3A_2177, %get3A_2181 : vector<16xf32>
          %swap3A_2183 = arith.index_cast %select_n3A_2089 : i32 to index
          %swap3A_2184 = arith.constant 96 : index
          %swap3A_2185 = tpu.vector_load %arg11[%swap3A_2183, %swap3A_2184] {strides = array<i32>} : memref<520x128xf32, #tpu.memory_space<vmem>>, vector<1x16xf32>,
          %swap3A_2186 = vector.shape_cast %swap3A_2185 : vector<1x16xf32> to vector<16xf32>
          %swap3A_2187 = vector.shape_cast %add3A_2182 : vector<16xf32> to vector<1x16xf32>
          tpu.vector_store %arg11[%swap3A_2183, %swap3A_2184], %swap3A_2187 {strides = array<i32>} : memref<520x128xf32, #tpu.memory_space<vmem>>, vector<1x16xf32>,
          %get3A_2188 = arith.index_cast %select_n3A_2089 : i32 to index
          %get3A_2189 = arith.constant 112 : index
          %get3A_2190 = tpu.vector_load %arg11[%get3A_2188, %get3A_2189] {strides = array<i32>} : memref<520x128xf32, #tpu.memory_space<vmem>>, vector<1x16xf32>,
          %get3A_2191 = vector.shape_cast %get3A_2190 : vector<1x16xf32> to vector<16xf32>
          %get3A_2192 = arith.index_cast %add3A_2076 : i32 to index
          %get3A_2193 = arith.constant 112 : index
          %get3A_2194 = tpu.vector_load %arg19[%get3A_2192, %get3A_2193] {strides = array<i32>} : memref<80x128xf32, #tpu.memory_space<vmem>>, vector<1x16xf32>,
          %get3A_2195 = vector.shape_cast %get3A_2194 : vector<1x16xf32> to vector<16xf32>
          %add3A_2196 = arith.addf %get3A_2191, %get3A_2195 : vector<16xf32>
          %swap3A_2197 = arith.index_cast %select_n3A_2089 : i32 to index
          %swap3A_2198 = arith.constant 112 : index
          %swap3A_2199 = tpu.vector_load %arg11[%swap3A_2197, %swap3A_2198] {strides = array<i32>} : memref<520x128xf32, #tpu.memory_space<vmem>>, vector<1x16xf32>,
          %swap3A_2200 = vector.shape_cast %swap3A_2199 : vector<1x16xf32> to vector<16xf32>
          %swap3A_2201 = vector.shape_cast %add3A_2196 : vector<16xf32> to vector<1x16xf32>
          tpu.vector_store %arg11[%swap3A_2197, %swap3A_2198], %swap3A_2201 {strides = array<i32>} : memref<520x128xf32, #tpu.memory_space<vmem>>, vector<1x16xf32>,
          %mul3A_2202 = arith.constant 16 : i32
          %mul3A_2203 = arith.muli %select_n3A_2089, %mul3A_2202 : i32
          %get3A_2204 = arith.index_cast %mul3A_2203 : i32 to index
          %get3A_2205 = tpu.vector_load %arg12[%get3A_2204] {strides = array<i32>} : memref<8320xf32, #tpu.memory_space<vmem>>, vector<16xf32>,
          %get3A_2206 = vector.shape_cast %get3A_2205 : vector<16xf32> to vector<16xf32>
          %mul3A_2207 = arith.constant 16 : i32
          %mul3A_2208 = arith.muli %add3A_2076, %mul3A_2207 : i32
          %get3A_2209 = arith.index_cast %mul3A_2208 : i32 to index
          %get3A_2210 = tpu.vector_load %arg20[%get3A_2209] {strides = array<i32>} : memref<1280xf32, #tpu.memory_space<vmem>>, vector<16xf32>,
          %get3A_2211 = vector.shape_cast %get3A_2210 : vector<16xf32> to vector<16xf32>
          %add3A_2212 = arith.addf %get3A_2206, %get3A_2211 : vector<16xf32>
          %swap3A_2213 = arith.index_cast %mul3A_2203 : i32 to index
          %swap3A_2214 = tpu.vector_load %arg12[%swap3A_2213] {strides = array<i32>} : memref<8320xf32, #tpu.memory_space<vmem>>, vector<16xf32>,
          %swap3A_2215 = vector.shape_cast %swap3A_2214 : vector<16xf32> to vector<16xf32>
          %swap3A_2216 = vector.shape_cast %add3A_2212 : vector<16xf32> to vector<16xf32>
          tpu.vector_store %arg12[%swap3A_2213], %swap3A_2216 {strides = array<i32>} : memref<8320xf32, #tpu.memory_space<vmem>>, vector<16xf32>,
          %mul3A_2217 = arith.constant 16 : i32
          %mul3A_2218 = arith.muli %scan3A_58, %mul3A_2217 : i32
          %add3A_2219 = arith.constant 15 : i32
          %add3A_2220 = arith.addi %mul3A_2218, %add3A_2219 : i32
          %slice3A_2221 = vector.extract_strided_slice %sub3A_66 {offsets = [15], sizes = [1], strides = [1]} : vector<16xi32> to vector<1xi32>
          %squeeze3A_2222 = vector.extract %slice3A_2221[0] : i32 from vector<1xi32>
          %ge3A_2223 = arith.constant 0 : i32
          %ge3A_2224 = arith.cmpi sge, %squeeze3A_2222, %ge3A_2223 : i32
          %lt3A_2225 = arith.constant 512 : i32
          %lt3A_2226 = arith.cmpi slt, %squeeze3A_2222, %lt3A_2225 : i32
          %and3A_2227 = arith.andi %ge3A_2224, %lt3A_2226 : i1
          %jit3A_2228 = arith.constant 0 : i32
          %jit3A_2229 = arith.constant 511 : i32
          %max3A_2230 = arith.maxsi %jit3A_2228, %squeeze3A_2222 : i32
          %min3A_2231 = arith.minsi %jit3A_2229, %max3A_2230 : i32
          %jit3A_2232 = arith.constant 512 : i32
          %select_n3A_2233 = arith.select %and3A_2227, %min3A_2231, %jit3A_2232 : i32
          %get3A_2234 = arith.index_cast %select_n3A_2233 : i32 to index
          %get3A_2235 = arith.constant 0 : index
          %get3A_2236 = tpu.vector_load %arg11[%get3A_2234, %get3A_2235] {strides = array<i32>} : memref<520x128xf32, #tpu.memory_space<vmem>>, vector<1x16xf32>,
          %get3A_2237 = vector.shape_cast %get3A_2236 : vector<1x16xf32> to vector<16xf32>
          %get3A_2238 = arith.index_cast %add3A_2220 : i32 to index
          %get3A_2239 = arith.constant 0 : index
          %get3A_2240 = tpu.vector_load %arg19[%get3A_2238, %get3A_2239] {strides = array<i32>} : memref<80x128xf32, #tpu.memory_space<vmem>>, vector<1x16xf32>,
          %get3A_2241 = vector.shape_cast %get3A_2240 : vector<1x16xf32> to vector<16xf32>
          %add3A_2242 = arith.addf %get3A_2237, %get3A_2241 : vector<16xf32>
          %swap3A_2243 = arith.index_cast %select_n3A_2233 : i32 to index
          %swap3A_2244 = arith.constant 0 : index
          %swap3A_2245 = tpu.vector_load %arg11[%swap3A_2243, %swap3A_2244] {strides = array<i32>} : memref<520x128xf32, #tpu.memory_space<vmem>>, vector<1x16xf32>,
          %swap3A_2246 = vector.shape_cast %swap3A_2245 : vector<1x16xf32> to vector<16xf32>
          %swap3A_2247 = vector.shape_cast %add3A_2242 : vector<16xf32> to vector<1x16xf32>
          tpu.vector_store %arg11[%swap3A_2243, %swap3A_2244], %swap3A_2247 {strides = array<i32>} : memref<520x128xf32, #tpu.memory_space<vmem>>, vector<1x16xf32>,
          %get3A_2248 = arith.index_cast %select_n3A_2233 : i32 to index
          %get3A_2249 = arith.constant 16 : index
          %get3A_2250 = tpu.vector_load %arg11[%get3A_2248, %get3A_2249] {strides = array<i32>} : memref<520x128xf32, #tpu.memory_space<vmem>>, vector<1x16xf32>,
          %get3A_2251 = vector.shape_cast %get3A_2250 : vector<1x16xf32> to vector<16xf32>
          %get3A_2252 = arith.index_cast %add3A_2220 : i32 to index
          %get3A_2253 = arith.constant 16 : index
          %get3A_2254 = tpu.vector_load %arg19[%get3A_2252, %get3A_2253] {strides = array<i32>} : memref<80x128xf32, #tpu.memory_space<vmem>>, vector<1x16xf32>,
          %get3A_2255 = vector.shape_cast %get3A_2254 : vector<1x16xf32> to vector<16xf32>
          %add3A_2256 = arith.addf %get3A_2251, %get3A_2255 : vector<16xf32>
          %swap3A_2257 = arith.index_cast %select_n3A_2233 : i32 to index
          %swap3A_2258 = arith.constant 16 : index
          %swap3A_2259 = tpu.vector_load %arg11[%swap3A_2257, %swap3A_2258] {strides = array<i32>} : memref<520x128xf32, #tpu.memory_space<vmem>>, vector<1x16xf32>,
          %swap3A_2260 = vector.shape_cast %swap3A_2259 : vector<1x16xf32> to vector<16xf32>
          %swap3A_2261 = vector.shape_cast %add3A_2256 : vector<16xf32> to vector<1x16xf32>
          tpu.vector_store %arg11[%swap3A_2257, %swap3A_2258], %swap3A_2261 {strides = array<i32>} : memref<520x128xf32, #tpu.memory_space<vmem>>, vector<1x16xf32>,
          %get3A_2262 = arith.index_cast %select_n3A_2233 : i32 to index
          %get3A_2263 = arith.constant 32 : index
          %get3A_2264 = tpu.vector_load %arg11[%get3A_2262, %get3A_2263] {strides = array<i32>} : memref<520x128xf32, #tpu.memory_space<vmem>>, vector<1x16xf32>,
          %get3A_2265 = vector.shape_cast %get3A_2264 : vector<1x16xf32> to vector<16xf32>
          %get3A_2266 = arith.index_cast %add3A_2220 : i32 to index
          %get3A_2267 = arith.constant 32 : index
          %get3A_2268 = tpu.vector_load %arg19[%get3A_2266, %get3A_2267] {strides = array<i32>} : memref<80x128xf32, #tpu.memory_space<vmem>>, vector<1x16xf32>,
          %get3A_2269 = vector.shape_cast %get3A_2268 : vector<1x16xf32> to vector<16xf32>
          %add3A_2270 = arith.addf %get3A_2265, %get3A_2269 : vector<16xf32>
          %swap3A_2271 = arith.index_cast %select_n3A_2233 : i32 to index
          %swap3A_2272 = arith.constant 32 : index
          %swap3A_2273 = tpu.vector_load %arg11[%swap3A_2271, %swap3A_2272] {strides = array<i32>} : memref<520x128xf32, #tpu.memory_space<vmem>>, vector<1x16xf32>,
          %swap3A_2274 = vector.shape_cast %swap3A_2273 : vector<1x16xf32> to vector<16xf32>
          %swap3A_2275 = vector.shape_cast %add3A_2270 : vector<16xf32> to vector<1x16xf32>
          tpu.vector_store %arg11[%swap3A_2271, %swap3A_2272], %swap3A_2275 {strides = array<i32>} : memref<520x128xf32, #tpu.memory_space<vmem>>, vector<1x16xf32>,
          %get3A_2276 = arith.index_cast %select_n3A_2233 : i32 to index
          %get3A_2277 = arith.constant 48 : index
          %get3A_2278 = tpu.vector_load %arg11[%get3A_2276, %get3A_2277] {strides = array<i32>} : memref<520x128xf32, #tpu.memory_space<vmem>>, vector<1x16xf32>,
          %get3A_2279 = vector.shape_cast %get3A_2278 : vector<1x16xf32> to vector<16xf32>
          %get3A_2280 = arith.index_cast %add3A_2220 : i32 to index
          %get3A_2281 = arith.constant 48 : index
          %get3A_2282 = tpu.vector_load %arg19[%get3A_2280, %get3A_2281] {strides = array<i32>} : memref<80x128xf32, #tpu.memory_space<vmem>>, vector<1x16xf32>,
          %get3A_2283 = vector.shape_cast %get3A_2282 : vector<1x16xf32> to vector<16xf32>
          %add3A_2284 = arith.addf %get3A_2279, %get3A_2283 : vector<16xf32>
          %swap3A_2285 = arith.index_cast %select_n3A_2233 : i32 to index
          %swap3A_2286 = arith.constant 48 : index
          %swap3A_2287 = tpu.vector_load %arg11[%swap3A_2285, %swap3A_2286] {strides = array<i32>} : memref<520x128xf32, #tpu.memory_space<vmem>>, vector<1x16xf32>,
          %swap3A_2288 = vector.shape_cast %swap3A_2287 : vector<1x16xf32> to vector<16xf32>
          %swap3A_2289 = vector.shape_cast %add3A_2284 : vector<16xf32> to vector<1x16xf32>
          tpu.vector_store %arg11[%swap3A_2285, %swap3A_2286], %swap3A_2289 {strides = array<i32>} : memref<520x128xf32, #tpu.memory_space<vmem>>, vector<1x16xf32>,
          %get3A_2290 = arith.index_cast %select_n3A_2233 : i32 to index
          %get3A_2291 = arith.constant 64 : index
          %get3A_2292 = tpu.vector_load %arg11[%get3A_2290, %get3A_2291] {strides = array<i32>} : memref<520x128xf32, #tpu.memory_space<vmem>>, vector<1x16xf32>,
          %get3A_2293 = vector.shape_cast %get3A_2292 : vector<1x16xf32> to vector<16xf32>
          %get3A_2294 = arith.index_cast %add3A_2220 : i32 to index
          %get3A_2295 = arith.constant 64 : index
          %get3A_2296 = tpu.vector_load %arg19[%get3A_2294, %get3A_2295] {strides = array<i32>} : memref<80x128xf32, #tpu.memory_space<vmem>>, vector<1x16xf32>,
          %get3A_2297 = vector.shape_cast %get3A_2296 : vector<1x16xf32> to vector<16xf32>
          %add3A_2298 = arith.addf %get3A_2293, %get3A_2297 : vector<16xf32>
          %swap3A_2299 = arith.index_cast %select_n3A_2233 : i32 to index
          %swap3A_2300 = arith.constant 64 : index
          %swap3A_2301 = tpu.vector_load %arg11[%swap3A_2299, %swap3A_2300] {strides = array<i32>} : memref<520x128xf32, #tpu.memory_space<vmem>>, vector<1x16xf32>,
          %swap3A_2302 = vector.shape_cast %swap3A_2301 : vector<1x16xf32> to vector<16xf32>
          %swap3A_2303 = vector.shape_cast %add3A_2298 : vector<16xf32> to vector<1x16xf32>
          tpu.vector_store %arg11[%swap3A_2299, %swap3A_2300], %swap3A_2303 {strides = array<i32>} : memref<520x128xf32, #tpu.memory_space<vmem>>, vector<1x16xf32>,
          %get3A_2304 = arith.index_cast %select_n3A_2233 : i32 to index
          %get3A_2305 = arith.constant 80 : index
          %get3A_2306 = tpu.vector_load %arg11[%get3A_2304, %get3A_2305] {strides = array<i32>} : memref<520x128xf32, #tpu.memory_space<vmem>>, vector<1x16xf32>,
          %get3A_2307 = vector.shape_cast %get3A_2306 : vector<1x16xf32> to vector<16xf32>
          %get3A_2308 = arith.index_cast %add3A_2220 : i32 to index
          %get3A_2309 = arith.constant 80 : index
          %get3A_2310 = tpu.vector_load %arg19[%get3A_2308, %get3A_2309] {strides = array<i32>} : memref<80x128xf32, #tpu.memory_space<vmem>>, vector<1x16xf32>,
          %get3A_2311 = vector.shape_cast %get3A_2310 : vector<1x16xf32> to vector<16xf32>
          %add3A_2312 = arith.addf %get3A_2307, %get3A_2311 : vector<16xf32>
          %swap3A_2313 = arith.index_cast %select_n3A_2233 : i32 to index
          %swap3A_2314 = arith.constant 80 : index
          %swap3A_2315 = tpu.vector_load %arg11[%swap3A_2313, %swap3A_2314] {strides = array<i32>} : memref<520x128xf32, #tpu.memory_space<vmem>>, vector<1x16xf32>,
          %swap3A_2316 = vector.shape_cast %swap3A_2315 : vector<1x16xf32> to vector<16xf32>
          %swap3A_2317 = vector.shape_cast %add3A_2312 : vector<16xf32> to vector<1x16xf32>
          tpu.vector_store %arg11[%swap3A_2313, %swap3A_2314], %swap3A_2317 {strides = array<i32>} : memref<520x128xf32, #tpu.memory_space<vmem>>, vector<1x16xf32>,
          %get3A_2318 = arith.index_cast %select_n3A_2233 : i32 to index
          %get3A_2319 = arith.constant 96 : index
          %get3A_2320 = tpu.vector_load %arg11[%get3A_2318, %get3A_2319] {strides = array<i32>} : memref<520x128xf32, #tpu.memory_space<vmem>>, vector<1x16xf32>,
          %get3A_2321 = vector.shape_cast %get3A_2320 : vector<1x16xf32> to vector<16xf32>
          %get3A_2322 = arith.index_cast %add3A_2220 : i32 to index
          %get3A_2323 = arith.constant 96 : index
          %get3A_2324 = tpu.vector_load %arg19[%get3A_2322, %get3A_2323] {strides = array<i32>} : memref<80x128xf32, #tpu.memory_space<vmem>>, vector<1x16xf32>,
          %get3A_2325 = vector.shape_cast %get3A_2324 : vector<1x16xf32> to vector<16xf32>
          %add3A_2326 = arith.addf %get3A_2321, %get3A_2325 : vector<16xf32>
          %swap3A_2327 = arith.index_cast %select_n3A_2233 : i32 to index
          %swap3A_2328 = arith.constant 96 : index
          %swap3A_2329 = tpu.vector_load %arg11[%swap3A_2327, %swap3A_2328] {strides = array<i32>} : memref<520x128xf32, #tpu.memory_space<vmem>>, vector<1x16xf32>,
          %swap3A_2330 = vector.shape_cast %swap3A_2329 : vector<1x16xf32> to vector<16xf32>
          %swap3A_2331 = vector.shape_cast %add3A_2326 : vector<16xf32> to vector<1x16xf32>
          tpu.vector_store %arg11[%swap3A_2327, %swap3A_2328], %swap3A_2331 {strides = array<i32>} : memref<520x128xf32, #tpu.memory_space<vmem>>, vector<1x16xf32>,
          %get3A_2332 = arith.index_cast %select_n3A_2233 : i32 to index
          %get3A_2333 = arith.constant 112 : index
          %get3A_2334 = tpu.vector_load %arg11[%get3A_2332, %get3A_2333] {strides = array<i32>} : memref<520x128xf32, #tpu.memory_space<vmem>>, vector<1x16xf32>,
          %get3A_2335 = vector.shape_cast %get3A_2334 : vector<1x16xf32> to vector<16xf32>
          %get3A_2336 = arith.index_cast %add3A_2220 : i32 to index
          %get3A_2337 = arith.constant 112 : index
          %get3A_2338 = tpu.vector_load %arg19[%get3A_2336, %get3A_2337] {strides = array<i32>} : memref<80x128xf32, #tpu.memory_space<vmem>>, vector<1x16xf32>,
          %get3A_2339 = vector.shape_cast %get3A_2338 : vector<1x16xf32> to vector<16xf32>
          %add3A_2340 = arith.addf %get3A_2335, %get3A_2339 : vector<16xf32>
          %swap3A_2341 = arith.index_cast %select_n3A_2233 : i32 to index
          %swap3A_2342 = arith.constant 112 : index
          %swap3A_2343 = tpu.vector_load %arg11[%swap3A_2341, %swap3A_2342] {strides = array<i32>} : memref<520x128xf32, #tpu.memory_space<vmem>>, vector<1x16xf32>,
          %swap3A_2344 = vector.shape_cast %swap3A_2343 : vector<1x16xf32> to vector<16xf32>
          %swap3A_2345 = vector.shape_cast %add3A_2340 : vector<16xf32> to vector<1x16xf32>
          tpu.vector_store %arg11[%swap3A_2341, %swap3A_2342], %swap3A_2345 {strides = array<i32>} : memref<520x128xf32, #tpu.memory_space<vmem>>, vector<1x16xf32>,
          %mul3A_2346 = arith.constant 16 : i32
          %mul3A_2347 = arith.muli %select_n3A_2233, %mul3A_2346 : i32
          %get3A_2348 = arith.index_cast %mul3A_2347 : i32 to index
          %get3A_2349 = tpu.vector_load %arg12[%get3A_2348] {strides = array<i32>} : memref<8320xf32, #tpu.memory_space<vmem>>, vector<16xf32>,
          %get3A_2350 = vector.shape_cast %get3A_2349 : vector<16xf32> to vector<16xf32>
          %mul3A_2351 = arith.constant 16 : i32
          %mul3A_2352 = arith.muli %add3A_2220, %mul3A_2351 : i32
          %get3A_2353 = arith.index_cast %mul3A_2352 : i32 to index
          %get3A_2354 = tpu.vector_load %arg20[%get3A_2353] {strides = array<i32>} : memref<1280xf32, #tpu.memory_space<vmem>>, vector<16xf32>,
          %get3A_2355 = vector.shape_cast %get3A_2354 : vector<16xf32> to vector<16xf32>
          %add3A_2356 = arith.addf %get3A_2350, %get3A_2355 : vector<16xf32>
          %swap3A_2357 = arith.index_cast %mul3A_2347 : i32 to index
          %swap3A_2358 = tpu.vector_load %arg12[%swap3A_2357] {strides = array<i32>} : memref<8320xf32, #tpu.memory_space<vmem>>, vector<16xf32>,
          %swap3A_2359 = vector.shape_cast %swap3A_2358 : vector<16xf32> to vector<16xf32>
          %swap3A_2360 = vector.shape_cast %add3A_2356 : vector<16xf32> to vector<16xf32>
          tpu.vector_store %arg12[%swap3A_2357], %swap3A_2360 {strides = array<i32>} : memref<8320xf32, #tpu.memory_space<vmem>>, vector<16xf32>,
        }
        %scan3A_57 = arith.constant 5 : i32
      }
      %scan3A_43 = arith.constant 125 : i32
      "tpu.region"() ({
        %run_scoped3A = tpu.sem_alloc : memref<!tpu.dma_semaphore, #tpu.memory_space<semaphore_mem>>
        %dma_start3A = arith.constant 0 : i32
        %dma_start3A_46 = arith.constant 0 : i32
        %dma_start3A_47 = tpu.memref_slice %arg11[%dma_start3A, %dma_start3A_46] : memref<520x128xf32, #tpu.memory_space<vmem>> -> memref<512x128xf32, #tpu.memory_space<vmem>>
        %dma_start3A_48 = arith.constant 0 : i32
        %dma_start3A_49 = tpu.memref_slice %arg9[%add3A, %mul3A_31, %dma_start3A_48] : memref<32x10240x128xf32, #tpu.memory_space<hbm>> -> memref<1x512x128xf32, #tpu.memory_space<hbm>>
        %dma_start3A_50 = tpu.memref_squeeze %dma_start3A_49 : memref<1x512x128xf32, #tpu.memory_space<hbm>> -> memref<512x128xf32, #tpu.memory_space<hbm>>
        %dma_start3A_51 = arith.constant 0 : i32
        %dma_start3A_52 = tpu.memref_slice %arg9[%add3A, %mul3A_31, %dma_start3A_51] : memref<32x10240x128xf32, #tpu.memory_space<hbm>> -> memref<1x512x128xf32, #tpu.memory_space<hbm>>
        %dma_start3A_53 = tpu.memref_squeeze %dma_start3A_52 : memref<1x512x128xf32, #tpu.memory_space<hbm>> -> memref<512x128xf32, #tpu.memory_space<hbm>>
        %dma_start3A_54 = arith.constant 0 : i32
        %dma_start3A_55 = arith.constant 0 : i32
        %dma_start3A_56 = tpu.memref_slice %arg11[%dma_start3A_54, %dma_start3A_55] : memref<520x128xf32, #tpu.memory_space<vmem>> -> memref<512x128xf32, #tpu.memory_space<vmem>>
        tpu.enqueue_dma source(%dma_start3A_56 : memref<512x128xf32, #tpu.memory_space<vmem>>) target(%dma_start3A_53 : memref<512x128xf32, #tpu.memory_space<hbm>>) target_semaphore(%run_scoped3A : memref<!tpu.dma_semaphore, #tpu.memory_space<semaphore_mem>>)
        %dma_wait3A = arith.constant 0 : i32
        %dma_wait3A_57 = arith.constant 0 : i32
        %dma_wait3A_58 = tpu.memref_slice %arg11[%dma_wait3A, %dma_wait3A_57] : memref<520x128xf32, #tpu.memory_space<vmem>> -> memref<512x128xf32, #tpu.memory_space<vmem>>
        %dma_wait3A_59 = arith.constant 0 : i32
        %dma_wait3A_60 = tpu.memref_slice %arg9[%add3A, %mul3A_31, %dma_wait3A_59] : memref<32x10240x128xf32, #tpu.memory_space<hbm>> -> memref<1x512x128xf32, #tpu.memory_space<hbm>>
        %dma_wait3A_61 = tpu.memref_squeeze %dma_wait3A_60 : memref<1x512x128xf32, #tpu.memory_space<hbm>> -> memref<512x128xf32, #tpu.memory_space<hbm>>
        %dma_wait3A_62 = arith.constant 0 : i32
        %dma_wait3A_63 = tpu.memref_slice %arg9[%add3A, %mul3A_31, %dma_wait3A_62] : memref<32x10240x128xf32, #tpu.memory_space<hbm>> -> memref<1x512x128xf32, #tpu.memory_space<hbm>>
        %dma_wait3A_64 = tpu.memref_squeeze %dma_wait3A_63 : memref<1x512x128xf32, #tpu.memory_space<hbm>> -> memref<512x128xf32, #tpu.memory_space<hbm>>
        %dma_wait3A_65 = arith.constant 0 : i32
        %dma_wait3A_66 = arith.constant 0 : i32
        %dma_wait3A_67 = tpu.memref_slice %arg11[%dma_wait3A_65, %dma_wait3A_66] : memref<520x128xf32, #tpu.memory_space<vmem>> -> memref<512x128xf32, #tpu.memory_space<vmem>>
        tpu.wait_dma2 semaphore(%run_scoped3A : memref<!tpu.dma_semaphore, #tpu.memory_space<semaphore_mem>>) src(%dma_wait3A_67 : memref<512x128xf32, #tpu.memory_space<vmem>>) dst(%dma_wait3A_64 : memref<512x128xf32, #tpu.memory_space<hbm>>)
        tpu.yield
      }) : () -> ()
      %mul3A_44 = arith.constant 16 : i32
      %mul3A_45 = arith.muli %mul3A_31, %mul3A_44 : i32
      "tpu.region"() ({
        %run_scoped3A = tpu.sem_alloc : memref<!tpu.dma_semaphore, #tpu.memory_space<semaphore_mem>>
        %dma_start3A = arith.constant 0 : i32
        %dma_start3A_46 = tpu.memref_slice %arg12[%dma_start3A] : memref<8320xf32, #tpu.memory_space<vmem>> -> memref<8192xf32, #tpu.memory_space<vmem>>
        %dma_start3A_47 = tpu.memref_slice %arg10[%add3A, %mul3A_45] : memref<32x163840xf32, #tpu.memory_space<hbm>> -> memref<1x8192xf32, #tpu.memory_space<hbm>>
        %dma_start3A_48 = tpu.memref_squeeze %dma_start3A_47 : memref<1x8192xf32, #tpu.memory_space<hbm>> -> memref<8192xf32, #tpu.memory_space<hbm>>
        %dma_start3A_49 = tpu.memref_slice %arg10[%add3A, %mul3A_45] : memref<32x163840xf32, #tpu.memory_space<hbm>> -> memref<1x8192xf32, #tpu.memory_space<hbm>>
        %dma_start3A_50 = tpu.memref_squeeze %dma_start3A_49 : memref<1x8192xf32, #tpu.memory_space<hbm>> -> memref<8192xf32, #tpu.memory_space<hbm>>
        %dma_start3A_51 = arith.constant 0 : i32
        %dma_start3A_52 = tpu.memref_slice %arg12[%dma_start3A_51] : memref<8320xf32, #tpu.memory_space<vmem>> -> memref<8192xf32, #tpu.memory_space<vmem>>
        tpu.enqueue_dma source(%dma_start3A_52 : memref<8192xf32, #tpu.memory_space<vmem>>) target(%dma_start3A_50 : memref<8192xf32, #tpu.memory_space<hbm>>) target_semaphore(%run_scoped3A : memref<!tpu.dma_semaphore, #tpu.memory_space<semaphore_mem>>)
        %dma_wait3A = arith.constant 0 : i32
        %dma_wait3A_53 = tpu.memref_slice %arg12[%dma_wait3A] : memref<8320xf32, #tpu.memory_space<vmem>> -> memref<8192xf32, #tpu.memory_space<vmem>>
        %dma_wait3A_54 = tpu.memref_slice %arg10[%add3A, %mul3A_45] : memref<32x163840xf32, #tpu.memory_space<hbm>> -> memref<1x8192xf32, #tpu.memory_space<hbm>>
        %dma_wait3A_55 = tpu.memref_squeeze %dma_wait3A_54 : memref<1x8192xf32, #tpu.memory_space<hbm>> -> memref<8192xf32, #tpu.memory_space<hbm>>
        %dma_wait3A_56 = tpu.memref_slice %arg10[%add3A, %mul3A_45] : memref<32x163840xf32, #tpu.memory_space<hbm>> -> memref<1x8192xf32, #tpu.memory_space<hbm>>
        %dma_wait3A_57 = tpu.memref_squeeze %dma_wait3A_56 : memref<1x8192xf32, #tpu.memory_space<hbm>> -> memref<8192xf32, #tpu.memory_space<hbm>>
        %dma_wait3A_58 = arith.constant 0 : i32
        %dma_wait3A_59 = tpu.memref_slice %arg12[%dma_wait3A_58] : memref<8320xf32, #tpu.memory_space<vmem>> -> memref<8192xf32, #tpu.memory_space<vmem>>
        tpu.wait_dma2 semaphore(%run_scoped3A : memref<!tpu.dma_semaphore, #tpu.memory_space<semaphore_mem>>) src(%dma_wait3A_59 : memref<8192xf32, #tpu.memory_space<vmem>>) dst(%dma_wait3A_57 : memref<8192xf32, #tpu.memory_space<hbm>>)
        tpu.yield
      }) : () -> ()
    }
    %scan3A_28 = arith.constant 20 : i32
    return
  }
}

module attributes {stable_mosaic.version = 14 : i64} {
  func.func @_proj_body(%arg0: i32, %arg1: memref<2000x128xf32, #tpu.memory_space<vmem>>, %arg2: memref<128x128xf32, #tpu.memory_space<vmem>>, %arg3: memref<128x128xf32, #tpu.memory_space<vmem>>, %arg4: memref<128x128xf32, #tpu.memory_space<vmem>>, %arg5: memref<1x128xf32, #tpu.memory_space<vmem>>, %arg6: memref<1x128xf32, #tpu.memory_space<vmem>>, %arg7: memref<1x128xf32, #tpu.memory_space<vmem>>, %arg8: memref<2000x128xf32, #tpu.memory_space<vmem>>, %arg9: memref<2000x128xf32, #tpu.memory_space<vmem>>, %arg10: memref<2000x128xf32, #tpu.memory_space<vmem>>, %arg11: memref<2000x128xf32, #tpu.memory_space<vmem>>, %arg12: memref<2000x128xf32, #tpu.memory_space<vmem>>) attributes {dimension_semantics = [#tpu.dimension_semantics<arbitrary>], iteration_bounds = array<i64: 5>, scalar_prefetch = 0 : i64, scratch_operands = 0 : i64, tpu.core_type = #tpu.core_type<tc>, window_params = [{transform_indices = @transform_0, window_bounds = array<i64: 2000, 128>}, {pipeline_mode = #tpu.pipeline_mode<synchronous>, transform_indices = @transform_1, window_bounds = array<i64: 128, 128>}, {pipeline_mode = #tpu.pipeline_mode<synchronous>, transform_indices = @transform_2, window_bounds = array<i64: 128, 128>}, {pipeline_mode = #tpu.pipeline_mode<synchronous>, transform_indices = @transform_3, window_bounds = array<i64: 128, 128>}, {pipeline_mode = #tpu.pipeline_mode<synchronous>, transform_indices = @transform_4, window_bounds = array<i64: 1, 128>}, {pipeline_mode = #tpu.pipeline_mode<synchronous>, transform_indices = @transform_5, window_bounds = array<i64: 1, 128>}, {pipeline_mode = #tpu.pipeline_mode<synchronous>, transform_indices = @transform_6, window_bounds = array<i64: 1, 128>}, {transform_indices = @transform_7, window_bounds = array<i64: 2000, 128>}, {transform_indices = @transform_8, window_bounds = array<i64: 2000, 128>}, {transform_indices = @transform_9, window_bounds = array<i64: 2000, 128>}, {transform_indices = @transform_10, window_bounds = array<i64: 2000, 128>}, {transform_indices = @transform_11, window_bounds = array<i64: 2000, 128>}]} {
    %get3A = arith.constant 0 : index
    %get3A_0 = arith.constant 0 : index
    %get3A_1 = vector.load %arg1[%get3A, %get3A_0] : memref<2000x128xf32, #tpu.memory_space<vmem>>, vector<2000x128xf32>
    %get3A_2 = arith.constant 0 : index
    %get3A_3 = arith.constant 0 : index
    %get3A_4 = vector.load %arg8[%get3A_2, %get3A_3] : memref<2000x128xf32, #tpu.memory_space<vmem>>, vector<2000x128xf32>
    %get3A_5 = arith.constant 0 : index
    %get3A_6 = arith.constant 0 : index
    %get3A_7 = vector.load %arg9[%get3A_5, %get3A_6] : memref<2000x128xf32, #tpu.memory_space<vmem>>, vector<2000x128xf32>
    %iota3A = tpu.iota {dimensions = array<i32: 1>} : vector<2000x128xi32>
    %jit3A = arith.constant 8 : i32
    %eq3A = arith.constant 0 : i32
    %eq3A_8 = arith.cmpi eq, %jit3A, %eq3A : i32
    %jit3A_9 = arith.constant 1 : i32
    %select_n3A = arith.select %eq3A_8, %jit3A_9, %jit3A : i32
    %rem3A = vector.broadcast %select_n3A : i32 to vector<2000x128xi32>
    %rem3A_10 = arith.remsi %iota3A, %rem3A : vector<2000x128xi32>
    %ne3A = arith.constant 0 : i32
    %ne3A_11 = vector.broadcast %ne3A : i32 to vector<2000x128xi32>
    %ne3A_12 = arith.cmpi ne, %rem3A_10, %ne3A_11 : vector<2000x128xi32>
    %lt3A = arith.constant 0 : i32
    %lt3A_13 = vector.broadcast %lt3A : i32 to vector<2000x128xi32>
    %lt3A_14 = arith.cmpi slt, %rem3A_10, %lt3A_13 : vector<2000x128xi32>
    %lt3A_15 = arith.constant 0 : i32
    %lt3A_16 = arith.cmpi slt, %select_n3A, %lt3A_15 : i32
    %ne3A_17 = vector.broadcast %lt3A_16 : i1 to vector<2000x128xi1>
    %ne3A_18 = vector.broadcast %ne3A_17 : vector<2000x128xi1> to vector<2000x128xi1>
    %ne3A_19 = arith.xori %lt3A_14, %ne3A_18 : vector<2000x128xi1>
    %and3A = arith.andi %ne3A_19, %ne3A_12 : vector<2000x128xi1>
    %add3A = vector.broadcast %select_n3A : i32 to vector<2000x128xi32>
    %add3A_20 = arith.addi %rem3A_10, %add3A : vector<2000x128xi32>
    %select_n3A_21 = arith.select %and3A, %add3A_20, %rem3A_10 : vector<2000x128xi1>, vector<2000x128xi32>
    %lt3A_22 = arith.constant 4 : i32
    %lt3A_23 = vector.broadcast %lt3A_22 : i32 to vector<2000x128xi32>
    %lt3A_24 = arith.cmpi slt, %select_n3A_21, %lt3A_23 : vector<2000x128xi32>
    %get3A_25 = arith.constant 0 : index
    %get3A_26 = arith.constant 0 : index
    %get3A_27 = vector.load %arg2[%get3A_25, %get3A_26] : memref<128x128xf32, #tpu.memory_space<vmem>>, vector<128x128xf32>
    %dot_general3A = arith.constant dense<0.000000e+00> : vector<2000x128xf32>
    %dot_general3A_28 = tpu.matmul %get3A_1, %get3A_27, %dot_general3A {dimension_numbers = #tpu.dot_dimension_numbers<[1], [0], [0], [1], [0, 0, 1, 1], [], []>, transpose_lhs_hint = false} : vector<2000x128xf32>, vector<128x128xf32>, vector<2000x128xf32> -> vector<2000x128xf32>
    %get3A_29 = arith.constant 0 : index
    %get3A_30 = arith.constant 0 : index
    %get3A_31 = vector.load %arg5[%get3A_29, %get3A_30] : memref<1x128xf32, #tpu.memory_space<vmem>>, vector<1x128xf32>
    %add3A_32 = vector.broadcast %get3A_31 : vector<1x128xf32> to vector<2000x128xf32>
    %add3A_33 = arith.addf %dot_general3A_28, %add3A_32 : vector<2000x128xf32>
    %get3A_34 = arith.constant 0 : index
    %get3A_35 = arith.constant 0 : index
    %get3A_36 = vector.load %arg3[%get3A_34, %get3A_35] : memref<128x128xf32, #tpu.memory_space<vmem>>, vector<128x128xf32>
    %dot_general3A_37 = arith.constant dense<0.000000e+00> : vector<2000x128xf32>
    %dot_general3A_38 = tpu.matmul %get3A_1, %get3A_36, %dot_general3A_37 {dimension_numbers = #tpu.dot_dimension_numbers<[1], [0], [0], [1], [0, 0, 1, 1], [], []>, transpose_lhs_hint = false} : vector<2000x128xf32>, vector<128x128xf32>, vector<2000x128xf32> -> vector<2000x128xf32>
    %get3A_39 = arith.constant 0 : index
    %get3A_40 = arith.constant 0 : index
    %get3A_41 = vector.load %arg6[%get3A_39, %get3A_40] : memref<1x128xf32, #tpu.memory_space<vmem>>, vector<1x128xf32>
    %add3A_42 = vector.broadcast %get3A_41 : vector<1x128xf32> to vector<2000x128xf32>
    %add3A_43 = arith.addf %dot_general3A_38, %add3A_42 : vector<2000x128xf32>
    %get3A_44 = arith.constant 0 : index
    %get3A_45 = arith.constant 0 : index
    %get3A_46 = vector.load %arg4[%get3A_44, %get3A_45] : memref<128x128xf32, #tpu.memory_space<vmem>>, vector<128x128xf32>
    %dot_general3A_47 = arith.constant dense<0.000000e+00> : vector<2000x128xf32>
    %dot_general3A_48 = tpu.matmul %get3A_1, %get3A_46, %dot_general3A_47 {dimension_numbers = #tpu.dot_dimension_numbers<[1], [0], [0], [1], [0, 0, 1, 1], [], []>, transpose_lhs_hint = false} : vector<2000x128xf32>, vector<128x128xf32>, vector<2000x128xf32> -> vector<2000x128xf32>
    %get3A_49 = arith.constant 0 : index
    %get3A_50 = arith.constant 0 : index
    %get3A_51 = vector.load %arg7[%get3A_49, %get3A_50] : memref<1x128xf32, #tpu.memory_space<vmem>>, vector<1x128xf32>
    %add3A_52 = vector.broadcast %get3A_51 : vector<1x128xf32> to vector<2000x128xf32>
    %add3A_53 = arith.addf %dot_general3A_48, %add3A_52 : vector<2000x128xf32>
    %slice3A = vector.extract_strided_slice %add3A_33 {offsets = [0, 4], sizes = [2000, 124], strides = [1, 1]} : vector<2000x128xf32> to vector<2000x124xf32>
    %slice3A_54 = vector.extract_strided_slice %add3A_33 {offsets = [0, 0], sizes = [2000, 4], strides = [1, 1]} : vector<2000x128xf32> to vector<2000x4xf32>
    %concatenate3A = tpu.concatenate %slice3A, %slice3A_54 in 1 : vector<2000x124xf32>, vector<2000x4xf32> -> vector<2000x128xf32>
    %slice3A_55 = vector.extract_strided_slice %add3A_33 {offsets = [0, 124], sizes = [2000, 4], strides = [1, 1]} : vector<2000x128xf32> to vector<2000x4xf32>
    %slice3A_56 = vector.extract_strided_slice %add3A_33 {offsets = [0, 0], sizes = [2000, 124], strides = [1, 1]} : vector<2000x128xf32> to vector<2000x124xf32>
    %concatenate3A_57 = tpu.concatenate %slice3A_55, %slice3A_56 in 1 : vector<2000x4xf32>, vector<2000x124xf32> -> vector<2000x128xf32>
    %neg3A = arith.constant 0.000000e+00 : f32
    %neg3A_58 = vector.broadcast %neg3A : f32 to vector<2000x128xf32>
    %neg3A_59 = arith.subf %neg3A_58, %concatenate3A : vector<2000x128xf32>
    %select_n3A_60 = arith.select %lt3A_24, %neg3A_59, %concatenate3A_57 : vector<2000x128xi1>, vector<2000x128xf32>
    %mul3A = arith.mulf %add3A_33, %get3A_4 : vector<2000x128xf32>
    %mul3A_61 = arith.mulf %select_n3A_60, %get3A_7 : vector<2000x128xf32>
    %add3A_62 = arith.addf %mul3A, %mul3A_61 : vector<2000x128xf32>
    %mul3A_63 = arith.constant 2.500000e-01 : f32
    %mul3A_64 = vector.broadcast %mul3A_63 : f32 to vector<2000x128xf32>
    %mul3A_65 = arith.mulf %add3A_62, %mul3A_64 : vector<2000x128xf32>
    %swap3A = arith.constant 0 : index
    %swap3A_66 = arith.constant 0 : index
    %swap3A_67 = vector.load %arg10[%swap3A, %swap3A_66] : memref<2000x128xf32, #tpu.memory_space<vmem>>, vector<2000x128xf32>
    tpu.vector_store %arg10[%swap3A, %swap3A_66], %mul3A_65 {strides = array<i32>} : memref<2000x128xf32, #tpu.memory_space<vmem>>, vector<2000x128xf32>,
    %slice3A_68 = vector.extract_strided_slice %add3A_43 {offsets = [0, 4], sizes = [2000, 124], strides = [1, 1]} : vector<2000x128xf32> to vector<2000x124xf32>
    %slice3A_69 = vector.extract_strided_slice %add3A_43 {offsets = [0, 0], sizes = [2000, 4], strides = [1, 1]} : vector<2000x128xf32> to vector<2000x4xf32>
    %concatenate3A_70 = tpu.concatenate %slice3A_68, %slice3A_69 in 1 : vector<2000x124xf32>, vector<2000x4xf32> -> vector<2000x128xf32>
    %slice3A_71 = vector.extract_strided_slice %add3A_43 {offsets = [0, 124], sizes = [2000, 4], strides = [1, 1]} : vector<2000x128xf32> to vector<2000x4xf32>
    %slice3A_72 = vector.extract_strided_slice %add3A_43 {offsets = [0, 0], sizes = [2000, 124], strides = [1, 1]} : vector<2000x128xf32> to vector<2000x124xf32>
    %concatenate3A_73 = tpu.concatenate %slice3A_71, %slice3A_72 in 1 : vector<2000x4xf32>, vector<2000x124xf32> -> vector<2000x128xf32>
    %neg3A_74 = arith.constant 0.000000e+00 : f32
    %neg3A_75 = vector.broadcast %neg3A_74 : f32 to vector<2000x128xf32>
    %neg3A_76 = arith.subf %neg3A_75, %concatenate3A_70 : vector<2000x128xf32>
    %select_n3A_77 = arith.select %lt3A_24, %neg3A_76, %concatenate3A_73 : vector<2000x128xi1>, vector<2000x128xf32>
    %mul3A_78 = arith.mulf %add3A_43, %get3A_4 : vector<2000x128xf32>
    %mul3A_79 = arith.mulf %select_n3A_77, %get3A_7 : vector<2000x128xf32>
    %add3A_80 = arith.addf %mul3A_78, %mul3A_79 : vector<2000x128xf32>
    %swap3A_81 = arith.constant 0 : index
    %swap3A_82 = arith.constant 0 : index
    %swap3A_83 = vector.load %arg11[%swap3A_81, %swap3A_82] : memref<2000x128xf32, #tpu.memory_space<vmem>>, vector<2000x128xf32>
    tpu.vector_store %arg11[%swap3A_81, %swap3A_82], %add3A_80 {strides = array<i32>} : memref<2000x128xf32, #tpu.memory_space<vmem>>, vector<2000x128xf32>,
    %swap3A_84 = arith.constant 0 : index
    %swap3A_85 = arith.constant 0 : index
    %swap3A_86 = vector.load %arg12[%swap3A_84, %swap3A_85] : memref<2000x128xf32, #tpu.memory_space<vmem>>, vector<2000x128xf32>
    tpu.vector_store %arg12[%swap3A_84, %swap3A_85], %add3A_53 {strides = array<i32>} : memref<2000x128xf32, #tpu.memory_space<vmem>>, vector<2000x128xf32>,
    return
  }
  func.func @transform_0(%arg0: i32) -> (i32, i32) {
    %c0_i32 = arith.constant 0 : i32
    %c0_i32_0 = arith.constant 0 : i32
    return %arg0, %c0_i32 : i32, i32
  }
  func.func @transform_1(%arg0: i32) -> (i32, i32) {
    %c0_i32 = arith.constant 0 : i32
    %c0_i32_0 = arith.constant 0 : i32
    %c0_i32_1 = arith.constant 0 : i32
    return %c0_i32, %c0_i32_0 : i32, i32
  }
  func.func @transform_2(%arg0: i32) -> (i32, i32) {
    %c0_i32 = arith.constant 0 : i32
    %c0_i32_0 = arith.constant 0 : i32
    %c0_i32_1 = arith.constant 0 : i32
    return %c0_i32, %c0_i32_0 : i32, i32
  }
  func.func @transform_3(%arg0: i32) -> (i32, i32) {
    %c0_i32 = arith.constant 0 : i32
    %c0_i32_0 = arith.constant 0 : i32
    %c0_i32_1 = arith.constant 0 : i32
    return %c0_i32, %c0_i32_0 : i32, i32
  }
  func.func @transform_4(%arg0: i32) -> (i32, i32) {
    %c0_i32 = arith.constant 0 : i32
    %c0_i32_0 = arith.constant 0 : i32
    %c0_i32_1 = arith.constant 0 : i32
    return %c0_i32, %c0_i32_0 : i32, i32
  }
  func.func @transform_5(%arg0: i32) -> (i32, i32) {
    %c0_i32 = arith.constant 0 : i32
    %c0_i32_0 = arith.constant 0 : i32
    %c0_i32_1 = arith.constant 0 : i32
    return %c0_i32, %c0_i32_0 : i32, i32
  }
  func.func @transform_6(%arg0: i32) -> (i32, i32) {
    %c0_i32 = arith.constant 0 : i32
    %c0_i32_0 = arith.constant 0 : i32
    %c0_i32_1 = arith.constant 0 : i32
    return %c0_i32, %c0_i32_0 : i32, i32
  }
  func.func @transform_7(%arg0: i32) -> (i32, i32) {
    %c0_i32 = arith.constant 0 : i32
    %c0_i32_0 = arith.constant 0 : i32
    return %arg0, %c0_i32 : i32, i32
  }
  func.func @transform_8(%arg0: i32) -> (i32, i32) {
    %c0_i32 = arith.constant 0 : i32
    %c0_i32_0 = arith.constant 0 : i32
    return %arg0, %c0_i32 : i32, i32
  }
  func.func @transform_9(%arg0: i32) -> (i32, i32) {
    %c0_i32 = arith.constant 0 : i32
    %c0_i32_0 = arith.constant 0 : i32
    return %arg0, %c0_i32 : i32, i32
  }
  func.func @transform_10(%arg0: i32) -> (i32, i32) {
    %c0_i32 = arith.constant 0 : i32
    %c0_i32_0 = arith.constant 0 : i32
    return %arg0, %c0_i32 : i32, i32
  }
  func.func @transform_11(%arg0: i32) -> (i32, i32) {
    %c0_i32 = arith.constant 0 : i32
    %c0_i32_0 = arith.constant 0 : i32
    return %arg0, %c0_i32 : i32, i32
  }
}

module attributes {stable_mosaic.version = 14 : i64} {
  func.func @_combine_body(%arg0: i32, %arg1: memref<32x400x128xf32, #tpu.memory_space<vmem>>, %arg2: memref<32x400x16xf32, #tpu.memory_space<vmem>>, %arg3: memref<400x128xf32, #tpu.memory_space<vmem>>) attributes {dimension_semantics = [#tpu.dimension_semantics<arbitrary>], iteration_bounds = array<i64: 25>, scalar_prefetch = 0 : i64, scratch_operands = 0 : i64, tpu.core_type = #tpu.core_type<tc>, window_params = [{transform_indices = @transform_0, window_bounds = array<i64: 32, 400, 128>}, {transform_indices = @transform_1, window_bounds = array<i64: 32, 400, 16>}, {transform_indices = @transform_2, window_bounds = array<i64: 400, 128>}]} {
    %get3A = arith.constant 0 : index
    %get3A_0 = arith.constant 0 : index
    %get3A_1 = arith.constant 0 : index
    %get3A_2 = vector.load %arg1[%get3A, %get3A_0, %get3A_1] : memref<32x400x128xf32, #tpu.memory_space<vmem>>, vector<32x400x128xf32>
    %reduce_sum3A = arith.constant dense<0.000000e+00> : vector<400x128xf32>
    %reduce_sum3A_3 = vector.multi_reduction <add>, %get3A_2, %reduce_sum3A [0] : vector<32x400x128xf32> to vector<400x128xf32>
    %get3A_4 = arith.constant 0 : index
    %get3A_5 = arith.constant 0 : index
    %get3A_6 = arith.constant 0 : index
    %get3A_7 = vector.load %arg2[%get3A_4, %get3A_5, %get3A_6] : memref<32x400x16xf32, #tpu.memory_space<vmem>>, vector<32x400x16xf32>
    %reduce_sum3A_8 = arith.constant dense<0.000000e+00> : vector<400x16xf32>
    %reduce_sum3A_9 = vector.multi_reduction <add>, %get3A_7, %reduce_sum3A_8 [0] : vector<32x400x16xf32> to vector<400x16xf32>
    %iota3A = tpu.iota {dimensions = array<i32: 1>} : vector<16x128xi32>
    %jit3A = arith.constant 16 : i32
    %div3A = vector.broadcast %jit3A : i32 to vector<16x128xi32>
    %div3A_10 = arith.divsi %iota3A, %div3A : vector<16x128xi32>
    %sign3A = arith.constant 0 : i32
    %sign3A_11 = vector.broadcast %sign3A : i32 to vector<16x128xi32>
    %sign3A_12 = arith.cmpi sgt, %iota3A, %sign3A_11 : vector<16x128xi32>
    %sign3A_13 = arith.extui %sign3A_12 : vector<16x128xi1> to vector<16x128xi32>
    %sign3A_14 = arith.constant 0 : i32
    %sign3A_15 = vector.broadcast %sign3A_14 : i32 to vector<16x128xi32>
    %sign3A_16 = arith.cmpi slt, %iota3A, %sign3A_15 : vector<16x128xi32>
    %sign3A_17 = arith.extui %sign3A_16 : vector<16x128xi1> to vector<16x128xi32>
    %sign3A_18 = arith.subi %sign3A_13, %sign3A_17 : vector<16x128xi32>
    %sign3A_19 = arith.constant 0 : i32
    %sign3A_20 = arith.cmpi sgt, %jit3A, %sign3A_19 : i32
    %sign3A_21 = arith.extui %sign3A_20 : i1 to i32
    %sign3A_22 = arith.constant 0 : i32
    %sign3A_23 = arith.cmpi slt, %jit3A, %sign3A_22 : i32
    %sign3A_24 = arith.extui %sign3A_23 : i1 to i32
    %sign3A_25 = arith.subi %sign3A_21, %sign3A_24 : i32
    %ne3A = vector.broadcast %sign3A_25 : i32 to vector<16x128xi32>
    %ne3A_26 = arith.cmpi ne, %sign3A_18, %ne3A : vector<16x128xi32>
    %rem3A = vector.broadcast %jit3A : i32 to vector<16x128xi32>
    %rem3A_27 = arith.remsi %iota3A, %rem3A : vector<16x128xi32>
    %ne3A_28 = arith.constant 0 : i32
    %ne3A_29 = vector.broadcast %ne3A_28 : i32 to vector<16x128xi32>
    %ne3A_30 = arith.cmpi ne, %rem3A_27, %ne3A_29 : vector<16x128xi32>
    %and3A = arith.andi %ne3A_26, %ne3A_30 : vector<16x128xi1>
    %sub3A = arith.constant 1 : i32
    %sub3A_31 = vector.broadcast %sub3A : i32 to vector<16x128xi32>
    %sub3A_32 = arith.subi %div3A_10, %sub3A_31 : vector<16x128xi32>
    %select_n3A = arith.select %and3A, %sub3A_32, %div3A_10 : vector<16x128xi1>, vector<16x128xi32>
    %iota3A_33 = tpu.iota {dimensions = array<i32: 0>} : vector<16x128xi32>
    %eq3A = arith.cmpi eq, %select_n3A, %iota3A_33 : vector<16x128xi32>
    %convert_element_type3A = arith.extui %eq3A : vector<16x128xi1> to vector<16x128xi32>
    %convert_element_type3A_34 = arith.sitofp %convert_element_type3A : vector<16x128xi32> to vector<16x128xf32>
    %dot_general3A = arith.constant dense<0.000000e+00> : vector<400x128xf32>
    %dot_general3A_35 = tpu.matmul %reduce_sum3A_9, %convert_element_type3A_34, %dot_general3A {dimension_numbers = #tpu.dot_dimension_numbers<[1], [0], [0], [1], [0, 0, 1, 1], [], []>, transpose_lhs_hint = false} : vector<400x16xf32>, vector<16x128xf32>, vector<400x128xf32> -> vector<400x128xf32>
    %div3A_36 = arith.divf %reduce_sum3A_3, %dot_general3A_35 : vector<400x128xf32>
    %swap3A = arith.constant 0 : index
    %swap3A_37 = arith.constant 0 : index
    %swap3A_38 = vector.load %arg3[%swap3A, %swap3A_37] : memref<400x128xf32, #tpu.memory_space<vmem>>, vector<400x128xf32>
    tpu.vector_store %arg3[%swap3A, %swap3A_37], %div3A_36 {strides = array<i32>} : memref<400x128xf32, #tpu.memory_space<vmem>>, vector<400x128xf32>,
    return
  }
  func.func @transform_0(%arg0: i32) -> (i32, i32, i32) {
    %c0_i32 = arith.constant 0 : i32
    %c0_i32_0 = arith.constant 0 : i32
    %c0_i32_1 = arith.constant 0 : i32
    return %c0_i32, %arg0, %c0_i32_0 : i32, i32, i32
  }
  func.func @transform_1(%arg0: i32) -> (i32, i32, i32) {
    %c0_i32 = arith.constant 0 : i32
    %c0_i32_0 = arith.constant 0 : i32
    %c0_i32_1 = arith.constant 0 : i32
    return %c0_i32, %arg0, %c0_i32_0 : i32, i32, i32
  }
  func.func @transform_2(%arg0: i32) -> (i32, i32) {
    %c0_i32 = arith.constant 0 : i32
    %c0_i32_0 = arith.constant 0 : i32
    return %arg0, %c0_i32 : i32, i32
  }
}

</mosaic_0001>

<sc_bundles>
// kernel: kernel.5.cloned.1.call-start
scs
__scs_entry_jumppad:
0x0: {  	(pc) =	sbr.rel $0x88, $3  }
0x1: {  	(tag) =	ssettag $0x0;
	lr =	simm.s32 $0x1  }
0x2: {  	[smem:$0x3F98] =	sst lr;
	_ =	strace $0xD0000000  }
0x3: {  	_ = 	snop  }
0x4: {  	_ = 	snop  }
0x5: {  	_ = 	snop  }
0x6: {  	_ = 	snop  }
0x7: {  	_ = 	snop  }
__scs_overlays_trampoline_lowered:
0x8: {  	[smem:$0x3FA7] =	sst s0  }
0x9: {  	[smem:$0x3FA8] =	sst s1  }
0xa: {  	[smem:$0x3FA9] =	sst s2  }
0xb: {  	[smem:$0x3FAA] =	sst s3  }
0xc: {  	[smem:$0x3FAB] =	sst s4  }
0xd: {  	[smem:$0x3FAC] =	sst s5  }
0xe: {  	[smem:$0x3FAD] =	sst s6  }
0xf: {  	[smem:$0x3FAE] =	sst s7  }
0x10: {  	[smem:$0x3FAF] =	sst s8  }
0x11: {  	[smem:$0x3FB0] =	sst s9;
	s0 =	simm.s32 @!p0 $0x0  }
0x12: {  	s1 =	sld [smem:$0x3F96];
	s0 =	simm.s32 @p0 $0x1  }
0x13: {  	[smem:$0x3FB1] =	sst s0;
	s0 =	simm.s32 @!p1 $0x0  }
0x14: {  	s2 =	sld [smem:$0x3F95];
	s0 =	simm.s32 @p1 $0x1  }
0x15: {  	[smem:$0x3FB2] =	sst s0;
	s0 =	simm.s32 @!p2 $0x0  }
0x16: {  	s3 =	sld [smem:$0x3FDB];
	s0 =	simm.s32 @p2 $0x1  }
0x17: {  	s4 =	simm.s32 $0x1BF5;
	[smem:$0x3FB4] =	sst s0  }
0x18: {  	s0 =	sld [smem:$0x3F97];
	_ =	swait.ge [sflag:s4], $0x0  }
0x19: {  	s7 =	sld [smem:$0x3F98]  }
0x1a: {  	s8 =	sadd.s32 $0xFFFFE003, lr  }
0x1b: {  	s9 =	sadd.s32 $0xFFFFFEF7, lr;
	s5 =	simm.s32 $0xFFFFFFFF;
	p2 =	slt.u32 s8, $0xFFFFF086  }
0x1c: {  	p1 =	slt.u32 s9, $0xF7A;
	s5 =	simm.s32 @!p2 $0x0  }
0x1d: {  	s5 =	simm.s32 @p1 $0x1;
	p0 =	seq.s32 s7, s2  }
0x1e: {  	s7 =	smul.u32 @!p0 $0xF7A, s2;
	p2 =	seq.s32 @!p0 s5, $0x0  }
0x1f: {  	s9 =	smul.u32 $0xF7A, s1;
	s8 =	simm.s32 @!p0 $0x1BF5;
	p2 =	por !p2, p0  }
0x20: {  	[sflag:s8] =	ssyncset.s32 @!p0 $0xFFFFF086;
	s6 =	sadd.s32 @!p0 s3, s7;
	s7 =	simm.s32 @!p0 $0x108  }
0x21: {  	s3 =	sadd.s32 s3, s9;
	s6 =	sadd.s32 @!p0 $0x88, s6;
	s7 =	simm.s32 @p2 $0x1082  }
0x22: {  	[simem:s7], [sflag:s8] =	dma.local @!p0 [hbm:s6], $0xF7A  }
0x23: {  	s9 =	sor.u32 $0xD0000000, s2;
	s6 =	simm.s32 $0x108;
	_ =	swait.ge @!p0 [sflag:s8], $0x0  }
0x24: {  	s3 =	sadd.s32 $0x88, s3;
	s6 =	simm.s32 @!p1 $0x1082;
	[sflag:s4] =	ssyncset.s32 $0xFFFFF086  }
0x25: {  	[simem:s6], [sflag:s4] =	dma.local [hbm:s3], $0xF7A  }
0x26: {  	[smem:$0x3F98] =	sst s1;
	(tag) =	ssettag s2;
	_ =	strace s9  }
0x27: {  	s1 =	sld [smem:$0x3FA8]  }
0x28: {  	s2 =	sld [smem:$0x3FA9]  }
0x29: {  	s4 =	sld [smem:$0x3FAB]  }
0x2a: {  	p0 =	seq.s32 s5, $0x0;
	s5 =	sld [smem:$0x3FAC]  }
0x2b: {  	s6 =	sld [smem:$0x3FAD]  }
0x2c: {  	s7 =	sld [smem:$0x3FAE]  }
0x2d: {  	s3 =	simm.s32 $0x108;
	s8 =	sld [smem:$0x3FAF]  }
0x2e: {  	s3 =	simm.s32 @!p0 $0x1082;
	s9 =	sld [smem:$0x3FB0]  }
0x2f: {  	lr =	sadd.s32 s0, s3;
	s0 =	sld [smem:$0x3FA7]  }
0x30: {  	s3 =	sld [smem:$0x3FAA]  }
0x31: {  	[smem:$0x3FB3] =	sst s10  }
0x32: {  	s10 =	sld [smem:$0x3FB1];
	_ =	sdelay $0x3  }
0x33: {  	p0 =	seq.s32 s10, $0x1;
	s10 =	sld [smem:$0x3FB3];
	_ =	sdelay $0x3  }
0x34: {  	[smem:$0x3FB3] =	sst s10  }
0x35: {  	s10 =	sld [smem:$0x3FB2];
	_ =	sdelay $0x3  }
0x36: {  	p1 =	seq.s32 s10, $0x1;
	s10 =	sld [smem:$0x3FB3];
	_ =	sdelay $0x3  }
0x37: {  	[smem:$0x3FB3] =	sst s10  }
0x38: {  	s10 =	sld [smem:$0x3FB4]  }
0x39: {  	_ = 	snop;
	(pc) =	sbr.ind lr, $3  }
0x3a: {  	_ = 	snop  }
0x3b: {  	_ = 	snop  }
0x3c: {  	p2 =	seq.s32 s10, $0x1;
	s10 =	sld [smem:$0x3FB3]  }
0x3d: {  	_ =	shalt  }
0x3e: {  	_ =	shalt  }
0x3f: {  	_ =	shalt  }
0x40: {  	_ =	shalt  }
0x41: {  	_ =	shalt  }
0x42: {  	_ =	shalt  }
0x43: {  	_ =	shalt  }
0x44: {  	_ =	shalt  }
0x45: {  	_ =	shalt  }
0x46: {  	_ =	shalt  }
0x47: {  	_ =	shalt  }
0x48: {  	_ =	shalt  }
0x49: {  	_ =	shalt  }
0x4a: {  	_ =	shalt  }
0x4b: {  	_ =	shalt  }
0x4c: {  	_ =	shalt  }
0x4d: {  	_ =	shalt  }
0x4e: {  	_ =	shalt  }
0x4f: {  	_ =	shalt  }
0x50: {  	_ =	shalt  }
0x51: {  	_ =	shalt  }
0x52: {  	_ =	shalt  }
0x53: {  	_ =	shalt  }
0x54: {  	_ =	shalt  }
0x55: {  	_ =	shalt  }
0x56: {  	_ =	shalt  }
0x57: {  	_ =	shalt  }
0x58: {  	_ =	shalt  }
0x59: {  	_ =	shalt  }
0x5a: {  	_ =	shalt  }
0x5b: {  	_ =	shalt  }
0x5c: {  	_ =	shalt  }
0x5d: {  	_ =	shalt  }
0x5e: {  	_ =	shalt  }
0x5f: {  	_ =	shalt  }
0x60: {  	_ =	shalt  }
0x61: {  	_ =	shalt  }
0x62: {  	_ =	shalt  }
0x63: {  	_ =	shalt  }
0x64: {  	_ =	shalt  }
0x65: {  	_ =	shalt  }
0x66: {  	_ =	shalt  }
0x67: {  	_ =	shalt  }
0x68: {  	_ =	shalt  }
0x69: {  	_ =	shalt  }
0x6a: {  	_ =	shalt  }
0x6b: {  	_ =	shalt  }
0x6c: {  	_ =	shalt  }
0x6d: {  	_ =	shalt  }
0x6e: {  	_ =	shalt  }
0x6f: {  	_ =	shalt  }
0x70: {  	_ =	shalt  }
0x71: {  	_ =	shalt  }
0x72: {  	_ =	shalt  }
0x73: {  	_ =	shalt  }
0x74: {  	_ =	shalt  }
0x75: {  	_ =	shalt  }
0x76: {  	_ =	shalt  }
0x77: {  	_ =	shalt  }
0x78: {  	_ =	shalt  }
0x79: {  	_ =	shalt  }
0x7a: {  	_ =	shalt  }
0x7b: {  	_ =	shalt  }
0x7c: {  	_ =	shalt  }
0x7d: {  	_ =	shalt  }
0x7e: {  	_ =	shalt  }
0x7f: {  	_ =	shalt  }
0x80: {  	_ =	shalt  }
0x81: {  	_ =	shalt  }
0x82: {  	_ =	shalt  }
0x83: {  	_ =	shalt  }
0x84: {  	_ =	shalt  }
0x85: {  	_ =	shalt  }
0x86: {  	_ =	shalt  }
0x87: {  	_ =	shalt  }
.Lfunc_end0:
.L_simem_size_0:
called_computation_lowered:
.L_overlay_start_0:
0x88: {  	s2 =	sld [smem:$0x3FD9]  }
0x89: {  	s3 =	sld [smem:$0x3FFE];
	_ =	sdelay $0x1  }
0x8a: {  	s1 =	srdreg.scid  }
0x8b: {  	s0 =	sand.u32 $0x1, s1  }
0x8c: {  	s17 =	sshll.u32 s0, $0xA;
	s2 =	sadd.s32 s3, s2  }
0x8d: {  	s2 =	sadd.s32 s2, s17  }
0x8e: {  	[smem:$0x3FBF] =	sst s2  }
0x8f: {  	_ = 	snop  }
0x90: {  	s2 =	sld [smem:$0x3FD0];
	(tm) =	ssettm $0x1  }
0x91: {  	s18 =	sld [smem:$0x3FFB];
	_ =	sdelay $0x3  }
0x92: {  	_ =	strace s18  }
0x93: {  	s3 =	sld [smem:$0x3FFC];
	_ =	sdelay $0x3  }
0x94: {  	_ =	strace s3  }
0x95: {  	s3 =	sld [smem:$0x3FFD];
	_ =	sdelay $0x3  }
0x96: {  	_ =	strace s3  }
0x97: {  	_ =	strace $0x8FFFFFFF  }
0x98: {  	s19 =	sld [smem:$0x3FDB];
	_ =	sdelay $0x1  }
0x99: {  	s4 =	simm.s32 $_scs_section_size  }
0x9a: {  	s5 =	simm.s32 $_size__tile_overlayer_lowered;
	s6 =	simm.s32 $_tile_overlayer_lowered  }
0x9b: {  	s22 =	simm.s32 $0x1BFF;
	s21 =	sshll.u32 s6, $0x1;
	s3 =	sadd.s32 s4, s19  }
0x9c: {  	s7 =	simm.s32 $0x0;
	s20 =	sshll.u32 s5, $0x1;
	s5 =	sadd.s32 s21, s3  }
0x9d: {  	[timem:s7], [sflag:s22] =	dma.local [hbm:s5], s20  }
0x9e: {  	_ =	swait.ge [sflag:s22], s20  }
0x9f: {  	s4 =	ssub.s32 $0x0, s20;
	[sflag:s22] =	ssyncset.done $0x0  }
0xa0: {  	[sflag:s22] =	ssyncadd.s32 s4;
	_ =	sdelay $0x1  }
0xa1: {  	s23 =	simm.s32 $0x1B8B  }
0xa2: {  	_ =	swait.ge [sflag:s23], $0x1  }
0xa3: {  	[sflag:s23] =	ssyncset.done $0x0  }
0xa4: {  	s25 =	simm.s32 $0x1B8E;
	s24 =	sld [smem:$0x3FFE];
	[sflag:s23] =	ssyncadd.s32 $0xFFFFFFFF  }
0xa5: {  	s26 =	simm.s32 $execute0_lowered;
	[smem:$0x3FD2] =	sst s25  }
0xa6: {  	s5 =	sshll.u32 s26, $0x1;
	_ =	strace $0x80000046;
	[dreg:$0x1] =	wrdreg $0xFFFFFFFF  }
0xa7: {  	s28 =	simm.s32 $_size_execute0_lowered;
	s3 =	sadd.s32 s3, s5;
	[dreg:$0x0] =	wrdreg $0x0  }
0xa8: {  	s5 =	sshll.u32 s28, $0x1;
	[dreg:$0x2] =	wrdreg s3  }
0xa9: {  	[dreg:$0x3] =	wrdreg s5  }
0xaa: {  	[dreg:$0x4] =	wrdreg $0xC0  }
0xab: {  	_ =	task [dreg:s7], $0x5FFFF  }
0xac: {  	[dreg:$0x1] =	wrdreg $0xFFFFFFFF  }
0xad: {  	[dreg:$0x0] =	wrdreg $0x60  }
0xae: {  	[dreg:$0x2] =	wrdreg s2  }
0xaf: {  	[dreg:$0x3] =	wrdreg s24  }
0xb0: {  	[dreg:$0x4] =	wrdreg $0x9  }
0xb1: {  	_ =	task.clear_ibuf [dreg:s7], $0x5FFFF;
	_ =	strace $0x90000046  }
0xb2: {  	s29 =	simm.s32 $0x9;
	_ =	strace $0x80000048  }
0xb3: {  	_ =	swait.ge [sflag:s29], $0x1  }
0xb4: {  	[sflag:s29] =	ssyncadd.s32 $0xFFFFFFFF  }
0xb5: {  	_ =	strace $0x90000048  }
0xb6: {  	_ =	sfence  }
0xb7: {  	s30 =	sld [smem:$0x0];
	_ =	sdelay $0x2  }
0xb8: {  	s31 =	sshll.u32 s1, $0xD;
	s1 =	sshrl.u32 s1, $0x2  }
0xb9: {  	s3 =	sand.u32 $0x4000, s31;
	s1 =	sadd.s32 s1, s30  }
0xba: {  	s0 =	sor.u32 s3, s0;
	s1 =	sshll.u32 s1, $0x11  }
0xbb: {  	s0 =	sor.u32 s1, s0  }
0xbc: {  	s0 =	sadd.s32 $0x8F2B, s0  }
0xbd: {  	[sflag:s0] =	ssyncadd.remote.s32 $0x1  }
0xbe: {  	_ =	sfence.sel $0xFFFF  }
0xbf: {  	[dreg:$0x0] =	wrdreg $0xFFFFFFFF;
	(pc) =	sbr.abs _section_cstart, $3  }
0xc0: {  	[dreg:$0x1] =	wrdreg $0xFFFFFFFF  }
0xc1: {  	_ =	task.clear_ibuf [dreg:s7], $0x2FFFF;
	_ =	strace $0x9FFFFFFF  }
0xc2: {  	(tm) =	ssettm $0x7FFFFFFF  }
0xc3: {  	_ =	shalt  }
tec
execute0_lowered:
.L_overlay_start_1:
0x0: {  	(tag) =	ssettag $0x1  }
0x1: {  	s0 =	rddreg [dreg:$0x1];
	s1 =	srdreg.scid;
	v0 =	vimm.s32 $0xFEDCBA98;
	s4 =	simm.s32 $0x0;
	v1 =	vimm.s32 $0x76543210;
	v2 =	vimm.s32 $0xBA98FEDC  }
0x2: {  	s3 =	stileid.u32;
	v3 =	vimm.s32 $0x32107654;
	v4 =	vimm.s32 $0xDCFE98BA;
	s17 =	simm.s32 $0x2;
	s18 =	simm.s32 $0x12480  }
0x3: {  	v5 =	vimm.s32 $0x54761032;
	s19 =	simm.s32 $0x28;
	s20 =	simm.s32 $0x14C80;
	s22 =	simm.s32 $0x17480  }
0x4: {  	v6 =	vimm.s32 $0xEFCDAB89;
	v7 =	vimm.s32 $0x67452301;
	s23 =	simm.s32 $0x1;
	s28 =	simm.s32 $0x80;
	s29 =	simm.s32 $0x400  }
0x5: {  	vm0 =	vmmov $0x1;
	vm1 =	vcmask $0x320;
	vm2 =	vcmask $0x720;
	s30 =	simm.s32 $0x10400;
	s1 =	sand.u32 $0x1, s1;
	[smem:$0x7FF] =	sst s4  }
0x6: {  	vm3 =	vcmask $0xB20;
	vm4 =	vcmask $0xF20;
	vm5 =	vcmask $0x1320;
	s4 =	sadd.s32 $0x1400, s0;
	s6 =	sadd.s32 $0x3C200, s0;
	s7 =	sadd.s32 $0x32400, s0  }
0x7: {  	v0 =	vunpack.c.l.s4.s8 v0;
	v1 =	vunpack.c.l.s4.s8 v1;
	s8 =	sadd.s32 $0x63400, s0;
	v2 =	vunpack.c.l.s4.s8 v2;
	s10 =	sadd.s32 $0x5E1800, s0;
	s2 =	sshll.u32 s1, $0x4  }
0x8: {  	v3 =	vunpack.c.l.s4.s8 v3;
	v4 =	vunpack.c.l.s4.s8 v4;
	v5 =	vunpack.c.l.s4.s8 v5;
	s11 =	sadd.s32 $0xAE1800, s0;
	s14 =	sshll.u32 s3, $0x7;
	s2 =	sor.u32 s3, s2  }
0x9: {  	v6 =	vunpack.c.l.s4.s8 v6;
	v7 =	vunpack.c.l.s4.s8 v7;
	_ =	strace $0x80000047;
	s24 =	ssub.s32 $0x2, s1;
	v0 =	vunpack.c.0.s8.s32 v0;
	s5 =	smul.u32 $0x2710, s2  }
0xa: {  	s31 =	sand.u32 $0x380, s14;
	v2 =	vunpack.c.0.s8.s32 v2;
	v3 =	vunpack.c.0.s8.s32 v3;
	v4 =	vunpack.c.0.s8.s32 v4;
	s13 =	sshrl.u32 s24, $0x1;
	s25 =	sshrl.u32 s2, $0x3  }
0xb: {  	v5 =	vunpack.c.0.s8.s32 v5;
	v6 =	vunpack.c.0.s8.s32 v6;
	v7 =	vunpack.c.0.s8.s32 v7;
	s1 =	smul.u32 $0x140000, s25;
	s25 =	simm.s32 $0x18B00;
	s9 =	sshrl.u32 s5, $0x3  }
0xc: {  	vm6 =	vcmask $0x1720;
	v1 =	vunpack.c.0.s8.s32 v1;
	v2 =	vcombine.low v3, v2;
	s12 =	sadd.s32 s9, s0;
	s9 =	sadd.s32 $0x545400, s0;
	s0 =	ssub.s32 s24, s13  }
0xd: {  	v3 =	vcombine.low v5, v4;
	v4 =	vcombine.low v7, v6;
	v0 =	vand.u32 $0xF, v0;
	s13 =	smul.u32 $0x140000, s2;
	s14 =	sor.u32 s31, s1;
	s26 =	sadd.s32 $0x28600, s12  }
0xe: {  	vm7 =	vcmask $0x1B20;
	v0 =	vcombine.low v0, v1;
	v1 =	vand.u32 $0xF, v2;
	s24 =	simm.s32 $0x18880;
	s0 =	smax.u32 s0, $0x1;
	[dreg:$0x3] =	wrdreg s26  }
0xf: {  	v2 =	vand.u32 $0xF, v3;
	v3 =	vand.u32 $0xF, v4;
	v4 =	vimm.f32 $0.0e+00;
	s1 =	simm.s32 $0x0;
	[dreg:$0x4] =	wrdreg s0;
	s26 =	simm.s32 $0x1B300  }
.LBB2_1:
0x10: {  	[dreg:$0x5] =	wrdreg s1  }
0x11: {  	s0 =	simm.s32 $0x0;
	s31 =	rddreg [dreg:$0x3];
	s2 =	simm.s32 $0x12500  }
0x12: {  	[tilespmem:s2], [sflag:$0x2] =	stream.linear.gather [hbm4b:s31+s0], $0x2710, $0x38;
	[tilespmem:$0x1B800] =	vst v63  }
0x13: {  	_ =	swait.ge [sflag:s17], $0x2710  }
0x14: {  	[sflag:s17] =	ssyncset.done $0x0  }
0x15: {  	s1 =	simm.s32 $0x0;
	[sflag:s17] =	ssyncadd.s32 $0xFFFFD8F0  }
.LBB2_2:
0x16: {  	s0 =	smul.u32 $0x28, s1;
	_ =	sdelay $0x1  }
0x17: {  	s2 =	sadd.s32 s5, s0  }
0x18: {  	s12 =	sshrl.u32 s2, $0x3  }
0x19: {  	s15 =	simm.s32 $0x0;
	s12 =	sadd.s32 s7, s12  }
0x1a: {  	[tilespmem:s18], [sflag:$0x2] =	stream.linear.gather [hbm4b:s12+s15], $0x28, $0x38;
	[tilespmem:$0x1B800] =	vst v63  }
0x1b: {  	_ =	swait.ge [sflag:s17], $0x28  }
0x1c: {  	[sflag:s17] =	ssyncset.done $0x0  }
0x1d: {  	[sflag:s17] =	ssyncadd.s32 $0xFFFFFFD8  }
0x1e: {  	s3 =	rddreg [dreg:$0x0]  }
0x1f: {  	[tilespmem:s20], [sflag:$0x1] =	stream.indirect.gather [hbm4b:s3+s19], $0x80, s18, s19, $0xb8;
	[tilespmem:$0x1B800] =	vst v63  }
0x20: {  	s31 =	simm.s32 $0x16080;
	s0 =	sadd.s32 $0x12500, s0  }
0x21: {  	[tilespmem:s31], [sflag:$0x1] =	stream.indirect.gather [hbm4b:s4+s19], $0x80, s0, s19, $0xb8;
	[tilespmem:$0x1B800] =	vst v63  }
0x22: {  	_ = 	snop  }
0x23: {  	[tilespmem:s22], [sflag:$0x1] =	stream.indirect.gather [hbm4b:s6+s19], $0x80, s18, s19, $0xb8;
	[tilespmem:$0x1B800] =	vst v63  }
0x24: {  	_ =	swait.ge [sflag:s23], $0x1400  }
0x25: {  	[sflag:s23] =	ssyncset.done $0x0  }
0x26: {  	[sflag:s23] =	ssyncadd.s32 $0xFFFFEC00  }
0x27: {  	_ =	swait.ge [sflag:s23], $0x1400  }
0x28: {  	[sflag:s23] =	ssyncset.done $0x0  }
0x29: {  	[sflag:s23] =	ssyncadd.s32 $0xFFFFEC00  }
0x2a: {  	_ =	swait.ge [sflag:s23], $0x1400  }
0x2b: {  	[sflag:s23] =	ssyncset.done $0x0  }
0x2c: {  	s0 =	simm.s32 $0x0;
	[sflag:s23] =	ssyncadd.s32 $0xFFFFEC00  }
0x2d: {  	v5 =	vld [tilespmem:s0+$0x160F0]  }
0x2e: {  	v6 =	vld [tilespmem:s0+$0x14CF0]  }
0x2f: {  	v7 =	vld [tilespmem:s0+$0x14C80]  }
0x30: {  	v8 =	vld [tilespmem:s0+$0x14CA0]  }
0x31: {  	v9 =	vld [tilespmem:s0+$0x160A0]  }
0x32: {  	v10 =	vld [tilespmem:s0+$0x16090]  }
0x33: {  	v12 =	vld [tilespmem:s0+$0x16080]  }
0x34: {  	v11 =	vld [tilespmem:s0+$0x14C90];
	_ =	sdelay $0x2  }
0x35: {  	v13 =	vld [tilespmem:s0+$0x14CB0];
	v5 =	vmul.f32 v5, v6  }
0x36: {  	v6 =	vmul.f32 v9, v8;
	v9 =	vld [tilespmem:s0+$0x160B0];
	v7 =	vmul.f32 v12, v7  }
0x37: {  	v10 =	vmul.f32 v10, v11;
	v8 =	vperm.xlane v5, v0  }
0x38: {  	v11 =	vperm.xlane v6, v0;
	v14 =	vperm.xlane v7, v0  }
0x39: {  	v15 =	vld [tilespmem:s0+$0x14CC0];
	v5 =	vadd.f32 v8, v5;
	v8 =	vperm.xlane v10, v0  }
0x3a: {  	v6 =	vadd.f32 v11, v6;
	v11 =	vld [tilespmem:s0+$0x160C0];
	v7 =	vadd.f32 v14, v7  }
0x3b: {  	v9 =	vmul.f32 v9, v13;
	v12 =	vperm.xlane v5, v1;
	v8 =	vadd.f32 v8, v10  }
0x3c: {  	v16 =	vld [tilespmem:s0+$0x160D0];
	v10 =	vperm.xlane v6, v1;
	v14 =	vperm.xlane v7, v1  }
0x3d: {  	v5 =	vadd.f32 v12, v5;
	v12 =	vld [tilespmem:s0+$0x14CD0];
	v13 =	vperm.xlane v8, v1  }
0x3e: {  	v6 =	vadd.f32 v10, v6;
	v14 =	vadd.f32 v14, v7;
	v7 =	vperm.xlane v9, v0  }
0x3f: {  	v17 =	vld [tilespmem:s0+$0x160E0];
	v11 =	vmul.f32 v11, v15;
	v10 =	vperm.xlane v5, v2;
	v8 =	vadd.f32 v13, v8  }
0x40: {  	v15 =	vld [tilespmem:s0+$0x14CE0];
	v13 =	vperm.xlane v6, v2;
	v19 =	vperm.xlane v14, v2  }
0x41: {  	v20 =	vadd.f32 v7, v9;
	v5 =	vadd.f32 v10, v5;
	v10 =	vperm.xlane v8, v2  }
0x42: {  	v18 =	vadd.f32 v13, v6;
	v13 =	vperm.xlane v11, v0;
	v7 =	vmul.f32 v16, v12  }
0x43: {  	v9 =	vadd.f32 v19, v14;
	v12 =	vperm.xlane v20, v1;
	v21 =	vperm.xlane v5, v3  }
0x44: {  	v6 =	vadd.f32 v10, v8;
	v22 =	vadd.f32 v13, v11;
	v11 =	vperm.xlane v18, v3  }
0x45: {  	v10 =	vmul.f32 v17, v15;
	v14 =	vperm.xlane v9, v3;
	v13 =	vadd.f32 v12, v20  }
0x46: {  	v17 =	vperm.xlane v7, v0;
	v19 =	vperm.xlane v22, v1;
	v16 =	vadd.f32 v21, v5  }
0x47: {  	v8 =	vperm.xlane v6, v3;
	v5 =	vadd.f32 v11, v18;
	v15 =	vperm.xlane v10, v0  }
0x48: {  	s16 =	simm.s32 $0x200;
	s15 =	simm.s32 $0x18880;
	s12 =	simm.s32 $0x18880;
	v11 =	vmax.f32 v16, $-5.000000000e+00;
	v16 =	vperm.xlane v13, v2;
	v12 =	vadd.f32 v19, v22  }
.LBB2_3:
0x49: {  	p0 =	sne.s32 s16, $0x4E00  }
0x4a: {  	v9 =	vadd.f32 v14, v9;
	v10 =	vadd.f32 v15, v10;
	v11 =	vmin.f32 v11, $5.000000000e+00;
	s15 =	sadd.s32 $0x10, s15;
	s31 =	smov.u32 s16;
	s16 =	sadd.s32 $0x200, s16  }
0x4b: {  	v13 =	vadd.f32 v16, v13;
	v14 =	vperm.xlane v12, v2;
	v7 =	vadd.f32 v17, v7  }
0x4c: {  	v6 =	vadd.f32 v8, v6;
	v9 =	vmax.f32 v9, $-5.000000000e+00;
	v8 =	vperm.xlane v10, v1  }
0x4d: {  	v15 =	vperm.xlane v13, v3;
	v12 =	vadd.f32 v14, v12;
	v14 =	vperm.xlane v7, v1  }
0x4e: {  	v6 =	vmax.f32 v6, $-5.000000000e+00;
	v9 =	vmin.f32 v9, $5.000000000e+00;
	v8 =	vadd.f32 v8, v10  }
0x4f: {  	v10 =	vadd.f32 v15, v13;
	v13 =	vperm.xlane v12, v3;
	v7 =	vadd.f32 v14, v7  }
0x50: {  	v6 =	vmin.f32 v6, $5.000000000e+00;
	v9 =	vmul.f32 $1.442695020e+00, v9;
	v14 =	vperm.xlane v8, v2  }
0x51: {  	v10 =	vmax.f32 v10, $-5.000000000e+00;
	v12 =	vadd.f32 v13, v12;
	v13 =	vperm.xlane v7, v2  }
0x52: {  	v10 =	vmin.f32 v10, $5.000000000e+00;
	v8 =	vadd.f32 v14, v8;
	(erf) = vpow2.f32 v9  }
0x53: {  	v6 =	vmul.f32 $1.442695020e+00, v6;
	v9 =	vmax.f32 v12, $-5.000000000e+00;
	v7 =	vadd.f32 v13, v7  }
0x54: {  	v10 =	vmul.f32 $1.442695020e+00, v10;
	v9 =	vmin.f32 v9, $5.000000000e+00;
	v12 =	vperm.xlane v8, v3  }
0x55: {  	v5 =	vmax.f32 v5, $-5.000000000e+00;
	v9 =	vmul.f32 $1.442695020e+00, v9;
	v13 =	vperm.xlane v7, v3  }
0x56: {  	v5 =	vmin.f32 v5, $5.000000000e+00;
	v8 =	vadd.f32 v12, v8;
	(erf) = vpow2.f32 v10  }
0x57: {  	v5 =	vmul.f32 $1.442695020e+00, v5;
	v10 =	vld [tilespmem:s0+$0x17480];
	v7 =	vadd.f32 v13, v7;
	(erf) = vpow2.f32 v9  }
0x58: {  	v9 =	vmul.f32 $1.442695020e+00, v11;
	v8 =	vmax.f32 v8, $-5.000000000e+00;
	(erf) = vpow2.f32 v6  }
0x59: {  	v6 =	vmax.f32 v7, $-5.000000000e+00;
	v7 =	vmin.f32 v8, $5.000000000e+00;
	(erf) = vpow2.f32 v5  }
0x5a: {  	s31 =	sshra.s32 s31, $0x2;
	v5 =	vmin.f32 v6, $5.000000000e+00;
	v6 =	vmul.f32 $1.442695020e+00, v7  }
0x5b: {  	v7 =	vld [tilespmem:s0+$0x174B0];
	v5 =	vmul.f32 $1.442695020e+00, v5;
	v8 =	vpop (erf);
	(erf) = vpow2.f32 v9  }
0x5c: {  	v11 =	vmul.f32 v8, v10;
	v8 =	vnsel vm0, $0x0, v8;
	v10 =	vld [tilespmem:s0+$0x174C0];
	(erf) = vpow2.f32 v6  }
0x5d: {  	v6 =	vld [tilespmem:s0+$0x17490];
	(erf) = vpow2.f32 v5  }
0x5e: {  	[tilespmem:s0+$0x14C80] =	vst v11;
	v5 =	vld [tilespmem:s0+$0x174A0]  }
0x5f: {  	v9 =	vpop (erf)  }
0x60: {  	v7 =	vmul.f32 v9, v7;
	v11 =	vld [tilespmem:s0+$0x174F0];
	v12 =	vpop (erf)  }
0x61: {  	v10 =	vmul.f32 v12, v10;
	v13 =	vld [tilespmem:s0+$0x174E0];
	v14 =	vpop (erf)  }
0x62: {  	v6 =	vmul.f32 v14, v6;
	v15 =	vsel vm1, v8, v14;
	[tilespmem:s0+$0x14CB0] =	vst v7;
	v7 =	vld [tilespmem:s0+$0x174D0];
	v14 =	vpop (erf)  }
0x63: {  	v5 =	vmul.f32 v14, v5;
	v14 =	vsel vm2, v15, v14;
	[tilespmem:s0+$0x14CC0] =	vst v10  }
0x64: {  	[tilespmem:s0+$0x14C90] =	vst v6;
	v6 =	vsel vm3, v14, v9;
	v8 =	vpop (erf)  }
0x65: {  	[tilespmem:s0+$0x14CA0] =	vst v5;
	v5 =	vsel vm4, v6, v12;
	v6 =	vmul.f32 v8, v11;
	v9 =	vpop (erf)  }
0x66: {  	v10 =	vmul.f32 v9, v13;
	v11 =	vpop (erf)  }
0x67: {  	v7 =	vmul.f32 v11, v7;
	v5 =	vsel vm5, v5, v11;
	[tilespmem:s0+$0x14CF0] =	vst v6  }
0x68: {  	[tilespmem:s0+$0x14CE0] =	vst v10;
	v5 =	vsel vm6, v5, v9  }
0x69: {  	[tilespmem:s0+$0x14CD0] =	vst v7;
	v5 =	vsel vm7, v5, v8;
	s0 =	smov.u32 s31  }
0x6a: {  	[tilespmem:s12+$0x0] =	vst v5;
	s12 =	smov.u32 s15  }
0x6b: {  	v5 =	vld [tilespmem:s0+$0x160F0]  }
0x6c: {  	v6 =	vld [tilespmem:s0+$0x14CF0]  }
0x6d: {  	v7 =	vld [tilespmem:s0+$0x14C80]  }
0x6e: {  	v8 =	vld [tilespmem:s0+$0x14CA0]  }
0x6f: {  	v9 =	vld [tilespmem:s0+$0x160A0]  }
0x70: {  	v10 =	vld [tilespmem:s0+$0x16090]  }
0x71: {  	v11 =	vld [tilespmem:s0+$0x14C90]  }
0x72: {  	v5 =	vmul.f32 v5, v6;
	v12 =	vld [tilespmem:s0+$0x16080];
	_ =	sdelay $0x1  }
0x73: {  	v6 =	vmul.f32 v9, v8;
	v8 =	vperm.xlane v5, v0  }
0x74: {  	v9 =	vld [tilespmem:s0+$0x160B0]  }
0x75: {  	v10 =	vmul.f32 v10, v11;
	v11 =	vperm.xlane v6, v0;
	v13 =	vld [tilespmem:s0+$0x14CB0];
	v5 =	vadd.f32 v8, v5  }
0x76: {  	v7 =	vmul.f32 v12, v7  }
0x77: {  	v8 =	vperm.xlane v10, v0;
	v6 =	vadd.f32 v11, v6;
	v11 =	vld [tilespmem:s0+$0x160C0];
	v12 =	vperm.xlane v5, v1  }
0x78: {  	v14 =	vperm.xlane v7, v0;
	v15 =	vld [tilespmem:s0+$0x14CC0]  }
0x79: {  	v8 =	vadd.f32 v8, v10;
	v10 =	vperm.xlane v6, v1;
	v5 =	vadd.f32 v12, v5  }
0x7a: {  	v7 =	vadd.f32 v14, v7;
	v9 =	vmul.f32 v9, v13;
	v12 =	vld [tilespmem:s0+$0x14CD0]  }
0x7b: {  	v13 =	vperm.xlane v8, v1;
	v6 =	vadd.f32 v10, v6;
	v10 =	vld [tilespmem:s0+$0x160E0];
	v14 =	vperm.xlane v5, v2  }
0x7c: {  	v16 =	vperm.xlane v7, v1;
	v17 =	vld [tilespmem:s0+$0x160D0]  }
0x7d: {  	v8 =	vadd.f32 v13, v8;
	v13 =	vperm.xlane v6, v2;
	v11 =	vmul.f32 v11, v15  }
0x7e: {  	v5 =	vadd.f32 v14, v5;
	v15 =	vadd.f32 v16, v7;
	v7 =	vperm.xlane v9, v0;
	v16 =	vld [tilespmem:s0+$0x14CE0]  }
0x7f: {  	v14 =	vperm.xlane v8, v2;
	v18 =	vadd.f32 v13, v6;
	v13 =	vperm.xlane v11, v0  }
0x80: {  	v21 =	vperm.xlane v5, v3;
	v19 =	vperm.xlane v15, v2;
	v20 =	vadd.f32 v7, v9  }
0x81: {  	v6 =	vadd.f32 v14, v8;
	v22 =	vadd.f32 v13, v11;
	v7 =	vmul.f32 v17, v12  }
.Ltmp0:
0x82: {  	v11 =	vperm.xlane v18, v3;
	v9 =	vadd.f32 v19, v15;
	v12 =	vperm.xlane v20, v1;
	(pc) =	sbr.rel @p0 .LBB2_3-.Ltmp0, $4  }
0x83: {  	v17 =	vperm.xlane v22, v1;
	v10 =	vmul.f32 v10, v16;
	v16 =	vadd.f32 v21, v5  }
0x84: {  	v8 =	vperm.xlane v6, v3;
	v14 =	vperm.xlane v9, v3;
	v13 =	vadd.f32 v12, v20  }
0x85: {  	v5 =	vadd.f32 v11, v18;
	v15 =	vperm.xlane v10, v0;
	v11 =	vmax.f32 v16, $-5.000000000e+00  }
0x86: {  	v12 =	vadd.f32 v17, v22;
	v17 =	vperm.xlane v7, v0;
	v16 =	vperm.xlane v13, v2  }
0x87: {  	v9 =	vadd.f32 v14, v9  }
0x88: {  	v10 =	vadd.f32 v15, v10;
	v6 =	vadd.f32 v8, v6  }
0x89: {  	v13 =	vadd.f32 v16, v13;
	v7 =	vadd.f32 v17, v7  }
0x8a: {  	v11 =	vmin.f32 v11, $5.000000000e+00;
	v36 =	vperm.xlane v12, v2;
	v15 =	vperm.xlane v10, v1  }
0x8b: {  	v9 =	vmax.f32 v9, $-5.000000000e+00;
	v16 =	vperm.xlane v13, v3;
	v37 =	vperm.xlane v7, v1  }
0x8c: {  	v12 =	vadd.f32 v36, v12;
	v38 =	vmin.f32 v9, $5.000000000e+00;
	v39 =	vadd.f32 v15, v10  }
0x8d: {  	v5 =	vmax.f32 v5, $-5.000000000e+00;
	v8 =	vmul.f32 $1.442695020e+00, v38;
	v7 =	vadd.f32 v37, v7  }
0x8e: {  	v40 =	vadd.f32 v16, v13;
	v41 =	vperm.xlane v12, v3;
	v42 =	vperm.xlane v39, v2  }
0x8f: {  	v5 =	vmin.f32 v5, $5.000000000e+00;
	(erf) = vpow2.f32 v8;
	v43 =	vperm.xlane v7, v2  }
0x90: {  	v10 =	vmax.f32 v40, $-5.000000000e+00;
	v12 =	vadd.f32 v41, v12;
	v9 =	vadd.f32 v42, v39  }
0x91: {  	v6 =	vmax.f32 v6, $-5.000000000e+00;
	v44 =	vmin.f32 v10, $5.000000000e+00;
	v7 =	vadd.f32 v43, v7  }
0x92: {  	v45 =	vmax.f32 v12, $-5.000000000e+00;
	v8 =	vmul.f32 $1.442695020e+00, v44;
	v46 =	vperm.xlane v9, v3  }
0x93: {  	v6 =	vmin.f32 v6, $5.000000000e+00;
	v10 =	vmin.f32 v45, $5.000000000e+00;
	v47 =	vperm.xlane v7, v3  }
0x94: {  	v10 =	vmul.f32 $1.442695020e+00, v10;
	(erf) = vpow2.f32 v8;
	v9 =	vadd.f32 v46, v9  }
0x95: {  	v49 =	vmul.f32 $1.442695020e+00, v11;
	v6 =	vmul.f32 $1.442695020e+00, v6;
	v7 =	vadd.f32 v47, v7  }
0x96: {  	v5 =	vmul.f32 $1.442695020e+00, v5;
	(erf) = vpow2.f32 v10;
	v9 =	vmax.f32 v9, $-5.000000000e+00  }
0x97: {  	(erf) = vpow2.f32 v6;
	v6 =	vmax.f32 v7, $-5.000000000e+00;
	v7 =	vmin.f32 v9, $5.000000000e+00  }
0x98: {  	(erf) = vpow2.f32 v5;
	v5 =	vmin.f32 v6, $5.000000000e+00;
	v6 =	vmul.f32 $1.442695020e+00, v7  }
0x99: {  	v50 =	vpop (erf);
	v7 =	vld [tilespmem:s0+$0x174B0];
	(erf) = vpow2.f32 v49;
	v5 =	vmul.f32 $1.442695020e+00, v5  }
0x9a: {  	v48 =	vld [tilespmem:s0+$0x17480];
	(erf) = vpow2.f32 v6  }
0x9b: {  	v51 =	vld [tilespmem:s0+$0x174C0];
	(erf) = vpow2.f32 v5  }
0x9c: {  	v6 =	vld [tilespmem:s0+$0x17490]  }
0x9d: {  	v5 =	vld [tilespmem:s0+$0x174A0];
	v52 =	vpop (erf)  }
0x9e: {  	v53 =	vld [tilespmem:s0+$0x174F0];
	v7 =	vmul.f32 v52, v7  }
0x9f: {  	v54 =	vld [tilespmem:s0+$0x174E0];
	v8 =	vmul.f32 v50, v48;
	v55 =	vpop (erf)  }
0xa0: {  	v58 =	vld [tilespmem:s0+$0x174D0];
	[tilespmem:s0+$0x14CB0] =	vst v7;
	v7 =	vnsel vm0, $0x0, v50;
	v56 =	vmul.f32 v55, v51;
	v57 =	vpop (erf)  }
0xa1: {  	[tilespmem:s0+$0x14C80] =	vst v8;
	v6 =	vmul.f32 v57, v6;
	v7 =	vsel vm1, v7, v57;
	v59 =	vpop (erf)  }
0xa2: {  	v5 =	vmul.f32 v59, v5;
	v7 =	vsel vm2, v7, v59;
	[tilespmem:s0+$0x14CC0] =	vst v56;
	v60 =	vpop (erf)  }
0xa3: {  	[tilespmem:s0+$0x14C90] =	vst v6;
	v6 =	vsel vm3, v7, v52;
	v7 =	vmul.f32 v60, v53;
	v61 =	vpop (erf)  }
0xa4: {  	[tilespmem:s0+$0x14CA0] =	vst v5;
	v5 =	vsel vm4, v6, v55;
	v6 =	vmul.f32 v61, v54;
	v62 =	vpop (erf)  }
0xa5: {  	[tilespmem:s0+$0x14CF0] =	vst v7;
	v63 =	vmul.f32 v62, v58;
	v5 =	vsel vm5, v5, v62  }
0xa6: {  	[tilespmem:s0+$0x14CE0] =	vst v6;
	v5 =	vsel vm6, v5, v61  }
0xa7: {  	s16 =	sshll.u32 s2, $0x4;
	[tilespmem:s0+$0x14CD0] =	vst v63;
	v5 =	vsel vm7, v5, v60  }
0xa8: {  	s21 =	sadd.s32 s8, s16;
	s0 =	simm.s32 $0x0;
	[tilespmem:s12+$0x0] =	vst v5  }
0xa9: {  	[hbm4b:s21+s0] =	stream.linear.scatter [tilespmem:s20], [sflag:$0x2], $0x1400, $0x38;
	[tilespmem:$0x1B800] =	vst v63  }
0xaa: {  	s1 =	sadd.s32 $0x1, s1;
	_ =	swait.ge [sflag:s17], $0x1400  }
0xab: {  	s31 =	sshll.u32 s2, $0x1;
	p0 =	sne.s32 s1, $0xFA;
	[sflag:s17] =	ssyncset.done $0x0  }
.Ltmp1:
0xac: {  	s2 =	sadd.s32 s9, s31;
	[sflag:s17] =	ssyncadd.s32 $0xFFFFEC00;
	(pc) =	sbr.rel @p0 .LBB2_2-.Ltmp1, $4  }
0xad: {  	[hbm4b:s2+s0] =	stream.linear.scatter [tilespmem:s24], [sflag:$0x2], $0x280, $0x38;
	[tilespmem:$0x1B800] =	vst v63  }
0xae: {  	_ =	swait.ge [sflag:s17], $0x280  }
0xaf: {  	[sflag:s17] =	ssyncset.done $0x0  }
0xb0: {  	[sflag:s17] =	ssyncadd.s32 $0xFFFFFD80  }
.LBB2_5:
0xb1: {  	s1 =	simm.s32 $0x40  }
0xb2: {  	[tilespmem:s1+$0xFFFFFFD0] =	vst v4  }
0xb3: {  	[tilespmem:s1+$0xFFFFFFE0] =	vst v4  }
0xb4: {  	[tilespmem:s1+$0xFFFFFFF0] =	vst v4  }
0xb5: {  	[tilespmem:s1+$0x0] =	vst v4  }
0xb6: {  	[tilespmem:s1+$0x10] =	vst v4  }
0xb7: {  	[tilespmem:s1+$0x20] =	vst v4  }
0xb8: {  	[tilespmem:s1+$0x30] =	vst v4  }
0xb9: {  	s12 =	simm.s32 $0x0;
	s2 =	simm.s32 $0x40;
	[tilespmem:s1+$0xFFFFFFC0] =	vst v4  }
.LBB2_6:
0xba: {  	p0 =	seq.s32 s2, $0x8000;
	[tilespmem:s12+$0x10400] =	vst v4;
	s1 =	sadd.s32 $0x80, s1  }
0xbb: {  	[tilespmem:s1+$0xFFFFFFD0] =	vst v4  }
0xbc: {  	[tilespmem:s1+$0xFFFFFFE0] =	vst v4  }
0xbd: {  	[tilespmem:s1+$0xFFFFFFF0] =	vst v4  }
.Ltmp2:
0xbe: {  	[tilespmem:s1+$0x0] =	vst v4;
	(pc) =	sbr.rel @!p0 .LBB2_6-.Ltmp2, $4  }
0xbf: {  	[tilespmem:s1+$0x10] =	vst v4  }
0xc0: {  	[tilespmem:s1+$0x20] =	vst v4  }
0xc1: {  	[tilespmem:s1+$0x30] =	vst v4  }
0xc2: {  	s12 =	sshra.s32 s2, $0x2;
	s2 =	sadd.s32 $0x40, s2;
	[tilespmem:s1+$0xFFFFFFC0] =	vst v4  }
0xc3: {  	s1 =	sshll.u32 s0, $0x9  }
0xc4: {  	[tilespmem:s12+$0x10400] =	vst v4;
	s2 =	simm.s32 $0x0;
	s16 =	simm.s32 $0x12500;
	s12 =	simm.s32 $0x0;
	v5 =	vmov s1  }
.LBB2_8:
0xc5: {  	s1 =	smul.u32 $0x50, s12;
	_ =	sdelay $0x1  }
0xc6: {  	s1 =	sadd.s32 s5, s1  }
0xc7: {  	s15 =	sshll.u32 s1, $0x4  }
0xc8: {  	s15 =	sadd.s32 s8, s15  }
0xc9: {  	[tilespmem:s25], [sflag:$0x2] =	stream.linear.gather [hbm4b:s15+s2], $0x2800, $0x38;
	[tilespmem:$0x1B800] =	vst v63  }
0xca: {  	_ =	swait.ge [sflag:s17], $0x2800  }
0xcb: {  	s1 =	sshll.u32 s1, $0x1;
	[sflag:s17] =	ssyncset.done $0x0  }
0xcc: {  	s1 =	sadd.s32 s9, s1;
	[sflag:s17] =	ssyncadd.s32 $0xFFFFD800  }
0xcd: {  	v6 =	vmov s16;
	[tilespmem:s26], [sflag:$0x2] =	stream.linear.gather [hbm4b:s1+s2], $0x500, $0x38;
	[tilespmem:$0x1B800] =	vst v63  }
0xce: {  	_ =	swait.ge [sflag:s17], $0x500  }
0xcf: {  	s31 =	simm.s32 $0x1B380;
	[sflag:s17] =	ssyncset.done $0x0  }
0xd0: {  	s15 =	simm.s32 $0x18F00;
	s1 =	simm.s32 $0x0;
	[sflag:s17] =	ssyncadd.s32 $0xFFFFFB00  }
.LBB2_9:
0xd1: {  	s3 =	sshra.s32 s1, $0x2  }
0xd2: {  	v7 =	vld.idx.msk [tilespmem:v6+s3+$0x0 ss:$0x1], $0xffff;
	_ =	sdelay $0x4  }
0xd3: {  	v7 =	vsub.s32 v7, v5  }
0xd4: {  	(v2sf) =	vpush v7, $0x0;
	_ =	sdelay $0xe  }
0xd5: {  	s3 =	spop (v2sf)  }
0xd6: {  	p1 =	sgt.s32 s3, $0x0  }
0xd7: {  	p0 =	slt.u32 s3, $0x200;
	s3 =	simm.s32 @!p1 $0x0  }
0xd8: {  	s3 =	smin.u32 s3, $0x1FF  }
0xd9: {  	s3 =	simm.s32 @!p0 $0x200  }
0xda: {  	v9 =	vld [tilespmem:s15+$0xFFFFFC00];
	s21 =	sshll.u32 s3, $0x7  }
0xdb: {  	v8 =	vld [tilespmem:s21+$0x0];
	_ =	sdelay $0x4  }
0xdc: {  	v8 =	vadd.f32 v9, v8;
	_ =	sdelay $0x1  }
0xdd: {  	[tilespmem:s21+$0x0] =	vst v8;
	v8 =	vld [tilespmem:s21+$0x10]  }
0xde: {  	v36 =	vld [tilespmem:s15+$0xFFFFFC10];
	_ =	sdelay $0x4  }
0xdf: {  	v8 =	vadd.f32 v36, v8;
	_ =	sdelay $0x1  }
0xe0: {  	[tilespmem:s21+$0x10] =	vst v8;
	v8 =	vld [tilespmem:s21+$0x20]  }
0xe1: {  	v37 =	vld [tilespmem:s15+$0xFFFFFC20];
	_ =	sdelay $0x4  }
0xe2: {  	v8 =	vadd.f32 v37, v8;
	_ =	sdelay $0x1  }
0xe3: {  	[tilespmem:s21+$0x20] =	vst v8;
	v8 =	vld [tilespmem:s21+$0x30]  }
0xe4: {  	v38 =	vld [tilespmem:s15+$0xFFFFFC30];
	_ =	sdelay $0x4  }
0xe5: {  	v8 =	vadd.f32 v38, v8;
	_ =	sdelay $0x1  }
0xe6: {  	[tilespmem:s21+$0x30] =	vst v8;
	v8 =	vld [tilespmem:s21+$0x40]  }
0xe7: {  	v39 =	vld [tilespmem:s15+$0xFFFFFC40];
	_ =	sdelay $0x4  }
0xe8: {  	v8 =	vadd.f32 v39, v8;
	_ =	sdelay $0x1  }
0xe9: {  	[tilespmem:s21+$0x40] =	vst v8;
	v8 =	vld [tilespmem:s21+$0x50]  }
0xea: {  	v40 =	vld [tilespmem:s15+$0xFFFFFC50];
	_ =	sdelay $0x4  }
0xeb: {  	v8 =	vadd.f32 v40, v8;
	_ =	sdelay $0x1  }
0xec: {  	[tilespmem:s21+$0x50] =	vst v8;
	v8 =	vld [tilespmem:s21+$0x60]  }
0xed: {  	v41 =	vld [tilespmem:s15+$0xFFFFFC60];
	_ =	sdelay $0x3  }
0xee: {  	(v2sf) =	vpush v7, $0x1  }
0xef: {  	v8 =	vadd.f32 v41, v8;
	_ =	sdelay $0x1  }
0xf0: {  	[tilespmem:s21+$0x60] =	vst v8;
	v8 =	vld [tilespmem:s21+$0x70]  }
0xf1: {  	v42 =	vld [tilespmem:s15+$0xFFFFFC70];
	_ =	sdelay $0x4  }
0xf2: {  	v8 =	vadd.f32 v42, v8;
	_ =	sdelay $0x1  }
0xf3: {  	s3 =	sshll.u32 s3, $0x4;
	[tilespmem:s21+$0x70] =	vst v8  }
0xf4: {  	v8 =	vld [tilespmem:s3+$0x10400]  }
0xf5: {  	v43 =	vld [tilespmem:s31+$0xFFFFFF80];
	_ =	sdelay $0x1  }
0xf6: {  	s21 =	spop (v2sf)  }
0xf7: {  	p1 =	sgt.s32 s21, $0x0  }
0xf8: {  	p0 =	slt.u32 s21, $0x200;
	s21 =	simm.s32 @!p1 $0x0  }
0xf9: {  	s21 =	smin.u32 s21, $0x1FF;
	v8 =	vadd.f32 v43, v8  }
0xfa: {  	s21 =	simm.s32 @!p0 $0x200  }
0xfb: {  	[tilespmem:s3+$0x10400] =	vst v8;
	s3 =	sshll.u32 s21, $0x7  }
0xfc: {  	v8 =	vld [tilespmem:s3+$0x0]  }
0xfd: {  	v44 =	vld [tilespmem:s15+$0xFFFFFC80];
	_ =	sdelay $0x4  }
0xfe: {  	v8 =	vadd.f32 v44, v8;
	_ =	sdelay $0x1  }
0xff: {  	[tilespmem:s3+$0x0] =	vst v8;
	v8 =	vld [tilespmem:s3+$0x10]  }
0x100: {  	v45 =	vld [tilespmem:s15+$0xFFFFFC90];
	_ =	sdelay $0x4  }
0x101: {  	v8 =	vadd.f32 v45, v8;
	_ =	sdelay $0x1  }
0x102: {  	[tilespmem:s3+$0x10] =	vst v8;
	v8 =	vld [tilespmem:s3+$0x20]  }
0x103: {  	v46 =	vld [tilespmem:s15+$0xFFFFFCA0];
	_ =	sdelay $0x4  }
0x104: {  	v8 =	vadd.f32 v46, v8;
	_ =	sdelay $0x1  }
0x105: {  	[tilespmem:s3+$0x20] =	vst v8;
	v8 =	vld [tilespmem:s3+$0x30]  }
0x106: {  	v47 =	vld [tilespmem:s15+$0xFFFFFCB0];
	_ =	sdelay $0x4  }
0x107: {  	v8 =	vadd.f32 v47, v8;
	_ =	sdelay $0x1  }
0x108: {  	[tilespmem:s3+$0x30] =	vst v8;
	v8 =	vld [tilespmem:s3+$0x40]  }
0x109: {  	v48 =	vld [tilespmem:s15+$0xFFFFFCC0];
	_ =	sdelay $0x4  }
0x10a: {  	v8 =	vadd.f32 v48, v8;
	_ =	sdelay $0x1  }
0x10b: {  	[tilespmem:s3+$0x40] =	vst v8;
	v8 =	vld [tilespmem:s3+$0x50]  }
0x10c: {  	v49 =	vld [tilespmem:s15+$0xFFFFFCD0];
	_ =	sdelay $0x4  }
0x10d: {  	v8 =	vadd.f32 v49, v8;
	_ =	sdelay $0x1  }
0x10e: {  	[tilespmem:s3+$0x50] =	vst v8;
	v8 =	vld [tilespmem:s3+$0x60]  }
0x10f: {  	v50 =	vld [tilespmem:s15+$0xFFFFFCE0];
	_ =	sdelay $0x3  }
0x110: {  	(v2sf) =	vpush v7, $0x2  }
0x111: {  	v8 =	vadd.f32 v50, v8;
	_ =	sdelay $0x1  }
0x112: {  	[tilespmem:s3+$0x60] =	vst v8;
	v8 =	vld [tilespmem:s3+$0x70]  }
0x113: {  	v51 =	vld [tilespmem:s15+$0xFFFFFCF0];
	_ =	sdelay $0x4  }
0x114: {  	v8 =	vadd.f32 v51, v8;
	_ =	sdelay $0x1  }
0x115: {  	[tilespmem:s3+$0x70] =	vst v8;
	s3 =	sshll.u32 s21, $0x4  }
0x116: {  	v8 =	vld [tilespmem:s3+$0x10400]  }
0x117: {  	v52 =	vld [tilespmem:s31+$0xFFFFFF90];
	_ =	sdelay $0x1  }
0x118: {  	s21 =	spop (v2sf)  }
0x119: {  	p1 =	sgt.s32 s21, $0x0  }
0x11a: {  	p0 =	slt.u32 s21, $0x200;
	s21 =	simm.s32 @!p1 $0x0  }
0x11b: {  	s21 =	smin.u32 s21, $0x1FF;
	v8 =	vadd.f32 v52, v8  }
0x11c: {  	s21 =	simm.s32 @!p0 $0x200  }
0x11d: {  	[tilespmem:s3+$0x10400] =	vst v8;
	s3 =	sshll.u32 s21, $0x7  }
0x11e: {  	v8 =	vld [tilespmem:s3+$0x0]  }
0x11f: {  	v53 =	vld [tilespmem:s15+$0xFFFFFD00];
	_ =	sdelay $0x4  }
0x120: {  	v8 =	vadd.f32 v53, v8;
	_ =	sdelay $0x1  }
0x121: {  	[tilespmem:s3+$0x0] =	vst v8;
	v8 =	vld [tilespmem:s3+$0x10]  }
0x122: {  	v54 =	vld [tilespmem:s15+$0xFFFFFD10];
	_ =	sdelay $0x4  }
0x123: {  	v8 =	vadd.f32 v54, v8;
	_ =	sdelay $0x1  }
0x124: {  	[tilespmem:s3+$0x10] =	vst v8;
	v8 =	vld [tilespmem:s3+$0x20]  }
0x125: {  	v55 =	vld [tilespmem:s15+$0xFFFFFD20];
	_ =	sdelay $0x4  }
0x126: {  	v8 =	vadd.f32 v55, v8;
	_ =	sdelay $0x1  }
0x127: {  	[tilespmem:s3+$0x20] =	vst v8;
	v8 =	vld [tilespmem:s3+$0x30]  }
0x128: {  	v56 =	vld [tilespmem:s15+$0xFFFFFD30];
	_ =	sdelay $0x4  }
0x129: {  	v8 =	vadd.f32 v56, v8;
	_ =	sdelay $0x1  }
0x12a: {  	[tilespmem:s3+$0x30] =	vst v8;
	v8 =	vld [tilespmem:s3+$0x40]  }
0x12b: {  	v57 =	vld [tilespmem:s15+$0xFFFFFD40];
	_ =	sdelay $0x4  }
0x12c: {  	v8 =	vadd.f32 v57, v8;
	_ =	sdelay $0x1  }
0x12d: {  	[tilespmem:s3+$0x40] =	vst v8;
	v8 =	vld [tilespmem:s3+$0x50]  }
0x12e: {  	v58 =	vld [tilespmem:s15+$0xFFFFFD50];
	_ =	sdelay $0x4  }
0x12f: {  	v8 =	vadd.f32 v58, v8;
	_ =	sdelay $0x1  }
0x130: {  	[tilespmem:s3+$0x50] =	vst v8;
	v8 =	vld [tilespmem:s3+$0x60]  }
0x131: {  	v59 =	vld [tilespmem:s15+$0xFFFFFD60];
	_ =	sdelay $0x3  }
0x132: {  	(v2sf) =	vpush v7, $0x3  }
0x133: {  	v8 =	vadd.f32 v59, v8;
	_ =	sdelay $0x1  }
0x134: {  	[tilespmem:s3+$0x60] =	vst v8;
	v8 =	vld [tilespmem:s3+$0x70]  }
0x135: {  	v60 =	vld [tilespmem:s15+$0xFFFFFD70];
	_ =	sdelay $0x4  }
0x136: {  	v8 =	vadd.f32 v60, v8;
	_ =	sdelay $0x1  }
0x137: {  	[tilespmem:s3+$0x70] =	vst v8;
	s3 =	sshll.u32 s21, $0x4  }
0x138: {  	v8 =	vld [tilespmem:s3+$0x10400]  }
0x139: {  	v61 =	vld [tilespmem:s31+$0xFFFFFFA0];
	_ =	sdelay $0x1  }
0x13a: {  	s21 =	spop (v2sf)  }
0x13b: {  	p1 =	sgt.s32 s21, $0x0  }
0x13c: {  	p0 =	slt.u32 s21, $0x200;
	s21 =	simm.s32 @!p1 $0x0  }
0x13d: {  	s21 =	smin.u32 s21, $0x1FF;
	v8 =	vadd.f32 v61, v8  }
0x13e: {  	s21 =	simm.s32 @!p0 $0x200  }
0x13f: {  	[tilespmem:s3+$0x10400] =	vst v8;
	s3 =	sshll.u32 s21, $0x7  }
0x140: {  	v8 =	vld [tilespmem:s3+$0x0]  }
0x141: {  	v62 =	vld [tilespmem:s15+$0xFFFFFD80];
	_ =	sdelay $0x4  }
0x142: {  	v8 =	vadd.f32 v62, v8;
	_ =	sdelay $0x1  }
0x143: {  	[tilespmem:s3+$0x0] =	vst v8;
	v8 =	vld [tilespmem:s3+$0x10]  }
0x144: {  	v63 =	vld [tilespmem:s15+$0xFFFFFD90];
	_ =	sdelay $0x4  }
0x145: {  	v8 =	vadd.f32 v63, v8;
	_ =	sdelay $0x1  }
0x146: {  	[tilespmem:s3+$0x10] =	vst v8;
	v8 =	vld [tilespmem:s3+$0x20]  }
0x147: {  	v12 =	vld [tilespmem:s15+$0xFFFFFDA0];
	_ =	sdelay $0x4  }
0x148: {  	v8 =	vadd.f32 v12, v8;
	_ =	sdelay $0x1  }
0x149: {  	[tilespmem:s3+$0x20] =	vst v8;
	v8 =	vld [tilespmem:s3+$0x30]  }
0x14a: {  	v13 =	vld [tilespmem:s15+$0xFFFFFDB0];
	_ =	sdelay $0x4  }
0x14b: {  	v8 =	vadd.f32 v13, v8;
	_ =	sdelay $0x1  }
0x14c: {  	[tilespmem:s3+$0x30] =	vst v8;
	v8 =	vld [tilespmem:s3+$0x40]  }
0x14d: {  	v14 =	vld [tilespmem:s15+$0xFFFFFDC0];
	_ =	sdelay $0x4  }
0x14e: {  	v8 =	vadd.f32 v14, v8;
	_ =	sdelay $0x1  }
0x14f: {  	[tilespmem:s3+$0x40] =	vst v8;
	v8 =	vld [tilespmem:s3+$0x50]  }
0x150: {  	v15 =	vld [tilespmem:s15+$0xFFFFFDD0];
	_ =	sdelay $0x4  }
0x151: {  	v8 =	vadd.f32 v15, v8;
	_ =	sdelay $0x1  }
0x152: {  	[tilespmem:s3+$0x50] =	vst v8;
	v8 =	vld [tilespmem:s3+$0x60]  }
0x153: {  	v16 =	vld [tilespmem:s15+$0xFFFFFDE0];
	_ =	sdelay $0x3  }
0x154: {  	(v2sf) =	vpush v7, $0x4  }
0x155: {  	v8 =	vadd.f32 v16, v8;
	_ =	sdelay $0x1  }
0x156: {  	[tilespmem:s3+$0x60] =	vst v8;
	v8 =	vld [tilespmem:s3+$0x70]  }
0x157: {  	v17 =	vld [tilespmem:s15+$0xFFFFFDF0];
	_ =	sdelay $0x4  }
0x158: {  	v8 =	vadd.f32 v17, v8;
	_ =	sdelay $0x1  }
0x159: {  	[tilespmem:s3+$0x70] =	vst v8;
	s3 =	sshll.u32 s21, $0x4  }
0x15a: {  	v8 =	vld [tilespmem:s3+$0x10400]  }
0x15b: {  	v18 =	vld [tilespmem:s31+$0xFFFFFFB0];
	_ =	sdelay $0x1  }
0x15c: {  	s21 =	spop (v2sf)  }
0x15d: {  	p1 =	sgt.s32 s21, $0x0  }
0x15e: {  	p0 =	slt.u32 s21, $0x200;
	s21 =	simm.s32 @!p1 $0x0  }
0x15f: {  	s21 =	smin.u32 s21, $0x1FF;
	v8 =	vadd.f32 v18, v8  }
0x160: {  	s21 =	simm.s32 @!p0 $0x200  }
0x161: {  	[tilespmem:s3+$0x10400] =	vst v8;
	s3 =	sshll.u32 s21, $0x7  }
0x162: {  	v8 =	vld [tilespmem:s3+$0x0]  }
0x163: {  	v19 =	vld [tilespmem:s15+$0xFFFFFE00];
	_ =	sdelay $0x4  }
0x164: {  	v8 =	vadd.f32 v19, v8;
	_ =	sdelay $0x1  }
0x165: {  	[tilespmem:s3+$0x0] =	vst v8;
	v8 =	vld [tilespmem:s3+$0x10]  }
0x166: {  	v20 =	vld [tilespmem:s15+$0xFFFFFE10];
	_ =	sdelay $0x4  }
0x167: {  	v8 =	vadd.f32 v20, v8;
	_ =	sdelay $0x1  }
0x168: {  	[tilespmem:s3+$0x10] =	vst v8;
	v8 =	vld [tilespmem:s3+$0x20]  }
0x169: {  	v21 =	vld [tilespmem:s15+$0xFFFFFE20];
	_ =	sdelay $0x4  }
0x16a: {  	v8 =	vadd.f32 v21, v8;
	_ =	sdelay $0x1  }
0x16b: {  	[tilespmem:s3+$0x20] =	vst v8;
	v8 =	vld [tilespmem:s3+$0x30]  }
0x16c: {  	v22 =	vld [tilespmem:s15+$0xFFFFFE30];
	_ =	sdelay $0x4  }
0x16d: {  	v8 =	vadd.f32 v22, v8;
	_ =	sdelay $0x1  }
0x16e: {  	[tilespmem:s3+$0x30] =	vst v8;
	v8 =	vld [tilespmem:s3+$0x40]  }
0x16f: {  	v23 =	vld [tilespmem:s15+$0xFFFFFE40];
	_ =	sdelay $0x4  }
0x170: {  	v8 =	vadd.f32 v23, v8;
	_ =	sdelay $0x1  }
0x171: {  	[tilespmem:s3+$0x40] =	vst v8;
	v8 =	vld [tilespmem:s3+$0x50]  }
0x172: {  	v24 =	vld [tilespmem:s15+$0xFFFFFE50];
	_ =	sdelay $0x4  }
0x173: {  	v8 =	vadd.f32 v24, v8;
	_ =	sdelay $0x1  }
0x174: {  	[tilespmem:s3+$0x50] =	vst v8;
	v8 =	vld [tilespmem:s3+$0x60]  }
0x175: {  	v25 =	vld [tilespmem:s15+$0xFFFFFE60];
	_ =	sdelay $0x3  }
0x176: {  	(v2sf) =	vpush v7, $0x5  }
0x177: {  	v8 =	vadd.f32 v25, v8;
	_ =	sdelay $0x1  }
0x178: {  	[tilespmem:s3+$0x60] =	vst v8;
	v8 =	vld [tilespmem:s3+$0x70]  }
0x179: {  	v26 =	vld [tilespmem:s15+$0xFFFFFE70];
	_ =	sdelay $0x4  }
0x17a: {  	v8 =	vadd.f32 v26, v8;
	_ =	sdelay $0x1  }
0x17b: {  	[tilespmem:s3+$0x70] =	vst v8;
	s3 =	sshll.u32 s21, $0x4  }
0x17c: {  	v8 =	vld [tilespmem:s3+$0x10400]  }
0x17d: {  	v27 =	vld [tilespmem:s31+$0xFFFFFFC0];
	_ =	sdelay $0x1  }
0x17e: {  	s21 =	spop (v2sf)  }
0x17f: {  	p1 =	sgt.s32 s21, $0x0  }
0x180: {  	p0 =	slt.u32 s21, $0x200;
	s21 =	simm.s32 @!p1 $0x0  }
0x181: {  	s21 =	smin.u32 s21, $0x1FF;
	v8 =	vadd.f32 v27, v8  }
0x182: {  	s21 =	simm.s32 @!p0 $0x200  }
0x183: {  	[tilespmem:s3+$0x10400] =	vst v8;
	s3 =	sshll.u32 s21, $0x7  }
0x184: {  	v8 =	vld [tilespmem:s3+$0x0]  }
0x185: {  	v28 =	vld [tilespmem:s15+$0xFFFFFE80];
	_ =	sdelay $0x4  }
0x186: {  	v8 =	vadd.f32 v28, v8;
	_ =	sdelay $0x1  }
0x187: {  	[tilespmem:s3+$0x0] =	vst v8;
	v8 =	vld [tilespmem:s3+$0x10]  }
0x188: {  	v29 =	vld [tilespmem:s15+$0xFFFFFE90];
	_ =	sdelay $0x4  }
0x189: {  	v8 =	vadd.f32 v29, v8;
	_ =	sdelay $0x1  }
0x18a: {  	[tilespmem:s3+$0x10] =	vst v8;
	v8 =	vld [tilespmem:s3+$0x20]  }
0x18b: {  	v30 =	vld [tilespmem:s15+$0xFFFFFEA0];
	_ =	sdelay $0x4  }
0x18c: {  	v8 =	vadd.f32 v30, v8;
	_ =	sdelay $0x1  }
0x18d: {  	[tilespmem:s3+$0x20] =	vst v8;
	v8 =	vld [tilespmem:s3+$0x30]  }
0x18e: {  	v31 =	vld [tilespmem:s15+$0xFFFFFEB0];
	_ =	sdelay $0x4  }
0x18f: {  	v8 =	vadd.f32 v31, v8;
	_ =	sdelay $0x1  }
0x190: {  	[tilespmem:s3+$0x30] =	vst v8;
	v8 =	vld [tilespmem:s3+$0x40]  }
0x191: {  	v32 =	vld [tilespmem:s15+$0xFFFFFEC0];
	_ =	sdelay $0x4  }
0x192: {  	v8 =	vadd.f32 v32, v8;
	_ =	sdelay $0x1  }
0x193: {  	[tilespmem:s3+$0x40] =	vst v8;
	v8 =	vld [tilespmem:s3+$0x50]  }
0x194: {  	v33 =	vld [tilespmem:s15+$0xFFFFFED0];
	_ =	sdelay $0x4  }
0x195: {  	v8 =	vadd.f32 v33, v8;
	_ =	sdelay $0x1  }
0x196: {  	[tilespmem:s3+$0x50] =	vst v8;
	v8 =	vld [tilespmem:s3+$0x60]  }
0x197: {  	v34 =	vld [tilespmem:s15+$0xFFFFFEE0];
	_ =	sdelay $0x3  }
0x198: {  	(v2sf) =	vpush v7, $0x6  }
0x199: {  	v8 =	vadd.f32 v34, v8;
	_ =	sdelay $0x1  }
0x19a: {  	[tilespmem:s3+$0x60] =	vst v8;
	v8 =	vld [tilespmem:s3+$0x70]  }
0x19b: {  	v35 =	vld [tilespmem:s15+$0xFFFFFEF0];
	_ =	sdelay $0x4  }
0x19c: {  	v8 =	vadd.f32 v35, v8;
	_ =	sdelay $0x1  }
0x19d: {  	[tilespmem:s3+$0x70] =	vst v8;
	s3 =	sshll.u32 s21, $0x4  }
0x19e: {  	v8 =	vld [tilespmem:s3+$0x10400]  }
0x19f: {  	v36 =	vld [tilespmem:s31+$0xFFFFFFD0];
	_ =	sdelay $0x1  }
0x1a0: {  	s21 =	spop (v2sf)  }
0x1a1: {  	p1 =	sgt.s32 s21, $0x0  }
0x1a2: {  	p0 =	slt.u32 s21, $0x200;
	s21 =	simm.s32 @!p1 $0x0  }
0x1a3: {  	s21 =	smin.u32 s21, $0x1FF;
	v8 =	vadd.f32 v36, v8  }
0x1a4: {  	s21 =	simm.s32 @!p0 $0x200  }
0x1a5: {  	[tilespmem:s3+$0x10400] =	vst v8;
	s3 =	sshll.u32 s21, $0x7  }
0x1a6: {  	v8 =	vld [tilespmem:s3+$0x0]  }
0x1a7: {  	v37 =	vld [tilespmem:s15+$0xFFFFFF00];
	_ =	sdelay $0x4  }
0x1a8: {  	v8 =	vadd.f32 v37, v8;
	_ =	sdelay $0x1  }
0x1a9: {  	[tilespmem:s3+$0x0] =	vst v8;
	v8 =	vld [tilespmem:s3+$0x10]  }
0x1aa: {  	v38 =	vld [tilespmem:s15+$0xFFFFFF10];
	_ =	sdelay $0x4  }
0x1ab: {  	v8 =	vadd.f32 v38, v8;
	_ =	sdelay $0x1  }
0x1ac: {  	[tilespmem:s3+$0x10] =	vst v8;
	v8 =	vld [tilespmem:s3+$0x20]  }
0x1ad: {  	v39 =	vld [tilespmem:s15+$0xFFFFFF20];
	_ =	sdelay $0x4  }
0x1ae: {  	v8 =	vadd.f32 v39, v8;
	_ =	sdelay $0x1  }
0x1af: {  	[tilespmem:s3+$0x20] =	vst v8;
	v8 =	vld [tilespmem:s3+$0x30]  }
0x1b0: {  	v40 =	vld [tilespmem:s15+$0xFFFFFF30];
	_ =	sdelay $0x4  }
0x1b1: {  	v8 =	vadd.f32 v40, v8;
	_ =	sdelay $0x1  }
0x1b2: {  	[tilespmem:s3+$0x30] =	vst v8;
	v8 =	vld [tilespmem:s3+$0x40]  }
0x1b3: {  	v41 =	vld [tilespmem:s15+$0xFFFFFF40];
	_ =	sdelay $0x4  }
0x1b4: {  	v8 =	vadd.f32 v41, v8;
	_ =	sdelay $0x1  }
0x1b5: {  	[tilespmem:s3+$0x40] =	vst v8;
	v8 =	vld [tilespmem:s3+$0x50]  }
0x1b6: {  	v42 =	vld [tilespmem:s15+$0xFFFFFF50];
	_ =	sdelay $0x4  }
0x1b7: {  	v8 =	vadd.f32 v42, v8;
	_ =	sdelay $0x1  }
0x1b8: {  	[tilespmem:s3+$0x50] =	vst v8;
	v8 =	vld [tilespmem:s3+$0x60]  }
0x1b9: {  	v43 =	vld [tilespmem:s15+$0xFFFFFF60];
	_ =	sdelay $0x3  }
0x1ba: {  	(v2sf) =	vpush v7, $0x7  }
0x1bb: {  	v8 =	vadd.f32 v43, v8;
	_ =	sdelay $0x1  }
0x1bc: {  	[tilespmem:s3+$0x60] =	vst v8;
	v8 =	vld [tilespmem:s3+$0x70]  }
0x1bd: {  	v44 =	vld [tilespmem:s15+$0xFFFFFF70];
	_ =	sdelay $0x4  }
0x1be: {  	v8 =	vadd.f32 v44, v8;
	_ =	sdelay $0x1  }
0x1bf: {  	[tilespmem:s3+$0x70] =	vst v8;
	s3 =	sshll.u32 s21, $0x4  }
0x1c0: {  	v8 =	vld [tilespmem:s3+$0x10400]  }
0x1c1: {  	v45 =	vld [tilespmem:s31+$0xFFFFFFE0];
	_ =	sdelay $0x1  }
0x1c2: {  	s21 =	spop (v2sf)  }
0x1c3: {  	p1 =	sgt.s32 s21, $0x0  }
0x1c4: {  	p0 =	slt.u32 s21, $0x200;
	s21 =	simm.s32 @!p1 $0x0  }
0x1c5: {  	s21 =	smin.u32 s21, $0x1FF;
	v8 =	vadd.f32 v45, v8  }
0x1c6: {  	s21 =	simm.s32 @!p0 $0x200  }
0x1c7: {  	[tilespmem:s3+$0x10400] =	vst v8;
	s3 =	sshll.u32 s21, $0x7  }
0x1c8: {  	v8 =	vld [tilespmem:s3+$0x0]  }
0x1c9: {  	v46 =	vld [tilespmem:s15+$0xFFFFFF80];
	_ =	sdelay $0x4  }
0x1ca: {  	v8 =	vadd.f32 v46, v8;
	_ =	sdelay $0x1  }
0x1cb: {  	[tilespmem:s3+$0x0] =	vst v8;
	v8 =	vld [tilespmem:s3+$0x10]  }
0x1cc: {  	v47 =	vld [tilespmem:s15+$0xFFFFFF90];
	_ =	sdelay $0x4  }
0x1cd: {  	v8 =	vadd.f32 v47, v8;
	_ =	sdelay $0x1  }
0x1ce: {  	[tilespmem:s3+$0x10] =	vst v8;
	v8 =	vld [tilespmem:s3+$0x20]  }
0x1cf: {  	v48 =	vld [tilespmem:s15+$0xFFFFFFA0];
	_ =	sdelay $0x4  }
0x1d0: {  	v8 =	vadd.f32 v48, v8;
	_ =	sdelay $0x1  }
0x1d1: {  	[tilespmem:s3+$0x20] =	vst v8;
	v8 =	vld [tilespmem:s3+$0x30]  }
0x1d2: {  	v49 =	vld [tilespmem:s15+$0xFFFFFFB0];
	_ =	sdelay $0x4  }
0x1d3: {  	v8 =	vadd.f32 v49, v8;
	_ =	sdelay $0x1  }
0x1d4: {  	[tilespmem:s3+$0x30] =	vst v8;
	v8 =	vld [tilespmem:s3+$0x40]  }
0x1d5: {  	v50 =	vld [tilespmem:s15+$0xFFFFFFC0];
	_ =	sdelay $0x4  }
0x1d6: {  	v8 =	vadd.f32 v50, v8;
	_ =	sdelay $0x1  }
0x1d7: {  	[tilespmem:s3+$0x40] =	vst v8;
	v8 =	vld [tilespmem:s3+$0x50]  }
0x1d8: {  	v51 =	vld [tilespmem:s15+$0xFFFFFFD0];
	_ =	sdelay $0x4  }
0x1d9: {  	v8 =	vadd.f32 v51, v8;
	_ =	sdelay $0x1  }
0x1da: {  	[tilespmem:s3+$0x50] =	vst v8;
	v8 =	vld [tilespmem:s3+$0x60]  }
0x1db: {  	v52 =	vld [tilespmem:s15+$0xFFFFFFE0];
	_ =	sdelay $0x3  }
0x1dc: {  	(v2sf) =	vpush v7, $0x8  }
0x1dd: {  	v8 =	vadd.f32 v52, v8;
	_ =	sdelay $0x1  }
0x1de: {  	[tilespmem:s3+$0x60] =	vst v8;
	v8 =	vld [tilespmem:s3+$0x70]  }
0x1df: {  	v53 =	vld [tilespmem:s15+$0xFFFFFFF0];
	_ =	sdelay $0x4  }
0x1e0: {  	v8 =	vadd.f32 v53, v8;
	_ =	sdelay $0x1  }
0x1e1: {  	[tilespmem:s3+$0x70] =	vst v8;
	s3 =	sshll.u32 s21, $0x4  }
0x1e2: {  	v8 =	vld [tilespmem:s3+$0x10400]  }
0x1e3: {  	v54 =	vld [tilespmem:s31+$0xFFFFFFF0];
	_ =	sdelay $0x1  }
0x1e4: {  	s21 =	spop (v2sf)  }
0x1e5: {  	p1 =	sgt.s32 s21, $0x0  }
0x1e6: {  	p0 =	slt.u32 s21, $0x200;
	s21 =	simm.s32 @!p1 $0x0  }
0x1e7: {  	s21 =	smin.u32 s21, $0x1FF;
	v8 =	vadd.f32 v54, v8  }
0x1e8: {  	s21 =	simm.s32 @!p0 $0x200  }
0x1e9: {  	[tilespmem:s3+$0x10400] =	vst v8;
	s3 =	sshll.u32 s21, $0x7  }
0x1ea: {  	v8 =	vld [tilespmem:s3+$0x0]  }
0x1eb: {  	v55 =	vld [tilespmem:s15+$0x0];
	_ =	sdelay $0x4  }
0x1ec: {  	v8 =	vadd.f32 v55, v8;
	_ =	sdelay $0x1  }
0x1ed: {  	[tilespmem:s3+$0x0] =	vst v8;
	v8 =	vld [tilespmem:s3+$0x10]  }
0x1ee: {  	v56 =	vld [tilespmem:s15+$0x10];
	_ =	sdelay $0x4  }
0x1ef: {  	v8 =	vadd.f32 v56, v8;
	_ =	sdelay $0x1  }
0x1f0: {  	[tilespmem:s3+$0x10] =	vst v8;
	v8 =	vld [tilespmem:s3+$0x20]  }
0x1f1: {  	v57 =	vld [tilespmem:s15+$0x20];
	_ =	sdelay $0x4  }
0x1f2: {  	v8 =	vadd.f32 v57, v8;
	_ =	sdelay $0x1  }
0x1f3: {  	[tilespmem:s3+$0x20] =	vst v8;
	v8 =	vld [tilespmem:s3+$0x30]  }
0x1f4: {  	v58 =	vld [tilespmem:s15+$0x30];
	_ =	sdelay $0x4  }
0x1f5: {  	v8 =	vadd.f32 v58, v8;
	_ =	sdelay $0x1  }
0x1f6: {  	[tilespmem:s3+$0x30] =	vst v8;
	v8 =	vld [tilespmem:s3+$0x40]  }
0x1f7: {  	v59 =	vld [tilespmem:s15+$0x40];
	_ =	sdelay $0x4  }
0x1f8: {  	v8 =	vadd.f32 v59, v8;
	_ =	sdelay $0x1  }
0x1f9: {  	[tilespmem:s3+$0x40] =	vst v8;
	v8 =	vld [tilespmem:s3+$0x50]  }
0x1fa: {  	v60 =	vld [tilespmem:s15+$0x50];
	_ =	sdelay $0x4  }
0x1fb: {  	v8 =	vadd.f32 v60, v8;
	_ =	sdelay $0x1  }
0x1fc: {  	[tilespmem:s3+$0x50] =	vst v8;
	v8 =	vld [tilespmem:s3+$0x60]  }
0x1fd: {  	v61 =	vld [tilespmem:s15+$0x60];
	_ =	sdelay $0x3  }
0x1fe: {  	(v2sf) =	vpush v7, $0x9  }
0x1ff: {  	v8 =	vadd.f32 v61, v8;
	_ =	sdelay $0x1  }
0x200: {  	[tilespmem:s3+$0x60] =	vst v8;
	v8 =	vld [tilespmem:s3+$0x70]  }
0x201: {  	v62 =	vld [tilespmem:s15+$0x70];
	_ =	sdelay $0x4  }
0x202: {  	v8 =	vadd.f32 v62, v8;
	_ =	sdelay $0x1  }
0x203: {  	[tilespmem:s3+$0x70] =	vst v8;
	s3 =	sshll.u32 s21, $0x4  }
0x204: {  	v8 =	vld [tilespmem:s3+$0x10400]  }
0x205: {  	v63 =	vld [tilespmem:s31+$0x0];
	_ =	sdelay $0x1  }
0x206: {  	s21 =	spop (v2sf)  }
0x207: {  	p1 =	sgt.s32 s21, $0x0  }
0x208: {  	p0 =	slt.u32 s21, $0x200;
	s21 =	simm.s32 @!p1 $0x0  }
0x209: {  	s21 =	smin.u32 s21, $0x1FF;
	v8 =	vadd.f32 v63, v8  }
0x20a: {  	s21 =	simm.s32 @!p0 $0x200  }
0x20b: {  	[tilespmem:s3+$0x10400] =	vst v8;
	s3 =	sshll.u32 s21, $0x7  }
0x20c: {  	v8 =	vld [tilespmem:s3+$0x0]  }
0x20d: {  	v12 =	vld [tilespmem:s15+$0x80];
	_ =	sdelay $0x4  }
0x20e: {  	v8 =	vadd.f32 v12, v8;
	_ =	sdelay $0x1  }
0x20f: {  	[tilespmem:s3+$0x0] =	vst v8;
	v8 =	vld [tilespmem:s3+$0x10]  }
0x210: {  	v13 =	vld [tilespmem:s15+$0x90];
	_ =	sdelay $0x4  }
0x211: {  	v8 =	vadd.f32 v13, v8;
	_ =	sdelay $0x1  }
0x212: {  	[tilespmem:s3+$0x10] =	vst v8;
	v8 =	vld [tilespmem:s3+$0x20]  }
0x213: {  	v14 =	vld [tilespmem:s15+$0xA0];
	_ =	sdelay $0x4  }
0x214: {  	v8 =	vadd.f32 v14, v8;
	_ =	sdelay $0x1  }
0x215: {  	[tilespmem:s3+$0x20] =	vst v8;
	v8 =	vld [tilespmem:s3+$0x30]  }
0x216: {  	v15 =	vld [tilespmem:s15+$0xB0];
	_ =	sdelay $0x4  }
0x217: {  	v8 =	vadd.f32 v15, v8;
	_ =	sdelay $0x1  }
0x218: {  	[tilespmem:s3+$0x30] =	vst v8;
	v8 =	vld [tilespmem:s3+$0x40]  }
0x219: {  	v16 =	vld [tilespmem:s15+$0xC0];
	_ =	sdelay $0x4  }
0x21a: {  	v8 =	vadd.f32 v16, v8;
	_ =	sdelay $0x1  }
0x21b: {  	[tilespmem:s3+$0x40] =	vst v8;
	v8 =	vld [tilespmem:s3+$0x50]  }
0x21c: {  	v17 =	vld [tilespmem:s15+$0xD0];
	_ =	sdelay $0x4  }
0x21d: {  	v8 =	vadd.f32 v17, v8;
	_ =	sdelay $0x1  }
0x21e: {  	[tilespmem:s3+$0x50] =	vst v8;
	v8 =	vld [tilespmem:s3+$0x60]  }
0x21f: {  	v18 =	vld [tilespmem:s15+$0xE0];
	_ =	sdelay $0x3  }
0x220: {  	(v2sf) =	vpush v7, $0xA  }
0x221: {  	v8 =	vadd.f32 v18, v8;
	_ =	sdelay $0x1  }
0x222: {  	[tilespmem:s3+$0x60] =	vst v8;
	v8 =	vld [tilespmem:s3+$0x70]  }
0x223: {  	v19 =	vld [tilespmem:s15+$0xF0];
	_ =	sdelay $0x4  }
0x224: {  	v8 =	vadd.f32 v19, v8;
	_ =	sdelay $0x1  }
0x225: {  	[tilespmem:s3+$0x70] =	vst v8;
	s3 =	sshll.u32 s21, $0x4  }
0x226: {  	v8 =	vld [tilespmem:s3+$0x10400]  }
0x227: {  	v20 =	vld [tilespmem:s31+$0x10];
	_ =	sdelay $0x1  }
0x228: {  	s21 =	spop (v2sf)  }
0x229: {  	p1 =	sgt.s32 s21, $0x0  }
0x22a: {  	p0 =	slt.u32 s21, $0x200;
	s21 =	simm.s32 @!p1 $0x0  }
0x22b: {  	s21 =	smin.u32 s21, $0x1FF;
	v8 =	vadd.f32 v20, v8  }
0x22c: {  	s21 =	simm.s32 @!p0 $0x200  }
0x22d: {  	[tilespmem:s3+$0x10400] =	vst v8;
	s3 =	sshll.u32 s21, $0x7  }
0x22e: {  	v8 =	vld [tilespmem:s3+$0x0]  }
0x22f: {  	v21 =	vld [tilespmem:s15+$0x100];
	_ =	sdelay $0x4  }
0x230: {  	v8 =	vadd.f32 v21, v8;
	_ =	sdelay $0x1  }
0x231: {  	[tilespmem:s3+$0x0] =	vst v8;
	v8 =	vld [tilespmem:s3+$0x10]  }
0x232: {  	v22 =	vld [tilespmem:s15+$0x110];
	_ =	sdelay $0x4  }
0x233: {  	v8 =	vadd.f32 v22, v8;
	_ =	sdelay $0x1  }
0x234: {  	[tilespmem:s3+$0x10] =	vst v8;
	v8 =	vld [tilespmem:s3+$0x20]  }
0x235: {  	v23 =	vld [tilespmem:s15+$0x120];
	_ =	sdelay $0x4  }
0x236: {  	v8 =	vadd.f32 v23, v8;
	_ =	sdelay $0x1  }
0x237: {  	[tilespmem:s3+$0x20] =	vst v8;
	v8 =	vld [tilespmem:s3+$0x30]  }
0x238: {  	v24 =	vld [tilespmem:s15+$0x130];
	_ =	sdelay $0x4  }
0x239: {  	v8 =	vadd.f32 v24, v8;
	_ =	sdelay $0x1  }
0x23a: {  	[tilespmem:s3+$0x30] =	vst v8;
	v8 =	vld [tilespmem:s3+$0x40]  }
0x23b: {  	v25 =	vld [tilespmem:s15+$0x140];
	_ =	sdelay $0x4  }
0x23c: {  	v8 =	vadd.f32 v25, v8;
	_ =	sdelay $0x1  }
0x23d: {  	[tilespmem:s3+$0x40] =	vst v8;
	v8 =	vld [tilespmem:s3+$0x50]  }
0x23e: {  	v26 =	vld [tilespmem:s15+$0x150];
	_ =	sdelay $0x4  }
0x23f: {  	v8 =	vadd.f32 v26, v8;
	_ =	sdelay $0x1  }
0x240: {  	[tilespmem:s3+$0x50] =	vst v8;
	v8 =	vld [tilespmem:s3+$0x60]  }
0x241: {  	v27 =	vld [tilespmem:s15+$0x160];
	_ =	sdelay $0x3  }
0x242: {  	(v2sf) =	vpush v7, $0xB  }
0x243: {  	v8 =	vadd.f32 v27, v8;
	_ =	sdelay $0x1  }
0x244: {  	[tilespmem:s3+$0x60] =	vst v8;
	v8 =	vld [tilespmem:s3+$0x70]  }
0x245: {  	v28 =	vld [tilespmem:s15+$0x170];
	_ =	sdelay $0x4  }
0x246: {  	v8 =	vadd.f32 v28, v8;
	_ =	sdelay $0x1  }
0x247: {  	[tilespmem:s3+$0x70] =	vst v8;
	s3 =	sshll.u32 s21, $0x4  }
0x248: {  	v8 =	vld [tilespmem:s3+$0x10400]  }
0x249: {  	v29 =	vld [tilespmem:s31+$0x20];
	_ =	sdelay $0x1  }
0x24a: {  	s21 =	spop (v2sf)  }
0x24b: {  	p1 =	sgt.s32 s21, $0x0  }
0x24c: {  	p0 =	slt.u32 s21, $0x200;
	s21 =	simm.s32 @!p1 $0x0  }
0x24d: {  	s21 =	smin.u32 s21, $0x1FF;
	v8 =	vadd.f32 v29, v8  }
0x24e: {  	s21 =	simm.s32 @!p0 $0x200  }
0x24f: {  	[tilespmem:s3+$0x10400] =	vst v8;
	s3 =	sshll.u32 s21, $0x7  }
0x250: {  	v8 =	vld [tilespmem:s3+$0x0]  }
0x251: {  	v30 =	vld [tilespmem:s15+$0x180];
	_ =	sdelay $0x4  }
0x252: {  	v8 =	vadd.f32 v30, v8;
	_ =	sdelay $0x1  }
0x253: {  	[tilespmem:s3+$0x0] =	vst v8;
	v8 =	vld [tilespmem:s3+$0x10]  }
0x254: {  	v31 =	vld [tilespmem:s15+$0x190];
	_ =	sdelay $0x4  }
0x255: {  	v8 =	vadd.f32 v31, v8;
	_ =	sdelay $0x1  }
0x256: {  	[tilespmem:s3+$0x10] =	vst v8;
	v8 =	vld [tilespmem:s3+$0x20]  }
0x257: {  	v32 =	vld [tilespmem:s15+$0x1A0];
	_ =	sdelay $0x4  }
0x258: {  	v8 =	vadd.f32 v32, v8;
	_ =	sdelay $0x1  }
0x259: {  	[tilespmem:s3+$0x20] =	vst v8;
	v8 =	vld [tilespmem:s3+$0x30]  }
0x25a: {  	v33 =	vld [tilespmem:s15+$0x1B0];
	_ =	sdelay $0x4  }
0x25b: {  	v8 =	vadd.f32 v33, v8;
	_ =	sdelay $0x1  }
0x25c: {  	[tilespmem:s3+$0x30] =	vst v8;
	v8 =	vld [tilespmem:s3+$0x40]  }
0x25d: {  	v34 =	vld [tilespmem:s15+$0x1C0];
	_ =	sdelay $0x4  }
0x25e: {  	v8 =	vadd.f32 v34, v8;
	_ =	sdelay $0x1  }
0x25f: {  	[tilespmem:s3+$0x40] =	vst v8;
	v8 =	vld [tilespmem:s3+$0x50]  }
0x260: {  	v35 =	vld [tilespmem:s15+$0x1D0];
	_ =	sdelay $0x4  }
0x261: {  	v8 =	vadd.f32 v35, v8;
	_ =	sdelay $0x1  }
0x262: {  	[tilespmem:s3+$0x50] =	vst v8;
	v8 =	vld [tilespmem:s3+$0x60]  }
0x263: {  	v36 =	vld [tilespmem:s15+$0x1E0];
	_ =	sdelay $0x3  }
0x264: {  	(v2sf) =	vpush v7, $0xC  }
0x265: {  	v8 =	vadd.f32 v36, v8;
	_ =	sdelay $0x1  }
0x266: {  	[tilespmem:s3+$0x60] =	vst v8;
	v8 =	vld [tilespmem:s3+$0x70]  }
0x267: {  	v37 =	vld [tilespmem:s15+$0x1F0];
	_ =	sdelay $0x4  }
0x268: {  	v8 =	vadd.f32 v37, v8;
	_ =	sdelay $0x1  }
0x269: {  	[tilespmem:s3+$0x70] =	vst v8;
	s3 =	sshll.u32 s21, $0x4  }
0x26a: {  	v8 =	vld [tilespmem:s3+$0x10400]  }
0x26b: {  	v38 =	vld [tilespmem:s31+$0x30];
	_ =	sdelay $0x1  }
0x26c: {  	s21 =	spop (v2sf)  }
0x26d: {  	p1 =	sgt.s32 s21, $0x0  }
0x26e: {  	p0 =	slt.u32 s21, $0x200;
	s21 =	simm.s32 @!p1 $0x0  }
0x26f: {  	s21 =	smin.u32 s21, $0x1FF;
	v8 =	vadd.f32 v38, v8  }
0x270: {  	s21 =	simm.s32 @!p0 $0x200  }
0x271: {  	[tilespmem:s3+$0x10400] =	vst v8;
	s3 =	sshll.u32 s21, $0x7  }
0x272: {  	v8 =	vld [tilespmem:s3+$0x0]  }
0x273: {  	v39 =	vld [tilespmem:s15+$0x200];
	_ =	sdelay $0x4  }
0x274: {  	v8 =	vadd.f32 v39, v8;
	_ =	sdelay $0x1  }
0x275: {  	[tilespmem:s3+$0x0] =	vst v8;
	v8 =	vld [tilespmem:s3+$0x10]  }
0x276: {  	v40 =	vld [tilespmem:s15+$0x210];
	_ =	sdelay $0x4  }
0x277: {  	v8 =	vadd.f32 v40, v8;
	_ =	sdelay $0x1  }
0x278: {  	[tilespmem:s3+$0x10] =	vst v8;
	v8 =	vld [tilespmem:s3+$0x20]  }
0x279: {  	v41 =	vld [tilespmem:s15+$0x220];
	_ =	sdelay $0x4  }
0x27a: {  	v8 =	vadd.f32 v41, v8;
	_ =	sdelay $0x1  }
0x27b: {  	[tilespmem:s3+$0x20] =	vst v8;
	v8 =	vld [tilespmem:s3+$0x30]  }
0x27c: {  	v42 =	vld [tilespmem:s15+$0x230];
	_ =	sdelay $0x4  }
0x27d: {  	v8 =	vadd.f32 v42, v8;
	_ =	sdelay $0x1  }
0x27e: {  	[tilespmem:s3+$0x30] =	vst v8;
	v8 =	vld [tilespmem:s3+$0x40]  }
0x27f: {  	v43 =	vld [tilespmem:s15+$0x240];
	_ =	sdelay $0x4  }
0x280: {  	v8 =	vadd.f32 v43, v8;
	_ =	sdelay $0x1  }
0x281: {  	[tilespmem:s3+$0x40] =	vst v8;
	v8 =	vld [tilespmem:s3+$0x50]  }
0x282: {  	v44 =	vld [tilespmem:s15+$0x250];
	_ =	sdelay $0x4  }
0x283: {  	v8 =	vadd.f32 v44, v8;
	_ =	sdelay $0x1  }
0x284: {  	[tilespmem:s3+$0x50] =	vst v8;
	v8 =	vld [tilespmem:s3+$0x60]  }
0x285: {  	v45 =	vld [tilespmem:s15+$0x260];
	_ =	sdelay $0x3  }
0x286: {  	(v2sf) =	vpush v7, $0xD  }
0x287: {  	v8 =	vadd.f32 v45, v8;
	_ =	sdelay $0x1  }
0x288: {  	[tilespmem:s3+$0x60] =	vst v8;
	v8 =	vld [tilespmem:s3+$0x70]  }
0x289: {  	v46 =	vld [tilespmem:s15+$0x270];
	_ =	sdelay $0x4  }
0x28a: {  	v8 =	vadd.f32 v46, v8;
	_ =	sdelay $0x1  }
0x28b: {  	[tilespmem:s3+$0x70] =	vst v8;
	s3 =	sshll.u32 s21, $0x4  }
0x28c: {  	v8 =	vld [tilespmem:s3+$0x10400]  }
0x28d: {  	v47 =	vld [tilespmem:s31+$0x40];
	_ =	sdelay $0x1  }
0x28e: {  	s21 =	spop (v2sf)  }
0x28f: {  	p1 =	sgt.s32 s21, $0x0  }
0x290: {  	p0 =	slt.u32 s21, $0x200;
	s21 =	simm.s32 @!p1 $0x0  }
0x291: {  	s21 =	smin.u32 s21, $0x1FF;
	v8 =	vadd.f32 v47, v8  }
0x292: {  	s21 =	simm.s32 @!p0 $0x200  }
0x293: {  	[tilespmem:s3+$0x10400] =	vst v8;
	s3 =	sshll.u32 s21, $0x7  }
0x294: {  	v8 =	vld [tilespmem:s3+$0x0]  }
0x295: {  	v48 =	vld [tilespmem:s15+$0x280];
	_ =	sdelay $0x4  }
0x296: {  	v8 =	vadd.f32 v48, v8;
	_ =	sdelay $0x1  }
0x297: {  	[tilespmem:s3+$0x0] =	vst v8;
	v8 =	vld [tilespmem:s3+$0x10]  }
0x298: {  	v49 =	vld [tilespmem:s15+$0x290];
	_ =	sdelay $0x4  }
0x299: {  	v8 =	vadd.f32 v49, v8;
	_ =	sdelay $0x1  }
0x29a: {  	[tilespmem:s3+$0x10] =	vst v8;
	v8 =	vld [tilespmem:s3+$0x20]  }
0x29b: {  	v50 =	vld [tilespmem:s15+$0x2A0];
	_ =	sdelay $0x4  }
0x29c: {  	v8 =	vadd.f32 v50, v8;
	_ =	sdelay $0x1  }
0x29d: {  	[tilespmem:s3+$0x20] =	vst v8;
	v8 =	vld [tilespmem:s3+$0x30]  }
0x29e: {  	v51 =	vld [tilespmem:s15+$0x2B0];
	_ =	sdelay $0x4  }
0x29f: {  	v8 =	vadd.f32 v51, v8;
	_ =	sdelay $0x1  }
0x2a0: {  	[tilespmem:s3+$0x30] =	vst v8;
	v8 =	vld [tilespmem:s3+$0x40]  }
0x2a1: {  	v52 =	vld [tilespmem:s15+$0x2C0];
	_ =	sdelay $0x4  }
0x2a2: {  	v8 =	vadd.f32 v52, v8;
	_ =	sdelay $0x1  }
0x2a3: {  	[tilespmem:s3+$0x40] =	vst v8;
	v8 =	vld [tilespmem:s3+$0x50]  }
0x2a4: {  	v53 =	vld [tilespmem:s15+$0x2D0];
	_ =	sdelay $0x4  }
0x2a5: {  	v8 =	vadd.f32 v53, v8;
	_ =	sdelay $0x1  }
0x2a6: {  	[tilespmem:s3+$0x50] =	vst v8;
	v8 =	vld [tilespmem:s3+$0x60]  }
0x2a7: {  	v54 =	vld [tilespmem:s15+$0x2E0];
	_ =	sdelay $0x3  }
0x2a8: {  	(v2sf) =	vpush v7, $0xE  }
0x2a9: {  	v8 =	vadd.f32 v54, v8;
	_ =	sdelay $0x1  }
0x2aa: {  	[tilespmem:s3+$0x60] =	vst v8;
	v8 =	vld [tilespmem:s3+$0x70]  }
0x2ab: {  	v55 =	vld [tilespmem:s15+$0x2F0];
	_ =	sdelay $0x4  }
0x2ac: {  	v8 =	vadd.f32 v55, v8;
	_ =	sdelay $0x1  }
0x2ad: {  	[tilespmem:s3+$0x70] =	vst v8;
	s3 =	sshll.u32 s21, $0x4  }
0x2ae: {  	v8 =	vld [tilespmem:s3+$0x10400]  }
0x2af: {  	v56 =	vld [tilespmem:s31+$0x50];
	_ =	sdelay $0x1  }
0x2b0: {  	s21 =	spop (v2sf)  }
0x2b1: {  	p1 =	sgt.s32 s21, $0x0  }
0x2b2: {  	p0 =	slt.u32 s21, $0x200;
	s21 =	simm.s32 @!p1 $0x0  }
0x2b3: {  	s21 =	smin.u32 s21, $0x1FF;
	v8 =	vadd.f32 v56, v8  }
0x2b4: {  	s21 =	simm.s32 @!p0 $0x200  }
0x2b5: {  	[tilespmem:s3+$0x10400] =	vst v8;
	s3 =	sshll.u32 s21, $0x7  }
0x2b6: {  	v8 =	vld [tilespmem:s3+$0x0]  }
0x2b7: {  	v57 =	vld [tilespmem:s15+$0x300];
	_ =	sdelay $0x4  }
0x2b8: {  	v8 =	vadd.f32 v57, v8;
	_ =	sdelay $0x1  }
0x2b9: {  	[tilespmem:s3+$0x0] =	vst v8;
	v8 =	vld [tilespmem:s3+$0x10]  }
0x2ba: {  	v58 =	vld [tilespmem:s15+$0x310];
	_ =	sdelay $0x4  }
0x2bb: {  	v8 =	vadd.f32 v58, v8;
	_ =	sdelay $0x1  }
0x2bc: {  	[tilespmem:s3+$0x10] =	vst v8;
	v8 =	vld [tilespmem:s3+$0x20]  }
0x2bd: {  	v59 =	vld [tilespmem:s15+$0x320];
	_ =	sdelay $0x4  }
0x2be: {  	v8 =	vadd.f32 v59, v8;
	_ =	sdelay $0x1  }
0x2bf: {  	[tilespmem:s3+$0x20] =	vst v8;
	v8 =	vld [tilespmem:s3+$0x30]  }
0x2c0: {  	v60 =	vld [tilespmem:s15+$0x330];
	_ =	sdelay $0x4  }
0x2c1: {  	v8 =	vadd.f32 v60, v8;
	_ =	sdelay $0x1  }
0x2c2: {  	[tilespmem:s3+$0x30] =	vst v8;
	v8 =	vld [tilespmem:s3+$0x40]  }
0x2c3: {  	v61 =	vld [tilespmem:s15+$0x340];
	_ =	sdelay $0x4  }
0x2c4: {  	v8 =	vadd.f32 v61, v8;
	_ =	sdelay $0x1  }
0x2c5: {  	[tilespmem:s3+$0x40] =	vst v8;
	v8 =	vld [tilespmem:s3+$0x50]  }
0x2c6: {  	v62 =	vld [tilespmem:s15+$0x350];
	_ =	sdelay $0x4  }
0x2c7: {  	v8 =	vadd.f32 v62, v8;
	_ =	sdelay $0x1  }
0x2c8: {  	[tilespmem:s3+$0x50] =	vst v8;
	v8 =	vld [tilespmem:s3+$0x60]  }
0x2c9: {  	v63 =	vld [tilespmem:s15+$0x360];
	_ =	sdelay $0x3  }
0x2ca: {  	(v2sf) =	vpush v7, $0xF  }
0x2cb: {  	v7 =	vadd.f32 v63, v8;
	_ =	sdelay $0x1  }
0x2cc: {  	[tilespmem:s3+$0x60] =	vst v7;
	v7 =	vld [tilespmem:s3+$0x70]  }
0x2cd: {  	v8 =	vld [tilespmem:s15+$0x370];
	_ =	sdelay $0x4  }
0x2ce: {  	v7 =	vadd.f32 v8, v7;
	_ =	sdelay $0x1  }
0x2cf: {  	[tilespmem:s3+$0x70] =	vst v7;
	s3 =	sshll.u32 s21, $0x4  }
0x2d0: {  	v7 =	vld [tilespmem:s3+$0x10400]  }
0x2d1: {  	v8 =	vld [tilespmem:s31+$0x60];
	_ =	sdelay $0x1  }
0x2d2: {  	s21 =	spop (v2sf)  }
0x2d3: {  	p1 =	sgt.s32 s21, $0x0  }
0x2d4: {  	p0 =	slt.u32 s21, $0x200;
	s21 =	simm.s32 @!p1 $0x0  }
0x2d5: {  	s21 =	smin.u32 s21, $0x1FF;
	v7 =	vadd.f32 v8, v7  }
0x2d6: {  	s21 =	simm.s32 @!p0 $0x200  }
0x2d7: {  	[tilespmem:s3+$0x10400] =	vst v7;
	s3 =	sshll.u32 s21, $0x7  }
0x2d8: {  	v7 =	vld [tilespmem:s3+$0x0]  }
0x2d9: {  	v8 =	vld [tilespmem:s15+$0x380];
	_ =	sdelay $0x4  }
0x2da: {  	v7 =	vadd.f32 v8, v7;
	_ =	sdelay $0x1  }
0x2db: {  	[tilespmem:s3+$0x0] =	vst v7;
	v7 =	vld [tilespmem:s3+$0x10]  }
0x2dc: {  	v8 =	vld [tilespmem:s15+$0x390];
	_ =	sdelay $0x4  }
0x2dd: {  	v7 =	vadd.f32 v8, v7;
	_ =	sdelay $0x1  }
0x2de: {  	[tilespmem:s3+$0x10] =	vst v7;
	v7 =	vld [tilespmem:s3+$0x20]  }
0x2df: {  	v8 =	vld [tilespmem:s15+$0x3A0];
	_ =	sdelay $0x4  }
0x2e0: {  	v7 =	vadd.f32 v8, v7;
	_ =	sdelay $0x1  }
0x2e1: {  	[tilespmem:s3+$0x20] =	vst v7;
	v7 =	vld [tilespmem:s3+$0x30]  }
0x2e2: {  	v8 =	vld [tilespmem:s15+$0x3B0];
	_ =	sdelay $0x4  }
0x2e3: {  	v7 =	vadd.f32 v8, v7;
	_ =	sdelay $0x1  }
0x2e4: {  	[tilespmem:s3+$0x30] =	vst v7;
	v7 =	vld [tilespmem:s3+$0x40]  }
0x2e5: {  	v8 =	vld [tilespmem:s15+$0x3C0];
	_ =	sdelay $0x4  }
0x2e6: {  	v7 =	vadd.f32 v8, v7;
	_ =	sdelay $0x1  }
0x2e7: {  	[tilespmem:s3+$0x40] =	vst v7;
	v7 =	vld [tilespmem:s3+$0x50]  }
0x2e8: {  	v8 =	vld [tilespmem:s15+$0x3D0];
	_ =	sdelay $0x4  }
0x2e9: {  	v7 =	vadd.f32 v8, v7;
	_ =	sdelay $0x1  }
0x2ea: {  	[tilespmem:s3+$0x50] =	vst v7;
	v7 =	vld [tilespmem:s3+$0x60]  }
0x2eb: {  	v8 =	vld [tilespmem:s15+$0x3E0];
	_ =	sdelay $0x4  }
0x2ec: {  	v7 =	vadd.f32 v8, v7;
	_ =	sdelay $0x1  }
0x2ed: {  	[tilespmem:s3+$0x60] =	vst v7;
	v7 =	vld [tilespmem:s3+$0x70]  }
0x2ee: {  	v8 =	vld [tilespmem:s15+$0x3F0];
	_ =	sdelay $0x4  }
0x2ef: {  	v7 =	vadd.f32 v8, v7;
	_ =	sdelay $0x1  }
0x2f0: {  	s21 =	sshll.u32 s21, $0x4;
	[tilespmem:s3+$0x70] =	vst v7  }
0x2f1: {  	v7 =	vld [tilespmem:s21+$0x10400]  }
0x2f2: {  	v8 =	vld [tilespmem:s31+$0x70];
	_ =	sdelay $0x1  }
0x2f3: {  	p0 =	sne.s32 s1, $0x100  }
.Ltmp3:
0x2f4: {  	_ = 	snop;
	(pc) =	sbr.rel @p0 .LBB2_9-.Ltmp3, $3  }
0x2f5: {  	_ = 	snop  }
0x2f6: {  	v7 =	vadd.f32 v8, v7;
	_ =	sdelay $0x1  }
0x2f7: {  	s1 =	sadd.s32 $0x40, s1;
	s15 =	sadd.s32 $0x800, s15;
	s31 =	sadd.s32 $0x100, s31;
	[tilespmem:s21+$0x10400] =	vst v7  }
0x2f8: {  	s12 =	sadd.s32 $0x1, s12  }
0x2f9: {  	p0 =	sne.s32 s12, $0x7D  }
.Ltmp4:
0x2fa: {  	_ = 	snop;
	(pc) =	sbr.rel @p0 .LBB2_8-.Ltmp4, $2  }
0x2fb: {  	_ =	sdelay $0x2  }
0x2fc: {  	s16 =	sadd.s32 $0x50, s16  }
0x2fd: {  	s1 =	sshll.u32 s0, $0x10  }
0x2fe: {  	s2 =	sadd.s32 s13, s1  }
0x2ff: {  	s2 =	sshrl.u32 s2, $0x3  }
0x300: {  	s3 =	simm.s32 $0x0;
	s2 =	sadd.s32 s10, s2  }
0x301: {  	[hbm4b:s2+s3] =	stream.linear.scatter [tilespmem:s3], [sflag:$0x2], $0x10000, $0x38;
	[tilespmem:$0x1B800] =	vst v63  }
0x302: {  	s0 =	sadd.s32 $0x1, s0;
	s1 =	sadd.s32 s14, s1;
	_ =	swait.ge [sflag:s17], $0x10000  }
0x303: {  	p0 =	sne.s32 s0, $0x14;
	s1 =	sshrl.u32 s1, $0x3;
	[sflag:s17] =	ssyncset.done $0x0  }
.Ltmp5:
0x304: {  	s1 =	sadd.s32 s11, s1;
	[sflag:s17] =	ssyncadd.s32 $0xFFFF0000;
	(pc) =	sbr.rel @p0 .LBB2_5-.Ltmp5, $4  }
0x305: {  	[hbm4b:s1+s28] =	stream.strided.scatter [tilespmem:s30], [sflag:$0x2], $0x2000, s29, s28, $0x38;
	[tilespmem:$0x1B800] =	vst v63  }
0x306: {  	_ =	swait.ge [sflag:s17], $0x2000  }
0x307: {  	[sflag:s17] =	ssyncset.done $0x0  }
0x308: {  	[sflag:s17] =	ssyncadd.s32 $0xFFFFE000  }
0x309: {  	s1 =	rddreg [dreg:$0x5]  }
0x30a: {  	s0 =	rddreg [dreg:$0x4];
	s1 =	sadd.s32 $0x1, s1  }
0x30b: {  	p0 =	sne.s32 s1, s0  }
.Ltmp6:
0x30c: {  	_ = 	snop;
	(pc) =	sbr.rel @p0 .LBB2_1-.Ltmp6, $1  }
0x30d: {  	_ =	sdelay $0x3  }
0x30e: {  	_ =	sfence.sel $0x180000  }
0x30f: {  	[bflag:$0x0] =	sbarrier.arrive $0xFFFF  }
0x310: {  	_ =	strace $0x90000047  }
0x311: {  	s0 =	stileid.u32;
	[bflag:$0x2] =	sbarrier.arrive $0xFFFF  }
0x312: {  	p0 =	sne.s32 s0, $0x0;
	s0 =	rddreg [dreg:$0x2]  }
0x313: {  	s0 =	sadd.s32 @!p0 $0x100000, s0  }
0x314: {  	[sflag:s0] =	ssyncadd.tile.s32 @!p0 $0x1;
	_ =	shalt  }
.Lfunc_end2:
_tile_overlayer_lowered:
.L_overlay_start_2:
0x315: {  	(tag) =	ssettag $0x2  }
0x316: {  	s0 =	rddreg [dreg:$0x0];
	s2 =	stileid.u32  }
0x317: {  	s1 =	rddreg [dreg:$0x1];
	p0 =	sne.s32 s2, $0x0  }
0x318: {  	s3 =	rddreg [dreg:$0x2];
	[bflag:$0x3] =	sbarrier.arrive $0xFFFF;
	s2 =	simm.s32 @!p0 $0x1C02  }
0x319: {  	[timem:s3], [sflag:s2] =	dma.local @!p0 [hbm:s0], s1  }
0x31a: {  	s0 =	simm.s32 @!p0 $0x2  }
0x31b: {  	_ =	swait.ge @!p0 [sflag:s0], s1  }
0x31c: {  	s1 =	ssub.s32 @!p0 $0x0, s1;
	[sflag:s0] =	ssyncset.done @!p0 $0x0  }
0x31d: {  	[sflag:s0] =	ssyncadd.s32 @!p0 s1  }
0x31e: {  	[bflag:$0x3] =	sbarrier.arrive $0xFFFF  }
0x31f: {  	_ =	shalt  }

</sc_bundles>
